<compile_context>
chip_gen: v7x
topology: tpu7x:2x2x1
jax: 0.10.2.dev20260603
libtpu: 0.0.44.dev20260713+nightly
codegen_flags: <defaults>
</compile_context>

<pallas_src>
import functools

import jax
import jax.numpy as jnp
from jax import lax
from jax.experimental import pallas as pl
from jax.experimental.pallas import tpu as pltpu
from jax.experimental.pallas import tpu_sc as plsc

N = 10000
E = 320000
IN_FEATS = 128
HEADS = 8
HID = 16
CLS = 40

NW = 32
EPW = E // NW
BLK = 112
NBLK = 90
SLOTS = NBLK * BLK
NPAD = 10112
RPS = NPAD // 16
NT = N + 16

A1W = 144
A2W = 48

_mesh = plsc.VectorSubcoreMesh(core_axis_name="c", subcore_axis_name="s")

_GDN = lax.GatherDimensionNumbers(
    offset_dims=(), collapsed_slice_dims=(0,), start_index_map=(0,))


def _bcast_lane(v, lane):
    idx = jnp.full((16, 1), lane, jnp.int32)
    return lax.gather(v, idx, _GDN, (1,),
                      mode=lax.GatherScatterMode.PROMISE_IN_BOUNDS)



def _dense1_body(x_ref, w_ref, alm_ref, arm_ref, a_ref, b_ref, c_ref):
    h = jnp.dot(x_ref[...], w_ref[...], preferred_element_type=jnp.float32)
    el = jnp.dot(h, alm_ref[...], preferred_element_type=jnp.float32)
    er = jnp.dot(h, arm_ref[...], preferred_element_type=jnp.float32)
    a_ref[0:N, 0:128] = h
    a_ref[0:N, 128:136] = el
    a_ref[0:N, 136:144] = jnp.zeros((N, 8), jnp.float32)
    a_ref[N:NT, 0:128] = jnp.zeros((16, 128), jnp.float32)
    a_ref[N:NT, 128:136] = jnp.full((16, 8), -1e30, jnp.float32)
    a_ref[N:NT, 136:144] = jnp.zeros((16, 8), jnp.float32)
    b_ref[:, 0:8] = er
    b_ref[:, 8:16] = jnp.zeros((N, 8), jnp.float32)
    cc = jnp.maximum(jnp.max(el, axis=0) + jnp.max(er, axis=0), 0.0)
    c_ref[0:1, 0:8] = cc.reshape(1, 8)
    c_ref[0:1, 8:16] = jnp.full((1, 8), 1e9, jnp.float32)


def _mid_body(p_ref, w2_ref, al2t_ref, ar2t_ref, rep_ref,
              a2_ref, el_ref, er_ref, c2_ref):
    acc = p_ref[0, 0:N] + p_ref[1, 0:N]
    num = acc[:, 0:128]
    den = jnp.maximum(acc[:, 128:136], 1e-9)
    dexp = jnp.dot(1.0 / den, rep_ref[...],
                   preferred_element_type=jnp.float32)
    out1 = num * dexp
    h2 = jnp.dot(out1, w2_ref[...], preferred_element_type=jnp.float32)
    el2 = jnp.dot(h2, al2t_ref[...], preferred_element_type=jnp.float32)
    er2 = jnp.dot(h2, ar2t_ref[...], preferred_element_type=jnp.float32)
    a2_ref[0:N, 0:40] = h2
    a2_ref[0:N, 40:48] = jnp.zeros((N, 8), jnp.float32)
    a2_ref[N:NT, :] = jnp.zeros((16, A2W), jnp.float32)
    el_ref[0:N, 0:1] = el2
    el_ref[N:NT, 0:1] = jnp.full((16, 1), -1e30, jnp.float32)
    er_ref[0:N, 0:1] = er2
    er_ref[N:NT, 0:1] = jnp.zeros((16, 1), jnp.float32)
    cc = jnp.maximum(jnp.max(el2) + jnp.max(er2), 0.0)
    c2_ref[...] = jnp.full((1, 16), 1.0, jnp.float32) * cc


def _final_body(p_ref, o_ref):
    acc = p_ref[0, 0:N] + p_ref[1, 0:N]
    den = jnp.maximum(acc[:, 40:41], 1e-9)
    o_ref[...] = acc[:, 0:40] / den



@functools.partial(
    pl.kernel,
    mesh=_mesh,
    compiler_params=pltpu.CompilerParams(use_tc_tiling_on_sc=False),
    out_type=jax.ShapeDtypeStruct((2, NPAD, A1W), jnp.float32),
    scratch_types=[
        pltpu.VMEM((BLK,), jnp.int32),
        pltpu.VMEM((BLK,), jnp.int32),
        pltpu.VMEM((BLK,), jnp.int32),
        pltpu.VMEM((BLK,), jnp.int32),
        pltpu.VMEM((BLK,), jnp.int32),
        pltpu.VMEM((BLK,), jnp.int32),
        pltpu.VMEM((BLK, A1W), jnp.float32),
        pltpu.VMEM((BLK, A1W), jnp.float32),
        pltpu.VMEM((BLK, 16), jnp.float32),
        pltpu.VMEM((BLK, 16), jnp.float32),
        pltpu.VMEM((16,), jnp.float32),
        pltpu.VMEM_SHARED((NPAD, A1W), jnp.float32),
        pltpu.SemaphoreType.DMA,
        pltpu.SemaphoreType.DMA,
        pltpu.SemaphoreType.DMA,
        pltpu.SemaphoreType.DMA,
        pltpu.SemaphoreType.DMA,
        pltpu.SemaphoreType.DMA,
        pltpu.SemaphoreType.DMA,
        pltpu.SemaphoreType.DMA,
        pltpu.SemaphoreType.DMA,
        pltpu.SemaphoreType.DMA,
    ],
)
def _edges1(a_hbm, b_hbm, src_hbm, dst_hbm, c_hbm, out_hbm,
            srcv0, srcv1, dstv0, dstv1, sdst0, sdst1,
            rows0, rows1, bv0, bv1, cv, acc,
            is0, is1, id0, id1, ga0, ga1, gb0, gb1, ss0, ss1):
    cid = lax.axis_index("c")
    sid = lax.axis_index("s")
    wid = sid * 2 + cid
    base0 = wid * SLOTS

    srcs = (srcv0, srcv1)
    dsts = (dstv0, dstv1)
    sdst = (sdst0, sdst1)
    rws = (rows0, rows1)
    bvs = (bv0, bv1)
    isS = (is0, is1)
    isD = (id0, id1)
    gA = (ga0, ga1)
    gB = (gb0, gb1)
    sS = (ss0, ss1)

    zz = jnp.zeros((16,), jnp.float32)

    @pl.loop(0, BLK)
    def _(r):
        for g in range(A1W // 16):
            rows0[r, pl.ds(16 * g, 16)] = zz

    for k in range(RPS // BLK):
        pltpu.sync_copy(rows0, acc.at[pl.ds(sid * RPS + k * BLK, BLK)])
    _rem = RPS - (RPS // BLK) * BLK
    pltpu.sync_copy(rows0.at[pl.ds(0, _rem)],
                    acc.at[pl.ds(sid * RPS + RPS - _rem, _rem)])
    pltpu.sync_copy(c_hbm, cv)
    plsc.subcore_barrier()
    ct = cv[...]

    def idx_start(b, p):
        pltpu.async_copy(src_hbm.at[pl.ds(base0 + b * BLK, BLK)],
                         srcs[p], isS[p])
        pltpu.async_copy(dst_hbm.at[pl.ds(base0 + b * BLK, BLK)],
                         dsts[p], isD[p])

    def idx_wait(p):
        pltpu.make_async_copy(src_hbm.at[pl.ds(base0, BLK)],
                              srcs[p], isS[p]).wait()
        pltpu.make_async_copy(dst_hbm.at[pl.ds(base0, BLK)],
                              dsts[p], isD[p]).wait()

    def g_start(p):
        pltpu.async_copy(a_hbm.at[srcs[p]], rws[p], gA[p])
        pltpu.async_copy(b_hbm.at[dsts[p]], bvs[p], gB[p])

    def g_wait(p):
        pltpu.make_async_copy(a_hbm.at[srcs[p]], rws[p], gA[p]).wait()
        pltpu.make_async_copy(b_hbm.at[dsts[p]], bvs[p], gB[p]).wait()

    def s_start(p):
        pltpu.async_copy(rws[p], acc.at[sdst[p]], sS[p], add=True)

    def s_wait(p):
        pltpu.make_async_copy(rws[p], acc.at[sdst[p]], sS[p]).wait()

    def compute(p):
        rw, bb = rws[p], bvs[p]

        @pl.loop(0, BLK, unroll=2)
        def _(i):
            rlast = rw[i, pl.ds(128, 16)]
            e = rlast + bb[i, :]
            e = jnp.where(e >= 0.0, e, 0.2 * e)
            ee = jnp.exp(e - ct)
            rw[i, pl.ds(128, 16)] = ee
            for h in range(8):
                bc = _bcast_lane(ee, h)
                rw[i, pl.ds(16 * h, 16)] = rw[i, pl.ds(16 * h, 16)] * bc

    pltpu.sync_copy(src_hbm.at[pl.ds(base0, BLK)], srcv0)
    pltpu.sync_copy(dst_hbm.at[pl.ds(base0, BLK)], dstv0)
    idx_start(1, 1)
    g_start(0)

    @pl.loop(0, NBLK, step=2)
    def _(b):
        for p in (0, 1):
            bb = b + p
            g_wait(p)

            @pl.loop(0, BLK, step=16)
            def _(j):
                sdst[p][pl.ds(j, 16)] = dsts[p][pl.ds(j, 16)]

            @pl.when(bb < NBLK - 2)
            def _():
                idx_start(bb + 2, p)

            @pl.when(bb >= 1)
            def _():
                s_wait(p ^ 1)

            @pl.when(bb < NBLK - 1)
            def _():
                idx_wait(p ^ 1)
                g_start(p ^ 1)

            compute(p)
            s_start(p)

    s_wait(1)
    plsc.subcore_barrier()
    pltpu.sync_copy(acc.at[pl.ds(sid * RPS, RPS)],
                    out_hbm.at[cid].at[pl.ds(sid * RPS, RPS)])


@functools.partial(
    pl.kernel,
    mesh=_mesh,
    compiler_params=pltpu.CompilerParams(use_tc_tiling_on_sc=False,
                                         needs_layout_passes=False),
    out_type=jax.ShapeDtypeStruct((2, NPAD, A2W), jnp.float32),
    scratch_types=[
        pltpu.VMEM((BLK,), jnp.int32),
        pltpu.VMEM((BLK,), jnp.int32),
        pltpu.VMEM((BLK,), jnp.int32),
        pltpu.VMEM((BLK,), jnp.int32),
        pltpu.VMEM((BLK,), jnp.int32),
        pltpu.VMEM((BLK,), jnp.int32),
        pltpu.VMEM((BLK, A2W), jnp.float32),
        pltpu.VMEM((BLK, A2W), jnp.float32),
        pltpu.VMEM((BLK, A2W), jnp.float32),
        pltpu.VMEM((BLK, A2W), jnp.float32),
        pltpu.VMEM((NT,), jnp.float32),
        pltpu.VMEM((NT,), jnp.float32),
        pltpu.VMEM((BLK,), jnp.float32),
        pltpu.VMEM((16,), jnp.float32),
        pltpu.VMEM_SHARED((NPAD, A2W), jnp.float32),
        pltpu.SemaphoreType.DMA,
        pltpu.SemaphoreType.DMA,
        pltpu.SemaphoreType.DMA,
        pltpu.SemaphoreType.DMA,
        pltpu.SemaphoreType.DMA,
        pltpu.SemaphoreType.DMA,
        pltpu.SemaphoreType.DMA,
        pltpu.SemaphoreType.DMA,
    ],
)
def _edges2(a_hbm, el_hbm, er_hbm, src_hbm, dst_hbm, c_hbm, out_hbm,
            srcv0, srcv1, dstv0, dstv1, sdst0, sdst1,
            rows0, rows1, msg0, msg1, elv, erv, eebuf, cv, acc,
            is0, is1, id0, id1, ga0, ga1, ss0, ss1):
    cid = lax.axis_index("c")
    sid = lax.axis_index("s")
    wid = sid * 2 + cid
    base0 = wid * SLOTS

    srcs = (srcv0, srcv1)
    dsts = (dstv0, dstv1)
    sdst = (sdst0, sdst1)
    rws = (rows0, rows1)
    msgs = (msg0, msg1)
    isS = (is0, is1)
    isD = (id0, id1)
    gA = (ga0, ga1)
    sS = (ss0, ss1)

    pltpu.sync_copy(el_hbm, elv)
    pltpu.sync_copy(er_hbm, erv)
    zz = jnp.zeros((16,), jnp.float32)

    @pl.loop(0, BLK)
    def _(r):
        for g in range(A2W // 16):
            rows0[r, pl.ds(16 * g, 16)] = zz

    for k in range(RPS // BLK):
        pltpu.sync_copy(rows0, acc.at[pl.ds(sid * RPS + k * BLK, BLK)])
    _rem = RPS - (RPS // BLK) * BLK
    pltpu.sync_copy(rows0.at[pl.ds(0, _rem)],
                    acc.at[pl.ds(sid * RPS + RPS - _rem, _rem)])
    pltpu.sync_copy(c_hbm, cv)
    plsc.subcore_barrier()
    ct = cv[...]
    eq8 = lax.iota(jnp.int32, 16) == 8

    def idx_start(b, p):
        pltpu.async_copy(src_hbm.at[pl.ds(base0 + b * BLK, BLK)],
                         srcs[p], isS[p])
        pltpu.async_copy(dst_hbm.at[pl.ds(base0 + b * BLK, BLK)],
                         dsts[p], isD[p])

    def idx_wait(p):
        pltpu.make_async_copy(src_hbm.at[pl.ds(base0, BLK)],
                              srcs[p], isS[p]).wait()
        pltpu.make_async_copy(dst_hbm.at[pl.ds(base0, BLK)],
                              dsts[p], isD[p]).wait()

    def g_start(p):
        pltpu.async_copy(a_hbm.at[srcs[p]], rws[p], gA[p])

    def g_wait(p):
        pltpu.make_async_copy(a_hbm.at[srcs[p]], rws[p], gA[p]).wait()

    def s_start(p):
        pltpu.async_copy(msgs[p], acc.at[sdst[p]], sS[p], add=True)

    def s_wait(p):
        pltpu.make_async_copy(msgs[p], acc.at[sdst[p]], sS[p]).wait()

    def compute_ee(p):
        sv, dv = srcs[p], dsts[p]

        @pl.loop(0, BLK, step=16)
        def _(j):
            s16 = sv[pl.ds(j, 16)]
            d16 = dv[pl.ds(j, 16)]
            e = plsc.load_gather(elv, [s16]) + plsc.load_gather(erv, [d16])
            e = jnp.where(e >= 0.0, e, 0.2 * e)
            eebuf[pl.ds(j, 16)] = jnp.exp(e - ct)

    def compute_mul(p):
        rw, mg = rws[p], msgs[p]

        @pl.loop(0, BLK, step=16)
        def _(j):
            ee16 = eebuf[pl.ds(j, 16)]
            for k in range(16):
                i = j + k
                bc = _bcast_lane(ee16, k)
                eei = jnp.where(eq8, bc, 0.0)
                mg[i, pl.ds(0, 16)] = rw[i, pl.ds(0, 16)] * bc
                mg[i, pl.ds(16, 16)] = rw[i, pl.ds(16, 16)] * bc
                mg[i, pl.ds(32, 16)] = rw[i, pl.ds(32, 16)] * bc + eei

    pltpu.sync_copy(src_hbm.at[pl.ds(base0, BLK)], srcv0)
    pltpu.sync_copy(dst_hbm.at[pl.ds(base0, BLK)], dstv0)
    idx_start(1, 1)
    g_start(0)

    @pl.loop(0, NBLK, step=2)
    def _(b):
        for p in (0, 1):
            bb = b + p
            g_wait(p)

            @pl.loop(0, BLK, step=16)
            def _(j):
                sdst[p][pl.ds(j, 16)] = dsts[p][pl.ds(j, 16)]

            compute_ee(p)

            @pl.when(bb < NBLK - 2)
            def _():
                idx_start(bb + 2, p)

            @pl.when(bb < NBLK - 1)
            def _():
                idx_wait(p ^ 1)
                g_start(p ^ 1)

            @pl.when(bb >= 2)
            def _():
                s_wait(p)

            compute_mul(p)
            s_start(p)

    s_wait(0)
    s_wait(1)
    plsc.subcore_barrier()
    pltpu.sync_copy(acc.at[pl.ds(sid * RPS, RPS)],
                    out_hbm.at[cid].at[pl.ds(sid * RPS, RPS)])



def kernel(features, edge_index, W1, al1, ar1, W2, al2, ar2):
    src = edge_index[0].astype(jnp.int32)
    dst = edge_index[1].astype(jnp.int32)
    pad = SLOTS - EPW
    srcp = jnp.pad(src.reshape(NW, EPW), ((0, 0), (0, pad)),
                   constant_values=N).reshape(-1)
    dstp = jnp.pad(dst.reshape(NW, EPW), ((0, 0), (0, pad)),
                   constant_values=0).reshape(-1)

    eye8 = jnp.eye(HEADS, dtype=jnp.float32)
    alm = (al1[:, :, None] * eye8[:, None, :]).reshape(HEADS * HID, HEADS)
    arm = (ar1[:, :, None] * eye8[:, None, :]).reshape(HEADS * HID, HEADS)
    rep = jnp.repeat(eye8, HID, axis=1)

    a1, b1, c1 = pl.pallas_call(
        _dense1_body,
        out_shape=[
            jax.ShapeDtypeStruct((NT, A1W), jnp.float32),
            jax.ShapeDtypeStruct((N, 16), jnp.float32),
            jax.ShapeDtypeStruct((1, 16), jnp.float32),
        ],
    )(features, W1, alm, arm)

    p1 = _edges1(a1, b1, srcp, dstp, c1.reshape(16))

    a2, elv, erv, c2 = pl.pallas_call(
        _mid_body,
        out_shape=[
            jax.ShapeDtypeStruct((NT, A2W), jnp.float32),
            jax.ShapeDtypeStruct((NT, 1), jnp.float32),
            jax.ShapeDtypeStruct((NT, 1), jnp.float32),
            jax.ShapeDtypeStruct((1, 16), jnp.float32),
        ],
    )(p1, W2, al2.T, ar2.T, rep)

    p2 = _edges2(a2, elv.reshape(NT), erv.reshape(NT), srcp, dstp,
                 c2.reshape(16))

    out = pl.pallas_call(
        _final_body,
        out_shape=jax.ShapeDtypeStruct((N, CLS), jnp.float32),
    )(p2)
    return out

# --- scband reference (transcript-rebuilt; emitter-appended) ---
"""Pipeline reference for scband-gat-60078002536565 (READ-ONLY COPY).

The authoritative reference and input builder live on the scoring server;
editing this copy changes nothing except your own understanding.
"""

import jax, jax.numpy as jnp
import numpy as np

N = 10000
E = 320000
IN_FEATS = 128
N_HIDDEN = 16
N_CLASSES = 40
HEADS = 8


def gat_layer(x, src, dst, W, attn_l, attn_r, num_heads, out_dim, n_nodes):
    # feat transform: [N, H, out]
    h = (x @ W).reshape(n_nodes, num_heads, out_dim)
    # attention logits per node
    el = jnp.sum(h * attn_l[None, :, :], axis=-1)  # [N, H]
    er = jnp.sum(h * attn_r[None, :, :], axis=-1)  # [N, H]
    # per-edge logits (gather)
    e = el[src] + er[dst]                           # [E, H]
    e = jax.nn.leaky_relu(e, negative_slope=0.2)
    # edge softmax over incoming edges of each dst (segment reduce)
    emax = jax.ops.segment_max(e, dst, num_segments=n_nodes)  # [N, H]
    emax = jnp.where(jnp.isfinite(emax), emax, 0.0)
    ee = jnp.exp(e - emax[dst])                     # [E, H]
    denom = jax.ops.segment_sum(ee, dst, num_segments=n_nodes)  # [N, H]
    alpha = ee / jnp.maximum(denom[dst], 1e-9)      # [E, H]
    # weighted message aggregation (gather + scatter-add)
    msg = h[src] * alpha[:, :, None]                # [E, H, out]
    out = jax.ops.segment_sum(msg, dst, num_segments=n_nodes)   # [N, H, out]
    return out.reshape(n_nodes, num_heads * out_dim)


def setup_inputs(seed: int = 0) -> dict:
    key = jax.random.key(seed)
    ks = jax.random.split(key, 8)
    features = jax.random.normal(ks[0], (N, IN_FEATS), dtype=jnp.float32)
    edge_index = jax.random.randint(ks[1], (2, E), 0, N, dtype=jnp.int64)
    # layer 1: GATConv(128 -> 16, heads=8, bias=False)
    W1 = jax.random.normal(ks[2], (IN_FEATS, HEADS * N_HIDDEN), dtype=jnp.float32) * 0.1
    al1 = jax.random.normal(ks[3], (HEADS, N_HIDDEN), dtype=jnp.float32) * 0.1
    ar1 = jax.random.normal(ks[4], (HEADS, N_HIDDEN), dtype=jnp.float32) * 0.1
    # layer 2: GATConv(128 -> 40, heads=1, bias=False)
    W2 = jax.random.normal(ks[5], (HEADS * N_HIDDEN, 1 * N_CLASSES), dtype=jnp.float32) * 0.1
    al2 = jax.random.normal(ks[6], (1, N_CLASSES), dtype=jnp.float32) * 0.1
    ar2 = jax.random.normal(ks[7], (1, N_CLASSES), dtype=jnp.float32) * 0.1
    return {"features": features, "edge_index": edge_index,
            "W1": W1, "al1": al1, "ar1": ar1,
            "W2": W2, "al2": al2, "ar2": ar2}


def reference(features, edge_index, W1, al1, ar1, W2, al2, ar2):
    src = edge_index[0]
    dst = edge_index[1]
    h = gat_layer(features, src, dst, W1, al1, ar1, HEADS, N_HIDDEN, N)  # [N, 128]
    h = gat_layer(h, src, dst, W2, al2, ar2, 1, N_CLASSES, N)           # [N, 40]
    return h

if __name__ == "__main__":
    import jax
    _d = setup_inputs()
    print(jax.jit(kernel)(*tuple(_d.values())))

</pallas_src>

<mosaic_0001>
#map = affine_map<(d0, d1) -> (0, 0)>
#map1 = affine_map<(d0, d1) -> (0)>
#map2 = affine_map<(d0, d1) -> (0, 0, 0)>
module attributes {stable_mosaic.version = 14 : i64} {
  func.func @_edges2(%arg0: i32, %arg1: i32, %arg2: memref<10016x48xf32, #tpu.memory_space<hbm>>, %arg3: memref<10016xf32, #tpu.memory_space<hbm>>, %arg4: memref<10016xf32, #tpu.memory_space<hbm>>, %arg5: memref<322560xi32, #tpu.memory_space<hbm>>, %arg6: memref<322560xi32, #tpu.memory_space<hbm>>, %arg7: memref<16xf32, #tpu.memory_space<hbm>>, %arg8: memref<2x10112x48xf32, #tpu.memory_space<hbm>>, %arg9: memref<112xi32, #tpu.memory_space<vmem>>, %arg10: memref<112xi32, #tpu.memory_space<vmem>>, %arg11: memref<112xi32, #tpu.memory_space<vmem>>, %arg12: memref<112xi32, #tpu.memory_space<vmem>>, %arg13: memref<112xi32, #tpu.memory_space<vmem>>, %arg14: memref<112xi32, #tpu.memory_space<vmem>>, %arg15: memref<112x48xf32, #tpu.memory_space<vmem>>, %arg16: memref<112x48xf32, #tpu.memory_space<vmem>>, %arg17: memref<112x48xf32, #tpu.memory_space<vmem>>, %arg18: memref<112x48xf32, #tpu.memory_space<vmem>>, %arg19: memref<10016xf32, #tpu.memory_space<vmem>>, %arg20: memref<10016xf32, #tpu.memory_space<vmem>>, %arg21: memref<112xf32, #tpu.memory_space<vmem>>, %arg22: memref<16xf32, #tpu.memory_space<vmem>>, %arg23: memref<10112x48xf32, #tpu.memory_space<vmem_shared>>, %arg24: memref<!tpu.dma_semaphore, #tpu.memory_space<semaphore_mem>>, %arg25: memref<!tpu.dma_semaphore, #tpu.memory_space<semaphore_mem>>, %arg26: memref<!tpu.dma_semaphore, #tpu.memory_space<semaphore_mem>>, %arg27: memref<!tpu.dma_semaphore, #tpu.memory_space<semaphore_mem>>, %arg28: memref<!tpu.dma_semaphore, #tpu.memory_space<semaphore_mem>>, %arg29: memref<!tpu.dma_semaphore, #tpu.memory_space<semaphore_mem>>, %arg30: memref<!tpu.dma_semaphore, #tpu.memory_space<semaphore_mem>>, %arg31: memref<!tpu.dma_semaphore, #tpu.memory_space<semaphore_mem>>) attributes {dimension_semantics = [#tpu.dimension_semantics<core_parallel>, #tpu.dimension_semantics<subcore_parallel>], iteration_bounds = array<i64: 2, 16>, scalar_prefetch = 0 : i64, scratch_operands = 23 : i64, tpu.core_type = #tpu.core_type<sc_vector_subcore>, window_params = [{transform_indices = #map}, {transform_indices = #map1}, {transform_indices = #map1}, {transform_indices = #map1}, {transform_indices = #map1}, {transform_indices = #map1}, {transform_indices = #map2}]} {
    %mul3A = arith.constant 2 : i32
    %mul3A_0 = arith.muli %arg1, %mul3A : i32
    %add3A = arith.addi %mul3A_0, %arg0 : i32
    %mul3A_1 = arith.constant 10080 : i32
    %mul3A_2 = arith.muli %add3A, %mul3A_1 : i32
    "tpu.region"() ({
      %run_scoped3A = tpu.sem_alloc : memref<!tpu.dma_semaphore, #tpu.memory_space<semaphore_mem>>
      tpu.enqueue_dma source(%arg3 : memref<10016xf32, #tpu.memory_space<hbm>>) target(%arg19 : memref<10016xf32, #tpu.memory_space<vmem>>) target_semaphore(%run_scoped3A : memref<!tpu.dma_semaphore, #tpu.memory_space<semaphore_mem>>)
      tpu.wait_dma2 semaphore(%run_scoped3A : memref<!tpu.dma_semaphore, #tpu.memory_space<semaphore_mem>>) src(%arg3 : memref<10016xf32, #tpu.memory_space<hbm>>) dst(%arg19 : memref<10016xf32, #tpu.memory_space<vmem>>)
      tpu.yield
    }) : () -> ()
    "tpu.region"() ({
      %run_scoped3A = tpu.sem_alloc : memref<!tpu.dma_semaphore, #tpu.memory_space<semaphore_mem>>
      tpu.enqueue_dma source(%arg4 : memref<10016xf32, #tpu.memory_space<hbm>>) target(%arg20 : memref<10016xf32, #tpu.memory_space<vmem>>) target_semaphore(%run_scoped3A : memref<!tpu.dma_semaphore, #tpu.memory_space<semaphore_mem>>)
      tpu.wait_dma2 semaphore(%run_scoped3A : memref<!tpu.dma_semaphore, #tpu.memory_space<semaphore_mem>>) src(%arg4 : memref<10016xf32, #tpu.memory_space<hbm>>) dst(%arg20 : memref<10016xf32, #tpu.memory_space<vmem>>)
      tpu.yield
    }) : () -> ()
    %broadcast_in_dim3A = arith.constant 0.000000e+00 : f32
    %broadcast_in_dim3A_3 = vector.broadcast %broadcast_in_dim3A : f32 to vector<16xf32>
    %scan3A = arith.constant 0 : i32
    %scan3A_4 = arith.constant 112 : i32
    %scan3A_5 = arith.addi %scan3A, %scan3A_4 : i32
    %scan3A_6 = arith.constant 1 : i32
    scf.for %scan3A_62 = %scan3A to %scan3A_5 step %scan3A_6  : i32 {
      %mul3A_63 = arith.constant 1 : i32
      %mul3A_64 = arith.muli %scan3A_62, %mul3A_63 : i32
      %add3A_65 = arith.constant 0 : i32
      %add3A_66 = arith.addi %add3A_65, %mul3A_64 : i32
      %swap3A = arith.index_cast %add3A_66 : i32 to index
      %swap3A_67 = arith.constant 0 : index
      %swap3A_68 = tpu.vector_load %arg15[%swap3A, %swap3A_67] {strides = array<i32>} : memref<112x48xf32, #tpu.memory_space<vmem>>, vector<16xf32>,
      tpu.vector_store %arg15[%swap3A, %swap3A_67], %broadcast_in_dim3A_3 {strides = array<i32>} : memref<112x48xf32, #tpu.memory_space<vmem>>, vector<16xf32>,
      %swap3A_69 = arith.index_cast %add3A_66 : i32 to index
      %swap3A_70 = arith.constant 16 : index
      %swap3A_71 = tpu.vector_load %arg15[%swap3A_69, %swap3A_70] {strides = array<i32>} : memref<112x48xf32, #tpu.memory_space<vmem>>, vector<16xf32>,
      tpu.vector_store %arg15[%swap3A_69, %swap3A_70], %broadcast_in_dim3A_3 {strides = array<i32>} : memref<112x48xf32, #tpu.memory_space<vmem>>, vector<16xf32>,
      %swap3A_72 = arith.index_cast %add3A_66 : i32 to index
      %swap3A_73 = arith.constant 32 : index
      %swap3A_74 = tpu.vector_load %arg15[%swap3A_72, %swap3A_73] {strides = array<i32>} : memref<112x48xf32, #tpu.memory_space<vmem>>, vector<16xf32>,
      tpu.vector_store %arg15[%swap3A_72, %swap3A_73], %broadcast_in_dim3A_3 {strides = array<i32>} : memref<112x48xf32, #tpu.memory_space<vmem>>, vector<16xf32>,
    }
    %scan3A_7 = arith.constant 112 : i32
    %mul3A_8 = arith.constant 632 : i32
    %mul3A_9 = arith.muli %arg1, %mul3A_8 : i32
    %add3A_10 = arith.constant 0 : i32
    %add3A_11 = arith.addi %mul3A_9, %add3A_10 : i32
    "tpu.region"() ({
      %run_scoped3A = tpu.sem_alloc : memref<!tpu.dma_semaphore, #tpu.memory_space<semaphore_mem>>
      %dma_start3A_62 = arith.constant 0 : i32
      %dma_start3A_63 = tpu.memref_slice %arg23[%add3A_11, %dma_start3A_62] : memref<10112x48xf32, #tpu.memory_space<vmem_shared>> -> memref<112x48xf32, #tpu.memory_space<vmem_shared>>
      %dma_start3A_64 = arith.constant 0 : i32
      %dma_start3A_65 = tpu.memref_slice %arg23[%add3A_11, %dma_start3A_64] : memref<10112x48xf32, #tpu.memory_space<vmem_shared>> -> memref<112x48xf32, #tpu.memory_space<vmem_shared>>
      tpu.enqueue_dma source(%arg15 : memref<112x48xf32, #tpu.memory_space<vmem>>) target(%dma_start3A_65 : memref<112x48xf32, #tpu.memory_space<vmem_shared>>) target_semaphore(%run_scoped3A : memref<!tpu.dma_semaphore, #tpu.memory_space<semaphore_mem>>)
      %dma_wait3A_66 = arith.constant 0 : i32
      %dma_wait3A_67 = tpu.memref_slice %arg23[%add3A_11, %dma_wait3A_66] : memref<10112x48xf32, #tpu.memory_space<vmem_shared>> -> memref<112x48xf32, #tpu.memory_space<vmem_shared>>
      %dma_wait3A_68 = arith.constant 0 : i32
      %dma_wait3A_69 = tpu.memref_slice %arg23[%add3A_11, %dma_wait3A_68] : memref<10112x48xf32, #tpu.memory_space<vmem_shared>> -> memref<112x48xf32, #tpu.memory_space<vmem_shared>>
      tpu.wait_dma2 semaphore(%run_scoped3A : memref<!tpu.dma_semaphore, #tpu.memory_space<semaphore_mem>>) src(%arg15 : memref<112x48xf32, #tpu.memory_space<vmem>>) dst(%dma_wait3A_69 : memref<112x48xf32, #tpu.memory_space<vmem_shared>>)
      tpu.yield
    }) : () -> ()
    %mul3A_12 = arith.constant 632 : i32
    %mul3A_13 = arith.muli %arg1, %mul3A_12 : i32
    %add3A_14 = arith.constant 112 : i32
    %add3A_15 = arith.addi %mul3A_13, %add3A_14 : i32
    "tpu.region"() ({
      %run_scoped3A = tpu.sem_alloc : memref<!tpu.dma_semaphore, #tpu.memory_space<semaphore_mem>>
      %dma_start3A_62 = arith.constant 0 : i32
      %dma_start3A_63 = tpu.memref_slice %arg23[%add3A_15, %dma_start3A_62] : memref<10112x48xf32, #tpu.memory_space<vmem_shared>> -> memref<112x48xf32, #tpu.memory_space<vmem_shared>>
      %dma_start3A_64 = arith.constant 0 : i32
      %dma_start3A_65 = tpu.memref_slice %arg23[%add3A_15, %dma_start3A_64] : memref<10112x48xf32, #tpu.memory_space<vmem_shared>> -> memref<112x48xf32, #tpu.memory_space<vmem_shared>>
      tpu.enqueue_dma source(%arg15 : memref<112x48xf32, #tpu.memory_space<vmem>>) target(%dma_start3A_65 : memref<112x48xf32, #tpu.memory_space<vmem_shared>>) target_semaphore(%run_scoped3A : memref<!tpu.dma_semaphore, #tpu.memory_space<semaphore_mem>>)
      %dma_wait3A_66 = arith.constant 0 : i32
      %dma_wait3A_67 = tpu.memref_slice %arg23[%add3A_15, %dma_wait3A_66] : memref<10112x48xf32, #tpu.memory_space<vmem_shared>> -> memref<112x48xf32, #tpu.memory_space<vmem_shared>>
      %dma_wait3A_68 = arith.constant 0 : i32
      %dma_wait3A_69 = tpu.memref_slice %arg23[%add3A_15, %dma_wait3A_68] : memref<10112x48xf32, #tpu.memory_space<vmem_shared>> -> memref<112x48xf32, #tpu.memory_space<vmem_shared>>
      tpu.wait_dma2 semaphore(%run_scoped3A : memref<!tpu.dma_semaphore, #tpu.memory_space<semaphore_mem>>) src(%arg15 : memref<112x48xf32, #tpu.memory_space<vmem>>) dst(%dma_wait3A_69 : memref<112x48xf32, #tpu.memory_space<vmem_shared>>)
      tpu.yield
    }) : () -> ()
    %mul3A_16 = arith.constant 632 : i32
    %mul3A_17 = arith.muli %arg1, %mul3A_16 : i32
    %add3A_18 = arith.constant 224 : i32
    %add3A_19 = arith.addi %mul3A_17, %add3A_18 : i32
    "tpu.region"() ({
      %run_scoped3A = tpu.sem_alloc : memref<!tpu.dma_semaphore, #tpu.memory_space<semaphore_mem>>
      %dma_start3A_62 = arith.constant 0 : i32
      %dma_start3A_63 = tpu.memref_slice %arg23[%add3A_19, %dma_start3A_62] : memref<10112x48xf32, #tpu.memory_space<vmem_shared>> -> memref<112x48xf32, #tpu.memory_space<vmem_shared>>
      %dma_start3A_64 = arith.constant 0 : i32
      %dma_start3A_65 = tpu.memref_slice %arg23[%add3A_19, %dma_start3A_64] : memref<10112x48xf32, #tpu.memory_space<vmem_shared>> -> memref<112x48xf32, #tpu.memory_space<vmem_shared>>
      tpu.enqueue_dma source(%arg15 : memref<112x48xf32, #tpu.memory_space<vmem>>) target(%dma_start3A_65 : memref<112x48xf32, #tpu.memory_space<vmem_shared>>) target_semaphore(%run_scoped3A : memref<!tpu.dma_semaphore, #tpu.memory_space<semaphore_mem>>)
      %dma_wait3A_66 = arith.constant 0 : i32
      %dma_wait3A_67 = tpu.memref_slice %arg23[%add3A_19, %dma_wait3A_66] : memref<10112x48xf32, #tpu.memory_space<vmem_shared>> -> memref<112x48xf32, #tpu.memory_space<vmem_shared>>
      %dma_wait3A_68 = arith.constant 0 : i32
      %dma_wait3A_69 = tpu.memref_slice %arg23[%add3A_19, %dma_wait3A_68] : memref<10112x48xf32, #tpu.memory_space<vmem_shared>> -> memref<112x48xf32, #tpu.memory_space<vmem_shared>>
      tpu.wait_dma2 semaphore(%run_scoped3A : memref<!tpu.dma_semaphore, #tpu.memory_space<semaphore_mem>>) src(%arg15 : memref<112x48xf32, #tpu.memory_space<vmem>>) dst(%dma_wait3A_69 : memref<112x48xf32, #tpu.memory_space<vmem_shared>>)
      tpu.yield
    }) : () -> ()
    %mul3A_20 = arith.constant 632 : i32
    %mul3A_21 = arith.muli %arg1, %mul3A_20 : i32
    %add3A_22 = arith.constant 336 : i32
    %add3A_23 = arith.addi %mul3A_21, %add3A_22 : i32
    "tpu.region"() ({
      %run_scoped3A = tpu.sem_alloc : memref<!tpu.dma_semaphore, #tpu.memory_space<semaphore_mem>>
      %dma_start3A_62 = arith.constant 0 : i32
      %dma_start3A_63 = tpu.memref_slice %arg23[%add3A_23, %dma_start3A_62] : memref<10112x48xf32, #tpu.memory_space<vmem_shared>> -> memref<112x48xf32, #tpu.memory_space<vmem_shared>>
      %dma_start3A_64 = arith.constant 0 : i32
      %dma_start3A_65 = tpu.memref_slice %arg23[%add3A_23, %dma_start3A_64] : memref<10112x48xf32, #tpu.memory_space<vmem_shared>> -> memref<112x48xf32, #tpu.memory_space<vmem_shared>>
      tpu.enqueue_dma source(%arg15 : memref<112x48xf32, #tpu.memory_space<vmem>>) target(%dma_start3A_65 : memref<112x48xf32, #tpu.memory_space<vmem_shared>>) target_semaphore(%run_scoped3A : memref<!tpu.dma_semaphore, #tpu.memory_space<semaphore_mem>>)
      %dma_wait3A_66 = arith.constant 0 : i32
      %dma_wait3A_67 = tpu.memref_slice %arg23[%add3A_23, %dma_wait3A_66] : memref<10112x48xf32, #tpu.memory_space<vmem_shared>> -> memref<112x48xf32, #tpu.memory_space<vmem_shared>>
      %dma_wait3A_68 = arith.constant 0 : i32
      %dma_wait3A_69 = tpu.memref_slice %arg23[%add3A_23, %dma_wait3A_68] : memref<10112x48xf32, #tpu.memory_space<vmem_shared>> -> memref<112x48xf32, #tpu.memory_space<vmem_shared>>
      tpu.wait_dma2 semaphore(%run_scoped3A : memref<!tpu.dma_semaphore, #tpu.memory_space<semaphore_mem>>) src(%arg15 : memref<112x48xf32, #tpu.memory_space<vmem>>) dst(%dma_wait3A_69 : memref<112x48xf32, #tpu.memory_space<vmem_shared>>)
      tpu.yield
    }) : () -> ()
    %mul3A_24 = arith.constant 632 : i32
    %mul3A_25 = arith.muli %arg1, %mul3A_24 : i32
    %add3A_26 = arith.constant 448 : i32
    %add3A_27 = arith.addi %mul3A_25, %add3A_26 : i32
    "tpu.region"() ({
      %run_scoped3A = tpu.sem_alloc : memref<!tpu.dma_semaphore, #tpu.memory_space<semaphore_mem>>
      %dma_start3A_62 = arith.constant 0 : i32
      %dma_start3A_63 = tpu.memref_slice %arg23[%add3A_27, %dma_start3A_62] : memref<10112x48xf32, #tpu.memory_space<vmem_shared>> -> memref<112x48xf32, #tpu.memory_space<vmem_shared>>
      %dma_start3A_64 = arith.constant 0 : i32
      %dma_start3A_65 = tpu.memref_slice %arg23[%add3A_27, %dma_start3A_64] : memref<10112x48xf32, #tpu.memory_space<vmem_shared>> -> memref<112x48xf32, #tpu.memory_space<vmem_shared>>
      tpu.enqueue_dma source(%arg15 : memref<112x48xf32, #tpu.memory_space<vmem>>) target(%dma_start3A_65 : memref<112x48xf32, #tpu.memory_space<vmem_shared>>) target_semaphore(%run_scoped3A : memref<!tpu.dma_semaphore, #tpu.memory_space<semaphore_mem>>)
      %dma_wait3A_66 = arith.constant 0 : i32
      %dma_wait3A_67 = tpu.memref_slice %arg23[%add3A_27, %dma_wait3A_66] : memref<10112x48xf32, #tpu.memory_space<vmem_shared>> -> memref<112x48xf32, #tpu.memory_space<vmem_shared>>
      %dma_wait3A_68 = arith.constant 0 : i32
      %dma_wait3A_69 = tpu.memref_slice %arg23[%add3A_27, %dma_wait3A_68] : memref<10112x48xf32, #tpu.memory_space<vmem_shared>> -> memref<112x48xf32, #tpu.memory_space<vmem_shared>>
      tpu.wait_dma2 semaphore(%run_scoped3A : memref<!tpu.dma_semaphore, #tpu.memory_space<semaphore_mem>>) src(%arg15 : memref<112x48xf32, #tpu.memory_space<vmem>>) dst(%dma_wait3A_69 : memref<112x48xf32, #tpu.memory_space<vmem_shared>>)
      tpu.yield
    }) : () -> ()
    %mul3A_28 = arith.constant 632 : i32
    %mul3A_29 = arith.muli %arg1, %mul3A_28 : i32
    %add3A_30 = arith.constant 632 : i32
    %add3A_31 = arith.addi %mul3A_29, %add3A_30 : i32
    %sub3A = arith.constant 72 : i32
    %sub3A_32 = arith.subi %add3A_31, %sub3A : i32
    "tpu.region"() ({
      %run_scoped3A = tpu.sem_alloc : memref<!tpu.dma_semaphore, #tpu.memory_space<semaphore_mem>>
      %dma_start3A_62 = arith.constant 0 : i32
      %dma_start3A_63 = arith.constant 0 : i32
      %dma_start3A_64 = tpu.memref_slice %arg15[%dma_start3A_62, %dma_start3A_63] : memref<112x48xf32, #tpu.memory_space<vmem>> -> memref<72x48xf32, #tpu.memory_space<vmem>>
      %dma_start3A_65 = arith.constant 0 : i32
      %dma_start3A_66 = tpu.memref_slice %arg23[%sub3A_32, %dma_start3A_65] : memref<10112x48xf32, #tpu.memory_space<vmem_shared>> -> memref<72x48xf32, #tpu.memory_space<vmem_shared>>
      %dma_start3A_67 = arith.constant 0 : i32
      %dma_start3A_68 = tpu.memref_slice %arg23[%sub3A_32, %dma_start3A_67] : memref<10112x48xf32, #tpu.memory_space<vmem_shared>> -> memref<72x48xf32, #tpu.memory_space<vmem_shared>>
      %dma_start3A_69 = arith.constant 0 : i32
      %dma_start3A_70 = arith.constant 0 : i32
      %dma_start3A_71 = tpu.memref_slice %arg15[%dma_start3A_69, %dma_start3A_70] : memref<112x48xf32, #tpu.memory_space<vmem>> -> memref<72x48xf32, #tpu.memory_space<vmem>>
      tpu.enqueue_dma source(%dma_start3A_71 : memref<72x48xf32, #tpu.memory_space<vmem>>) target(%dma_start3A_68 : memref<72x48xf32, #tpu.memory_space<vmem_shared>>) target_semaphore(%run_scoped3A : memref<!tpu.dma_semaphore, #tpu.memory_space<semaphore_mem>>)
      %dma_wait3A_72 = arith.constant 0 : i32
      %dma_wait3A_73 = arith.constant 0 : i32
      %dma_wait3A_74 = tpu.memref_slice %arg15[%dma_wait3A_72, %dma_wait3A_73] : memref<112x48xf32, #tpu.memory_space<vmem>> -> memref<72x48xf32, #tpu.memory_space<vmem>>
      %dma_wait3A_75 = arith.constant 0 : i32
      %dma_wait3A_76 = tpu.memref_slice %arg23[%sub3A_32, %dma_wait3A_75] : memref<10112x48xf32, #tpu.memory_space<vmem_shared>> -> memref<72x48xf32, #tpu.memory_space<vmem_shared>>
      %dma_wait3A_77 = arith.constant 0 : i32
      %dma_wait3A_78 = tpu.memref_slice %arg23[%sub3A_32, %dma_wait3A_77] : memref<10112x48xf32, #tpu.memory_space<vmem_shared>> -> memref<72x48xf32, #tpu.memory_space<vmem_shared>>
      %dma_wait3A_79 = arith.constant 0 : i32
      %dma_wait3A_80 = arith.constant 0 : i32
      %dma_wait3A_81 = tpu.memref_slice %arg15[%dma_wait3A_79, %dma_wait3A_80] : memref<112x48xf32, #tpu.memory_space<vmem>> -> memref<72x48xf32, #tpu.memory_space<vmem>>
      tpu.wait_dma2 semaphore(%run_scoped3A : memref<!tpu.dma_semaphore, #tpu.memory_space<semaphore_mem>>) src(%dma_wait3A_81 : memref<72x48xf32, #tpu.memory_space<vmem>>) dst(%dma_wait3A_78 : memref<72x48xf32, #tpu.memory_space<vmem_shared>>)
      tpu.yield
    }) : () -> ()
    "tpu.region"() ({
      %run_scoped3A = tpu.sem_alloc : memref<!tpu.dma_semaphore, #tpu.memory_space<semaphore_mem>>
      tpu.enqueue_dma source(%arg7 : memref<16xf32, #tpu.memory_space<hbm>>) target(%arg22 : memref<16xf32, #tpu.memory_space<vmem>>) target_semaphore(%run_scoped3A : memref<!tpu.dma_semaphore, #tpu.memory_space<semaphore_mem>>)
      tpu.wait_dma2 semaphore(%run_scoped3A : memref<!tpu.dma_semaphore, #tpu.memory_space<semaphore_mem>>) src(%arg7 : memref<16xf32, #tpu.memory_space<hbm>>) dst(%arg22 : memref<16xf32, #tpu.memory_space<vmem>>)
      tpu.yield
    }) : () -> ()
    %barrier3A = arith.constant 0 : index
    tpu.barrier barrier_id(%barrier3A)
    %get3A = arith.constant 0 : index
    %get3A_33 = tpu.vector_load %arg22[%get3A] {strides = array<i32>} : memref<16xf32, #tpu.memory_space<vmem>>, vector<16xf32>,
    %get3A_34 = vector.shape_cast %get3A_33 : vector<16xf32> to vector<16xf32>
    %iota3A = tpu.iota {dimensions = array<i32: 0>} : vector<16xi32>
    %eq3A = arith.constant 8 : i32
    %eq3A_35 = vector.broadcast %eq3A : i32 to vector<16xi32>
    %eq3A_36 = arith.cmpi eq, %iota3A, %eq3A_35 : vector<16xi32>
    "tpu.region"() ({
      %run_scoped3A = tpu.sem_alloc : memref<!tpu.dma_semaphore, #tpu.memory_space<semaphore_mem>>
      %dma_start3A_62 = tpu.memref_slice %arg5[%mul3A_2] : memref<322560xi32, #tpu.memory_space<hbm>> -> memref<112xi32, #tpu.memory_space<hbm>>
      %dma_start3A_63 = tpu.memref_slice %arg5[%mul3A_2] : memref<322560xi32, #tpu.memory_space<hbm>> -> memref<112xi32, #tpu.memory_space<hbm>>
      tpu.enqueue_dma source(%dma_start3A_63 : memref<112xi32, #tpu.memory_space<hbm>>) target(%arg9 : memref<112xi32, #tpu.memory_space<vmem>>) target_semaphore(%run_scoped3A : memref<!tpu.dma_semaphore, #tpu.memory_space<semaphore_mem>>)
      %dma_wait3A_64 = tpu.memref_slice %arg5[%mul3A_2] : memref<322560xi32, #tpu.memory_space<hbm>> -> memref<112xi32, #tpu.memory_space<hbm>>
      %dma_wait3A_65 = tpu.memref_slice %arg5[%mul3A_2] : memref<322560xi32, #tpu.memory_space<hbm>> -> memref<112xi32, #tpu.memory_space<hbm>>
      tpu.wait_dma2 semaphore(%run_scoped3A : memref<!tpu.dma_semaphore, #tpu.memory_space<semaphore_mem>>) src(%dma_wait3A_65 : memref<112xi32, #tpu.memory_space<hbm>>) dst(%arg9 : memref<112xi32, #tpu.memory_space<vmem>>)
      tpu.yield
    }) : () -> ()
    "tpu.region"() ({
      %run_scoped3A = tpu.sem_alloc : memref<!tpu.dma_semaphore, #tpu.memory_space<semaphore_mem>>
      %dma_start3A_62 = tpu.memref_slice %arg6[%mul3A_2] : memref<322560xi32, #tpu.memory_space<hbm>> -> memref<112xi32, #tpu.memory_space<hbm>>
      %dma_start3A_63 = tpu.memref_slice %arg6[%mul3A_2] : memref<322560xi32, #tpu.memory_space<hbm>> -> memref<112xi32, #tpu.memory_space<hbm>>
      tpu.enqueue_dma source(%dma_start3A_63 : memref<112xi32, #tpu.memory_space<hbm>>) target(%arg11 : memref<112xi32, #tpu.memory_space<vmem>>) target_semaphore(%run_scoped3A : memref<!tpu.dma_semaphore, #tpu.memory_space<semaphore_mem>>)
      %dma_wait3A_64 = tpu.memref_slice %arg6[%mul3A_2] : memref<322560xi32, #tpu.memory_space<hbm>> -> memref<112xi32, #tpu.memory_space<hbm>>
      %dma_wait3A_65 = tpu.memref_slice %arg6[%mul3A_2] : memref<322560xi32, #tpu.memory_space<hbm>> -> memref<112xi32, #tpu.memory_space<hbm>>
      tpu.wait_dma2 semaphore(%run_scoped3A : memref<!tpu.dma_semaphore, #tpu.memory_space<semaphore_mem>>) src(%dma_wait3A_65 : memref<112xi32, #tpu.memory_space<hbm>>) dst(%arg11 : memref<112xi32, #tpu.memory_space<vmem>>)
      tpu.yield
    }) : () -> ()
    %add3A_37 = arith.constant 112 : i32
    %add3A_38 = arith.addi %mul3A_2, %add3A_37 : i32
    %dma_start3A = tpu.memref_slice %arg5[%add3A_38] : memref<322560xi32, #tpu.memory_space<hbm>> -> memref<112xi32, #tpu.memory_space<hbm>>
    %dma_start3A_39 = tpu.memref_slice %arg5[%add3A_38] : memref<322560xi32, #tpu.memory_space<hbm>> -> memref<112xi32, #tpu.memory_space<hbm>>
    tpu.enqueue_dma source(%dma_start3A_39 : memref<112xi32, #tpu.memory_space<hbm>>) target(%arg10 : memref<112xi32, #tpu.memory_space<vmem>>) target_semaphore(%arg25 : memref<!tpu.dma_semaphore, #tpu.memory_space<semaphore_mem>>)
    %add3A_40 = arith.constant 112 : i32
    %add3A_41 = arith.addi %mul3A_2, %add3A_40 : i32
    %dma_start3A_42 = tpu.memref_slice %arg6[%add3A_41] : memref<322560xi32, #tpu.memory_space<hbm>> -> memref<112xi32, #tpu.memory_space<hbm>>
    %dma_start3A_43 = tpu.memref_slice %arg6[%add3A_41] : memref<322560xi32, #tpu.memory_space<hbm>> -> memref<112xi32, #tpu.memory_space<hbm>>
    tpu.enqueue_dma source(%dma_start3A_43 : memref<112xi32, #tpu.memory_space<hbm>>) target(%arg12 : memref<112xi32, #tpu.memory_space<vmem>>) target_semaphore(%arg27 : memref<!tpu.dma_semaphore, #tpu.memory_space<semaphore_mem>>)
    %dma_start3A_44 = arith.constant 0 : i32
    %dma_start3A_45 = arith.constant 0 : i32
    %dma_start3A_46 = tpu.memref_slice %arg2[%dma_start3A_44, %dma_start3A_45] : memref<10016x48xf32, #tpu.memory_space<hbm>> -> memref<10016x48xf32, #tpu.memory_space<hbm>>
    tpu.enqueue_indirect_dma source(%dma_start3A_46 : memref<10016x48xf32, #tpu.memory_space<hbm>>) target(%arg15 : memref<112x48xf32, #tpu.memory_space<vmem>>) offsets(%arg9 : memref<112xi32, #tpu.memory_space<vmem>>) semaphore(%arg28 : memref<!tpu.dma_semaphore, #tpu.memory_space<semaphore_mem>>)
    %scan3A_47 = arith.constant 0 : i32
    %scan3A_48 = arith.constant 45 : i32
    %scan3A_49 = arith.addi %scan3A_47, %scan3A_48 : i32
    %scan3A_50 = arith.constant 1 : i32
    scf.for %scan3A_62 = %scan3A_47 to %scan3A_49 step %scan3A_50  : i32 {
      %mul3A_63 = arith.constant 2 : i32
      %mul3A_64 = arith.muli %scan3A_62, %mul3A_63 : i32
      %add3A_65 = arith.constant 0 : i32
      %add3A_66 = arith.addi %add3A_65, %mul3A_64 : i32
      %add3A_67 = arith.constant 0 : i32
      %add3A_68 = arith.addi %add3A_66, %add3A_67 : i32
      %dma_wait3A_69 = arith.constant 0 : i32
      %dma_wait3A_70 = arith.constant 0 : i32
      %dma_wait3A_71 = tpu.memref_slice %arg2[%dma_wait3A_69, %dma_wait3A_70] : memref<10016x48xf32, #tpu.memory_space<hbm>> -> memref<10016x48xf32, #tpu.memory_space<hbm>>
      tpu.wait_indirect_dma semaphore(%arg28 : memref<!tpu.dma_semaphore, #tpu.memory_space<semaphore_mem>>) src(%dma_wait3A_71 : memref<10016x48xf32, #tpu.memory_space<hbm>>) dst(%arg15 : memref<112x48xf32, #tpu.memory_space<vmem>>)
      %scan3A_72 = arith.constant 0 : i32
      %scan3A_73 = arith.constant 7 : i32
      %scan3A_74 = arith.addi %scan3A_72, %scan3A_73 : i32
      %scan3A_75 = arith.constant 1 : i32
      scf.for %scan3A_139 = %scan3A_72 to %scan3A_74 step %scan3A_75  : i32 {
        %mul3A_140 = arith.constant 16 : i32
        %mul3A_141 = arith.muli %scan3A_139, %mul3A_140 : i32
        %add3A_142 = arith.constant 0 : i32
        %add3A_143 = arith.addi %add3A_142, %mul3A_141 : i32
        %get3A_144 = arith.index_cast %add3A_143 : i32 to index
        %get3A_145 = tpu.vector_load %arg11[%get3A_144] {strides = array<i32>} : memref<112xi32, #tpu.memory_space<vmem>>, vector<16xi32>,
        %get3A_146 = vector.shape_cast %get3A_145 : vector<16xi32> to vector<16xi32>
        %swap3A = arith.index_cast %add3A_143 : i32 to index
        %swap3A_147 = tpu.vector_load %arg13[%swap3A] {strides = array<i32>} : memref<112xi32, #tpu.memory_space<vmem>>, vector<16xi32>,
        %swap3A_148 = vector.shape_cast %swap3A_147 : vector<16xi32> to vector<16xi32>
        %swap3A_149 = vector.shape_cast %get3A_146 : vector<16xi32> to vector<16xi32>
        tpu.vector_store %arg13[%swap3A], %swap3A_149 {strides = array<i32>} : memref<112xi32, #tpu.memory_space<vmem>>, vector<16xi32>,
      }
      %scan3A_76 = arith.constant 7 : i32
      %scan3A_77 = arith.constant 0 : i32
      %scan3A_78 = arith.constant 7 : i32
      %scan3A_79 = arith.addi %scan3A_77, %scan3A_78 : i32
      %scan3A_80 = arith.constant 1 : i32
      scf.for %scan3A_139 = %scan3A_77 to %scan3A_79 step %scan3A_80  : i32 {
        %mul3A_140 = arith.constant 16 : i32
        %mul3A_141 = arith.muli %scan3A_139, %mul3A_140 : i32
        %add3A_142 = arith.constant 0 : i32
        %add3A_143 = arith.addi %add3A_142, %mul3A_141 : i32
        %get3A_144 = arith.index_cast %add3A_143 : i32 to index
        %get3A_145 = tpu.vector_load %arg9[%get3A_144] {strides = array<i32>} : memref<112xi32, #tpu.memory_space<vmem>>, vector<16xi32>,
        %get3A_146 = vector.shape_cast %get3A_145 : vector<16xi32> to vector<16xi32>
        %get3A_147 = arith.index_cast %add3A_143 : i32 to index
        %get3A_148 = tpu.vector_load %arg11[%get3A_147] {strides = array<i32>} : memref<112xi32, #tpu.memory_space<vmem>>, vector<16xi32>,
        %get3A_149 = vector.shape_cast %get3A_148 : vector<16xi32> to vector<16xi32>
        %gather3A = tpu.vector_load_idx %arg19[%get3A_146] : memref<10016xf32, #tpu.memory_space<vmem>>[vector<16xi32>], vector<16xf32>,
        %gather3A_150 = tpu.vector_load_idx %arg20[%get3A_149] : memref<10016xf32, #tpu.memory_space<vmem>>[vector<16xi32>], vector<16xf32>,
        %add3A_151 = arith.addf %gather3A, %gather3A_150 : vector<16xf32>
        %ge3A_152 = arith.constant 0.000000e+00 : f32
        %ge3A_153 = vector.broadcast %ge3A_152 : f32 to vector<16xf32>
        %ge3A_154 = arith.cmpf oge, %add3A_151, %ge3A_153 : vector<16xf32>
        %mul3A_155 = arith.constant 2.000000e-01 : f32
        %mul3A_156 = vector.broadcast %mul3A_155 : f32 to vector<16xf32>
        %mul3A_157 = arith.mulf %mul3A_156, %add3A_151 : vector<16xf32>
        %select_n3A = arith.select %ge3A_154, %add3A_151, %mul3A_157 : vector<16xi1>, vector<16xf32>
        %sub3A_158 = arith.subf %select_n3A, %get3A_34 : vector<16xf32>
        %exp3A = math.exp %sub3A_158 : vector<16xf32>
        %swap3A = arith.index_cast %add3A_143 : i32 to index
        %swap3A_159 = tpu.vector_load %arg21[%swap3A] {strides = array<i32>} : memref<112xf32, #tpu.memory_space<vmem>>, vector<16xf32>,
        tpu.vector_store %arg21[%swap3A], %exp3A {strides = array<i32>} : memref<112xf32, #tpu.memory_space<vmem>>, vector<16xf32>,
      }
      %scan3A_81 = arith.constant 7 : i32
      %lt3A = arith.constant 88 : i32
      %lt3A_82 = arith.cmpi slt, %add3A_68, %lt3A : i32
      %convert_element_type3A = arith.extui %lt3A_82 : i1 to i32
      %cond3A = arith.constant 0 : i32
      %cond3A_83 = arith.cmpi ne, %convert_element_type3A, %cond3A : i32
      scf.if %cond3A_83 {
        %add3A_139 = arith.constant 2 : i32
        %add3A_140 = arith.addi %add3A_68, %add3A_139 : i32
        %mul3A_141 = arith.constant 112 : i32
        %mul3A_142 = arith.muli %add3A_140, %mul3A_141 : i32
        %add3A_143 = arith.addi %mul3A_2, %mul3A_142 : i32
        %dma_start3A_144 = tpu.memref_slice %arg5[%add3A_143] : memref<322560xi32, #tpu.memory_space<hbm>> -> memref<112xi32, #tpu.memory_space<hbm>>
        %dma_start3A_145 = tpu.memref_slice %arg5[%add3A_143] : memref<322560xi32, #tpu.memory_space<hbm>> -> memref<112xi32, #tpu.memory_space<hbm>>
        tpu.enqueue_dma source(%dma_start3A_145 : memref<112xi32, #tpu.memory_space<hbm>>) target(%arg9 : memref<112xi32, #tpu.memory_space<vmem>>) target_semaphore(%arg24 : memref<!tpu.dma_semaphore, #tpu.memory_space<semaphore_mem>>)
        %mul3A_146 = arith.constant 112 : i32
        %mul3A_147 = arith.muli %add3A_140, %mul3A_146 : i32
        %add3A_148 = arith.addi %mul3A_2, %mul3A_147 : i32
        %dma_start3A_149 = tpu.memref_slice %arg6[%add3A_148] : memref<322560xi32, #tpu.memory_space<hbm>> -> memref<112xi32, #tpu.memory_space<hbm>>
        %dma_start3A_150 = tpu.memref_slice %arg6[%add3A_148] : memref<322560xi32, #tpu.memory_space<hbm>> -> memref<112xi32, #tpu.memory_space<hbm>>
        tpu.enqueue_dma source(%dma_start3A_150 : memref<112xi32, #tpu.memory_space<hbm>>) target(%arg11 : memref<112xi32, #tpu.memory_space<vmem>>) target_semaphore(%arg26 : memref<!tpu.dma_semaphore, #tpu.memory_space<semaphore_mem>>)
      } else {
      }
      %lt3A_84 = arith.constant 89 : i32
      %lt3A_85 = arith.cmpi slt, %add3A_68, %lt3A_84 : i32
      %convert_element_type3A_86 = arith.extui %lt3A_85 : i1 to i32
      %cond3A_87 = arith.constant 0 : i32
      %cond3A_88 = arith.cmpi ne, %convert_element_type3A_86, %cond3A_87 : i32
      scf.if %cond3A_88 {
        %dma_wait3A_139 = tpu.memref_slice %arg5[%mul3A_2] : memref<322560xi32, #tpu.memory_space<hbm>> -> memref<112xi32, #tpu.memory_space<hbm>>
        %dma_wait3A_140 = tpu.memref_slice %arg5[%mul3A_2] : memref<322560xi32, #tpu.memory_space<hbm>> -> memref<112xi32, #tpu.memory_space<hbm>>
        tpu.wait_dma2 semaphore(%arg25 : memref<!tpu.dma_semaphore, #tpu.memory_space<semaphore_mem>>) src(%dma_wait3A_140 : memref<112xi32, #tpu.memory_space<hbm>>) dst(%arg10 : memref<112xi32, #tpu.memory_space<vmem>>)
        %dma_wait3A_141 = tpu.memref_slice %arg6[%mul3A_2] : memref<322560xi32, #tpu.memory_space<hbm>> -> memref<112xi32, #tpu.memory_space<hbm>>
        %dma_wait3A_142 = tpu.memref_slice %arg6[%mul3A_2] : memref<322560xi32, #tpu.memory_space<hbm>> -> memref<112xi32, #tpu.memory_space<hbm>>
        tpu.wait_dma2 semaphore(%arg27 : memref<!tpu.dma_semaphore, #tpu.memory_space<semaphore_mem>>) src(%dma_wait3A_142 : memref<112xi32, #tpu.memory_space<hbm>>) dst(%arg12 : memref<112xi32, #tpu.memory_space<vmem>>)
        %dma_start3A_143 = arith.constant 0 : i32
        %dma_start3A_144 = arith.constant 0 : i32
        %dma_start3A_145 = tpu.memref_slice %arg2[%dma_start3A_143, %dma_start3A_144] : memref<10016x48xf32, #tpu.memory_space<hbm>> -> memref<10016x48xf32, #tpu.memory_space<hbm>>
        tpu.enqueue_indirect_dma source(%dma_start3A_145 : memref<10016x48xf32, #tpu.memory_space<hbm>>) target(%arg16 : memref<112x48xf32, #tpu.memory_space<vmem>>) offsets(%arg10 : memref<112xi32, #tpu.memory_space<vmem>>) semaphore(%arg29 : memref<!tpu.dma_semaphore, #tpu.memory_space<semaphore_mem>>)
      } else {
      }
      %ge3A = arith.constant 2 : i32
      %ge3A_89 = arith.cmpi sge, %add3A_68, %ge3A : i32
      %convert_element_type3A_90 = arith.extui %ge3A_89 : i1 to i32
      %cond3A_91 = arith.constant 0 : i32
      %cond3A_92 = arith.cmpi ne, %convert_element_type3A_90, %cond3A_91 : i32
      scf.if %cond3A_92 {
        %dma_wait3A_139 = arith.constant 0 : i32
        %dma_wait3A_140 = arith.constant 0 : i32
        %dma_wait3A_141 = tpu.memref_slice %arg23[%dma_wait3A_139, %dma_wait3A_140] : memref<10112x48xf32, #tpu.memory_space<vmem_shared>> -> memref<10112x48xf32, #tpu.memory_space<vmem_shared>>
        tpu.wait_indirect_dma semaphore(%arg30 : memref<!tpu.dma_semaphore, #tpu.memory_space<semaphore_mem>>) src(%arg17 : memref<112x48xf32, #tpu.memory_space<vmem>>) dst(%dma_wait3A_141 : memref<10112x48xf32, #tpu.memory_space<vmem_shared>>)
      } else {
      }
      %scan3A_93 = arith.constant 0 : i32
      %scan3A_94 = arith.constant 7 : i32
      %scan3A_95 = arith.addi %scan3A_93, %scan3A_94 : i32
      %scan3A_96 = arith.constant 1 : i32
      scf.for %scan3A_139 = %scan3A_93 to %scan3A_95 step %scan3A_96  : i32 {
        %mul3A_140 = arith.constant 16 : i32
        %mul3A_141 = arith.muli %scan3A_139, %mul3A_140 : i32
        %add3A_142 = arith.constant 0 : i32
        %add3A_143 = arith.addi %add3A_142, %mul3A_141 : i32
        %get3A_144 = arith.index_cast %add3A_143 : i32 to index
        %get3A_145 = tpu.vector_load %arg21[%get3A_144] {strides = array<i32>} : memref<112xf32, #tpu.memory_space<vmem>>, vector<16xf32>,
        %add3A_146 = arith.constant 0 : i32
        %add3A_147 = arith.addi %add3A_143, %add3A_146 : i32
        %broadcast_in_dim3A_148 = arith.constant 0 : i32
        %broadcast_in_dim3A_149 = vector.broadcast %broadcast_in_dim3A_148 : i32 to vector<16x1xi32>
        %gather3A = vector.shape_cast %broadcast_in_dim3A_149 : vector<16x1xi32> to vector<16xi32>
        %gather3A_150 = tpu.dynamic_gather %get3A_145[%gather3A] in [0] : vector<16xf32>, vector<16xi32> -> vector<16xf32>
        %jit3A = arith.constant 0.000000e+00 : f32
        %broadcast_in_dim3A_151 = vector.broadcast %jit3A : f32 to vector<16xf32>
        %select_n3A = arith.select %eq3A_36, %gather3A_150, %broadcast_in_dim3A_151 : vector<16xi1>, vector<16xf32>
        %get3A_152 = arith.index_cast %add3A_147 : i32 to index
        %get3A_153 = arith.constant 0 : index
        %get3A_154 = tpu.vector_load %arg15[%get3A_152, %get3A_153] {strides = array<i32>} : memref<112x48xf32, #tpu.memory_space<vmem>>, vector<16xf32>,
        %mul3A_155 = arith.mulf %get3A_154, %gather3A_150 : vector<16xf32>
        %swap3A = arith.index_cast %add3A_147 : i32 to index
        %swap3A_156 = arith.constant 0 : index
        %swap3A_157 = tpu.vector_load %arg17[%swap3A, %swap3A_156] {strides = array<i32>} : memref<112x48xf32, #tpu.memory_space<vmem>>, vector<16xf32>,
        tpu.vector_store %arg17[%swap3A, %swap3A_156], %mul3A_155 {strides = array<i32>} : memref<112x48xf32, #tpu.memory_space<vmem>>, vector<16xf32>,
        %get3A_158 = arith.index_cast %add3A_147 : i32 to index
        %get3A_159 = arith.constant 16 : index
        %get3A_160 = tpu.vector_load %arg15[%get3A_158, %get3A_159] {strides = array<i32>} : memref<112x48xf32, #tpu.memory_space<vmem>>, vector<16xf32>,
        %mul3A_161 = arith.mulf %get3A_160, %gather3A_150 : vector<16xf32>
        %swap3A_162 = arith.index_cast %add3A_147 : i32 to index
        %swap3A_163 = arith.constant 16 : index
        %swap3A_164 = tpu.vector_load %arg17[%swap3A_162, %swap3A_163] {strides = array<i32>} : memref<112x48xf32, #tpu.memory_space<vmem>>, vector<16xf32>,
        tpu.vector_store %arg17[%swap3A_162, %swap3A_163], %mul3A_161 {strides = array<i32>} : memref<112x48xf32, #tpu.memory_space<vmem>>, vector<16xf32>,
        %get3A_165 = arith.index_cast %add3A_147 : i32 to index
        %get3A_166 = arith.constant 32 : index
        %get3A_167 = tpu.vector_load %arg15[%get3A_165, %get3A_166] {strides = array<i32>} : memref<112x48xf32, #tpu.memory_space<vmem>>, vector<16xf32>,
        %mul3A_168 = arith.mulf %get3A_167, %gather3A_150 : vector<16xf32>
        %add3A_169 = arith.addf %mul3A_168, %select_n3A : vector<16xf32>
        %swap3A_170 = arith.index_cast %add3A_147 : i32 to index
        %swap3A_171 = arith.constant 32 : index
        %swap3A_172 = tpu.vector_load %arg17[%swap3A_170, %swap3A_171] {strides = array<i32>} : memref<112x48xf32, #tpu.memory_space<vmem>>, vector<16xf32>,
        tpu.vector_store %arg17[%swap3A_170, %swap3A_171], %add3A_169 {strides = array<i32>} : memref<112x48xf32, #tpu.memory_space<vmem>>, vector<16xf32>,
        %add3A_173 = arith.constant 1 : i32
        %add3A_174 = arith.addi %add3A_143, %add3A_173 : i32
        %broadcast_in_dim3A_175 = arith.constant 1 : i32
        %broadcast_in_dim3A_176 = vector.broadcast %broadcast_in_dim3A_175 : i32 to vector<16x1xi32>
        %gather3A_177 = vector.shape_cast %broadcast_in_dim3A_176 : vector<16x1xi32> to vector<16xi32>
        %gather3A_178 = tpu.dynamic_gather %get3A_145[%gather3A_177] in [0] : vector<16xf32>, vector<16xi32> -> vector<16xf32>
        %jit3A_179 = arith.constant 0.000000e+00 : f32
        %broadcast_in_dim3A_180 = vector.broadcast %jit3A_179 : f32 to vector<16xf32>
        %select_n3A_181 = arith.select %eq3A_36, %gather3A_178, %broadcast_in_dim3A_180 : vector<16xi1>, vector<16xf32>
        %get3A_182 = arith.index_cast %add3A_174 : i32 to index
        %get3A_183 = arith.constant 0 : index
        %get3A_184 = tpu.vector_load %arg15[%get3A_182, %get3A_183] {strides = array<i32>} : memref<112x48xf32, #tpu.memory_space<vmem>>, vector<16xf32>,
        %mul3A_185 = arith.mulf %get3A_184, %gather3A_178 : vector<16xf32>
        %swap3A_186 = arith.index_cast %add3A_174 : i32 to index
        %swap3A_187 = arith.constant 0 : index
        %swap3A_188 = tpu.vector_load %arg17[%swap3A_186, %swap3A_187] {strides = array<i32>} : memref<112x48xf32, #tpu.memory_space<vmem>>, vector<16xf32>,
        tpu.vector_store %arg17[%swap3A_186, %swap3A_187], %mul3A_185 {strides = array<i32>} : memref<112x48xf32, #tpu.memory_space<vmem>>, vector<16xf32>,
        %get3A_189 = arith.index_cast %add3A_174 : i32 to index
        %get3A_190 = arith.constant 16 : index
        %get3A_191 = tpu.vector_load %arg15[%get3A_189, %get3A_190] {strides = array<i32>} : memref<112x48xf32, #tpu.memory_space<vmem>>, vector<16xf32>,
        %mul3A_192 = arith.mulf %get3A_191, %gather3A_178 : vector<16xf32>
        %swap3A_193 = arith.index_cast %add3A_174 : i32 to index
        %swap3A_194 = arith.constant 16 : index
        %swap3A_195 = tpu.vector_load %arg17[%swap3A_193, %swap3A_194] {strides = array<i32>} : memref<112x48xf32, #tpu.memory_space<vmem>>, vector<16xf32>,
        tpu.vector_store %arg17[%swap3A_193, %swap3A_194], %mul3A_192 {strides = array<i32>} : memref<112x48xf32, #tpu.memory_space<vmem>>, vector<16xf32>,
        %get3A_196 = arith.index_cast %add3A_174 : i32 to index
        %get3A_197 = arith.constant 32 : index
        %get3A_198 = tpu.vector_load %arg15[%get3A_196, %get3A_197] {strides = array<i32>} : memref<112x48xf32, #tpu.memory_space<vmem>>, vector<16xf32>,
        %mul3A_199 = arith.mulf %get3A_198, %gather3A_178 : vector<16xf32>
        %add3A_200 = arith.addf %mul3A_199, %select_n3A_181 : vector<16xf32>
        %swap3A_201 = arith.index_cast %add3A_174 : i32 to index
        %swap3A_202 = arith.constant 32 : index
        %swap3A_203 = tpu.vector_load %arg17[%swap3A_201, %swap3A_202] {strides = array<i32>} : memref<112x48xf32, #tpu.memory_space<vmem>>, vector<16xf32>,
        tpu.vector_store %arg17[%swap3A_201, %swap3A_202], %add3A_200 {strides = array<i32>} : memref<112x48xf32, #tpu.memory_space<vmem>>, vector<16xf32>,
        %add3A_204 = arith.constant 2 : i32
        %add3A_205 = arith.addi %add3A_143, %add3A_204 : i32
        %broadcast_in_dim3A_206 = arith.constant 2 : i32
        %broadcast_in_dim3A_207 = vector.broadcast %broadcast_in_dim3A_206 : i32 to vector<16x1xi32>
        %gather3A_208 = vector.shape_cast %broadcast_in_dim3A_207 : vector<16x1xi32> to vector<16xi32>
        %gather3A_209 = tpu.dynamic_gather %get3A_145[%gather3A_208] in [0] : vector<16xf32>, vector<16xi32> -> vector<16xf32>
        %jit3A_210 = arith.constant 0.000000e+00 : f32
        %broadcast_in_dim3A_211 = vector.broadcast %jit3A_210 : f32 to vector<16xf32>
        %select_n3A_212 = arith.select %eq3A_36, %gather3A_209, %broadcast_in_dim3A_211 : vector<16xi1>, vector<16xf32>
        %get3A_213 = arith.index_cast %add3A_205 : i32 to index
        %get3A_214 = arith.constant 0 : index
        %get3A_215 = tpu.vector_load %arg15[%get3A_213, %get3A_214] {strides = array<i32>} : memref<112x48xf32, #tpu.memory_space<vmem>>, vector<16xf32>,
        %mul3A_216 = arith.mulf %get3A_215, %gather3A_209 : vector<16xf32>
        %swap3A_217 = arith.index_cast %add3A_205 : i32 to index
        %swap3A_218 = arith.constant 0 : index
        %swap3A_219 = tpu.vector_load %arg17[%swap3A_217, %swap3A_218] {strides = array<i32>} : memref<112x48xf32, #tpu.memory_space<vmem>>, vector<16xf32>,
        tpu.vector_store %arg17[%swap3A_217, %swap3A_218], %mul3A_216 {strides = array<i32>} : memref<112x48xf32, #tpu.memory_space<vmem>>, vector<16xf32>,
        %get3A_220 = arith.index_cast %add3A_205 : i32 to index
        %get3A_221 = arith.constant 16 : index
        %get3A_222 = tpu.vector_load %arg15[%get3A_220, %get3A_221] {strides = array<i32>} : memref<112x48xf32, #tpu.memory_space<vmem>>, vector<16xf32>,
        %mul3A_223 = arith.mulf %get3A_222, %gather3A_209 : vector<16xf32>
        %swap3A_224 = arith.index_cast %add3A_205 : i32 to index
        %swap3A_225 = arith.constant 16 : index
        %swap3A_226 = tpu.vector_load %arg17[%swap3A_224, %swap3A_225] {strides = array<i32>} : memref<112x48xf32, #tpu.memory_space<vmem>>, vector<16xf32>,
        tpu.vector_store %arg17[%swap3A_224, %swap3A_225], %mul3A_223 {strides = array<i32>} : memref<112x48xf32, #tpu.memory_space<vmem>>, vector<16xf32>,
        %get3A_227 = arith.index_cast %add3A_205 : i32 to index
        %get3A_228 = arith.constant 32 : index
        %get3A_229 = tpu.vector_load %arg15[%get3A_227, %get3A_228] {strides = array<i32>} : memref<112x48xf32, #tpu.memory_space<vmem>>, vector<16xf32>,
        %mul3A_230 = arith.mulf %get3A_229, %gather3A_209 : vector<16xf32>
        %add3A_231 = arith.addf %mul3A_230, %select_n3A_212 : vector<16xf32>
        %swap3A_232 = arith.index_cast %add3A_205 : i32 to index
        %swap3A_233 = arith.constant 32 : index
        %swap3A_234 = tpu.vector_load %arg17[%swap3A_232, %swap3A_233] {strides = array<i32>} : memref<112x48xf32, #tpu.memory_space<vmem>>, vector<16xf32>,
        tpu.vector_store %arg17[%swap3A_232, %swap3A_233], %add3A_231 {strides = array<i32>} : memref<112x48xf32, #tpu.memory_space<vmem>>, vector<16xf32>,
        %add3A_235 = arith.constant 3 : i32
        %add3A_236 = arith.addi %add3A_143, %add3A_235 : i32
        %broadcast_in_dim3A_237 = arith.constant 3 : i32
        %broadcast_in_dim3A_238 = vector.broadcast %broadcast_in_dim3A_237 : i32 to vector<16x1xi32>
        %gather3A_239 = vector.shape_cast %broadcast_in_dim3A_238 : vector<16x1xi32> to vector<16xi32>
        %gather3A_240 = tpu.dynamic_gather %get3A_145[%gather3A_239] in [0] : vector<16xf32>, vector<16xi32> -> vector<16xf32>
        %jit3A_241 = arith.constant 0.000000e+00 : f32
        %broadcast_in_dim3A_242 = vector.broadcast %jit3A_241 : f32 to vector<16xf32>
        %select_n3A_243 = arith.select %eq3A_36, %gather3A_240, %broadcast_in_dim3A_242 : vector<16xi1>, vector<16xf32>
        %get3A_244 = arith.index_cast %add3A_236 : i32 to index
        %get3A_245 = arith.constant 0 : index
        %get3A_246 = tpu.vector_load %arg15[%get3A_244, %get3A_245] {strides = array<i32>} : memref<112x48xf32, #tpu.memory_space<vmem>>, vector<16xf32>,
        %mul3A_247 = arith.mulf %get3A_246, %gather3A_240 : vector<16xf32>
        %swap3A_248 = arith.index_cast %add3A_236 : i32 to index
        %swap3A_249 = arith.constant 0 : index
        %swap3A_250 = tpu.vector_load %arg17[%swap3A_248, %swap3A_249] {strides = array<i32>} : memref<112x48xf32, #tpu.memory_space<vmem>>, vector<16xf32>,
        tpu.vector_store %arg17[%swap3A_248, %swap3A_249], %mul3A_247 {strides = array<i32>} : memref<112x48xf32, #tpu.memory_space<vmem>>, vector<16xf32>,
        %get3A_251 = arith.index_cast %add3A_236 : i32 to index
        %get3A_252 = arith.constant 16 : index
        %get3A_253 = tpu.vector_load %arg15[%get3A_251, %get3A_252] {strides = array<i32>} : memref<112x48xf32, #tpu.memory_space<vmem>>, vector<16xf32>,
        %mul3A_254 = arith.mulf %get3A_253, %gather3A_240 : vector<16xf32>
        %swap3A_255 = arith.index_cast %add3A_236 : i32 to index
        %swap3A_256 = arith.constant 16 : index
        %swap3A_257 = tpu.vector_load %arg17[%swap3A_255, %swap3A_256] {strides = array<i32>} : memref<112x48xf32, #tpu.memory_space<vmem>>, vector<16xf32>,
        tpu.vector_store %arg17[%swap3A_255, %swap3A_256], %mul3A_254 {strides = array<i32>} : memref<112x48xf32, #tpu.memory_space<vmem>>, vector<16xf32>,
        %get3A_258 = arith.index_cast %add3A_236 : i32 to index
        %get3A_259 = arith.constant 32 : index
        %get3A_260 = tpu.vector_load %arg15[%get3A_258, %get3A_259] {strides = array<i32>} : memref<112x48xf32, #tpu.memory_space<vmem>>, vector<16xf32>,
        %mul3A_261 = arith.mulf %get3A_260, %gather3A_240 : vector<16xf32>
        %add3A_262 = arith.addf %mul3A_261, %select_n3A_243 : vector<16xf32>
        %swap3A_263 = arith.index_cast %add3A_236 : i32 to index
        %swap3A_264 = arith.constant 32 : index
        %swap3A_265 = tpu.vector_load %arg17[%swap3A_263, %swap3A_264] {strides = array<i32>} : memref<112x48xf32, #tpu.memory_space<vmem>>, vector<16xf32>,
        tpu.vector_store %arg17[%swap3A_263, %swap3A_264], %add3A_262 {strides = array<i32>} : memref<112x48xf32, #tpu.memory_space<vmem>>, vector<16xf32>,
        %add3A_266 = arith.constant 4 : i32
        %add3A_267 = arith.addi %add3A_143, %add3A_266 : i32
        %broadcast_in_dim3A_268 = arith.constant 4 : i32
        %broadcast_in_dim3A_269 = vector.broadcast %broadcast_in_dim3A_268 : i32 to vector<16x1xi32>
        %gather3A_270 = vector.shape_cast %broadcast_in_dim3A_269 : vector<16x1xi32> to vector<16xi32>
        %gather3A_271 = tpu.dynamic_gather %get3A_145[%gather3A_270] in [0] : vector<16xf32>, vector<16xi32> -> vector<16xf32>
        %jit3A_272 = arith.constant 0.000000e+00 : f32
        %broadcast_in_dim3A_273 = vector.broadcast %jit3A_272 : f32 to vector<16xf32>
        %select_n3A_274 = arith.select %eq3A_36, %gather3A_271, %broadcast_in_dim3A_273 : vector<16xi1>, vector<16xf32>
        %get3A_275 = arith.index_cast %add3A_267 : i32 to index
        %get3A_276 = arith.constant 0 : index
        %get3A_277 = tpu.vector_load %arg15[%get3A_275, %get3A_276] {strides = array<i32>} : memref<112x48xf32, #tpu.memory_space<vmem>>, vector<16xf32>,
        %mul3A_278 = arith.mulf %get3A_277, %gather3A_271 : vector<16xf32>
        %swap3A_279 = arith.index_cast %add3A_267 : i32 to index
        %swap3A_280 = arith.constant 0 : index
        %swap3A_281 = tpu.vector_load %arg17[%swap3A_279, %swap3A_280] {strides = array<i32>} : memref<112x48xf32, #tpu.memory_space<vmem>>, vector<16xf32>,
        tpu.vector_store %arg17[%swap3A_279, %swap3A_280], %mul3A_278 {strides = array<i32>} : memref<112x48xf32, #tpu.memory_space<vmem>>, vector<16xf32>,
        %get3A_282 = arith.index_cast %add3A_267 : i32 to index
        %get3A_283 = arith.constant 16 : index
        %get3A_284 = tpu.vector_load %arg15[%get3A_282, %get3A_283] {strides = array<i32>} : memref<112x48xf32, #tpu.memory_space<vmem>>, vector<16xf32>,
        %mul3A_285 = arith.mulf %get3A_284, %gather3A_271 : vector<16xf32>
        %swap3A_286 = arith.index_cast %add3A_267 : i32 to index
        %swap3A_287 = arith.constant 16 : index
        %swap3A_288 = tpu.vector_load %arg17[%swap3A_286, %swap3A_287] {strides = array<i32>} : memref<112x48xf32, #tpu.memory_space<vmem>>, vector<16xf32>,
        tpu.vector_store %arg17[%swap3A_286, %swap3A_287], %mul3A_285 {strides = array<i32>} : memref<112x48xf32, #tpu.memory_space<vmem>>, vector<16xf32>,
        %get3A_289 = arith.index_cast %add3A_267 : i32 to index
        %get3A_290 = arith.constant 32 : index
        %get3A_291 = tpu.vector_load %arg15[%get3A_289, %get3A_290] {strides = array<i32>} : memref<112x48xf32, #tpu.memory_space<vmem>>, vector<16xf32>,
        %mul3A_292 = arith.mulf %get3A_291, %gather3A_271 : vector<16xf32>
        %add3A_293 = arith.addf %mul3A_292, %select_n3A_274 : vector<16xf32>
        %swap3A_294 = arith.index_cast %add3A_267 : i32 to index
        %swap3A_295 = arith.constant 32 : index
        %swap3A_296 = tpu.vector_load %arg17[%swap3A_294, %swap3A_295] {strides = array<i32>} : memref<112x48xf32, #tpu.memory_space<vmem>>, vector<16xf32>,
        tpu.vector_store %arg17[%swap3A_294, %swap3A_295], %add3A_293 {strides = array<i32>} : memref<112x48xf32, #tpu.memory_space<vmem>>, vector<16xf32>,
        %add3A_297 = arith.constant 5 : i32
        %add3A_298 = arith.addi %add3A_143, %add3A_297 : i32
        %broadcast_in_dim3A_299 = arith.constant 5 : i32
        %broadcast_in_dim3A_300 = vector.broadcast %broadcast_in_dim3A_299 : i32 to vector<16x1xi32>
        %gather3A_301 = vector.shape_cast %broadcast_in_dim3A_300 : vector<16x1xi32> to vector<16xi32>
        %gather3A_302 = tpu.dynamic_gather %get3A_145[%gather3A_301] in [0] : vector<16xf32>, vector<16xi32> -> vector<16xf32>
        %jit3A_303 = arith.constant 0.000000e+00 : f32
        %broadcast_in_dim3A_304 = vector.broadcast %jit3A_303 : f32 to vector<16xf32>
        %select_n3A_305 = arith.select %eq3A_36, %gather3A_302, %broadcast_in_dim3A_304 : vector<16xi1>, vector<16xf32>
        %get3A_306 = arith.index_cast %add3A_298 : i32 to index
        %get3A_307 = arith.constant 0 : index
        %get3A_308 = tpu.vector_load %arg15[%get3A_306, %get3A_307] {strides = array<i32>} : memref<112x48xf32, #tpu.memory_space<vmem>>, vector<16xf32>,
        %mul3A_309 = arith.mulf %get3A_308, %gather3A_302 : vector<16xf32>
        %swap3A_310 = arith.index_cast %add3A_298 : i32 to index
        %swap3A_311 = arith.constant 0 : index
        %swap3A_312 = tpu.vector_load %arg17[%swap3A_310, %swap3A_311] {strides = array<i32>} : memref<112x48xf32, #tpu.memory_space<vmem>>, vector<16xf32>,
        tpu.vector_store %arg17[%swap3A_310, %swap3A_311], %mul3A_309 {strides = array<i32>} : memref<112x48xf32, #tpu.memory_space<vmem>>, vector<16xf32>,
        %get3A_313 = arith.index_cast %add3A_298 : i32 to index
        %get3A_314 = arith.constant 16 : index
        %get3A_315 = tpu.vector_load %arg15[%get3A_313, %get3A_314] {strides = array<i32>} : memref<112x48xf32, #tpu.memory_space<vmem>>, vector<16xf32>,
        %mul3A_316 = arith.mulf %get3A_315, %gather3A_302 : vector<16xf32>
        %swap3A_317 = arith.index_cast %add3A_298 : i32 to index
        %swap3A_318 = arith.constant 16 : index
        %swap3A_319 = tpu.vector_load %arg17[%swap3A_317, %swap3A_318] {strides = array<i32>} : memref<112x48xf32, #tpu.memory_space<vmem>>, vector<16xf32>,
        tpu.vector_store %arg17[%swap3A_317, %swap3A_318], %mul3A_316 {strides = array<i32>} : memref<112x48xf32, #tpu.memory_space<vmem>>, vector<16xf32>,
        %get3A_320 = arith.index_cast %add3A_298 : i32 to index
        %get3A_321 = arith.constant 32 : index
        %get3A_322 = tpu.vector_load %arg15[%get3A_320, %get3A_321] {strides = array<i32>} : memref<112x48xf32, #tpu.memory_space<vmem>>, vector<16xf32>,
        %mul3A_323 = arith.mulf %get3A_322, %gather3A_302 : vector<16xf32>
        %add3A_324 = arith.addf %mul3A_323, %select_n3A_305 : vector<16xf32>
        %swap3A_325 = arith.index_cast %add3A_298 : i32 to index
        %swap3A_326 = arith.constant 32 : index
        %swap3A_327 = tpu.vector_load %arg17[%swap3A_325, %swap3A_326] {strides = array<i32>} : memref<112x48xf32, #tpu.memory_space<vmem>>, vector<16xf32>,
        tpu.vector_store %arg17[%swap3A_325, %swap3A_326], %add3A_324 {strides = array<i32>} : memref<112x48xf32, #tpu.memory_space<vmem>>, vector<16xf32>,
        %add3A_328 = arith.constant 6 : i32
        %add3A_329 = arith.addi %add3A_143, %add3A_328 : i32
        %broadcast_in_dim3A_330 = arith.constant 6 : i32
        %broadcast_in_dim3A_331 = vector.broadcast %broadcast_in_dim3A_330 : i32 to vector<16x1xi32>
        %gather3A_332 = vector.shape_cast %broadcast_in_dim3A_331 : vector<16x1xi32> to vector<16xi32>
        %gather3A_333 = tpu.dynamic_gather %get3A_145[%gather3A_332] in [0] : vector<16xf32>, vector<16xi32> -> vector<16xf32>
        %jit3A_334 = arith.constant 0.000000e+00 : f32
        %broadcast_in_dim3A_335 = vector.broadcast %jit3A_334 : f32 to vector<16xf32>
        %select_n3A_336 = arith.select %eq3A_36, %gather3A_333, %broadcast_in_dim3A_335 : vector<16xi1>, vector<16xf32>
        %get3A_337 = arith.index_cast %add3A_329 : i32 to index
        %get3A_338 = arith.constant 0 : index
        %get3A_339 = tpu.vector_load %arg15[%get3A_337, %get3A_338] {strides = array<i32>} : memref<112x48xf32, #tpu.memory_space<vmem>>, vector<16xf32>,
        %mul3A_340 = arith.mulf %get3A_339, %gather3A_333 : vector<16xf32>
        %swap3A_341 = arith.index_cast %add3A_329 : i32 to index
        %swap3A_342 = arith.constant 0 : index
        %swap3A_343 = tpu.vector_load %arg17[%swap3A_341, %swap3A_342] {strides = array<i32>} : memref<112x48xf32, #tpu.memory_space<vmem>>, vector<16xf32>,
        tpu.vector_store %arg17[%swap3A_341, %swap3A_342], %mul3A_340 {strides = array<i32>} : memref<112x48xf32, #tpu.memory_space<vmem>>, vector<16xf32>,
        %get3A_344 = arith.index_cast %add3A_329 : i32 to index
        %get3A_345 = arith.constant 16 : index
        %get3A_346 = tpu.vector_load %arg15[%get3A_344, %get3A_345] {strides = array<i32>} : memref<112x48xf32, #tpu.memory_space<vmem>>, vector<16xf32>,
        %mul3A_347 = arith.mulf %get3A_346, %gather3A_333 : vector<16xf32>
        %swap3A_348 = arith.index_cast %add3A_329 : i32 to index
        %swap3A_349 = arith.constant 16 : index
        %swap3A_350 = tpu.vector_load %arg17[%swap3A_348, %swap3A_349] {strides = array<i32>} : memref<112x48xf32, #tpu.memory_space<vmem>>, vector<16xf32>,
        tpu.vector_store %arg17[%swap3A_348, %swap3A_349], %mul3A_347 {strides = array<i32>} : memref<112x48xf32, #tpu.memory_space<vmem>>, vector<16xf32>,
        %get3A_351 = arith.index_cast %add3A_329 : i32 to index
        %get3A_352 = arith.constant 32 : index
        %get3A_353 = tpu.vector_load %arg15[%get3A_351, %get3A_352] {strides = array<i32>} : memref<112x48xf32, #tpu.memory_space<vmem>>, vector<16xf32>,
        %mul3A_354 = arith.mulf %get3A_353, %gather3A_333 : vector<16xf32>
        %add3A_355 = arith.addf %mul3A_354, %select_n3A_336 : vector<16xf32>
        %swap3A_356 = arith.index_cast %add3A_329 : i32 to index
        %swap3A_357 = arith.constant 32 : index
        %swap3A_358 = tpu.vector_load %arg17[%swap3A_356, %swap3A_357] {strides = array<i32>} : memref<112x48xf32, #tpu.memory_space<vmem>>, vector<16xf32>,
        tpu.vector_store %arg17[%swap3A_356, %swap3A_357], %add3A_355 {strides = array<i32>} : memref<112x48xf32, #tpu.memory_space<vmem>>, vector<16xf32>,
        %add3A_359 = arith.constant 7 : i32
        %add3A_360 = arith.addi %add3A_143, %add3A_359 : i32
        %broadcast_in_dim3A_361 = arith.constant 7 : i32
        %broadcast_in_dim3A_362 = vector.broadcast %broadcast_in_dim3A_361 : i32 to vector<16x1xi32>
        %gather3A_363 = vector.shape_cast %broadcast_in_dim3A_362 : vector<16x1xi32> to vector<16xi32>
        %gather3A_364 = tpu.dynamic_gather %get3A_145[%gather3A_363] in [0] : vector<16xf32>, vector<16xi32> -> vector<16xf32>
        %jit3A_365 = arith.constant 0.000000e+00 : f32
        %broadcast_in_dim3A_366 = vector.broadcast %jit3A_365 : f32 to vector<16xf32>
        %select_n3A_367 = arith.select %eq3A_36, %gather3A_364, %broadcast_in_dim3A_366 : vector<16xi1>, vector<16xf32>
        %get3A_368 = arith.index_cast %add3A_360 : i32 to index
        %get3A_369 = arith.constant 0 : index
        %get3A_370 = tpu.vector_load %arg15[%get3A_368, %get3A_369] {strides = array<i32>} : memref<112x48xf32, #tpu.memory_space<vmem>>, vector<16xf32>,
        %mul3A_371 = arith.mulf %get3A_370, %gather3A_364 : vector<16xf32>
        %swap3A_372 = arith.index_cast %add3A_360 : i32 to index
        %swap3A_373 = arith.constant 0 : index
        %swap3A_374 = tpu.vector_load %arg17[%swap3A_372, %swap3A_373] {strides = array<i32>} : memref<112x48xf32, #tpu.memory_space<vmem>>, vector<16xf32>,
        tpu.vector_store %arg17[%swap3A_372, %swap3A_373], %mul3A_371 {strides = array<i32>} : memref<112x48xf32, #tpu.memory_space<vmem>>, vector<16xf32>,
        %get3A_375 = arith.index_cast %add3A_360 : i32 to index
        %get3A_376 = arith.constant 16 : index
        %get3A_377 = tpu.vector_load %arg15[%get3A_375, %get3A_376] {strides = array<i32>} : memref<112x48xf32, #tpu.memory_space<vmem>>, vector<16xf32>,
        %mul3A_378 = arith.mulf %get3A_377, %gather3A_364 : vector<16xf32>
        %swap3A_379 = arith.index_cast %add3A_360 : i32 to index
        %swap3A_380 = arith.constant 16 : index
        %swap3A_381 = tpu.vector_load %arg17[%swap3A_379, %swap3A_380] {strides = array<i32>} : memref<112x48xf32, #tpu.memory_space<vmem>>, vector<16xf32>,
        tpu.vector_store %arg17[%swap3A_379, %swap3A_380], %mul3A_378 {strides = array<i32>} : memref<112x48xf32, #tpu.memory_space<vmem>>, vector<16xf32>,
        %get3A_382 = arith.index_cast %add3A_360 : i32 to index
        %get3A_383 = arith.constant 32 : index
        %get3A_384 = tpu.vector_load %arg15[%get3A_382, %get3A_383] {strides = array<i32>} : memref<112x48xf32, #tpu.memory_space<vmem>>, vector<16xf32>,
        %mul3A_385 = arith.mulf %get3A_384, %gather3A_364 : vector<16xf32>
        %add3A_386 = arith.addf %mul3A_385, %select_n3A_367 : vector<16xf32>
        %swap3A_387 = arith.index_cast %add3A_360 : i32 to index
        %swap3A_388 = arith.constant 32 : index
        %swap3A_389 = tpu.vector_load %arg17[%swap3A_387, %swap3A_388] {strides = array<i32>} : memref<112x48xf32, #tpu.memory_space<vmem>>, vector<16xf32>,
        tpu.vector_store %arg17[%swap3A_387, %swap3A_388], %add3A_386 {strides = array<i32>} : memref<112x48xf32, #tpu.memory_space<vmem>>, vector<16xf32>,
        %add3A_390 = arith.constant 8 : i32
        %add3A_391 = arith.addi %add3A_143, %add3A_390 : i32
        %broadcast_in_dim3A_392 = arith.constant 8 : i32
        %broadcast_in_dim3A_393 = vector.broadcast %broadcast_in_dim3A_392 : i32 to vector<16x1xi32>
        %gather3A_394 = vector.shape_cast %broadcast_in_dim3A_393 : vector<16x1xi32> to vector<16xi32>
        %gather3A_395 = tpu.dynamic_gather %get3A_145[%gather3A_394] in [0] : vector<16xf32>, vector<16xi32> -> vector<16xf32>
        %jit3A_396 = arith.constant 0.000000e+00 : f32
        %broadcast_in_dim3A_397 = vector.broadcast %jit3A_396 : f32 to vector<16xf32>
        %select_n3A_398 = arith.select %eq3A_36, %gather3A_395, %broadcast_in_dim3A_397 : vector<16xi1>, vector<16xf32>
        %get3A_399 = arith.index_cast %add3A_391 : i32 to index
        %get3A_400 = arith.constant 0 : index
        %get3A_401 = tpu.vector_load %arg15[%get3A_399, %get3A_400] {strides = array<i32>} : memref<112x48xf32, #tpu.memory_space<vmem>>, vector<16xf32>,
        %mul3A_402 = arith.mulf %get3A_401, %gather3A_395 : vector<16xf32>
        %swap3A_403 = arith.index_cast %add3A_391 : i32 to index
        %swap3A_404 = arith.constant 0 : index
        %swap3A_405 = tpu.vector_load %arg17[%swap3A_403, %swap3A_404] {strides = array<i32>} : memref<112x48xf32, #tpu.memory_space<vmem>>, vector<16xf32>,
        tpu.vector_store %arg17[%swap3A_403, %swap3A_404], %mul3A_402 {strides = array<i32>} : memref<112x48xf32, #tpu.memory_space<vmem>>, vector<16xf32>,
        %get3A_406 = arith.index_cast %add3A_391 : i32 to index
        %get3A_407 = arith.constant 16 : index
        %get3A_408 = tpu.vector_load %arg15[%get3A_406, %get3A_407] {strides = array<i32>} : memref<112x48xf32, #tpu.memory_space<vmem>>, vector<16xf32>,
        %mul3A_409 = arith.mulf %get3A_408, %gather3A_395 : vector<16xf32>
        %swap3A_410 = arith.index_cast %add3A_391 : i32 to index
        %swap3A_411 = arith.constant 16 : index
        %swap3A_412 = tpu.vector_load %arg17[%swap3A_410, %swap3A_411] {strides = array<i32>} : memref<112x48xf32, #tpu.memory_space<vmem>>, vector<16xf32>,
        tpu.vector_store %arg17[%swap3A_410, %swap3A_411], %mul3A_409 {strides = array<i32>} : memref<112x48xf32, #tpu.memory_space<vmem>>, vector<16xf32>,
        %get3A_413 = arith.index_cast %add3A_391 : i32 to index
        %get3A_414 = arith.constant 32 : index
        %get3A_415 = tpu.vector_load %arg15[%get3A_413, %get3A_414] {strides = array<i32>} : memref<112x48xf32, #tpu.memory_space<vmem>>, vector<16xf32>,
        %mul3A_416 = arith.mulf %get3A_415, %gather3A_395 : vector<16xf32>
        %add3A_417 = arith.addf %mul3A_416, %select_n3A_398 : vector<16xf32>
        %swap3A_418 = arith.index_cast %add3A_391 : i32 to index
        %swap3A_419 = arith.constant 32 : index
        %swap3A_420 = tpu.vector_load %arg17[%swap3A_418, %swap3A_419] {strides = array<i32>} : memref<112x48xf32, #tpu.memory_space<vmem>>, vector<16xf32>,
        tpu.vector_store %arg17[%swap3A_418, %swap3A_419], %add3A_417 {strides = array<i32>} : memref<112x48xf32, #tpu.memory_space<vmem>>, vector<16xf32>,
        %add3A_421 = arith.constant 9 : i32
        %add3A_422 = arith.addi %add3A_143, %add3A_421 : i32
        %broadcast_in_dim3A_423 = arith.constant 9 : i32
        %broadcast_in_dim3A_424 = vector.broadcast %broadcast_in_dim3A_423 : i32 to vector<16x1xi32>
        %gather3A_425 = vector.shape_cast %broadcast_in_dim3A_424 : vector<16x1xi32> to vector<16xi32>
        %gather3A_426 = tpu.dynamic_gather %get3A_145[%gather3A_425] in [0] : vector<16xf32>, vector<16xi32> -> vector<16xf32>
        %jit3A_427 = arith.constant 0.000000e+00 : f32
        %broadcast_in_dim3A_428 = vector.broadcast %jit3A_427 : f32 to vector<16xf32>
        %select_n3A_429 = arith.select %eq3A_36, %gather3A_426, %broadcast_in_dim3A_428 : vector<16xi1>, vector<16xf32>
        %get3A_430 = arith.index_cast %add3A_422 : i32 to index
        %get3A_431 = arith.constant 0 : index
        %get3A_432 = tpu.vector_load %arg15[%get3A_430, %get3A_431] {strides = array<i32>} : memref<112x48xf32, #tpu.memory_space<vmem>>, vector<16xf32>,
        %mul3A_433 = arith.mulf %get3A_432, %gather3A_426 : vector<16xf32>
        %swap3A_434 = arith.index_cast %add3A_422 : i32 to index
        %swap3A_435 = arith.constant 0 : index
        %swap3A_436 = tpu.vector_load %arg17[%swap3A_434, %swap3A_435] {strides = array<i32>} : memref<112x48xf32, #tpu.memory_space<vmem>>, vector<16xf32>,
        tpu.vector_store %arg17[%swap3A_434, %swap3A_435], %mul3A_433 {strides = array<i32>} : memref<112x48xf32, #tpu.memory_space<vmem>>, vector<16xf32>,
        %get3A_437 = arith.index_cast %add3A_422 : i32 to index
        %get3A_438 = arith.constant 16 : index
        %get3A_439 = tpu.vector_load %arg15[%get3A_437, %get3A_438] {strides = array<i32>} : memref<112x48xf32, #tpu.memory_space<vmem>>, vector<16xf32>,
        %mul3A_440 = arith.mulf %get3A_439, %gather3A_426 : vector<16xf32>
        %swap3A_441 = arith.index_cast %add3A_422 : i32 to index
        %swap3A_442 = arith.constant 16 : index
        %swap3A_443 = tpu.vector_load %arg17[%swap3A_441, %swap3A_442] {strides = array<i32>} : memref<112x48xf32, #tpu.memory_space<vmem>>, vector<16xf32>,
        tpu.vector_store %arg17[%swap3A_441, %swap3A_442], %mul3A_440 {strides = array<i32>} : memref<112x48xf32, #tpu.memory_space<vmem>>, vector<16xf32>,
        %get3A_444 = arith.index_cast %add3A_422 : i32 to index
        %get3A_445 = arith.constant 32 : index
        %get3A_446 = tpu.vector_load %arg15[%get3A_444, %get3A_445] {strides = array<i32>} : memref<112x48xf32, #tpu.memory_space<vmem>>, vector<16xf32>,
        %mul3A_447 = arith.mulf %get3A_446, %gather3A_426 : vector<16xf32>
        %add3A_448 = arith.addf %mul3A_447, %select_n3A_429 : vector<16xf32>
        %swap3A_449 = arith.index_cast %add3A_422 : i32 to index
        %swap3A_450 = arith.constant 32 : index
        %swap3A_451 = tpu.vector_load %arg17[%swap3A_449, %swap3A_450] {strides = array<i32>} : memref<112x48xf32, #tpu.memory_space<vmem>>, vector<16xf32>,
        tpu.vector_store %arg17[%swap3A_449, %swap3A_450], %add3A_448 {strides = array<i32>} : memref<112x48xf32, #tpu.memory_space<vmem>>, vector<16xf32>,
        %add3A_452 = arith.constant 10 : i32
        %add3A_453 = arith.addi %add3A_143, %add3A_452 : i32
        %broadcast_in_dim3A_454 = arith.constant 10 : i32
        %broadcast_in_dim3A_455 = vector.broadcast %broadcast_in_dim3A_454 : i32 to vector<16x1xi32>
        %gather3A_456 = vector.shape_cast %broadcast_in_dim3A_455 : vector<16x1xi32> to vector<16xi32>
        %gather3A_457 = tpu.dynamic_gather %get3A_145[%gather3A_456] in [0] : vector<16xf32>, vector<16xi32> -> vector<16xf32>
        %jit3A_458 = arith.constant 0.000000e+00 : f32
        %broadcast_in_dim3A_459 = vector.broadcast %jit3A_458 : f32 to vector<16xf32>
        %select_n3A_460 = arith.select %eq3A_36, %gather3A_457, %broadcast_in_dim3A_459 : vector<16xi1>, vector<16xf32>
        %get3A_461 = arith.index_cast %add3A_453 : i32 to index
        %get3A_462 = arith.constant 0 : index
        %get3A_463 = tpu.vector_load %arg15[%get3A_461, %get3A_462] {strides = array<i32>} : memref<112x48xf32, #tpu.memory_space<vmem>>, vector<16xf32>,
        %mul3A_464 = arith.mulf %get3A_463, %gather3A_457 : vector<16xf32>
        %swap3A_465 = arith.index_cast %add3A_453 : i32 to index
        %swap3A_466 = arith.constant 0 : index
        %swap3A_467 = tpu.vector_load %arg17[%swap3A_465, %swap3A_466] {strides = array<i32>} : memref<112x48xf32, #tpu.memory_space<vmem>>, vector<16xf32>,
        tpu.vector_store %arg17[%swap3A_465, %swap3A_466], %mul3A_464 {strides = array<i32>} : memref<112x48xf32, #tpu.memory_space<vmem>>, vector<16xf32>,
        %get3A_468 = arith.index_cast %add3A_453 : i32 to index
        %get3A_469 = arith.constant 16 : index
        %get3A_470 = tpu.vector_load %arg15[%get3A_468, %get3A_469] {strides = array<i32>} : memref<112x48xf32, #tpu.memory_space<vmem>>, vector<16xf32>,
        %mul3A_471 = arith.mulf %get3A_470, %gather3A_457 : vector<16xf32>
        %swap3A_472 = arith.index_cast %add3A_453 : i32 to index
        %swap3A_473 = arith.constant 16 : index
        %swap3A_474 = tpu.vector_load %arg17[%swap3A_472, %swap3A_473] {strides = array<i32>} : memref<112x48xf32, #tpu.memory_space<vmem>>, vector<16xf32>,
        tpu.vector_store %arg17[%swap3A_472, %swap3A_473], %mul3A_471 {strides = array<i32>} : memref<112x48xf32, #tpu.memory_space<vmem>>, vector<16xf32>,
        %get3A_475 = arith.index_cast %add3A_453 : i32 to index
        %get3A_476 = arith.constant 32 : index
        %get3A_477 = tpu.vector_load %arg15[%get3A_475, %get3A_476] {strides = array<i32>} : memref<112x48xf32, #tpu.memory_space<vmem>>, vector<16xf32>,
        %mul3A_478 = arith.mulf %get3A_477, %gather3A_457 : vector<16xf32>
        %add3A_479 = arith.addf %mul3A_478, %select_n3A_460 : vector<16xf32>
        %swap3A_480 = arith.index_cast %add3A_453 : i32 to index
        %swap3A_481 = arith.constant 32 : index
        %swap3A_482 = tpu.vector_load %arg17[%swap3A_480, %swap3A_481] {strides = array<i32>} : memref<112x48xf32, #tpu.memory_space<vmem>>, vector<16xf32>,
        tpu.vector_store %arg17[%swap3A_480, %swap3A_481], %add3A_479 {strides = array<i32>} : memref<112x48xf32, #tpu.memory_space<vmem>>, vector<16xf32>,
        %add3A_483 = arith.constant 11 : i32
        %add3A_484 = arith.addi %add3A_143, %add3A_483 : i32
        %broadcast_in_dim3A_485 = arith.constant 11 : i32
        %broadcast_in_dim3A_486 = vector.broadcast %broadcast_in_dim3A_485 : i32 to vector<16x1xi32>
        %gather3A_487 = vector.shape_cast %broadcast_in_dim3A_486 : vector<16x1xi32> to vector<16xi32>
        %gather3A_488 = tpu.dynamic_gather %get3A_145[%gather3A_487] in [0] : vector<16xf32>, vector<16xi32> -> vector<16xf32>
        %jit3A_489 = arith.constant 0.000000e+00 : f32
        %broadcast_in_dim3A_490 = vector.broadcast %jit3A_489 : f32 to vector<16xf32>
        %select_n3A_491 = arith.select %eq3A_36, %gather3A_488, %broadcast_in_dim3A_490 : vector<16xi1>, vector<16xf32>
        %get3A_492 = arith.index_cast %add3A_484 : i32 to index
        %get3A_493 = arith.constant 0 : index
        %get3A_494 = tpu.vector_load %arg15[%get3A_492, %get3A_493] {strides = array<i32>} : memref<112x48xf32, #tpu.memory_space<vmem>>, vector<16xf32>,
        %mul3A_495 = arith.mulf %get3A_494, %gather3A_488 : vector<16xf32>
        %swap3A_496 = arith.index_cast %add3A_484 : i32 to index
        %swap3A_497 = arith.constant 0 : index
        %swap3A_498 = tpu.vector_load %arg17[%swap3A_496, %swap3A_497] {strides = array<i32>} : memref<112x48xf32, #tpu.memory_space<vmem>>, vector<16xf32>,
        tpu.vector_store %arg17[%swap3A_496, %swap3A_497], %mul3A_495 {strides = array<i32>} : memref<112x48xf32, #tpu.memory_space<vmem>>, vector<16xf32>,
        %get3A_499 = arith.index_cast %add3A_484 : i32 to index
        %get3A_500 = arith.constant 16 : index
        %get3A_501 = tpu.vector_load %arg15[%get3A_499, %get3A_500] {strides = array<i32>} : memref<112x48xf32, #tpu.memory_space<vmem>>, vector<16xf32>,
        %mul3A_502 = arith.mulf %get3A_501, %gather3A_488 : vector<16xf32>
        %swap3A_503 = arith.index_cast %add3A_484 : i32 to index
        %swap3A_504 = arith.constant 16 : index
        %swap3A_505 = tpu.vector_load %arg17[%swap3A_503, %swap3A_504] {strides = array<i32>} : memref<112x48xf32, #tpu.memory_space<vmem>>, vector<16xf32>,
        tpu.vector_store %arg17[%swap3A_503, %swap3A_504], %mul3A_502 {strides = array<i32>} : memref<112x48xf32, #tpu.memory_space<vmem>>, vector<16xf32>,
        %get3A_506 = arith.index_cast %add3A_484 : i32 to index
        %get3A_507 = arith.constant 32 : index
        %get3A_508 = tpu.vector_load %arg15[%get3A_506, %get3A_507] {strides = array<i32>} : memref<112x48xf32, #tpu.memory_space<vmem>>, vector<16xf32>,
        %mul3A_509 = arith.mulf %get3A_508, %gather3A_488 : vector<16xf32>
        %add3A_510 = arith.addf %mul3A_509, %select_n3A_491 : vector<16xf32>
        %swap3A_511 = arith.index_cast %add3A_484 : i32 to index
        %swap3A_512 = arith.constant 32 : index
        %swap3A_513 = tpu.vector_load %arg17[%swap3A_511, %swap3A_512] {strides = array<i32>} : memref<112x48xf32, #tpu.memory_space<vmem>>, vector<16xf32>,
        tpu.vector_store %arg17[%swap3A_511, %swap3A_512], %add3A_510 {strides = array<i32>} : memref<112x48xf32, #tpu.memory_space<vmem>>, vector<16xf32>,
        %add3A_514 = arith.constant 12 : i32
        %add3A_515 = arith.addi %add3A_143, %add3A_514 : i32
        %broadcast_in_dim3A_516 = arith.constant 12 : i32
        %broadcast_in_dim3A_517 = vector.broadcast %broadcast_in_dim3A_516 : i32 to vector<16x1xi32>
        %gather3A_518 = vector.shape_cast %broadcast_in_dim3A_517 : vector<16x1xi32> to vector<16xi32>
        %gather3A_519 = tpu.dynamic_gather %get3A_145[%gather3A_518] in [0] : vector<16xf32>, vector<16xi32> -> vector<16xf32>
        %jit3A_520 = arith.constant 0.000000e+00 : f32
        %broadcast_in_dim3A_521 = vector.broadcast %jit3A_520 : f32 to vector<16xf32>
        %select_n3A_522 = arith.select %eq3A_36, %gather3A_519, %broadcast_in_dim3A_521 : vector<16xi1>, vector<16xf32>
        %get3A_523 = arith.index_cast %add3A_515 : i32 to index
        %get3A_524 = arith.constant 0 : index
        %get3A_525 = tpu.vector_load %arg15[%get3A_523, %get3A_524] {strides = array<i32>} : memref<112x48xf32, #tpu.memory_space<vmem>>, vector<16xf32>,
        %mul3A_526 = arith.mulf %get3A_525, %gather3A_519 : vector<16xf32>
        %swap3A_527 = arith.index_cast %add3A_515 : i32 to index
        %swap3A_528 = arith.constant 0 : index
        %swap3A_529 = tpu.vector_load %arg17[%swap3A_527, %swap3A_528] {strides = array<i32>} : memref<112x48xf32, #tpu.memory_space<vmem>>, vector<16xf32>,
        tpu.vector_store %arg17[%swap3A_527, %swap3A_528], %mul3A_526 {strides = array<i32>} : memref<112x48xf32, #tpu.memory_space<vmem>>, vector<16xf32>,
        %get3A_530 = arith.index_cast %add3A_515 : i32 to index
        %get3A_531 = arith.constant 16 : index
        %get3A_532 = tpu.vector_load %arg15[%get3A_530, %get3A_531] {strides = array<i32>} : memref<112x48xf32, #tpu.memory_space<vmem>>, vector<16xf32>,
        %mul3A_533 = arith.mulf %get3A_532, %gather3A_519 : vector<16xf32>
        %swap3A_534 = arith.index_cast %add3A_515 : i32 to index
        %swap3A_535 = arith.constant 16 : index
        %swap3A_536 = tpu.vector_load %arg17[%swap3A_534, %swap3A_535] {strides = array<i32>} : memref<112x48xf32, #tpu.memory_space<vmem>>, vector<16xf32>,
        tpu.vector_store %arg17[%swap3A_534, %swap3A_535], %mul3A_533 {strides = array<i32>} : memref<112x48xf32, #tpu.memory_space<vmem>>, vector<16xf32>,
        %get3A_537 = arith.index_cast %add3A_515 : i32 to index
        %get3A_538 = arith.constant 32 : index
        %get3A_539 = tpu.vector_load %arg15[%get3A_537, %get3A_538] {strides = array<i32>} : memref<112x48xf32, #tpu.memory_space<vmem>>, vector<16xf32>,
        %mul3A_540 = arith.mulf %get3A_539, %gather3A_519 : vector<16xf32>
        %add3A_541 = arith.addf %mul3A_540, %select_n3A_522 : vector<16xf32>
        %swap3A_542 = arith.index_cast %add3A_515 : i32 to index
        %swap3A_543 = arith.constant 32 : index
        %swap3A_544 = tpu.vector_load %arg17[%swap3A_542, %swap3A_543] {strides = array<i32>} : memref<112x48xf32, #tpu.memory_space<vmem>>, vector<16xf32>,
        tpu.vector_store %arg17[%swap3A_542, %swap3A_543], %add3A_541 {strides = array<i32>} : memref<112x48xf32, #tpu.memory_space<vmem>>, vector<16xf32>,
        %add3A_545 = arith.constant 13 : i32
        %add3A_546 = arith.addi %add3A_143, %add3A_545 : i32
        %broadcast_in_dim3A_547 = arith.constant 13 : i32
        %broadcast_in_dim3A_548 = vector.broadcast %broadcast_in_dim3A_547 : i32 to vector<16x1xi32>
        %gather3A_549 = vector.shape_cast %broadcast_in_dim3A_548 : vector<16x1xi32> to vector<16xi32>
        %gather3A_550 = tpu.dynamic_gather %get3A_145[%gather3A_549] in [0] : vector<16xf32>, vector<16xi32> -> vector<16xf32>
        %jit3A_551 = arith.constant 0.000000e+00 : f32
        %broadcast_in_dim3A_552 = vector.broadcast %jit3A_551 : f32 to vector<16xf32>
        %select_n3A_553 = arith.select %eq3A_36, %gather3A_550, %broadcast_in_dim3A_552 : vector<16xi1>, vector<16xf32>
        %get3A_554 = arith.index_cast %add3A_546 : i32 to index
        %get3A_555 = arith.constant 0 : index
        %get3A_556 = tpu.vector_load %arg15[%get3A_554, %get3A_555] {strides = array<i32>} : memref<112x48xf32, #tpu.memory_space<vmem>>, vector<16xf32>,
        %mul3A_557 = arith.mulf %get3A_556, %gather3A_550 : vector<16xf32>
        %swap3A_558 = arith.index_cast %add3A_546 : i32 to index
        %swap3A_559 = arith.constant 0 : index
        %swap3A_560 = tpu.vector_load %arg17[%swap3A_558, %swap3A_559] {strides = array<i32>} : memref<112x48xf32, #tpu.memory_space<vmem>>, vector<16xf32>,
        tpu.vector_store %arg17[%swap3A_558, %swap3A_559], %mul3A_557 {strides = array<i32>} : memref<112x48xf32, #tpu.memory_space<vmem>>, vector<16xf32>,
        %get3A_561 = arith.index_cast %add3A_546 : i32 to index
        %get3A_562 = arith.constant 16 : index
        %get3A_563 = tpu.vector_load %arg15[%get3A_561, %get3A_562] {strides = array<i32>} : memref<112x48xf32, #tpu.memory_space<vmem>>, vector<16xf32>,
        %mul3A_564 = arith.mulf %get3A_563, %gather3A_550 : vector<16xf32>
        %swap3A_565 = arith.index_cast %add3A_546 : i32 to index
        %swap3A_566 = arith.constant 16 : index
        %swap3A_567 = tpu.vector_load %arg17[%swap3A_565, %swap3A_566] {strides = array<i32>} : memref<112x48xf32, #tpu.memory_space<vmem>>, vector<16xf32>,
        tpu.vector_store %arg17[%swap3A_565, %swap3A_566], %mul3A_564 {strides = array<i32>} : memref<112x48xf32, #tpu.memory_space<vmem>>, vector<16xf32>,
        %get3A_568 = arith.index_cast %add3A_546 : i32 to index
        %get3A_569 = arith.constant 32 : index
        %get3A_570 = tpu.vector_load %arg15[%get3A_568, %get3A_569] {strides = array<i32>} : memref<112x48xf32, #tpu.memory_space<vmem>>, vector<16xf32>,
        %mul3A_571 = arith.mulf %get3A_570, %gather3A_550 : vector<16xf32>
        %add3A_572 = arith.addf %mul3A_571, %select_n3A_553 : vector<16xf32>
        %swap3A_573 = arith.index_cast %add3A_546 : i32 to index
        %swap3A_574 = arith.constant 32 : index
        %swap3A_575 = tpu.vector_load %arg17[%swap3A_573, %swap3A_574] {strides = array<i32>} : memref<112x48xf32, #tpu.memory_space<vmem>>, vector<16xf32>,
        tpu.vector_store %arg17[%swap3A_573, %swap3A_574], %add3A_572 {strides = array<i32>} : memref<112x48xf32, #tpu.memory_space<vmem>>, vector<16xf32>,
        %add3A_576 = arith.constant 14 : i32
        %add3A_577 = arith.addi %add3A_143, %add3A_576 : i32
        %broadcast_in_dim3A_578 = arith.constant 14 : i32
        %broadcast_in_dim3A_579 = vector.broadcast %broadcast_in_dim3A_578 : i32 to vector<16x1xi32>
        %gather3A_580 = vector.shape_cast %broadcast_in_dim3A_579 : vector<16x1xi32> to vector<16xi32>
        %gather3A_581 = tpu.dynamic_gather %get3A_145[%gather3A_580] in [0] : vector<16xf32>, vector<16xi32> -> vector<16xf32>
        %jit3A_582 = arith.constant 0.000000e+00 : f32
        %broadcast_in_dim3A_583 = vector.broadcast %jit3A_582 : f32 to vector<16xf32>
        %select_n3A_584 = arith.select %eq3A_36, %gather3A_581, %broadcast_in_dim3A_583 : vector<16xi1>, vector<16xf32>
        %get3A_585 = arith.index_cast %add3A_577 : i32 to index
        %get3A_586 = arith.constant 0 : index
        %get3A_587 = tpu.vector_load %arg15[%get3A_585, %get3A_586] {strides = array<i32>} : memref<112x48xf32, #tpu.memory_space<vmem>>, vector<16xf32>,
        %mul3A_588 = arith.mulf %get3A_587, %gather3A_581 : vector<16xf32>
        %swap3A_589 = arith.index_cast %add3A_577 : i32 to index
        %swap3A_590 = arith.constant 0 : index
        %swap3A_591 = tpu.vector_load %arg17[%swap3A_589, %swap3A_590] {strides = array<i32>} : memref<112x48xf32, #tpu.memory_space<vmem>>, vector<16xf32>,
        tpu.vector_store %arg17[%swap3A_589, %swap3A_590], %mul3A_588 {strides = array<i32>} : memref<112x48xf32, #tpu.memory_space<vmem>>, vector<16xf32>,
        %get3A_592 = arith.index_cast %add3A_577 : i32 to index
        %get3A_593 = arith.constant 16 : index
        %get3A_594 = tpu.vector_load %arg15[%get3A_592, %get3A_593] {strides = array<i32>} : memref<112x48xf32, #tpu.memory_space<vmem>>, vector<16xf32>,
        %mul3A_595 = arith.mulf %get3A_594, %gather3A_581 : vector<16xf32>
        %swap3A_596 = arith.index_cast %add3A_577 : i32 to index
        %swap3A_597 = arith.constant 16 : index
        %swap3A_598 = tpu.vector_load %arg17[%swap3A_596, %swap3A_597] {strides = array<i32>} : memref<112x48xf32, #tpu.memory_space<vmem>>, vector<16xf32>,
        tpu.vector_store %arg17[%swap3A_596, %swap3A_597], %mul3A_595 {strides = array<i32>} : memref<112x48xf32, #tpu.memory_space<vmem>>, vector<16xf32>,
        %get3A_599 = arith.index_cast %add3A_577 : i32 to index
        %get3A_600 = arith.constant 32 : index
        %get3A_601 = tpu.vector_load %arg15[%get3A_599, %get3A_600] {strides = array<i32>} : memref<112x48xf32, #tpu.memory_space<vmem>>, vector<16xf32>,
        %mul3A_602 = arith.mulf %get3A_601, %gather3A_581 : vector<16xf32>
        %add3A_603 = arith.addf %mul3A_602, %select_n3A_584 : vector<16xf32>
        %swap3A_604 = arith.index_cast %add3A_577 : i32 to index
        %swap3A_605 = arith.constant 32 : index
        %swap3A_606 = tpu.vector_load %arg17[%swap3A_604, %swap3A_605] {strides = array<i32>} : memref<112x48xf32, #tpu.memory_space<vmem>>, vector<16xf32>,
        tpu.vector_store %arg17[%swap3A_604, %swap3A_605], %add3A_603 {strides = array<i32>} : memref<112x48xf32, #tpu.memory_space<vmem>>, vector<16xf32>,
        %add3A_607 = arith.constant 15 : i32
        %add3A_608 = arith.addi %add3A_143, %add3A_607 : i32
        %broadcast_in_dim3A_609 = arith.constant 15 : i32
        %broadcast_in_dim3A_610 = vector.broadcast %broadcast_in_dim3A_609 : i32 to vector<16x1xi32>
        %gather3A_611 = vector.shape_cast %broadcast_in_dim3A_610 : vector<16x1xi32> to vector<16xi32>
        %gather3A_612 = tpu.dynamic_gather %get3A_145[%gather3A_611] in [0] : vector<16xf32>, vector<16xi32> -> vector<16xf32>
        %jit3A_613 = arith.constant 0.000000e+00 : f32
        %broadcast_in_dim3A_614 = vector.broadcast %jit3A_613 : f32 to vector<16xf32>
        %select_n3A_615 = arith.select %eq3A_36, %gather3A_612, %broadcast_in_dim3A_614 : vector<16xi1>, vector<16xf32>
        %get3A_616 = arith.index_cast %add3A_608 : i32 to index
        %get3A_617 = arith.constant 0 : index
        %get3A_618 = tpu.vector_load %arg15[%get3A_616, %get3A_617] {strides = array<i32>} : memref<112x48xf32, #tpu.memory_space<vmem>>, vector<16xf32>,
        %mul3A_619 = arith.mulf %get3A_618, %gather3A_612 : vector<16xf32>
        %swap3A_620 = arith.index_cast %add3A_608 : i32 to index
        %swap3A_621 = arith.constant 0 : index
        %swap3A_622 = tpu.vector_load %arg17[%swap3A_620, %swap3A_621] {strides = array<i32>} : memref<112x48xf32, #tpu.memory_space<vmem>>, vector<16xf32>,
        tpu.vector_store %arg17[%swap3A_620, %swap3A_621], %mul3A_619 {strides = array<i32>} : memref<112x48xf32, #tpu.memory_space<vmem>>, vector<16xf32>,
        %get3A_623 = arith.index_cast %add3A_608 : i32 to index
        %get3A_624 = arith.constant 16 : index
        %get3A_625 = tpu.vector_load %arg15[%get3A_623, %get3A_624] {strides = array<i32>} : memref<112x48xf32, #tpu.memory_space<vmem>>, vector<16xf32>,
        %mul3A_626 = arith.mulf %get3A_625, %gather3A_612 : vector<16xf32>
        %swap3A_627 = arith.index_cast %add3A_608 : i32 to index
        %swap3A_628 = arith.constant 16 : index
        %swap3A_629 = tpu.vector_load %arg17[%swap3A_627, %swap3A_628] {strides = array<i32>} : memref<112x48xf32, #tpu.memory_space<vmem>>, vector<16xf32>,
        tpu.vector_store %arg17[%swap3A_627, %swap3A_628], %mul3A_626 {strides = array<i32>} : memref<112x48xf32, #tpu.memory_space<vmem>>, vector<16xf32>,
        %get3A_630 = arith.index_cast %add3A_608 : i32 to index
        %get3A_631 = arith.constant 32 : index
        %get3A_632 = tpu.vector_load %arg15[%get3A_630, %get3A_631] {strides = array<i32>} : memref<112x48xf32, #tpu.memory_space<vmem>>, vector<16xf32>,
        %mul3A_633 = arith.mulf %get3A_632, %gather3A_612 : vector<16xf32>
        %add3A_634 = arith.addf %mul3A_633, %select_n3A_615 : vector<16xf32>
        %swap3A_635 = arith.index_cast %add3A_608 : i32 to index
        %swap3A_636 = arith.constant 32 : index
        %swap3A_637 = tpu.vector_load %arg17[%swap3A_635, %swap3A_636] {strides = array<i32>} : memref<112x48xf32, #tpu.memory_space<vmem>>, vector<16xf32>,
        tpu.vector_store %arg17[%swap3A_635, %swap3A_636], %add3A_634 {strides = array<i32>} : memref<112x48xf32, #tpu.memory_space<vmem>>, vector<16xf32>,
      }
      %scan3A_97 = arith.constant 7 : i32
      %dma_start3A_98 = arith.constant 0 : i32
      %dma_start3A_99 = arith.constant 0 : i32
      %dma_start3A_100 = tpu.memref_slice %arg23[%dma_start3A_98, %dma_start3A_99] : memref<10112x48xf32, #tpu.memory_space<vmem_shared>> -> memref<10112x48xf32, #tpu.memory_space<vmem_shared>>
      tpu.enqueue_indirect_dma source(%arg17 : memref<112x48xf32, #tpu.memory_space<vmem>>) target(%dma_start3A_100 : memref<10112x48xf32, #tpu.memory_space<vmem_shared>>) offsets(%arg13 : memref<112xi32, #tpu.memory_space<vmem>>) semaphore(%arg30 : memref<!tpu.dma_semaphore, #tpu.memory_space<semaphore_mem>>) {add = true}
      %add3A_101 = arith.constant 1 : i32
      %add3A_102 = arith.addi %add3A_66, %add3A_101 : i32
      %dma_wait3A_103 = arith.constant 0 : i32
      %dma_wait3A_104 = arith.constant 0 : i32
      %dma_wait3A_105 = tpu.memref_slice %arg2[%dma_wait3A_103, %dma_wait3A_104] : memref<10016x48xf32, #tpu.memory_space<hbm>> -> memref<10016x48xf32, #tpu.memory_space<hbm>>
      tpu.wait_indirect_dma semaphore(%arg29 : memref<!tpu.dma_semaphore, #tpu.memory_space<semaphore_mem>>) src(%dma_wait3A_105 : memref<10016x48xf32, #tpu.memory_space<hbm>>) dst(%arg16 : memref<112x48xf32, #tpu.memory_space<vmem>>)
      %scan3A_106 = arith.constant 0 : i32
      %scan3A_107 = arith.constant 7 : i32
      %scan3A_108 = arith.addi %scan3A_106, %scan3A_107 : i32
      %scan3A_109 = arith.constant 1 : i32
      scf.for %scan3A_139 = %scan3A_106 to %scan3A_108 step %scan3A_109  : i32 {
        %mul3A_140 = arith.constant 16 : i32
        %mul3A_141 = arith.muli %scan3A_139, %mul3A_140 : i32
        %add3A_142 = arith.constant 0 : i32
        %add3A_143 = arith.addi %add3A_142, %mul3A_141 : i32
        %get3A_144 = arith.index_cast %add3A_143 : i32 to index
        %get3A_145 = tpu.vector_load %arg12[%get3A_144] {strides = array<i32>} : memref<112xi32, #tpu.memory_space<vmem>>, vector<16xi32>,
        %get3A_146 = vector.shape_cast %get3A_145 : vector<16xi32> to vector<16xi32>
        %swap3A = arith.index_cast %add3A_143 : i32 to index
        %swap3A_147 = tpu.vector_load %arg14[%swap3A] {strides = array<i32>} : memref<112xi32, #tpu.memory_space<vmem>>, vector<16xi32>,
        %swap3A_148 = vector.shape_cast %swap3A_147 : vector<16xi32> to vector<16xi32>
        %swap3A_149 = vector.shape_cast %get3A_146 : vector<16xi32> to vector<16xi32>
        tpu.vector_store %arg14[%swap3A], %swap3A_149 {strides = array<i32>} : memref<112xi32, #tpu.memory_space<vmem>>, vector<16xi32>,
      }
      %scan3A_110 = arith.constant 7 : i32
      %scan3A_111 = arith.constant 0 : i32
      %scan3A_112 = arith.constant 7 : i32
      %scan3A_113 = arith.addi %scan3A_111, %scan3A_112 : i32
      %scan3A_114 = arith.constant 1 : i32
      scf.for %scan3A_139 = %scan3A_111 to %scan3A_113 step %scan3A_114  : i32 {
        %mul3A_140 = arith.constant 16 : i32
        %mul3A_141 = arith.muli %scan3A_139, %mul3A_140 : i32
        %add3A_142 = arith.constant 0 : i32
        %add3A_143 = arith.addi %add3A_142, %mul3A_141 : i32
        %get3A_144 = arith.index_cast %add3A_143 : i32 to index
        %get3A_145 = tpu.vector_load %arg10[%get3A_144] {strides = array<i32>} : memref<112xi32, #tpu.memory_space<vmem>>, vector<16xi32>,
        %get3A_146 = vector.shape_cast %get3A_145 : vector<16xi32> to vector<16xi32>
        %get3A_147 = arith.index_cast %add3A_143 : i32 to index
        %get3A_148 = tpu.vector_load %arg12[%get3A_147] {strides = array<i32>} : memref<112xi32, #tpu.memory_space<vmem>>, vector<16xi32>,
        %get3A_149 = vector.shape_cast %get3A_148 : vector<16xi32> to vector<16xi32>
        %gather3A = tpu.vector_load_idx %arg19[%get3A_146] : memref<10016xf32, #tpu.memory_space<vmem>>[vector<16xi32>], vector<16xf32>,
        %gather3A_150 = tpu.vector_load_idx %arg20[%get3A_149] : memref<10016xf32, #tpu.memory_space<vmem>>[vector<16xi32>], vector<16xf32>,
        %add3A_151 = arith.addf %gather3A, %gather3A_150 : vector<16xf32>
        %ge3A_152 = arith.constant 0.000000e+00 : f32
        %ge3A_153 = vector.broadcast %ge3A_152 : f32 to vector<16xf32>
        %ge3A_154 = arith.cmpf oge, %add3A_151, %ge3A_153 : vector<16xf32>
        %mul3A_155 = arith.constant 2.000000e-01 : f32
        %mul3A_156 = vector.broadcast %mul3A_155 : f32 to vector<16xf32>
        %mul3A_157 = arith.mulf %mul3A_156, %add3A_151 : vector<16xf32>
        %select_n3A = arith.select %ge3A_154, %add3A_151, %mul3A_157 : vector<16xi1>, vector<16xf32>
        %sub3A_158 = arith.subf %select_n3A, %get3A_34 : vector<16xf32>
        %exp3A = math.exp %sub3A_158 : vector<16xf32>
        %swap3A = arith.index_cast %add3A_143 : i32 to index
        %swap3A_159 = tpu.vector_load %arg21[%swap3A] {strides = array<i32>} : memref<112xf32, #tpu.memory_space<vmem>>, vector<16xf32>,
        tpu.vector_store %arg21[%swap3A], %exp3A {strides = array<i32>} : memref<112xf32, #tpu.memory_space<vmem>>, vector<16xf32>,
      }
      %scan3A_115 = arith.constant 7 : i32
      %lt3A_116 = arith.constant 88 : i32
      %lt3A_117 = arith.cmpi slt, %add3A_102, %lt3A_116 : i32
      %convert_element_type3A_118 = arith.extui %lt3A_117 : i1 to i32
      %cond3A_119 = arith.constant 0 : i32
      %cond3A_120 = arith.cmpi ne, %convert_element_type3A_118, %cond3A_119 : i32
      scf.if %cond3A_120 {
        %add3A_139 = arith.constant 2 : i32
        %add3A_140 = arith.addi %add3A_102, %add3A_139 : i32
        %mul3A_141 = arith.constant 112 : i32
        %mul3A_142 = arith.muli %add3A_140, %mul3A_141 : i32
        %add3A_143 = arith.addi %mul3A_2, %mul3A_142 : i32
        %dma_start3A_144 = tpu.memref_slice %arg5[%add3A_143] : memref<322560xi32, #tpu.memory_space<hbm>> -> memref<112xi32, #tpu.memory_space<hbm>>
        %dma_start3A_145 = tpu.memref_slice %arg5[%add3A_143] : memref<322560xi32, #tpu.memory_space<hbm>> -> memref<112xi32, #tpu.memory_space<hbm>>
        tpu.enqueue_dma source(%dma_start3A_145 : memref<112xi32, #tpu.memory_space<hbm>>) target(%arg10 : memref<112xi32, #tpu.memory_space<vmem>>) target_semaphore(%arg25 : memref<!tpu.dma_semaphore, #tpu.memory_space<semaphore_mem>>)
        %mul3A_146 = arith.constant 112 : i32
        %mul3A_147 = arith.muli %add3A_140, %mul3A_146 : i32
        %add3A_148 = arith.addi %mul3A_2, %mul3A_147 : i32
        %dma_start3A_149 = tpu.memref_slice %arg6[%add3A_148] : memref<322560xi32, #tpu.memory_space<hbm>> -> memref<112xi32, #tpu.memory_space<hbm>>
        %dma_start3A_150 = tpu.memref_slice %arg6[%add3A_148] : memref<322560xi32, #tpu.memory_space<hbm>> -> memref<112xi32, #tpu.memory_space<hbm>>
        tpu.enqueue_dma source(%dma_start3A_150 : memref<112xi32, #tpu.memory_space<hbm>>) target(%arg12 : memref<112xi32, #tpu.memory_space<vmem>>) target_semaphore(%arg27 : memref<!tpu.dma_semaphore, #tpu.memory_space<semaphore_mem>>)
      } else {
      }
      %lt3A_121 = arith.constant 89 : i32
      %lt3A_122 = arith.cmpi slt, %add3A_102, %lt3A_121 : i32
      %convert_element_type3A_123 = arith.extui %lt3A_122 : i1 to i32
      %cond3A_124 = arith.constant 0 : i32
      %cond3A_125 = arith.cmpi ne, %convert_element_type3A_123, %cond3A_124 : i32
      scf.if %cond3A_125 {
        %dma_wait3A_139 = tpu.memref_slice %arg5[%mul3A_2] : memref<322560xi32, #tpu.memory_space<hbm>> -> memref<112xi32, #tpu.memory_space<hbm>>
        %dma_wait3A_140 = tpu.memref_slice %arg5[%mul3A_2] : memref<322560xi32, #tpu.memory_space<hbm>> -> memref<112xi32, #tpu.memory_space<hbm>>
        tpu.wait_dma2 semaphore(%arg24 : memref<!tpu.dma_semaphore, #tpu.memory_space<semaphore_mem>>) src(%dma_wait3A_140 : memref<112xi32, #tpu.memory_space<hbm>>) dst(%arg9 : memref<112xi32, #tpu.memory_space<vmem>>)
        %dma_wait3A_141 = tpu.memref_slice %arg6[%mul3A_2] : memref<322560xi32, #tpu.memory_space<hbm>> -> memref<112xi32, #tpu.memory_space<hbm>>
        %dma_wait3A_142 = tpu.memref_slice %arg6[%mul3A_2] : memref<322560xi32, #tpu.memory_space<hbm>> -> memref<112xi32, #tpu.memory_space<hbm>>
        tpu.wait_dma2 semaphore(%arg26 : memref<!tpu.dma_semaphore, #tpu.memory_space<semaphore_mem>>) src(%dma_wait3A_142 : memref<112xi32, #tpu.memory_space<hbm>>) dst(%arg11 : memref<112xi32, #tpu.memory_space<vmem>>)
        %dma_start3A_143 = arith.constant 0 : i32
        %dma_start3A_144 = arith.constant 0 : i32
        %dma_start3A_145 = tpu.memref_slice %arg2[%dma_start3A_143, %dma_start3A_144] : memref<10016x48xf32, #tpu.memory_space<hbm>> -> memref<10016x48xf32, #tpu.memory_space<hbm>>
        tpu.enqueue_indirect_dma source(%dma_start3A_145 : memref<10016x48xf32, #tpu.memory_space<hbm>>) target(%arg15 : memref<112x48xf32, #tpu.memory_space<vmem>>) offsets(%arg9 : memref<112xi32, #tpu.memory_space<vmem>>) semaphore(%arg28 : memref<!tpu.dma_semaphore, #tpu.memory_space<semaphore_mem>>)
      } else {
      }
      %ge3A_126 = arith.constant 2 : i32
      %ge3A_127 = arith.cmpi sge, %add3A_102, %ge3A_126 : i32
      %convert_element_type3A_128 = arith.extui %ge3A_127 : i1 to i32
      %cond3A_129 = arith.constant 0 : i32
      %cond3A_130 = arith.cmpi ne, %convert_element_type3A_128, %cond3A_129 : i32
      scf.if %cond3A_130 {
        %dma_wait3A_139 = arith.constant 0 : i32
        %dma_wait3A_140 = arith.constant 0 : i32
        %dma_wait3A_141 = tpu.memref_slice %arg23[%dma_wait3A_139, %dma_wait3A_140] : memref<10112x48xf32, #tpu.memory_space<vmem_shared>> -> memref<10112x48xf32, #tpu.memory_space<vmem_shared>>
        tpu.wait_indirect_dma semaphore(%arg31 : memref<!tpu.dma_semaphore, #tpu.memory_space<semaphore_mem>>) src(%arg18 : memref<112x48xf32, #tpu.memory_space<vmem>>) dst(%dma_wait3A_141 : memref<10112x48xf32, #tpu.memory_space<vmem_shared>>)
      } else {
      }
      %scan3A_131 = arith.constant 0 : i32
      %scan3A_132 = arith.constant 7 : i32
      %scan3A_133 = arith.addi %scan3A_131, %scan3A_132 : i32
      %scan3A_134 = arith.constant 1 : i32
      scf.for %scan3A_139 = %scan3A_131 to %scan3A_133 step %scan3A_134  : i32 {
        %mul3A_140 = arith.constant 16 : i32
        %mul3A_141 = arith.muli %scan3A_139, %mul3A_140 : i32
        %add3A_142 = arith.constant 0 : i32
        %add3A_143 = arith.addi %add3A_142, %mul3A_141 : i32
        %get3A_144 = arith.index_cast %add3A_143 : i32 to index
        %get3A_145 = tpu.vector_load %arg21[%get3A_144] {strides = array<i32>} : memref<112xf32, #tpu.memory_space<vmem>>, vector<16xf32>,
        %add3A_146 = arith.constant 0 : i32
        %add3A_147 = arith.addi %add3A_143, %add3A_146 : i32
        %broadcast_in_dim3A_148 = arith.constant 0 : i32
        %broadcast_in_dim3A_149 = vector.broadcast %broadcast_in_dim3A_148 : i32 to vector<16x1xi32>
        %gather3A = vector.shape_cast %broadcast_in_dim3A_149 : vector<16x1xi32> to vector<16xi32>
        %gather3A_150 = tpu.dynamic_gather %get3A_145[%gather3A] in [0] : vector<16xf32>, vector<16xi32> -> vector<16xf32>
        %jit3A = arith.constant 0.000000e+00 : f32
        %broadcast_in_dim3A_151 = vector.broadcast %jit3A : f32 to vector<16xf32>
        %select_n3A = arith.select %eq3A_36, %gather3A_150, %broadcast_in_dim3A_151 : vector<16xi1>, vector<16xf32>
        %get3A_152 = arith.index_cast %add3A_147 : i32 to index
        %get3A_153 = arith.constant 0 : index
        %get3A_154 = tpu.vector_load %arg16[%get3A_152, %get3A_153] {strides = array<i32>} : memref<112x48xf32, #tpu.memory_space<vmem>>, vector<16xf32>,
        %mul3A_155 = arith.mulf %get3A_154, %gather3A_150 : vector<16xf32>
        %swap3A = arith.index_cast %add3A_147 : i32 to index
        %swap3A_156 = arith.constant 0 : index
        %swap3A_157 = tpu.vector_load %arg18[%swap3A, %swap3A_156] {strides = array<i32>} : memref<112x48xf32, #tpu.memory_space<vmem>>, vector<16xf32>,
        tpu.vector_store %arg18[%swap3A, %swap3A_156], %mul3A_155 {strides = array<i32>} : memref<112x48xf32, #tpu.memory_space<vmem>>, vector<16xf32>,
        %get3A_158 = arith.index_cast %add3A_147 : i32 to index
        %get3A_159 = arith.constant 16 : index
        %get3A_160 = tpu.vector_load %arg16[%get3A_158, %get3A_159] {strides = array<i32>} : memref<112x48xf32, #tpu.memory_space<vmem>>, vector<16xf32>,
        %mul3A_161 = arith.mulf %get3A_160, %gather3A_150 : vector<16xf32>
        %swap3A_162 = arith.index_cast %add3A_147 : i32 to index
        %swap3A_163 = arith.constant 16 : index
        %swap3A_164 = tpu.vector_load %arg18[%swap3A_162, %swap3A_163] {strides = array<i32>} : memref<112x48xf32, #tpu.memory_space<vmem>>, vector<16xf32>,
        tpu.vector_store %arg18[%swap3A_162, %swap3A_163], %mul3A_161 {strides = array<i32>} : memref<112x48xf32, #tpu.memory_space<vmem>>, vector<16xf32>,
        %get3A_165 = arith.index_cast %add3A_147 : i32 to index
        %get3A_166 = arith.constant 32 : index
        %get3A_167 = tpu.vector_load %arg16[%get3A_165, %get3A_166] {strides = array<i32>} : memref<112x48xf32, #tpu.memory_space<vmem>>, vector<16xf32>,
        %mul3A_168 = arith.mulf %get3A_167, %gather3A_150 : vector<16xf32>
        %add3A_169 = arith.addf %mul3A_168, %select_n3A : vector<16xf32>
        %swap3A_170 = arith.index_cast %add3A_147 : i32 to index
        %swap3A_171 = arith.constant 32 : index
        %swap3A_172 = tpu.vector_load %arg18[%swap3A_170, %swap3A_171] {strides = array<i32>} : memref<112x48xf32, #tpu.memory_space<vmem>>, vector<16xf32>,
        tpu.vector_store %arg18[%swap3A_170, %swap3A_171], %add3A_169 {strides = array<i32>} : memref<112x48xf32, #tpu.memory_space<vmem>>, vector<16xf32>,
        %add3A_173 = arith.constant 1 : i32
        %add3A_174 = arith.addi %add3A_143, %add3A_173 : i32
        %broadcast_in_dim3A_175 = arith.constant 1 : i32
        %broadcast_in_dim3A_176 = vector.broadcast %broadcast_in_dim3A_175 : i32 to vector<16x1xi32>
        %gather3A_177 = vector.shape_cast %broadcast_in_dim3A_176 : vector<16x1xi32> to vector<16xi32>
        %gather3A_178 = tpu.dynamic_gather %get3A_145[%gather3A_177] in [0] : vector<16xf32>, vector<16xi32> -> vector<16xf32>
        %jit3A_179 = arith.constant 0.000000e+00 : f32
        %broadcast_in_dim3A_180 = vector.broadcast %jit3A_179 : f32 to vector<16xf32>
        %select_n3A_181 = arith.select %eq3A_36, %gather3A_178, %broadcast_in_dim3A_180 : vector<16xi1>, vector<16xf32>
        %get3A_182 = arith.index_cast %add3A_174 : i32 to index
        %get3A_183 = arith.constant 0 : index
        %get3A_184 = tpu.vector_load %arg16[%get3A_182, %get3A_183] {strides = array<i32>} : memref<112x48xf32, #tpu.memory_space<vmem>>, vector<16xf32>,
        %mul3A_185 = arith.mulf %get3A_184, %gather3A_178 : vector<16xf32>
        %swap3A_186 = arith.index_cast %add3A_174 : i32 to index
        %swap3A_187 = arith.constant 0 : index
        %swap3A_188 = tpu.vector_load %arg18[%swap3A_186, %swap3A_187] {strides = array<i32>} : memref<112x48xf32, #tpu.memory_space<vmem>>, vector<16xf32>,
        tpu.vector_store %arg18[%swap3A_186, %swap3A_187], %mul3A_185 {strides = array<i32>} : memref<112x48xf32, #tpu.memory_space<vmem>>, vector<16xf32>,
        %get3A_189 = arith.index_cast %add3A_174 : i32 to index
        %get3A_190 = arith.constant 16 : index
        %get3A_191 = tpu.vector_load %arg16[%get3A_189, %get3A_190] {strides = array<i32>} : memref<112x48xf32, #tpu.memory_space<vmem>>, vector<16xf32>,
        %mul3A_192 = arith.mulf %get3A_191, %gather3A_178 : vector<16xf32>
        %swap3A_193 = arith.index_cast %add3A_174 : i32 to index
        %swap3A_194 = arith.constant 16 : index
        %swap3A_195 = tpu.vector_load %arg18[%swap3A_193, %swap3A_194] {strides = array<i32>} : memref<112x48xf32, #tpu.memory_space<vmem>>, vector<16xf32>,
        tpu.vector_store %arg18[%swap3A_193, %swap3A_194], %mul3A_192 {strides = array<i32>} : memref<112x48xf32, #tpu.memory_space<vmem>>, vector<16xf32>,
        %get3A_196 = arith.index_cast %add3A_174 : i32 to index
        %get3A_197 = arith.constant 32 : index
        %get3A_198 = tpu.vector_load %arg16[%get3A_196, %get3A_197] {strides = array<i32>} : memref<112x48xf32, #tpu.memory_space<vmem>>, vector<16xf32>,
        %mul3A_199 = arith.mulf %get3A_198, %gather3A_178 : vector<16xf32>
        %add3A_200 = arith.addf %mul3A_199, %select_n3A_181 : vector<16xf32>
        %swap3A_201 = arith.index_cast %add3A_174 : i32 to index
        %swap3A_202 = arith.constant 32 : index
        %swap3A_203 = tpu.vector_load %arg18[%swap3A_201, %swap3A_202] {strides = array<i32>} : memref<112x48xf32, #tpu.memory_space<vmem>>, vector<16xf32>,
        tpu.vector_store %arg18[%swap3A_201, %swap3A_202], %add3A_200 {strides = array<i32>} : memref<112x48xf32, #tpu.memory_space<vmem>>, vector<16xf32>,
        %add3A_204 = arith.constant 2 : i32
        %add3A_205 = arith.addi %add3A_143, %add3A_204 : i32
        %broadcast_in_dim3A_206 = arith.constant 2 : i32
        %broadcast_in_dim3A_207 = vector.broadcast %broadcast_in_dim3A_206 : i32 to vector<16x1xi32>
        %gather3A_208 = vector.shape_cast %broadcast_in_dim3A_207 : vector<16x1xi32> to vector<16xi32>
        %gather3A_209 = tpu.dynamic_gather %get3A_145[%gather3A_208] in [0] : vector<16xf32>, vector<16xi32> -> vector<16xf32>
        %jit3A_210 = arith.constant 0.000000e+00 : f32
        %broadcast_in_dim3A_211 = vector.broadcast %jit3A_210 : f32 to vector<16xf32>
        %select_n3A_212 = arith.select %eq3A_36, %gather3A_209, %broadcast_in_dim3A_211 : vector<16xi1>, vector<16xf32>
        %get3A_213 = arith.index_cast %add3A_205 : i32 to index
        %get3A_214 = arith.constant 0 : index
        %get3A_215 = tpu.vector_load %arg16[%get3A_213, %get3A_214] {strides = array<i32>} : memref<112x48xf32, #tpu.memory_space<vmem>>, vector<16xf32>,
        %mul3A_216 = arith.mulf %get3A_215, %gather3A_209 : vector<16xf32>
        %swap3A_217 = arith.index_cast %add3A_205 : i32 to index
        %swap3A_218 = arith.constant 0 : index
        %swap3A_219 = tpu.vector_load %arg18[%swap3A_217, %swap3A_218] {strides = array<i32>} : memref<112x48xf32, #tpu.memory_space<vmem>>, vector<16xf32>,
        tpu.vector_store %arg18[%swap3A_217, %swap3A_218], %mul3A_216 {strides = array<i32>} : memref<112x48xf32, #tpu.memory_space<vmem>>, vector<16xf32>,
        %get3A_220 = arith.index_cast %add3A_205 : i32 to index
        %get3A_221 = arith.constant 16 : index
        %get3A_222 = tpu.vector_load %arg16[%get3A_220, %get3A_221] {strides = array<i32>} : memref<112x48xf32, #tpu.memory_space<vmem>>, vector<16xf32>,
        %mul3A_223 = arith.mulf %get3A_222, %gather3A_209 : vector<16xf32>
        %swap3A_224 = arith.index_cast %add3A_205 : i32 to index
        %swap3A_225 = arith.constant 16 : index
        %swap3A_226 = tpu.vector_load %arg18[%swap3A_224, %swap3A_225] {strides = array<i32>} : memref<112x48xf32, #tpu.memory_space<vmem>>, vector<16xf32>,
        tpu.vector_store %arg18[%swap3A_224, %swap3A_225], %mul3A_223 {strides = array<i32>} : memref<112x48xf32, #tpu.memory_space<vmem>>, vector<16xf32>,
        %get3A_227 = arith.index_cast %add3A_205 : i32 to index
        %get3A_228 = arith.constant 32 : index
        %get3A_229 = tpu.vector_load %arg16[%get3A_227, %get3A_228] {strides = array<i32>} : memref<112x48xf32, #tpu.memory_space<vmem>>, vector<16xf32>,
        %mul3A_230 = arith.mulf %get3A_229, %gather3A_209 : vector<16xf32>
        %add3A_231 = arith.addf %mul3A_230, %select_n3A_212 : vector<16xf32>
        %swap3A_232 = arith.index_cast %add3A_205 : i32 to index
        %swap3A_233 = arith.constant 32 : index
        %swap3A_234 = tpu.vector_load %arg18[%swap3A_232, %swap3A_233] {strides = array<i32>} : memref<112x48xf32, #tpu.memory_space<vmem>>, vector<16xf32>,
        tpu.vector_store %arg18[%swap3A_232, %swap3A_233], %add3A_231 {strides = array<i32>} : memref<112x48xf32, #tpu.memory_space<vmem>>, vector<16xf32>,
        %add3A_235 = arith.constant 3 : i32
        %add3A_236 = arith.addi %add3A_143, %add3A_235 : i32
        %broadcast_in_dim3A_237 = arith.constant 3 : i32
        %broadcast_in_dim3A_238 = vector.broadcast %broadcast_in_dim3A_237 : i32 to vector<16x1xi32>
        %gather3A_239 = vector.shape_cast %broadcast_in_dim3A_238 : vector<16x1xi32> to vector<16xi32>
        %gather3A_240 = tpu.dynamic_gather %get3A_145[%gather3A_239] in [0] : vector<16xf32>, vector<16xi32> -> vector<16xf32>
        %jit3A_241 = arith.constant 0.000000e+00 : f32
        %broadcast_in_dim3A_242 = vector.broadcast %jit3A_241 : f32 to vector<16xf32>
        %select_n3A_243 = arith.select %eq3A_36, %gather3A_240, %broadcast_in_dim3A_242 : vector<16xi1>, vector<16xf32>
        %get3A_244 = arith.index_cast %add3A_236 : i32 to index
        %get3A_245 = arith.constant 0 : index
        %get3A_246 = tpu.vector_load %arg16[%get3A_244, %get3A_245] {strides = array<i32>} : memref<112x48xf32, #tpu.memory_space<vmem>>, vector<16xf32>,
        %mul3A_247 = arith.mulf %get3A_246, %gather3A_240 : vector<16xf32>
        %swap3A_248 = arith.index_cast %add3A_236 : i32 to index
        %swap3A_249 = arith.constant 0 : index
        %swap3A_250 = tpu.vector_load %arg18[%swap3A_248, %swap3A_249] {strides = array<i32>} : memref<112x48xf32, #tpu.memory_space<vmem>>, vector<16xf32>,
        tpu.vector_store %arg18[%swap3A_248, %swap3A_249], %mul3A_247 {strides = array<i32>} : memref<112x48xf32, #tpu.memory_space<vmem>>, vector<16xf32>,
        %get3A_251 = arith.index_cast %add3A_236 : i32 to index
        %get3A_252 = arith.constant 16 : index
        %get3A_253 = tpu.vector_load %arg16[%get3A_251, %get3A_252] {strides = array<i32>} : memref<112x48xf32, #tpu.memory_space<vmem>>, vector<16xf32>,
        %mul3A_254 = arith.mulf %get3A_253, %gather3A_240 : vector<16xf32>
        %swap3A_255 = arith.index_cast %add3A_236 : i32 to index
        %swap3A_256 = arith.constant 16 : index
        %swap3A_257 = tpu.vector_load %arg18[%swap3A_255, %swap3A_256] {strides = array<i32>} : memref<112x48xf32, #tpu.memory_space<vmem>>, vector<16xf32>,
        tpu.vector_store %arg18[%swap3A_255, %swap3A_256], %mul3A_254 {strides = array<i32>} : memref<112x48xf32, #tpu.memory_space<vmem>>, vector<16xf32>,
        %get3A_258 = arith.index_cast %add3A_236 : i32 to index
        %get3A_259 = arith.constant 32 : index
        %get3A_260 = tpu.vector_load %arg16[%get3A_258, %get3A_259] {strides = array<i32>} : memref<112x48xf32, #tpu.memory_space<vmem>>, vector<16xf32>,
        %mul3A_261 = arith.mulf %get3A_260, %gather3A_240 : vector<16xf32>
        %add3A_262 = arith.addf %mul3A_261, %select_n3A_243 : vector<16xf32>
        %swap3A_263 = arith.index_cast %add3A_236 : i32 to index
        %swap3A_264 = arith.constant 32 : index
        %swap3A_265 = tpu.vector_load %arg18[%swap3A_263, %swap3A_264] {strides = array<i32>} : memref<112x48xf32, #tpu.memory_space<vmem>>, vector<16xf32>,
        tpu.vector_store %arg18[%swap3A_263, %swap3A_264], %add3A_262 {strides = array<i32>} : memref<112x48xf32, #tpu.memory_space<vmem>>, vector<16xf32>,
        %add3A_266 = arith.constant 4 : i32
        %add3A_267 = arith.addi %add3A_143, %add3A_266 : i32
        %broadcast_in_dim3A_268 = arith.constant 4 : i32
        %broadcast_in_dim3A_269 = vector.broadcast %broadcast_in_dim3A_268 : i32 to vector<16x1xi32>
        %gather3A_270 = vector.shape_cast %broadcast_in_dim3A_269 : vector<16x1xi32> to vector<16xi32>
        %gather3A_271 = tpu.dynamic_gather %get3A_145[%gather3A_270] in [0] : vector<16xf32>, vector<16xi32> -> vector<16xf32>
        %jit3A_272 = arith.constant 0.000000e+00 : f32
        %broadcast_in_dim3A_273 = vector.broadcast %jit3A_272 : f32 to vector<16xf32>
        %select_n3A_274 = arith.select %eq3A_36, %gather3A_271, %broadcast_in_dim3A_273 : vector<16xi1>, vector<16xf32>
        %get3A_275 = arith.index_cast %add3A_267 : i32 to index
        %get3A_276 = arith.constant 0 : index
        %get3A_277 = tpu.vector_load %arg16[%get3A_275, %get3A_276] {strides = array<i32>} : memref<112x48xf32, #tpu.memory_space<vmem>>, vector<16xf32>,
        %mul3A_278 = arith.mulf %get3A_277, %gather3A_271 : vector<16xf32>
        %swap3A_279 = arith.index_cast %add3A_267 : i32 to index
        %swap3A_280 = arith.constant 0 : index
        %swap3A_281 = tpu.vector_load %arg18[%swap3A_279, %swap3A_280] {strides = array<i32>} : memref<112x48xf32, #tpu.memory_space<vmem>>, vector<16xf32>,
        tpu.vector_store %arg18[%swap3A_279, %swap3A_280], %mul3A_278 {strides = array<i32>} : memref<112x48xf32, #tpu.memory_space<vmem>>, vector<16xf32>,
        %get3A_282 = arith.index_cast %add3A_267 : i32 to index
        %get3A_283 = arith.constant 16 : index
        %get3A_284 = tpu.vector_load %arg16[%get3A_282, %get3A_283] {strides = array<i32>} : memref<112x48xf32, #tpu.memory_space<vmem>>, vector<16xf32>,
        %mul3A_285 = arith.mulf %get3A_284, %gather3A_271 : vector<16xf32>
        %swap3A_286 = arith.index_cast %add3A_267 : i32 to index
        %swap3A_287 = arith.constant 16 : index
        %swap3A_288 = tpu.vector_load %arg18[%swap3A_286, %swap3A_287] {strides = array<i32>} : memref<112x48xf32, #tpu.memory_space<vmem>>, vector<16xf32>,
        tpu.vector_store %arg18[%swap3A_286, %swap3A_287], %mul3A_285 {strides = array<i32>} : memref<112x48xf32, #tpu.memory_space<vmem>>, vector<16xf32>,
        %get3A_289 = arith.index_cast %add3A_267 : i32 to index
        %get3A_290 = arith.constant 32 : index
        %get3A_291 = tpu.vector_load %arg16[%get3A_289, %get3A_290] {strides = array<i32>} : memref<112x48xf32, #tpu.memory_space<vmem>>, vector<16xf32>,
        %mul3A_292 = arith.mulf %get3A_291, %gather3A_271 : vector<16xf32>
        %add3A_293 = arith.addf %mul3A_292, %select_n3A_274 : vector<16xf32>
        %swap3A_294 = arith.index_cast %add3A_267 : i32 to index
        %swap3A_295 = arith.constant 32 : index
        %swap3A_296 = tpu.vector_load %arg18[%swap3A_294, %swap3A_295] {strides = array<i32>} : memref<112x48xf32, #tpu.memory_space<vmem>>, vector<16xf32>,
        tpu.vector_store %arg18[%swap3A_294, %swap3A_295], %add3A_293 {strides = array<i32>} : memref<112x48xf32, #tpu.memory_space<vmem>>, vector<16xf32>,
        %add3A_297 = arith.constant 5 : i32
        %add3A_298 = arith.addi %add3A_143, %add3A_297 : i32
        %broadcast_in_dim3A_299 = arith.constant 5 : i32
        %broadcast_in_dim3A_300 = vector.broadcast %broadcast_in_dim3A_299 : i32 to vector<16x1xi32>
        %gather3A_301 = vector.shape_cast %broadcast_in_dim3A_300 : vector<16x1xi32> to vector<16xi32>
        %gather3A_302 = tpu.dynamic_gather %get3A_145[%gather3A_301] in [0] : vector<16xf32>, vector<16xi32> -> vector<16xf32>
        %jit3A_303 = arith.constant 0.000000e+00 : f32
        %broadcast_in_dim3A_304 = vector.broadcast %jit3A_303 : f32 to vector<16xf32>
        %select_n3A_305 = arith.select %eq3A_36, %gather3A_302, %broadcast_in_dim3A_304 : vector<16xi1>, vector<16xf32>
        %get3A_306 = arith.index_cast %add3A_298 : i32 to index
        %get3A_307 = arith.constant 0 : index
        %get3A_308 = tpu.vector_load %arg16[%get3A_306, %get3A_307] {strides = array<i32>} : memref<112x48xf32, #tpu.memory_space<vmem>>, vector<16xf32>,
        %mul3A_309 = arith.mulf %get3A_308, %gather3A_302 : vector<16xf32>
        %swap3A_310 = arith.index_cast %add3A_298 : i32 to index
        %swap3A_311 = arith.constant 0 : index
        %swap3A_312 = tpu.vector_load %arg18[%swap3A_310, %swap3A_311] {strides = array<i32>} : memref<112x48xf32, #tpu.memory_space<vmem>>, vector<16xf32>,
        tpu.vector_store %arg18[%swap3A_310, %swap3A_311], %mul3A_309 {strides = array<i32>} : memref<112x48xf32, #tpu.memory_space<vmem>>, vector<16xf32>,
        %get3A_313 = arith.index_cast %add3A_298 : i32 to index
        %get3A_314 = arith.constant 16 : index
        %get3A_315 = tpu.vector_load %arg16[%get3A_313, %get3A_314] {strides = array<i32>} : memref<112x48xf32, #tpu.memory_space<vmem>>, vector<16xf32>,
        %mul3A_316 = arith.mulf %get3A_315, %gather3A_302 : vector<16xf32>
        %swap3A_317 = arith.index_cast %add3A_298 : i32 to index
        %swap3A_318 = arith.constant 16 : index
        %swap3A_319 = tpu.vector_load %arg18[%swap3A_317, %swap3A_318] {strides = array<i32>} : memref<112x48xf32, #tpu.memory_space<vmem>>, vector<16xf32>,
        tpu.vector_store %arg18[%swap3A_317, %swap3A_318], %mul3A_316 {strides = array<i32>} : memref<112x48xf32, #tpu.memory_space<vmem>>, vector<16xf32>,
        %get3A_320 = arith.index_cast %add3A_298 : i32 to index
        %get3A_321 = arith.constant 32 : index
        %get3A_322 = tpu.vector_load %arg16[%get3A_320, %get3A_321] {strides = array<i32>} : memref<112x48xf32, #tpu.memory_space<vmem>>, vector<16xf32>,
        %mul3A_323 = arith.mulf %get3A_322, %gather3A_302 : vector<16xf32>
        %add3A_324 = arith.addf %mul3A_323, %select_n3A_305 : vector<16xf32>
        %swap3A_325 = arith.index_cast %add3A_298 : i32 to index
        %swap3A_326 = arith.constant 32 : index
        %swap3A_327 = tpu.vector_load %arg18[%swap3A_325, %swap3A_326] {strides = array<i32>} : memref<112x48xf32, #tpu.memory_space<vmem>>, vector<16xf32>,
        tpu.vector_store %arg18[%swap3A_325, %swap3A_326], %add3A_324 {strides = array<i32>} : memref<112x48xf32, #tpu.memory_space<vmem>>, vector<16xf32>,
        %add3A_328 = arith.constant 6 : i32
        %add3A_329 = arith.addi %add3A_143, %add3A_328 : i32
        %broadcast_in_dim3A_330 = arith.constant 6 : i32
        %broadcast_in_dim3A_331 = vector.broadcast %broadcast_in_dim3A_330 : i32 to vector<16x1xi32>
        %gather3A_332 = vector.shape_cast %broadcast_in_dim3A_331 : vector<16x1xi32> to vector<16xi32>
        %gather3A_333 = tpu.dynamic_gather %get3A_145[%gather3A_332] in [0] : vector<16xf32>, vector<16xi32> -> vector<16xf32>
        %jit3A_334 = arith.constant 0.000000e+00 : f32
        %broadcast_in_dim3A_335 = vector.broadcast %jit3A_334 : f32 to vector<16xf32>
        %select_n3A_336 = arith.select %eq3A_36, %gather3A_333, %broadcast_in_dim3A_335 : vector<16xi1>, vector<16xf32>
        %get3A_337 = arith.index_cast %add3A_329 : i32 to index
        %get3A_338 = arith.constant 0 : index
        %get3A_339 = tpu.vector_load %arg16[%get3A_337, %get3A_338] {strides = array<i32>} : memref<112x48xf32, #tpu.memory_space<vmem>>, vector<16xf32>,
        %mul3A_340 = arith.mulf %get3A_339, %gather3A_333 : vector<16xf32>
        %swap3A_341 = arith.index_cast %add3A_329 : i32 to index
        %swap3A_342 = arith.constant 0 : index
        %swap3A_343 = tpu.vector_load %arg18[%swap3A_341, %swap3A_342] {strides = array<i32>} : memref<112x48xf32, #tpu.memory_space<vmem>>, vector<16xf32>,
        tpu.vector_store %arg18[%swap3A_341, %swap3A_342], %mul3A_340 {strides = array<i32>} : memref<112x48xf32, #tpu.memory_space<vmem>>, vector<16xf32>,
        %get3A_344 = arith.index_cast %add3A_329 : i32 to index
        %get3A_345 = arith.constant 16 : index
        %get3A_346 = tpu.vector_load %arg16[%get3A_344, %get3A_345] {strides = array<i32>} : memref<112x48xf32, #tpu.memory_space<vmem>>, vector<16xf32>,
        %mul3A_347 = arith.mulf %get3A_346, %gather3A_333 : vector<16xf32>
        %swap3A_348 = arith.index_cast %add3A_329 : i32 to index
        %swap3A_349 = arith.constant 16 : index
        %swap3A_350 = tpu.vector_load %arg18[%swap3A_348, %swap3A_349] {strides = array<i32>} : memref<112x48xf32, #tpu.memory_space<vmem>>, vector<16xf32>,
        tpu.vector_store %arg18[%swap3A_348, %swap3A_349], %mul3A_347 {strides = array<i32>} : memref<112x48xf32, #tpu.memory_space<vmem>>, vector<16xf32>,
        %get3A_351 = arith.index_cast %add3A_329 : i32 to index
        %get3A_352 = arith.constant 32 : index
        %get3A_353 = tpu.vector_load %arg16[%get3A_351, %get3A_352] {strides = array<i32>} : memref<112x48xf32, #tpu.memory_space<vmem>>, vector<16xf32>,
        %mul3A_354 = arith.mulf %get3A_353, %gather3A_333 : vector<16xf32>
        %add3A_355 = arith.addf %mul3A_354, %select_n3A_336 : vector<16xf32>
        %swap3A_356 = arith.index_cast %add3A_329 : i32 to index
        %swap3A_357 = arith.constant 32 : index
        %swap3A_358 = tpu.vector_load %arg18[%swap3A_356, %swap3A_357] {strides = array<i32>} : memref<112x48xf32, #tpu.memory_space<vmem>>, vector<16xf32>,
        tpu.vector_store %arg18[%swap3A_356, %swap3A_357], %add3A_355 {strides = array<i32>} : memref<112x48xf32, #tpu.memory_space<vmem>>, vector<16xf32>,
        %add3A_359 = arith.constant 7 : i32
        %add3A_360 = arith.addi %add3A_143, %add3A_359 : i32
        %broadcast_in_dim3A_361 = arith.constant 7 : i32
        %broadcast_in_dim3A_362 = vector.broadcast %broadcast_in_dim3A_361 : i32 to vector<16x1xi32>
        %gather3A_363 = vector.shape_cast %broadcast_in_dim3A_362 : vector<16x1xi32> to vector<16xi32>
        %gather3A_364 = tpu.dynamic_gather %get3A_145[%gather3A_363] in [0] : vector<16xf32>, vector<16xi32> -> vector<16xf32>
        %jit3A_365 = arith.constant 0.000000e+00 : f32
        %broadcast_in_dim3A_366 = vector.broadcast %jit3A_365 : f32 to vector<16xf32>
        %select_n3A_367 = arith.select %eq3A_36, %gather3A_364, %broadcast_in_dim3A_366 : vector<16xi1>, vector<16xf32>
        %get3A_368 = arith.index_cast %add3A_360 : i32 to index
        %get3A_369 = arith.constant 0 : index
        %get3A_370 = tpu.vector_load %arg16[%get3A_368, %get3A_369] {strides = array<i32>} : memref<112x48xf32, #tpu.memory_space<vmem>>, vector<16xf32>,
        %mul3A_371 = arith.mulf %get3A_370, %gather3A_364 : vector<16xf32>
        %swap3A_372 = arith.index_cast %add3A_360 : i32 to index
        %swap3A_373 = arith.constant 0 : index
        %swap3A_374 = tpu.vector_load %arg18[%swap3A_372, %swap3A_373] {strides = array<i32>} : memref<112x48xf32, #tpu.memory_space<vmem>>, vector<16xf32>,
        tpu.vector_store %arg18[%swap3A_372, %swap3A_373], %mul3A_371 {strides = array<i32>} : memref<112x48xf32, #tpu.memory_space<vmem>>, vector<16xf32>,
        %get3A_375 = arith.index_cast %add3A_360 : i32 to index
        %get3A_376 = arith.constant 16 : index
        %get3A_377 = tpu.vector_load %arg16[%get3A_375, %get3A_376] {strides = array<i32>} : memref<112x48xf32, #tpu.memory_space<vmem>>, vector<16xf32>,
        %mul3A_378 = arith.mulf %get3A_377, %gather3A_364 : vector<16xf32>
        %swap3A_379 = arith.index_cast %add3A_360 : i32 to index
        %swap3A_380 = arith.constant 16 : index
        %swap3A_381 = tpu.vector_load %arg18[%swap3A_379, %swap3A_380] {strides = array<i32>} : memref<112x48xf32, #tpu.memory_space<vmem>>, vector<16xf32>,
        tpu.vector_store %arg18[%swap3A_379, %swap3A_380], %mul3A_378 {strides = array<i32>} : memref<112x48xf32, #tpu.memory_space<vmem>>, vector<16xf32>,
        %get3A_382 = arith.index_cast %add3A_360 : i32 to index
        %get3A_383 = arith.constant 32 : index
        %get3A_384 = tpu.vector_load %arg16[%get3A_382, %get3A_383] {strides = array<i32>} : memref<112x48xf32, #tpu.memory_space<vmem>>, vector<16xf32>,
        %mul3A_385 = arith.mulf %get3A_384, %gather3A_364 : vector<16xf32>
        %add3A_386 = arith.addf %mul3A_385, %select_n3A_367 : vector<16xf32>
        %swap3A_387 = arith.index_cast %add3A_360 : i32 to index
        %swap3A_388 = arith.constant 32 : index
        %swap3A_389 = tpu.vector_load %arg18[%swap3A_387, %swap3A_388] {strides = array<i32>} : memref<112x48xf32, #tpu.memory_space<vmem>>, vector<16xf32>,
        tpu.vector_store %arg18[%swap3A_387, %swap3A_388], %add3A_386 {strides = array<i32>} : memref<112x48xf32, #tpu.memory_space<vmem>>, vector<16xf32>,
        %add3A_390 = arith.constant 8 : i32
        %add3A_391 = arith.addi %add3A_143, %add3A_390 : i32
        %broadcast_in_dim3A_392 = arith.constant 8 : i32
        %broadcast_in_dim3A_393 = vector.broadcast %broadcast_in_dim3A_392 : i32 to vector<16x1xi32>
        %gather3A_394 = vector.shape_cast %broadcast_in_dim3A_393 : vector<16x1xi32> to vector<16xi32>
        %gather3A_395 = tpu.dynamic_gather %get3A_145[%gather3A_394] in [0] : vector<16xf32>, vector<16xi32> -> vector<16xf32>
        %jit3A_396 = arith.constant 0.000000e+00 : f32
        %broadcast_in_dim3A_397 = vector.broadcast %jit3A_396 : f32 to vector<16xf32>
        %select_n3A_398 = arith.select %eq3A_36, %gather3A_395, %broadcast_in_dim3A_397 : vector<16xi1>, vector<16xf32>
        %get3A_399 = arith.index_cast %add3A_391 : i32 to index
        %get3A_400 = arith.constant 0 : index
        %get3A_401 = tpu.vector_load %arg16[%get3A_399, %get3A_400] {strides = array<i32>} : memref<112x48xf32, #tpu.memory_space<vmem>>, vector<16xf32>,
        %mul3A_402 = arith.mulf %get3A_401, %gather3A_395 : vector<16xf32>
        %swap3A_403 = arith.index_cast %add3A_391 : i32 to index
        %swap3A_404 = arith.constant 0 : index
        %swap3A_405 = tpu.vector_load %arg18[%swap3A_403, %swap3A_404] {strides = array<i32>} : memref<112x48xf32, #tpu.memory_space<vmem>>, vector<16xf32>,
        tpu.vector_store %arg18[%swap3A_403, %swap3A_404], %mul3A_402 {strides = array<i32>} : memref<112x48xf32, #tpu.memory_space<vmem>>, vector<16xf32>,
        %get3A_406 = arith.index_cast %add3A_391 : i32 to index
        %get3A_407 = arith.constant 16 : index
        %get3A_408 = tpu.vector_load %arg16[%get3A_406, %get3A_407] {strides = array<i32>} : memref<112x48xf32, #tpu.memory_space<vmem>>, vector<16xf32>,
        %mul3A_409 = arith.mulf %get3A_408, %gather3A_395 : vector<16xf32>
        %swap3A_410 = arith.index_cast %add3A_391 : i32 to index
        %swap3A_411 = arith.constant 16 : index
        %swap3A_412 = tpu.vector_load %arg18[%swap3A_410, %swap3A_411] {strides = array<i32>} : memref<112x48xf32, #tpu.memory_space<vmem>>, vector<16xf32>,
        tpu.vector_store %arg18[%swap3A_410, %swap3A_411], %mul3A_409 {strides = array<i32>} : memref<112x48xf32, #tpu.memory_space<vmem>>, vector<16xf32>,
        %get3A_413 = arith.index_cast %add3A_391 : i32 to index
        %get3A_414 = arith.constant 32 : index
        %get3A_415 = tpu.vector_load %arg16[%get3A_413, %get3A_414] {strides = array<i32>} : memref<112x48xf32, #tpu.memory_space<vmem>>, vector<16xf32>,
        %mul3A_416 = arith.mulf %get3A_415, %gather3A_395 : vector<16xf32>
        %add3A_417 = arith.addf %mul3A_416, %select_n3A_398 : vector<16xf32>
        %swap3A_418 = arith.index_cast %add3A_391 : i32 to index
        %swap3A_419 = arith.constant 32 : index
        %swap3A_420 = tpu.vector_load %arg18[%swap3A_418, %swap3A_419] {strides = array<i32>} : memref<112x48xf32, #tpu.memory_space<vmem>>, vector<16xf32>,
        tpu.vector_store %arg18[%swap3A_418, %swap3A_419], %add3A_417 {strides = array<i32>} : memref<112x48xf32, #tpu.memory_space<vmem>>, vector<16xf32>,
        %add3A_421 = arith.constant 9 : i32
        %add3A_422 = arith.addi %add3A_143, %add3A_421 : i32
        %broadcast_in_dim3A_423 = arith.constant 9 : i32
        %broadcast_in_dim3A_424 = vector.broadcast %broadcast_in_dim3A_423 : i32 to vector<16x1xi32>
        %gather3A_425 = vector.shape_cast %broadcast_in_dim3A_424 : vector<16x1xi32> to vector<16xi32>
        %gather3A_426 = tpu.dynamic_gather %get3A_145[%gather3A_425] in [0] : vector<16xf32>, vector<16xi32> -> vector<16xf32>
        %jit3A_427 = arith.constant 0.000000e+00 : f32
        %broadcast_in_dim3A_428 = vector.broadcast %jit3A_427 : f32 to vector<16xf32>
        %select_n3A_429 = arith.select %eq3A_36, %gather3A_426, %broadcast_in_dim3A_428 : vector<16xi1>, vector<16xf32>
        %get3A_430 = arith.index_cast %add3A_422 : i32 to index
        %get3A_431 = arith.constant 0 : index
        %get3A_432 = tpu.vector_load %arg16[%get3A_430, %get3A_431] {strides = array<i32>} : memref<112x48xf32, #tpu.memory_space<vmem>>, vector<16xf32>,
        %mul3A_433 = arith.mulf %get3A_432, %gather3A_426 : vector<16xf32>
        %swap3A_434 = arith.index_cast %add3A_422 : i32 to index
        %swap3A_435 = arith.constant 0 : index
        %swap3A_436 = tpu.vector_load %arg18[%swap3A_434, %swap3A_435] {strides = array<i32>} : memref<112x48xf32, #tpu.memory_space<vmem>>, vector<16xf32>,
        tpu.vector_store %arg18[%swap3A_434, %swap3A_435], %mul3A_433 {strides = array<i32>} : memref<112x48xf32, #tpu.memory_space<vmem>>, vector<16xf32>,
        %get3A_437 = arith.index_cast %add3A_422 : i32 to index
        %get3A_438 = arith.constant 16 : index
        %get3A_439 = tpu.vector_load %arg16[%get3A_437, %get3A_438] {strides = array<i32>} : memref<112x48xf32, #tpu.memory_space<vmem>>, vector<16xf32>,
        %mul3A_440 = arith.mulf %get3A_439, %gather3A_426 : vector<16xf32>
        %swap3A_441 = arith.index_cast %add3A_422 : i32 to index
        %swap3A_442 = arith.constant 16 : index
        %swap3A_443 = tpu.vector_load %arg18[%swap3A_441, %swap3A_442] {strides = array<i32>} : memref<112x48xf32, #tpu.memory_space<vmem>>, vector<16xf32>,
        tpu.vector_store %arg18[%swap3A_441, %swap3A_442], %mul3A_440 {strides = array<i32>} : memref<112x48xf32, #tpu.memory_space<vmem>>, vector<16xf32>,
        %get3A_444 = arith.index_cast %add3A_422 : i32 to index
        %get3A_445 = arith.constant 32 : index
        %get3A_446 = tpu.vector_load %arg16[%get3A_444, %get3A_445] {strides = array<i32>} : memref<112x48xf32, #tpu.memory_space<vmem>>, vector<16xf32>,
        %mul3A_447 = arith.mulf %get3A_446, %gather3A_426 : vector<16xf32>
        %add3A_448 = arith.addf %mul3A_447, %select_n3A_429 : vector<16xf32>
        %swap3A_449 = arith.index_cast %add3A_422 : i32 to index
        %swap3A_450 = arith.constant 32 : index
        %swap3A_451 = tpu.vector_load %arg18[%swap3A_449, %swap3A_450] {strides = array<i32>} : memref<112x48xf32, #tpu.memory_space<vmem>>, vector<16xf32>,
        tpu.vector_store %arg18[%swap3A_449, %swap3A_450], %add3A_448 {strides = array<i32>} : memref<112x48xf32, #tpu.memory_space<vmem>>, vector<16xf32>,
        %add3A_452 = arith.constant 10 : i32
        %add3A_453 = arith.addi %add3A_143, %add3A_452 : i32
        %broadcast_in_dim3A_454 = arith.constant 10 : i32
        %broadcast_in_dim3A_455 = vector.broadcast %broadcast_in_dim3A_454 : i32 to vector<16x1xi32>
        %gather3A_456 = vector.shape_cast %broadcast_in_dim3A_455 : vector<16x1xi32> to vector<16xi32>
        %gather3A_457 = tpu.dynamic_gather %get3A_145[%gather3A_456] in [0] : vector<16xf32>, vector<16xi32> -> vector<16xf32>
        %jit3A_458 = arith.constant 0.000000e+00 : f32
        %broadcast_in_dim3A_459 = vector.broadcast %jit3A_458 : f32 to vector<16xf32>
        %select_n3A_460 = arith.select %eq3A_36, %gather3A_457, %broadcast_in_dim3A_459 : vector<16xi1>, vector<16xf32>
        %get3A_461 = arith.index_cast %add3A_453 : i32 to index
        %get3A_462 = arith.constant 0 : index
        %get3A_463 = tpu.vector_load %arg16[%get3A_461, %get3A_462] {strides = array<i32>} : memref<112x48xf32, #tpu.memory_space<vmem>>, vector<16xf32>,
        %mul3A_464 = arith.mulf %get3A_463, %gather3A_457 : vector<16xf32>
        %swap3A_465 = arith.index_cast %add3A_453 : i32 to index
        %swap3A_466 = arith.constant 0 : index
        %swap3A_467 = tpu.vector_load %arg18[%swap3A_465, %swap3A_466] {strides = array<i32>} : memref<112x48xf32, #tpu.memory_space<vmem>>, vector<16xf32>,
        tpu.vector_store %arg18[%swap3A_465, %swap3A_466], %mul3A_464 {strides = array<i32>} : memref<112x48xf32, #tpu.memory_space<vmem>>, vector<16xf32>,
        %get3A_468 = arith.index_cast %add3A_453 : i32 to index
        %get3A_469 = arith.constant 16 : index
        %get3A_470 = tpu.vector_load %arg16[%get3A_468, %get3A_469] {strides = array<i32>} : memref<112x48xf32, #tpu.memory_space<vmem>>, vector<16xf32>,
        %mul3A_471 = arith.mulf %get3A_470, %gather3A_457 : vector<16xf32>
        %swap3A_472 = arith.index_cast %add3A_453 : i32 to index
        %swap3A_473 = arith.constant 16 : index
        %swap3A_474 = tpu.vector_load %arg18[%swap3A_472, %swap3A_473] {strides = array<i32>} : memref<112x48xf32, #tpu.memory_space<vmem>>, vector<16xf32>,
        tpu.vector_store %arg18[%swap3A_472, %swap3A_473], %mul3A_471 {strides = array<i32>} : memref<112x48xf32, #tpu.memory_space<vmem>>, vector<16xf32>,
        %get3A_475 = arith.index_cast %add3A_453 : i32 to index
        %get3A_476 = arith.constant 32 : index
        %get3A_477 = tpu.vector_load %arg16[%get3A_475, %get3A_476] {strides = array<i32>} : memref<112x48xf32, #tpu.memory_space<vmem>>, vector<16xf32>,
        %mul3A_478 = arith.mulf %get3A_477, %gather3A_457 : vector<16xf32>
        %add3A_479 = arith.addf %mul3A_478, %select_n3A_460 : vector<16xf32>
        %swap3A_480 = arith.index_cast %add3A_453 : i32 to index
        %swap3A_481 = arith.constant 32 : index
        %swap3A_482 = tpu.vector_load %arg18[%swap3A_480, %swap3A_481] {strides = array<i32>} : memref<112x48xf32, #tpu.memory_space<vmem>>, vector<16xf32>,
        tpu.vector_store %arg18[%swap3A_480, %swap3A_481], %add3A_479 {strides = array<i32>} : memref<112x48xf32, #tpu.memory_space<vmem>>, vector<16xf32>,
        %add3A_483 = arith.constant 11 : i32
        %add3A_484 = arith.addi %add3A_143, %add3A_483 : i32
        %broadcast_in_dim3A_485 = arith.constant 11 : i32
        %broadcast_in_dim3A_486 = vector.broadcast %broadcast_in_dim3A_485 : i32 to vector<16x1xi32>
        %gather3A_487 = vector.shape_cast %broadcast_in_dim3A_486 : vector<16x1xi32> to vector<16xi32>
        %gather3A_488 = tpu.dynamic_gather %get3A_145[%gather3A_487] in [0] : vector<16xf32>, vector<16xi32> -> vector<16xf32>
        %jit3A_489 = arith.constant 0.000000e+00 : f32
        %broadcast_in_dim3A_490 = vector.broadcast %jit3A_489 : f32 to vector<16xf32>
        %select_n3A_491 = arith.select %eq3A_36, %gather3A_488, %broadcast_in_dim3A_490 : vector<16xi1>, vector<16xf32>
        %get3A_492 = arith.index_cast %add3A_484 : i32 to index
        %get3A_493 = arith.constant 0 : index
        %get3A_494 = tpu.vector_load %arg16[%get3A_492, %get3A_493] {strides = array<i32>} : memref<112x48xf32, #tpu.memory_space<vmem>>, vector<16xf32>,
        %mul3A_495 = arith.mulf %get3A_494, %gather3A_488 : vector<16xf32>
        %swap3A_496 = arith.index_cast %add3A_484 : i32 to index
        %swap3A_497 = arith.constant 0 : index
        %swap3A_498 = tpu.vector_load %arg18[%swap3A_496, %swap3A_497] {strides = array<i32>} : memref<112x48xf32, #tpu.memory_space<vmem>>, vector<16xf32>,
        tpu.vector_store %arg18[%swap3A_496, %swap3A_497], %mul3A_495 {strides = array<i32>} : memref<112x48xf32, #tpu.memory_space<vmem>>, vector<16xf32>,
        %get3A_499 = arith.index_cast %add3A_484 : i32 to index
        %get3A_500 = arith.constant 16 : index
        %get3A_501 = tpu.vector_load %arg16[%get3A_499, %get3A_500] {strides = array<i32>} : memref<112x48xf32, #tpu.memory_space<vmem>>, vector<16xf32>,
        %mul3A_502 = arith.mulf %get3A_501, %gather3A_488 : vector<16xf32>
        %swap3A_503 = arith.index_cast %add3A_484 : i32 to index
        %swap3A_504 = arith.constant 16 : index
        %swap3A_505 = tpu.vector_load %arg18[%swap3A_503, %swap3A_504] {strides = array<i32>} : memref<112x48xf32, #tpu.memory_space<vmem>>, vector<16xf32>,
        tpu.vector_store %arg18[%swap3A_503, %swap3A_504], %mul3A_502 {strides = array<i32>} : memref<112x48xf32, #tpu.memory_space<vmem>>, vector<16xf32>,
        %get3A_506 = arith.index_cast %add3A_484 : i32 to index
        %get3A_507 = arith.constant 32 : index
        %get3A_508 = tpu.vector_load %arg16[%get3A_506, %get3A_507] {strides = array<i32>} : memref<112x48xf32, #tpu.memory_space<vmem>>, vector<16xf32>,
        %mul3A_509 = arith.mulf %get3A_508, %gather3A_488 : vector<16xf32>
        %add3A_510 = arith.addf %mul3A_509, %select_n3A_491 : vector<16xf32>
        %swap3A_511 = arith.index_cast %add3A_484 : i32 to index
        %swap3A_512 = arith.constant 32 : index
        %swap3A_513 = tpu.vector_load %arg18[%swap3A_511, %swap3A_512] {strides = array<i32>} : memref<112x48xf32, #tpu.memory_space<vmem>>, vector<16xf32>,
        tpu.vector_store %arg18[%swap3A_511, %swap3A_512], %add3A_510 {strides = array<i32>} : memref<112x48xf32, #tpu.memory_space<vmem>>, vector<16xf32>,
        %add3A_514 = arith.constant 12 : i32
        %add3A_515 = arith.addi %add3A_143, %add3A_514 : i32
        %broadcast_in_dim3A_516 = arith.constant 12 : i32
        %broadcast_in_dim3A_517 = vector.broadcast %broadcast_in_dim3A_516 : i32 to vector<16x1xi32>
        %gather3A_518 = vector.shape_cast %broadcast_in_dim3A_517 : vector<16x1xi32> to vector<16xi32>
        %gather3A_519 = tpu.dynamic_gather %get3A_145[%gather3A_518] in [0] : vector<16xf32>, vector<16xi32> -> vector<16xf32>
        %jit3A_520 = arith.constant 0.000000e+00 : f32
        %broadcast_in_dim3A_521 = vector.broadcast %jit3A_520 : f32 to vector<16xf32>
        %select_n3A_522 = arith.select %eq3A_36, %gather3A_519, %broadcast_in_dim3A_521 : vector<16xi1>, vector<16xf32>
        %get3A_523 = arith.index_cast %add3A_515 : i32 to index
        %get3A_524 = arith.constant 0 : index
        %get3A_525 = tpu.vector_load %arg16[%get3A_523, %get3A_524] {strides = array<i32>} : memref<112x48xf32, #tpu.memory_space<vmem>>, vector<16xf32>,
        %mul3A_526 = arith.mulf %get3A_525, %gather3A_519 : vector<16xf32>
        %swap3A_527 = arith.index_cast %add3A_515 : i32 to index
        %swap3A_528 = arith.constant 0 : index
        %swap3A_529 = tpu.vector_load %arg18[%swap3A_527, %swap3A_528] {strides = array<i32>} : memref<112x48xf32, #tpu.memory_space<vmem>>, vector<16xf32>,
        tpu.vector_store %arg18[%swap3A_527, %swap3A_528], %mul3A_526 {strides = array<i32>} : memref<112x48xf32, #tpu.memory_space<vmem>>, vector<16xf32>,
        %get3A_530 = arith.index_cast %add3A_515 : i32 to index
        %get3A_531 = arith.constant 16 : index
        %get3A_532 = tpu.vector_load %arg16[%get3A_530, %get3A_531] {strides = array<i32>} : memref<112x48xf32, #tpu.memory_space<vmem>>, vector<16xf32>,
        %mul3A_533 = arith.mulf %get3A_532, %gather3A_519 : vector<16xf32>
        %swap3A_534 = arith.index_cast %add3A_515 : i32 to index
        %swap3A_535 = arith.constant 16 : index
        %swap3A_536 = tpu.vector_load %arg18[%swap3A_534, %swap3A_535] {strides = array<i32>} : memref<112x48xf32, #tpu.memory_space<vmem>>, vector<16xf32>,
        tpu.vector_store %arg18[%swap3A_534, %swap3A_535], %mul3A_533 {strides = array<i32>} : memref<112x48xf32, #tpu.memory_space<vmem>>, vector<16xf32>,
        %get3A_537 = arith.index_cast %add3A_515 : i32 to index
        %get3A_538 = arith.constant 32 : index
        %get3A_539 = tpu.vector_load %arg16[%get3A_537, %get3A_538] {strides = array<i32>} : memref<112x48xf32, #tpu.memory_space<vmem>>, vector<16xf32>,
        %mul3A_540 = arith.mulf %get3A_539, %gather3A_519 : vector<16xf32>
        %add3A_541 = arith.addf %mul3A_540, %select_n3A_522 : vector<16xf32>
        %swap3A_542 = arith.index_cast %add3A_515 : i32 to index
        %swap3A_543 = arith.constant 32 : index
        %swap3A_544 = tpu.vector_load %arg18[%swap3A_542, %swap3A_543] {strides = array<i32>} : memref<112x48xf32, #tpu.memory_space<vmem>>, vector<16xf32>,
        tpu.vector_store %arg18[%swap3A_542, %swap3A_543], %add3A_541 {strides = array<i32>} : memref<112x48xf32, #tpu.memory_space<vmem>>, vector<16xf32>,
        %add3A_545 = arith.constant 13 : i32
        %add3A_546 = arith.addi %add3A_143, %add3A_545 : i32
        %broadcast_in_dim3A_547 = arith.constant 13 : i32
        %broadcast_in_dim3A_548 = vector.broadcast %broadcast_in_dim3A_547 : i32 to vector<16x1xi32>
        %gather3A_549 = vector.shape_cast %broadcast_in_dim3A_548 : vector<16x1xi32> to vector<16xi32>
        %gather3A_550 = tpu.dynamic_gather %get3A_145[%gather3A_549] in [0] : vector<16xf32>, vector<16xi32> -> vector<16xf32>
        %jit3A_551 = arith.constant 0.000000e+00 : f32
        %broadcast_in_dim3A_552 = vector.broadcast %jit3A_551 : f32 to vector<16xf32>
        %select_n3A_553 = arith.select %eq3A_36, %gather3A_550, %broadcast_in_dim3A_552 : vector<16xi1>, vector<16xf32>
        %get3A_554 = arith.index_cast %add3A_546 : i32 to index
        %get3A_555 = arith.constant 0 : index
        %get3A_556 = tpu.vector_load %arg16[%get3A_554, %get3A_555] {strides = array<i32>} : memref<112x48xf32, #tpu.memory_space<vmem>>, vector<16xf32>,
        %mul3A_557 = arith.mulf %get3A_556, %gather3A_550 : vector<16xf32>
        %swap3A_558 = arith.index_cast %add3A_546 : i32 to index
        %swap3A_559 = arith.constant 0 : index
        %swap3A_560 = tpu.vector_load %arg18[%swap3A_558, %swap3A_559] {strides = array<i32>} : memref<112x48xf32, #tpu.memory_space<vmem>>, vector<16xf32>,
        tpu.vector_store %arg18[%swap3A_558, %swap3A_559], %mul3A_557 {strides = array<i32>} : memref<112x48xf32, #tpu.memory_space<vmem>>, vector<16xf32>,
        %get3A_561 = arith.index_cast %add3A_546 : i32 to index
        %get3A_562 = arith.constant 16 : index
        %get3A_563 = tpu.vector_load %arg16[%get3A_561, %get3A_562] {strides = array<i32>} : memref<112x48xf32, #tpu.memory_space<vmem>>, vector<16xf32>,
        %mul3A_564 = arith.mulf %get3A_563, %gather3A_550 : vector<16xf32>
        %swap3A_565 = arith.index_cast %add3A_546 : i32 to index
        %swap3A_566 = arith.constant 16 : index
        %swap3A_567 = tpu.vector_load %arg18[%swap3A_565, %swap3A_566] {strides = array<i32>} : memref<112x48xf32, #tpu.memory_space<vmem>>, vector<16xf32>,
        tpu.vector_store %arg18[%swap3A_565, %swap3A_566], %mul3A_564 {strides = array<i32>} : memref<112x48xf32, #tpu.memory_space<vmem>>, vector<16xf32>,
        %get3A_568 = arith.index_cast %add3A_546 : i32 to index
        %get3A_569 = arith.constant 32 : index
        %get3A_570 = tpu.vector_load %arg16[%get3A_568, %get3A_569] {strides = array<i32>} : memref<112x48xf32, #tpu.memory_space<vmem>>, vector<16xf32>,
        %mul3A_571 = arith.mulf %get3A_570, %gather3A_550 : vector<16xf32>
        %add3A_572 = arith.addf %mul3A_571, %select_n3A_553 : vector<16xf32>
        %swap3A_573 = arith.index_cast %add3A_546 : i32 to index
        %swap3A_574 = arith.constant 32 : index
        %swap3A_575 = tpu.vector_load %arg18[%swap3A_573, %swap3A_574] {strides = array<i32>} : memref<112x48xf32, #tpu.memory_space<vmem>>, vector<16xf32>,
        tpu.vector_store %arg18[%swap3A_573, %swap3A_574], %add3A_572 {strides = array<i32>} : memref<112x48xf32, #tpu.memory_space<vmem>>, vector<16xf32>,
        %add3A_576 = arith.constant 14 : i32
        %add3A_577 = arith.addi %add3A_143, %add3A_576 : i32
        %broadcast_in_dim3A_578 = arith.constant 14 : i32
        %broadcast_in_dim3A_579 = vector.broadcast %broadcast_in_dim3A_578 : i32 to vector<16x1xi32>
        %gather3A_580 = vector.shape_cast %broadcast_in_dim3A_579 : vector<16x1xi32> to vector<16xi32>
        %gather3A_581 = tpu.dynamic_gather %get3A_145[%gather3A_580] in [0] : vector<16xf32>, vector<16xi32> -> vector<16xf32>
        %jit3A_582 = arith.constant 0.000000e+00 : f32
        %broadcast_in_dim3A_583 = vector.broadcast %jit3A_582 : f32 to vector<16xf32>
        %select_n3A_584 = arith.select %eq3A_36, %gather3A_581, %broadcast_in_dim3A_583 : vector<16xi1>, vector<16xf32>
        %get3A_585 = arith.index_cast %add3A_577 : i32 to index
        %get3A_586 = arith.constant 0 : index
        %get3A_587 = tpu.vector_load %arg16[%get3A_585, %get3A_586] {strides = array<i32>} : memref<112x48xf32, #tpu.memory_space<vmem>>, vector<16xf32>,
        %mul3A_588 = arith.mulf %get3A_587, %gather3A_581 : vector<16xf32>
        %swap3A_589 = arith.index_cast %add3A_577 : i32 to index
        %swap3A_590 = arith.constant 0 : index
        %swap3A_591 = tpu.vector_load %arg18[%swap3A_589, %swap3A_590] {strides = array<i32>} : memref<112x48xf32, #tpu.memory_space<vmem>>, vector<16xf32>,
        tpu.vector_store %arg18[%swap3A_589, %swap3A_590], %mul3A_588 {strides = array<i32>} : memref<112x48xf32, #tpu.memory_space<vmem>>, vector<16xf32>,
        %get3A_592 = arith.index_cast %add3A_577 : i32 to index
        %get3A_593 = arith.constant 16 : index
        %get3A_594 = tpu.vector_load %arg16[%get3A_592, %get3A_593] {strides = array<i32>} : memref<112x48xf32, #tpu.memory_space<vmem>>, vector<16xf32>,
        %mul3A_595 = arith.mulf %get3A_594, %gather3A_581 : vector<16xf32>
        %swap3A_596 = arith.index_cast %add3A_577 : i32 to index
        %swap3A_597 = arith.constant 16 : index
        %swap3A_598 = tpu.vector_load %arg18[%swap3A_596, %swap3A_597] {strides = array<i32>} : memref<112x48xf32, #tpu.memory_space<vmem>>, vector<16xf32>,
        tpu.vector_store %arg18[%swap3A_596, %swap3A_597], %mul3A_595 {strides = array<i32>} : memref<112x48xf32, #tpu.memory_space<vmem>>, vector<16xf32>,
        %get3A_599 = arith.index_cast %add3A_577 : i32 to index
        %get3A_600 = arith.constant 32 : index
        %get3A_601 = tpu.vector_load %arg16[%get3A_599, %get3A_600] {strides = array<i32>} : memref<112x48xf32, #tpu.memory_space<vmem>>, vector<16xf32>,
        %mul3A_602 = arith.mulf %get3A_601, %gather3A_581 : vector<16xf32>
        %add3A_603 = arith.addf %mul3A_602, %select_n3A_584 : vector<16xf32>
        %swap3A_604 = arith.index_cast %add3A_577 : i32 to index
        %swap3A_605 = arith.constant 32 : index
        %swap3A_606 = tpu.vector_load %arg18[%swap3A_604, %swap3A_605] {strides = array<i32>} : memref<112x48xf32, #tpu.memory_space<vmem>>, vector<16xf32>,
        tpu.vector_store %arg18[%swap3A_604, %swap3A_605], %add3A_603 {strides = array<i32>} : memref<112x48xf32, #tpu.memory_space<vmem>>, vector<16xf32>,
        %add3A_607 = arith.constant 15 : i32
        %add3A_608 = arith.addi %add3A_143, %add3A_607 : i32
        %broadcast_in_dim3A_609 = arith.constant 15 : i32
        %broadcast_in_dim3A_610 = vector.broadcast %broadcast_in_dim3A_609 : i32 to vector<16x1xi32>
        %gather3A_611 = vector.shape_cast %broadcast_in_dim3A_610 : vector<16x1xi32> to vector<16xi32>
        %gather3A_612 = tpu.dynamic_gather %get3A_145[%gather3A_611] in [0] : vector<16xf32>, vector<16xi32> -> vector<16xf32>
        %jit3A_613 = arith.constant 0.000000e+00 : f32
        %broadcast_in_dim3A_614 = vector.broadcast %jit3A_613 : f32 to vector<16xf32>
        %select_n3A_615 = arith.select %eq3A_36, %gather3A_612, %broadcast_in_dim3A_614 : vector<16xi1>, vector<16xf32>
        %get3A_616 = arith.index_cast %add3A_608 : i32 to index
        %get3A_617 = arith.constant 0 : index
        %get3A_618 = tpu.vector_load %arg16[%get3A_616, %get3A_617] {strides = array<i32>} : memref<112x48xf32, #tpu.memory_space<vmem>>, vector<16xf32>,
        %mul3A_619 = arith.mulf %get3A_618, %gather3A_612 : vector<16xf32>
        %swap3A_620 = arith.index_cast %add3A_608 : i32 to index
        %swap3A_621 = arith.constant 0 : index
        %swap3A_622 = tpu.vector_load %arg18[%swap3A_620, %swap3A_621] {strides = array<i32>} : memref<112x48xf32, #tpu.memory_space<vmem>>, vector<16xf32>,
        tpu.vector_store %arg18[%swap3A_620, %swap3A_621], %mul3A_619 {strides = array<i32>} : memref<112x48xf32, #tpu.memory_space<vmem>>, vector<16xf32>,
        %get3A_623 = arith.index_cast %add3A_608 : i32 to index
        %get3A_624 = arith.constant 16 : index
        %get3A_625 = tpu.vector_load %arg16[%get3A_623, %get3A_624] {strides = array<i32>} : memref<112x48xf32, #tpu.memory_space<vmem>>, vector<16xf32>,
        %mul3A_626 = arith.mulf %get3A_625, %gather3A_612 : vector<16xf32>
        %swap3A_627 = arith.index_cast %add3A_608 : i32 to index
        %swap3A_628 = arith.constant 16 : index
        %swap3A_629 = tpu.vector_load %arg18[%swap3A_627, %swap3A_628] {strides = array<i32>} : memref<112x48xf32, #tpu.memory_space<vmem>>, vector<16xf32>,
        tpu.vector_store %arg18[%swap3A_627, %swap3A_628], %mul3A_626 {strides = array<i32>} : memref<112x48xf32, #tpu.memory_space<vmem>>, vector<16xf32>,
        %get3A_630 = arith.index_cast %add3A_608 : i32 to index
        %get3A_631 = arith.constant 32 : index
        %get3A_632 = tpu.vector_load %arg16[%get3A_630, %get3A_631] {strides = array<i32>} : memref<112x48xf32, #tpu.memory_space<vmem>>, vector<16xf32>,
        %mul3A_633 = arith.mulf %get3A_632, %gather3A_612 : vector<16xf32>
        %add3A_634 = arith.addf %mul3A_633, %select_n3A_615 : vector<16xf32>
        %swap3A_635 = arith.index_cast %add3A_608 : i32 to index
        %swap3A_636 = arith.constant 32 : index
        %swap3A_637 = tpu.vector_load %arg18[%swap3A_635, %swap3A_636] {strides = array<i32>} : memref<112x48xf32, #tpu.memory_space<vmem>>, vector<16xf32>,
        tpu.vector_store %arg18[%swap3A_635, %swap3A_636], %add3A_634 {strides = array<i32>} : memref<112x48xf32, #tpu.memory_space<vmem>>, vector<16xf32>,
      }
      %scan3A_135 = arith.constant 7 : i32
      %dma_start3A_136 = arith.constant 0 : i32
      %dma_start3A_137 = arith.constant 0 : i32
      %dma_start3A_138 = tpu.memref_slice %arg23[%dma_start3A_136, %dma_start3A_137] : memref<10112x48xf32, #tpu.memory_space<vmem_shared>> -> memref<10112x48xf32, #tpu.memory_space<vmem_shared>>
      tpu.enqueue_indirect_dma source(%arg18 : memref<112x48xf32, #tpu.memory_space<vmem>>) target(%dma_start3A_138 : memref<10112x48xf32, #tpu.memory_space<vmem_shared>>) offsets(%arg14 : memref<112xi32, #tpu.memory_space<vmem>>) semaphore(%arg31 : memref<!tpu.dma_semaphore, #tpu.memory_space<semaphore_mem>>) {add = true}
    }
    %scan3A_51 = arith.constant 45 : i32
    %dma_wait3A = arith.constant 0 : i32
    %dma_wait3A_52 = arith.constant 0 : i32
    %dma_wait3A_53 = tpu.memref_slice %arg23[%dma_wait3A, %dma_wait3A_52] : memref<10112x48xf32, #tpu.memory_space<vmem_shared>> -> memref<10112x48xf32, #tpu.memory_space<vmem_shared>>
    tpu.wait_indirect_dma semaphore(%arg30 : memref<!tpu.dma_semaphore, #tpu.memory_space<semaphore_mem>>) src(%arg17 : memref<112x48xf32, #tpu.memory_space<vmem>>) dst(%dma_wait3A_53 : memref<10112x48xf32, #tpu.memory_space<vmem_shared>>)
    %dma_wait3A_54 = arith.constant 0 : i32
    %dma_wait3A_55 = arith.constant 0 : i32
    %dma_wait3A_56 = tpu.memref_slice %arg23[%dma_wait3A_54, %dma_wait3A_55] : memref<10112x48xf32, #tpu.memory_space<vmem_shared>> -> memref<10112x48xf32, #tpu.memory_space<vmem_shared>>
    tpu.wait_indirect_dma semaphore(%arg31 : memref<!tpu.dma_semaphore, #tpu.memory_space<semaphore_mem>>) src(%arg18 : memref<112x48xf32, #tpu.memory_space<vmem>>) dst(%dma_wait3A_56 : memref<10112x48xf32, #tpu.memory_space<vmem_shared>>)
    %barrier3A_57 = arith.constant 0 : index
    tpu.barrier barrier_id(%barrier3A_57)
    %mul3A_58 = arith.constant 632 : i32
    %mul3A_59 = arith.muli %arg1, %mul3A_58 : i32
    %mul3A_60 = arith.constant 632 : i32
    %mul3A_61 = arith.muli %arg1, %mul3A_60 : i32
    "tpu.region"() ({
      %run_scoped3A = tpu.sem_alloc : memref<!tpu.dma_semaphore, #tpu.memory_space<semaphore_mem>>
      %dma_start3A_62 = arith.constant 0 : i32
      %dma_start3A_63 = arith.constant 0 : i32
      %dma_start3A_64 = tpu.memref_slice %arg8[%arg0, %dma_start3A_62, %dma_start3A_63] : memref<2x10112x48xf32, #tpu.memory_space<hbm>> -> memref<1x10112x48xf32, #tpu.memory_space<hbm>>
      %dma_start3A_65 = tpu.memref_squeeze %dma_start3A_64 : memref<1x10112x48xf32, #tpu.memory_space<hbm>> -> memref<10112x48xf32, #tpu.memory_space<hbm>>
      %dma_start3A_66 = arith.constant 0 : i32
      %dma_start3A_67 = tpu.memref_slice %dma_start3A_65[%mul3A_61, %dma_start3A_66] : memref<10112x48xf32, #tpu.memory_space<hbm>> -> memref<632x48xf32, #tpu.memory_space<hbm>>
      %dma_start3A_68 = arith.constant 0 : i32
      %dma_start3A_69 = tpu.memref_slice %arg23[%mul3A_59, %dma_start3A_68] : memref<10112x48xf32, #tpu.memory_space<vmem_shared>> -> memref<632x48xf32, #tpu.memory_space<vmem_shared>>
      tpu.enqueue_dma source(%dma_start3A_69 : memref<632x48xf32, #tpu.memory_space<vmem_shared>>) target(%dma_start3A_67 : memref<632x48xf32, #tpu.memory_space<hbm>>) target_semaphore(%run_scoped3A : memref<!tpu.dma_semaphore, #tpu.memory_space<semaphore_mem>>)
      %dma_wait3A_70 = arith.constant 0 : i32
      %dma_wait3A_71 = arith.constant 0 : i32
      %dma_wait3A_72 = tpu.memref_slice %arg8[%arg0, %dma_wait3A_70, %dma_wait3A_71] : memref<2x10112x48xf32, #tpu.memory_space<hbm>> -> memref<1x10112x48xf32, #tpu.memory_space<hbm>>
      %dma_wait3A_73 = tpu.memref_squeeze %dma_wait3A_72 : memref<1x10112x48xf32, #tpu.memory_space<hbm>> -> memref<10112x48xf32, #tpu.memory_space<hbm>>
      %dma_wait3A_74 = arith.constant 0 : i32
      %dma_wait3A_75 = tpu.memref_slice %dma_wait3A_73[%mul3A_61, %dma_wait3A_74] : memref<10112x48xf32, #tpu.memory_space<hbm>> -> memref<632x48xf32, #tpu.memory_space<hbm>>
      %dma_wait3A_76 = arith.constant 0 : i32
      %dma_wait3A_77 = tpu.memref_slice %arg23[%mul3A_59, %dma_wait3A_76] : memref<10112x48xf32, #tpu.memory_space<vmem_shared>> -> memref<632x48xf32, #tpu.memory_space<vmem_shared>>
      tpu.wait_dma2 semaphore(%run_scoped3A : memref<!tpu.dma_semaphore, #tpu.memory_space<semaphore_mem>>) src(%dma_wait3A_77 : memref<632x48xf32, #tpu.memory_space<vmem_shared>>) dst(%dma_wait3A_75 : memref<632x48xf32, #tpu.memory_space<hbm>>)
      tpu.yield
    }) : () -> ()
    return
  }
}

#map = affine_map<(d0, d1) -> (0, 0)>
#map1 = affine_map<(d0, d1) -> (0)>
#map2 = affine_map<(d0, d1) -> (0, 0, 0)>
module attributes {stable_mosaic.version = 14 : i64} {
  func.func @_edges1(%arg0: i32, %arg1: i32, %arg2: memref<10016x144xf32, #tpu.memory_space<hbm>>, %arg3: memref<10000x16xf32, #tpu.memory_space<hbm>>, %arg4: memref<322560xi32, #tpu.memory_space<hbm>>, %arg5: memref<322560xi32, #tpu.memory_space<hbm>>, %arg6: memref<16xf32, #tpu.memory_space<hbm>>, %arg7: memref<2x10112x144xf32, #tpu.memory_space<hbm>>, %arg8: memref<112xi32, #tpu.memory_space<vmem>>, %arg9: memref<112xi32, #tpu.memory_space<vmem>>, %arg10: memref<112xi32, #tpu.memory_space<vmem>>, %arg11: memref<112xi32, #tpu.memory_space<vmem>>, %arg12: memref<112xi32, #tpu.memory_space<vmem>>, %arg13: memref<112xi32, #tpu.memory_space<vmem>>, %arg14: memref<112x144xf32, #tpu.memory_space<vmem>>, %arg15: memref<112x144xf32, #tpu.memory_space<vmem>>, %arg16: memref<112x16xf32, #tpu.memory_space<vmem>>, %arg17: memref<112x16xf32, #tpu.memory_space<vmem>>, %arg18: memref<16xf32, #tpu.memory_space<vmem>>, %arg19: memref<10112x144xf32, #tpu.memory_space<vmem_shared>>, %arg20: memref<!tpu.dma_semaphore, #tpu.memory_space<semaphore_mem>>, %arg21: memref<!tpu.dma_semaphore, #tpu.memory_space<semaphore_mem>>, %arg22: memref<!tpu.dma_semaphore, #tpu.memory_space<semaphore_mem>>, %arg23: memref<!tpu.dma_semaphore, #tpu.memory_space<semaphore_mem>>, %arg24: memref<!tpu.dma_semaphore, #tpu.memory_space<semaphore_mem>>, %arg25: memref<!tpu.dma_semaphore, #tpu.memory_space<semaphore_mem>>, %arg26: memref<!tpu.dma_semaphore, #tpu.memory_space<semaphore_mem>>, %arg27: memref<!tpu.dma_semaphore, #tpu.memory_space<semaphore_mem>>, %arg28: memref<!tpu.dma_semaphore, #tpu.memory_space<semaphore_mem>>, %arg29: memref<!tpu.dma_semaphore, #tpu.memory_space<semaphore_mem>>) attributes {dimension_semantics = [#tpu.dimension_semantics<core_parallel>, #tpu.dimension_semantics<subcore_parallel>], iteration_bounds = array<i64: 2, 16>, scalar_prefetch = 0 : i64, scratch_operands = 22 : i64, tpu.core_type = #tpu.core_type<sc_vector_subcore>, window_params = [{transform_indices = #map}, {transform_indices = #map}, {transform_indices = #map1}, {transform_indices = #map1}, {transform_indices = #map1}, {transform_indices = #map2}]} {
    %mul3A = arith.constant 2 : i32
    %mul3A_0 = arith.muli %arg1, %mul3A : i32
    %add3A = arith.addi %mul3A_0, %arg0 : i32
    %mul3A_1 = arith.constant 10080 : i32
    %mul3A_2 = arith.muli %add3A, %mul3A_1 : i32
    %broadcast_in_dim3A = arith.constant 0.000000e+00 : f32
    %broadcast_in_dim3A_3 = vector.broadcast %broadcast_in_dim3A : f32 to vector<16xf32>
    %scan3A = arith.constant 0 : i32
    %scan3A_4 = arith.constant 112 : i32
    %scan3A_5 = arith.addi %scan3A, %scan3A_4 : i32
    %scan3A_6 = arith.constant 1 : i32
    scf.for %scan3A_60 = %scan3A to %scan3A_5 step %scan3A_6  : i32 {
      %mul3A_61 = arith.constant 1 : i32
      %mul3A_62 = arith.muli %scan3A_60, %mul3A_61 : i32
      %add3A_63 = arith.constant 0 : i32
      %add3A_64 = arith.addi %add3A_63, %mul3A_62 : i32
      %swap3A = arith.index_cast %add3A_64 : i32 to index
      %swap3A_65 = arith.constant 0 : index
      %swap3A_66 = tpu.vector_load %arg14[%swap3A, %swap3A_65] {strides = array<i32>} : memref<112x144xf32, #tpu.memory_space<vmem>>, vector<1x16xf32>,
      %swap3A_67 = vector.shape_cast %swap3A_66 : vector<1x16xf32> to vector<16xf32>
      %swap3A_68 = vector.shape_cast %broadcast_in_dim3A_3 : vector<16xf32> to vector<1x16xf32>
      tpu.vector_store %arg14[%swap3A, %swap3A_65], %swap3A_68 {strides = array<i32>} : memref<112x144xf32, #tpu.memory_space<vmem>>, vector<1x16xf32>,
      %swap3A_69 = arith.index_cast %add3A_64 : i32 to index
      %swap3A_70 = arith.constant 16 : index
      %swap3A_71 = tpu.vector_load %arg14[%swap3A_69, %swap3A_70] {strides = array<i32>} : memref<112x144xf32, #tpu.memory_space<vmem>>, vector<1x16xf32>,
      %swap3A_72 = vector.shape_cast %swap3A_71 : vector<1x16xf32> to vector<16xf32>
      %swap3A_73 = vector.shape_cast %broadcast_in_dim3A_3 : vector<16xf32> to vector<1x16xf32>
      tpu.vector_store %arg14[%swap3A_69, %swap3A_70], %swap3A_73 {strides = array<i32>} : memref<112x144xf32, #tpu.memory_space<vmem>>, vector<1x16xf32>,
      %swap3A_74 = arith.index_cast %add3A_64 : i32 to index
      %swap3A_75 = arith.constant 32 : index
      %swap3A_76 = tpu.vector_load %arg14[%swap3A_74, %swap3A_75] {strides = array<i32>} : memref<112x144xf32, #tpu.memory_space<vmem>>, vector<1x16xf32>,
      %swap3A_77 = vector.shape_cast %swap3A_76 : vector<1x16xf32> to vector<16xf32>
      %swap3A_78 = vector.shape_cast %broadcast_in_dim3A_3 : vector<16xf32> to vector<1x16xf32>
      tpu.vector_store %arg14[%swap3A_74, %swap3A_75], %swap3A_78 {strides = array<i32>} : memref<112x144xf32, #tpu.memory_space<vmem>>, vector<1x16xf32>,
      %swap3A_79 = arith.index_cast %add3A_64 : i32 to index
      %swap3A_80 = arith.constant 48 : index
      %swap3A_81 = tpu.vector_load %arg14[%swap3A_79, %swap3A_80] {strides = array<i32>} : memref<112x144xf32, #tpu.memory_space<vmem>>, vector<1x16xf32>,
      %swap3A_82 = vector.shape_cast %swap3A_81 : vector<1x16xf32> to vector<16xf32>
      %swap3A_83 = vector.shape_cast %broadcast_in_dim3A_3 : vector<16xf32> to vector<1x16xf32>
      tpu.vector_store %arg14[%swap3A_79, %swap3A_80], %swap3A_83 {strides = array<i32>} : memref<112x144xf32, #tpu.memory_space<vmem>>, vector<1x16xf32>,
      %swap3A_84 = arith.index_cast %add3A_64 : i32 to index
      %swap3A_85 = arith.constant 64 : index
      %swap3A_86 = tpu.vector_load %arg14[%swap3A_84, %swap3A_85] {strides = array<i32>} : memref<112x144xf32, #tpu.memory_space<vmem>>, vector<1x16xf32>,
      %swap3A_87 = vector.shape_cast %swap3A_86 : vector<1x16xf32> to vector<16xf32>
      %swap3A_88 = vector.shape_cast %broadcast_in_dim3A_3 : vector<16xf32> to vector<1x16xf32>
      tpu.vector_store %arg14[%swap3A_84, %swap3A_85], %swap3A_88 {strides = array<i32>} : memref<112x144xf32, #tpu.memory_space<vmem>>, vector<1x16xf32>,
      %swap3A_89 = arith.index_cast %add3A_64 : i32 to index
      %swap3A_90 = arith.constant 80 : index
      %swap3A_91 = tpu.vector_load %arg14[%swap3A_89, %swap3A_90] {strides = array<i32>} : memref<112x144xf32, #tpu.memory_space<vmem>>, vector<1x16xf32>,
      %swap3A_92 = vector.shape_cast %swap3A_91 : vector<1x16xf32> to vector<16xf32>
      %swap3A_93 = vector.shape_cast %broadcast_in_dim3A_3 : vector<16xf32> to vector<1x16xf32>
      tpu.vector_store %arg14[%swap3A_89, %swap3A_90], %swap3A_93 {strides = array<i32>} : memref<112x144xf32, #tpu.memory_space<vmem>>, vector<1x16xf32>,
      %swap3A_94 = arith.index_cast %add3A_64 : i32 to index
      %swap3A_95 = arith.constant 96 : index
      %swap3A_96 = tpu.vector_load %arg14[%swap3A_94, %swap3A_95] {strides = array<i32>} : memref<112x144xf32, #tpu.memory_space<vmem>>, vector<1x16xf32>,
      %swap3A_97 = vector.shape_cast %swap3A_96 : vector<1x16xf32> to vector<16xf32>
      %swap3A_98 = vector.shape_cast %broadcast_in_dim3A_3 : vector<16xf32> to vector<1x16xf32>
      tpu.vector_store %arg14[%swap3A_94, %swap3A_95], %swap3A_98 {strides = array<i32>} : memref<112x144xf32, #tpu.memory_space<vmem>>, vector<1x16xf32>,
      %swap3A_99 = arith.index_cast %add3A_64 : i32 to index
      %swap3A_100 = arith.constant 112 : index
      %swap3A_101 = tpu.vector_load %arg14[%swap3A_99, %swap3A_100] {strides = array<i32>} : memref<112x144xf32, #tpu.memory_space<vmem>>, vector<1x16xf32>,
      %swap3A_102 = vector.shape_cast %swap3A_101 : vector<1x16xf32> to vector<16xf32>
      %swap3A_103 = vector.shape_cast %broadcast_in_dim3A_3 : vector<16xf32> to vector<1x16xf32>
      tpu.vector_store %arg14[%swap3A_99, %swap3A_100], %swap3A_103 {strides = array<i32>} : memref<112x144xf32, #tpu.memory_space<vmem>>, vector<1x16xf32>,
      %swap3A_104 = arith.index_cast %add3A_64 : i32 to index
      %swap3A_105 = arith.constant 128 : index
      %swap3A_106 = tpu.vector_load %arg14[%swap3A_104, %swap3A_105] {strides = array<i32>} : memref<112x144xf32, #tpu.memory_space<vmem>>, vector<1x16xf32>,
      %swap3A_107 = vector.shape_cast %swap3A_106 : vector<1x16xf32> to vector<16xf32>
      %swap3A_108 = vector.shape_cast %broadcast_in_dim3A_3 : vector<16xf32> to vector<1x16xf32>
      tpu.vector_store %arg14[%swap3A_104, %swap3A_105], %swap3A_108 {strides = array<i32>} : memref<112x144xf32, #tpu.memory_space<vmem>>, vector<1x16xf32>,
    }
    %scan3A_7 = arith.constant 112 : i32
    %mul3A_8 = arith.constant 632 : i32
    %mul3A_9 = arith.muli %arg1, %mul3A_8 : i32
    %add3A_10 = arith.constant 0 : i32
    %add3A_11 = arith.addi %mul3A_9, %add3A_10 : i32
    "tpu.region"() ({
      %run_scoped3A = tpu.sem_alloc : memref<!tpu.dma_semaphore, #tpu.memory_space<semaphore_mem>>
      %dma_start3A_60 = arith.constant 0 : i32
      %dma_start3A_61 = tpu.memref_slice %arg19[%add3A_11, %dma_start3A_60] : memref<10112x144xf32, #tpu.memory_space<vmem_shared>> -> memref<112x144xf32, #tpu.memory_space<vmem_shared>>
      %dma_start3A_62 = arith.constant 0 : i32
      %dma_start3A_63 = tpu.memref_slice %arg19[%add3A_11, %dma_start3A_62] : memref<10112x144xf32, #tpu.memory_space<vmem_shared>> -> memref<112x144xf32, #tpu.memory_space<vmem_shared>>
      tpu.enqueue_dma source(%arg14 : memref<112x144xf32, #tpu.memory_space<vmem>>) target(%dma_start3A_63 : memref<112x144xf32, #tpu.memory_space<vmem_shared>>) target_semaphore(%run_scoped3A : memref<!tpu.dma_semaphore, #tpu.memory_space<semaphore_mem>>)
      %dma_wait3A_64 = arith.constant 0 : i32
      %dma_wait3A_65 = tpu.memref_slice %arg19[%add3A_11, %dma_wait3A_64] : memref<10112x144xf32, #tpu.memory_space<vmem_shared>> -> memref<112x144xf32, #tpu.memory_space<vmem_shared>>
      %dma_wait3A_66 = arith.constant 0 : i32
      %dma_wait3A_67 = tpu.memref_slice %arg19[%add3A_11, %dma_wait3A_66] : memref<10112x144xf32, #tpu.memory_space<vmem_shared>> -> memref<112x144xf32, #tpu.memory_space<vmem_shared>>
      tpu.wait_dma2 semaphore(%run_scoped3A : memref<!tpu.dma_semaphore, #tpu.memory_space<semaphore_mem>>) src(%arg14 : memref<112x144xf32, #tpu.memory_space<vmem>>) dst(%dma_wait3A_67 : memref<112x144xf32, #tpu.memory_space<vmem_shared>>)
      tpu.yield
    }) : () -> ()
    %mul3A_12 = arith.constant 632 : i32
    %mul3A_13 = arith.muli %arg1, %mul3A_12 : i32
    %add3A_14 = arith.constant 112 : i32
    %add3A_15 = arith.addi %mul3A_13, %add3A_14 : i32
    "tpu.region"() ({
      %run_scoped3A = tpu.sem_alloc : memref<!tpu.dma_semaphore, #tpu.memory_space<semaphore_mem>>
      %dma_start3A_60 = arith.constant 0 : i32
      %dma_start3A_61 = tpu.memref_slice %arg19[%add3A_15, %dma_start3A_60] : memref<10112x144xf32, #tpu.memory_space<vmem_shared>> -> memref<112x144xf32, #tpu.memory_space<vmem_shared>>
      %dma_start3A_62 = arith.constant 0 : i32
      %dma_start3A_63 = tpu.memref_slice %arg19[%add3A_15, %dma_start3A_62] : memref<10112x144xf32, #tpu.memory_space<vmem_shared>> -> memref<112x144xf32, #tpu.memory_space<vmem_shared>>
      tpu.enqueue_dma source(%arg14 : memref<112x144xf32, #tpu.memory_space<vmem>>) target(%dma_start3A_63 : memref<112x144xf32, #tpu.memory_space<vmem_shared>>) target_semaphore(%run_scoped3A : memref<!tpu.dma_semaphore, #tpu.memory_space<semaphore_mem>>)
      %dma_wait3A_64 = arith.constant 0 : i32
      %dma_wait3A_65 = tpu.memref_slice %arg19[%add3A_15, %dma_wait3A_64] : memref<10112x144xf32, #tpu.memory_space<vmem_shared>> -> memref<112x144xf32, #tpu.memory_space<vmem_shared>>
      %dma_wait3A_66 = arith.constant 0 : i32
      %dma_wait3A_67 = tpu.memref_slice %arg19[%add3A_15, %dma_wait3A_66] : memref<10112x144xf32, #tpu.memory_space<vmem_shared>> -> memref<112x144xf32, #tpu.memory_space<vmem_shared>>
      tpu.wait_dma2 semaphore(%run_scoped3A : memref<!tpu.dma_semaphore, #tpu.memory_space<semaphore_mem>>) src(%arg14 : memref<112x144xf32, #tpu.memory_space<vmem>>) dst(%dma_wait3A_67 : memref<112x144xf32, #tpu.memory_space<vmem_shared>>)
      tpu.yield
    }) : () -> ()
    %mul3A_16 = arith.constant 632 : i32
    %mul3A_17 = arith.muli %arg1, %mul3A_16 : i32
    %add3A_18 = arith.constant 224 : i32
    %add3A_19 = arith.addi %mul3A_17, %add3A_18 : i32
    "tpu.region"() ({
      %run_scoped3A = tpu.sem_alloc : memref<!tpu.dma_semaphore, #tpu.memory_space<semaphore_mem>>
      %dma_start3A_60 = arith.constant 0 : i32
      %dma_start3A_61 = tpu.memref_slice %arg19[%add3A_19, %dma_start3A_60] : memref<10112x144xf32, #tpu.memory_space<vmem_shared>> -> memref<112x144xf32, #tpu.memory_space<vmem_shared>>
      %dma_start3A_62 = arith.constant 0 : i32
      %dma_start3A_63 = tpu.memref_slice %arg19[%add3A_19, %dma_start3A_62] : memref<10112x144xf32, #tpu.memory_space<vmem_shared>> -> memref<112x144xf32, #tpu.memory_space<vmem_shared>>
      tpu.enqueue_dma source(%arg14 : memref<112x144xf32, #tpu.memory_space<vmem>>) target(%dma_start3A_63 : memref<112x144xf32, #tpu.memory_space<vmem_shared>>) target_semaphore(%run_scoped3A : memref<!tpu.dma_semaphore, #tpu.memory_space<semaphore_mem>>)
      %dma_wait3A_64 = arith.constant 0 : i32
      %dma_wait3A_65 = tpu.memref_slice %arg19[%add3A_19, %dma_wait3A_64] : memref<10112x144xf32, #tpu.memory_space<vmem_shared>> -> memref<112x144xf32, #tpu.memory_space<vmem_shared>>
      %dma_wait3A_66 = arith.constant 0 : i32
      %dma_wait3A_67 = tpu.memref_slice %arg19[%add3A_19, %dma_wait3A_66] : memref<10112x144xf32, #tpu.memory_space<vmem_shared>> -> memref<112x144xf32, #tpu.memory_space<vmem_shared>>
      tpu.wait_dma2 semaphore(%run_scoped3A : memref<!tpu.dma_semaphore, #tpu.memory_space<semaphore_mem>>) src(%arg14 : memref<112x144xf32, #tpu.memory_space<vmem>>) dst(%dma_wait3A_67 : memref<112x144xf32, #tpu.memory_space<vmem_shared>>)
      tpu.yield
    }) : () -> ()
    %mul3A_20 = arith.constant 632 : i32
    %mul3A_21 = arith.muli %arg1, %mul3A_20 : i32
    %add3A_22 = arith.constant 336 : i32
    %add3A_23 = arith.addi %mul3A_21, %add3A_22 : i32
    "tpu.region"() ({
      %run_scoped3A = tpu.sem_alloc : memref<!tpu.dma_semaphore, #tpu.memory_space<semaphore_mem>>
      %dma_start3A_60 = arith.constant 0 : i32
      %dma_start3A_61 = tpu.memref_slice %arg19[%add3A_23, %dma_start3A_60] : memref<10112x144xf32, #tpu.memory_space<vmem_shared>> -> memref<112x144xf32, #tpu.memory_space<vmem_shared>>
      %dma_start3A_62 = arith.constant 0 : i32
      %dma_start3A_63 = tpu.memref_slice %arg19[%add3A_23, %dma_start3A_62] : memref<10112x144xf32, #tpu.memory_space<vmem_shared>> -> memref<112x144xf32, #tpu.memory_space<vmem_shared>>
      tpu.enqueue_dma source(%arg14 : memref<112x144xf32, #tpu.memory_space<vmem>>) target(%dma_start3A_63 : memref<112x144xf32, #tpu.memory_space<vmem_shared>>) target_semaphore(%run_scoped3A : memref<!tpu.dma_semaphore, #tpu.memory_space<semaphore_mem>>)
      %dma_wait3A_64 = arith.constant 0 : i32
      %dma_wait3A_65 = tpu.memref_slice %arg19[%add3A_23, %dma_wait3A_64] : memref<10112x144xf32, #tpu.memory_space<vmem_shared>> -> memref<112x144xf32, #tpu.memory_space<vmem_shared>>
      %dma_wait3A_66 = arith.constant 0 : i32
      %dma_wait3A_67 = tpu.memref_slice %arg19[%add3A_23, %dma_wait3A_66] : memref<10112x144xf32, #tpu.memory_space<vmem_shared>> -> memref<112x144xf32, #tpu.memory_space<vmem_shared>>
      tpu.wait_dma2 semaphore(%run_scoped3A : memref<!tpu.dma_semaphore, #tpu.memory_space<semaphore_mem>>) src(%arg14 : memref<112x144xf32, #tpu.memory_space<vmem>>) dst(%dma_wait3A_67 : memref<112x144xf32, #tpu.memory_space<vmem_shared>>)
      tpu.yield
    }) : () -> ()
    %mul3A_24 = arith.constant 632 : i32
    %mul3A_25 = arith.muli %arg1, %mul3A_24 : i32
    %add3A_26 = arith.constant 448 : i32
    %add3A_27 = arith.addi %mul3A_25, %add3A_26 : i32
    "tpu.region"() ({
      %run_scoped3A = tpu.sem_alloc : memref<!tpu.dma_semaphore, #tpu.memory_space<semaphore_mem>>
      %dma_start3A_60 = arith.constant 0 : i32
      %dma_start3A_61 = tpu.memref_slice %arg19[%add3A_27, %dma_start3A_60] : memref<10112x144xf32, #tpu.memory_space<vmem_shared>> -> memref<112x144xf32, #tpu.memory_space<vmem_shared>>
      %dma_start3A_62 = arith.constant 0 : i32
      %dma_start3A_63 = tpu.memref_slice %arg19[%add3A_27, %dma_start3A_62] : memref<10112x144xf32, #tpu.memory_space<vmem_shared>> -> memref<112x144xf32, #tpu.memory_space<vmem_shared>>
      tpu.enqueue_dma source(%arg14 : memref<112x144xf32, #tpu.memory_space<vmem>>) target(%dma_start3A_63 : memref<112x144xf32, #tpu.memory_space<vmem_shared>>) target_semaphore(%run_scoped3A : memref<!tpu.dma_semaphore, #tpu.memory_space<semaphore_mem>>)
      %dma_wait3A_64 = arith.constant 0 : i32
      %dma_wait3A_65 = tpu.memref_slice %arg19[%add3A_27, %dma_wait3A_64] : memref<10112x144xf32, #tpu.memory_space<vmem_shared>> -> memref<112x144xf32, #tpu.memory_space<vmem_shared>>
      %dma_wait3A_66 = arith.constant 0 : i32
      %dma_wait3A_67 = tpu.memref_slice %arg19[%add3A_27, %dma_wait3A_66] : memref<10112x144xf32, #tpu.memory_space<vmem_shared>> -> memref<112x144xf32, #tpu.memory_space<vmem_shared>>
      tpu.wait_dma2 semaphore(%run_scoped3A : memref<!tpu.dma_semaphore, #tpu.memory_space<semaphore_mem>>) src(%arg14 : memref<112x144xf32, #tpu.memory_space<vmem>>) dst(%dma_wait3A_67 : memref<112x144xf32, #tpu.memory_space<vmem_shared>>)
      tpu.yield
    }) : () -> ()
    %mul3A_28 = arith.constant 632 : i32
    %mul3A_29 = arith.muli %arg1, %mul3A_28 : i32
    %add3A_30 = arith.constant 632 : i32
    %add3A_31 = arith.addi %mul3A_29, %add3A_30 : i32
    %sub3A = arith.constant 72 : i32
    %sub3A_32 = arith.subi %add3A_31, %sub3A : i32
    "tpu.region"() ({
      %run_scoped3A = tpu.sem_alloc : memref<!tpu.dma_semaphore, #tpu.memory_space<semaphore_mem>>
      %dma_start3A_60 = arith.constant 0 : i32
      %dma_start3A_61 = arith.constant 0 : i32
      %dma_start3A_62 = tpu.memref_slice %arg14[%dma_start3A_60, %dma_start3A_61] : memref<112x144xf32, #tpu.memory_space<vmem>> -> memref<72x144xf32, #tpu.memory_space<vmem>>
      %dma_start3A_63 = arith.constant 0 : i32
      %dma_start3A_64 = tpu.memref_slice %arg19[%sub3A_32, %dma_start3A_63] : memref<10112x144xf32, #tpu.memory_space<vmem_shared>> -> memref<72x144xf32, #tpu.memory_space<vmem_shared>>
      %dma_start3A_65 = arith.constant 0 : i32
      %dma_start3A_66 = tpu.memref_slice %arg19[%sub3A_32, %dma_start3A_65] : memref<10112x144xf32, #tpu.memory_space<vmem_shared>> -> memref<72x144xf32, #tpu.memory_space<vmem_shared>>
      %dma_start3A_67 = arith.constant 0 : i32
      %dma_start3A_68 = arith.constant 0 : i32
      %dma_start3A_69 = tpu.memref_slice %arg14[%dma_start3A_67, %dma_start3A_68] : memref<112x144xf32, #tpu.memory_space<vmem>> -> memref<72x144xf32, #tpu.memory_space<vmem>>
      tpu.enqueue_dma source(%dma_start3A_69 : memref<72x144xf32, #tpu.memory_space<vmem>>) target(%dma_start3A_66 : memref<72x144xf32, #tpu.memory_space<vmem_shared>>) target_semaphore(%run_scoped3A : memref<!tpu.dma_semaphore, #tpu.memory_space<semaphore_mem>>)
      %dma_wait3A_70 = arith.constant 0 : i32
      %dma_wait3A_71 = arith.constant 0 : i32
      %dma_wait3A_72 = tpu.memref_slice %arg14[%dma_wait3A_70, %dma_wait3A_71] : memref<112x144xf32, #tpu.memory_space<vmem>> -> memref<72x144xf32, #tpu.memory_space<vmem>>
      %dma_wait3A_73 = arith.constant 0 : i32
      %dma_wait3A_74 = tpu.memref_slice %arg19[%sub3A_32, %dma_wait3A_73] : memref<10112x144xf32, #tpu.memory_space<vmem_shared>> -> memref<72x144xf32, #tpu.memory_space<vmem_shared>>
      %dma_wait3A_75 = arith.constant 0 : i32
      %dma_wait3A_76 = tpu.memref_slice %arg19[%sub3A_32, %dma_wait3A_75] : memref<10112x144xf32, #tpu.memory_space<vmem_shared>> -> memref<72x144xf32, #tpu.memory_space<vmem_shared>>
      %dma_wait3A_77 = arith.constant 0 : i32
      %dma_wait3A_78 = arith.constant 0 : i32
      %dma_wait3A_79 = tpu.memref_slice %arg14[%dma_wait3A_77, %dma_wait3A_78] : memref<112x144xf32, #tpu.memory_space<vmem>> -> memref<72x144xf32, #tpu.memory_space<vmem>>
      tpu.wait_dma2 semaphore(%run_scoped3A : memref<!tpu.dma_semaphore, #tpu.memory_space<semaphore_mem>>) src(%dma_wait3A_79 : memref<72x144xf32, #tpu.memory_space<vmem>>) dst(%dma_wait3A_76 : memref<72x144xf32, #tpu.memory_space<vmem_shared>>)
      tpu.yield
    }) : () -> ()
    "tpu.region"() ({
      %run_scoped3A = tpu.sem_alloc : memref<!tpu.dma_semaphore, #tpu.memory_space<semaphore_mem>>
      tpu.enqueue_dma source(%arg6 : memref<16xf32, #tpu.memory_space<hbm>>) target(%arg18 : memref<16xf32, #tpu.memory_space<vmem>>) target_semaphore(%run_scoped3A : memref<!tpu.dma_semaphore, #tpu.memory_space<semaphore_mem>>)
      tpu.wait_dma2 semaphore(%run_scoped3A : memref<!tpu.dma_semaphore, #tpu.memory_space<semaphore_mem>>) src(%arg6 : memref<16xf32, #tpu.memory_space<hbm>>) dst(%arg18 : memref<16xf32, #tpu.memory_space<vmem>>)
      tpu.yield
    }) : () -> ()
    %barrier3A = arith.constant 0 : index
    tpu.barrier barrier_id(%barrier3A)
    %get3A = arith.constant 0 : index
    %get3A_33 = tpu.vector_load %arg18[%get3A] {strides = array<i32>} : memref<16xf32, #tpu.memory_space<vmem>>, vector<16xf32>,
    %get3A_34 = vector.shape_cast %get3A_33 : vector<16xf32> to vector<16xf32>
    "tpu.region"() ({
      %run_scoped3A = tpu.sem_alloc : memref<!tpu.dma_semaphore, #tpu.memory_space<semaphore_mem>>
      %dma_start3A_60 = tpu.memref_slice %arg4[%mul3A_2] : memref<322560xi32, #tpu.memory_space<hbm>> -> memref<112xi32, #tpu.memory_space<hbm>>
      %dma_start3A_61 = tpu.memref_slice %arg4[%mul3A_2] : memref<322560xi32, #tpu.memory_space<hbm>> -> memref<112xi32, #tpu.memory_space<hbm>>
      tpu.enqueue_dma source(%dma_start3A_61 : memref<112xi32, #tpu.memory_space<hbm>>) target(%arg8 : memref<112xi32, #tpu.memory_space<vmem>>) target_semaphore(%run_scoped3A : memref<!tpu.dma_semaphore, #tpu.memory_space<semaphore_mem>>)
      %dma_wait3A_62 = tpu.memref_slice %arg4[%mul3A_2] : memref<322560xi32, #tpu.memory_space<hbm>> -> memref<112xi32, #tpu.memory_space<hbm>>
      %dma_wait3A_63 = tpu.memref_slice %arg4[%mul3A_2] : memref<322560xi32, #tpu.memory_space<hbm>> -> memref<112xi32, #tpu.memory_space<hbm>>
      tpu.wait_dma2 semaphore(%run_scoped3A : memref<!tpu.dma_semaphore, #tpu.memory_space<semaphore_mem>>) src(%dma_wait3A_63 : memref<112xi32, #tpu.memory_space<hbm>>) dst(%arg8 : memref<112xi32, #tpu.memory_space<vmem>>)
      tpu.yield
    }) : () -> ()
    "tpu.region"() ({
      %run_scoped3A = tpu.sem_alloc : memref<!tpu.dma_semaphore, #tpu.memory_space<semaphore_mem>>
      %dma_start3A_60 = tpu.memref_slice %arg5[%mul3A_2] : memref<322560xi32, #tpu.memory_space<hbm>> -> memref<112xi32, #tpu.memory_space<hbm>>
      %dma_start3A_61 = tpu.memref_slice %arg5[%mul3A_2] : memref<322560xi32, #tpu.memory_space<hbm>> -> memref<112xi32, #tpu.memory_space<hbm>>
      tpu.enqueue_dma source(%dma_start3A_61 : memref<112xi32, #tpu.memory_space<hbm>>) target(%arg10 : memref<112xi32, #tpu.memory_space<vmem>>) target_semaphore(%run_scoped3A : memref<!tpu.dma_semaphore, #tpu.memory_space<semaphore_mem>>)
      %dma_wait3A_62 = tpu.memref_slice %arg5[%mul3A_2] : memref<322560xi32, #tpu.memory_space<hbm>> -> memref<112xi32, #tpu.memory_space<hbm>>
      %dma_wait3A_63 = tpu.memref_slice %arg5[%mul3A_2] : memref<322560xi32, #tpu.memory_space<hbm>> -> memref<112xi32, #tpu.memory_space<hbm>>
      tpu.wait_dma2 semaphore(%run_scoped3A : memref<!tpu.dma_semaphore, #tpu.memory_space<semaphore_mem>>) src(%dma_wait3A_63 : memref<112xi32, #tpu.memory_space<hbm>>) dst(%arg10 : memref<112xi32, #tpu.memory_space<vmem>>)
      tpu.yield
    }) : () -> ()
    %add3A_35 = arith.constant 112 : i32
    %add3A_36 = arith.addi %mul3A_2, %add3A_35 : i32
    %dma_start3A = tpu.memref_slice %arg4[%add3A_36] : memref<322560xi32, #tpu.memory_space<hbm>> -> memref<112xi32, #tpu.memory_space<hbm>>
    %dma_start3A_37 = tpu.memref_slice %arg4[%add3A_36] : memref<322560xi32, #tpu.memory_space<hbm>> -> memref<112xi32, #tpu.memory_space<hbm>>
    tpu.enqueue_dma source(%dma_start3A_37 : memref<112xi32, #tpu.memory_space<hbm>>) target(%arg9 : memref<112xi32, #tpu.memory_space<vmem>>) target_semaphore(%arg21 : memref<!tpu.dma_semaphore, #tpu.memory_space<semaphore_mem>>)
    %add3A_38 = arith.constant 112 : i32
    %add3A_39 = arith.addi %mul3A_2, %add3A_38 : i32
    %dma_start3A_40 = tpu.memref_slice %arg5[%add3A_39] : memref<322560xi32, #tpu.memory_space<hbm>> -> memref<112xi32, #tpu.memory_space<hbm>>
    %dma_start3A_41 = tpu.memref_slice %arg5[%add3A_39] : memref<322560xi32, #tpu.memory_space<hbm>> -> memref<112xi32, #tpu.memory_space<hbm>>
    tpu.enqueue_dma source(%dma_start3A_41 : memref<112xi32, #tpu.memory_space<hbm>>) target(%arg11 : memref<112xi32, #tpu.memory_space<vmem>>) target_semaphore(%arg23 : memref<!tpu.dma_semaphore, #tpu.memory_space<semaphore_mem>>)
    %dma_start3A_42 = arith.constant 0 : i32
    %dma_start3A_43 = arith.constant 0 : i32
    %dma_start3A_44 = tpu.memref_slice %arg2[%dma_start3A_42, %dma_start3A_43] : memref<10016x144xf32, #tpu.memory_space<hbm>> -> memref<10016x144xf32, #tpu.memory_space<hbm>>
    tpu.enqueue_indirect_dma source(%dma_start3A_44 : memref<10016x144xf32, #tpu.memory_space<hbm>>) target(%arg14 : memref<112x144xf32, #tpu.memory_space<vmem>>) offsets(%arg8 : memref<112xi32, #tpu.memory_space<vmem>>) semaphore(%arg24 : memref<!tpu.dma_semaphore, #tpu.memory_space<semaphore_mem>>)
    %dma_start3A_45 = arith.constant 0 : i32
    %dma_start3A_46 = arith.constant 0 : i32
    %dma_start3A_47 = tpu.memref_slice %arg3[%dma_start3A_45, %dma_start3A_46] : memref<10000x16xf32, #tpu.memory_space<hbm>> -> memref<10000x16xf32, #tpu.memory_space<hbm>>
    tpu.enqueue_indirect_dma source(%dma_start3A_47 : memref<10000x16xf32, #tpu.memory_space<hbm>>) target(%arg16 : memref<112x16xf32, #tpu.memory_space<vmem>>) offsets(%arg10 : memref<112xi32, #tpu.memory_space<vmem>>) semaphore(%arg26 : memref<!tpu.dma_semaphore, #tpu.memory_space<semaphore_mem>>)
    %scan3A_48 = arith.constant 0 : i32
    %scan3A_49 = arith.constant 45 : i32
    %scan3A_50 = arith.addi %scan3A_48, %scan3A_49 : i32
    %scan3A_51 = arith.constant 1 : i32
    scf.for %scan3A_60 = %scan3A_48 to %scan3A_50 step %scan3A_51  : i32 {
      %mul3A_61 = arith.constant 2 : i32
      %mul3A_62 = arith.muli %scan3A_60, %mul3A_61 : i32
      %add3A_63 = arith.constant 0 : i32
      %add3A_64 = arith.addi %add3A_63, %mul3A_62 : i32
      %add3A_65 = arith.constant 0 : i32
      %add3A_66 = arith.addi %add3A_64, %add3A_65 : i32
      %dma_wait3A_67 = arith.constant 0 : i32
      %dma_wait3A_68 = arith.constant 0 : i32
      %dma_wait3A_69 = tpu.memref_slice %arg2[%dma_wait3A_67, %dma_wait3A_68] : memref<10016x144xf32, #tpu.memory_space<hbm>> -> memref<10016x144xf32, #tpu.memory_space<hbm>>
      tpu.wait_indirect_dma semaphore(%arg24 : memref<!tpu.dma_semaphore, #tpu.memory_space<semaphore_mem>>) src(%dma_wait3A_69 : memref<10016x144xf32, #tpu.memory_space<hbm>>) dst(%arg14 : memref<112x144xf32, #tpu.memory_space<vmem>>)
      %dma_wait3A_70 = arith.constant 0 : i32
      %dma_wait3A_71 = arith.constant 0 : i32
      %dma_wait3A_72 = tpu.memref_slice %arg3[%dma_wait3A_70, %dma_wait3A_71] : memref<10000x16xf32, #tpu.memory_space<hbm>> -> memref<10000x16xf32, #tpu.memory_space<hbm>>
      tpu.wait_indirect_dma semaphore(%arg26 : memref<!tpu.dma_semaphore, #tpu.memory_space<semaphore_mem>>) src(%dma_wait3A_72 : memref<10000x16xf32, #tpu.memory_space<hbm>>) dst(%arg16 : memref<112x16xf32, #tpu.memory_space<vmem>>)
      %scan3A_73 = arith.constant 0 : i32
      %scan3A_74 = arith.constant 7 : i32
      %scan3A_75 = arith.addi %scan3A_73, %scan3A_74 : i32
      %scan3A_76 = arith.constant 1 : i32
      scf.for %scan3A_133 = %scan3A_73 to %scan3A_75 step %scan3A_76  : i32 {
        %mul3A_134 = arith.constant 16 : i32
        %mul3A_135 = arith.muli %scan3A_133, %mul3A_134 : i32
        %add3A_136 = arith.constant 0 : i32
        %add3A_137 = arith.addi %add3A_136, %mul3A_135 : i32
        %get3A_138 = arith.index_cast %add3A_137 : i32 to index
        %get3A_139 = tpu.vector_load %arg10[%get3A_138] {strides = array<i32>} : memref<112xi32, #tpu.memory_space<vmem>>, vector<16xi32>,
        %get3A_140 = vector.shape_cast %get3A_139 : vector<16xi32> to vector<16xi32>
        %swap3A = arith.index_cast %add3A_137 : i32 to index
        %swap3A_141 = tpu.vector_load %arg12[%swap3A] {strides = array<i32>} : memref<112xi32, #tpu.memory_space<vmem>>, vector<16xi32>,
        %swap3A_142 = vector.shape_cast %swap3A_141 : vector<16xi32> to vector<16xi32>
        %swap3A_143 = vector.shape_cast %get3A_140 : vector<16xi32> to vector<16xi32>
        tpu.vector_store %arg12[%swap3A], %swap3A_143 {strides = array<i32>} : memref<112xi32, #tpu.memory_space<vmem>>, vector<16xi32>,
      }
      %scan3A_77 = arith.constant 7 : i32
      %lt3A = arith.constant 88 : i32
      %lt3A_78 = arith.cmpi slt, %add3A_66, %lt3A : i32
      %convert_element_type3A = arith.extui %lt3A_78 : i1 to i32
      %cond3A = arith.constant 0 : i32
      %cond3A_79 = arith.cmpi ne, %convert_element_type3A, %cond3A : i32
      scf.if %cond3A_79 {
        %add3A_133 = arith.constant 2 : i32
        %add3A_134 = arith.addi %add3A_66, %add3A_133 : i32
        %mul3A_135 = arith.constant 112 : i32
        %mul3A_136 = arith.muli %add3A_134, %mul3A_135 : i32
        %add3A_137 = arith.addi %mul3A_2, %mul3A_136 : i32
        %dma_start3A_138 = tpu.memref_slice %arg4[%add3A_137] : memref<322560xi32, #tpu.memory_space<hbm>> -> memref<112xi32, #tpu.memory_space<hbm>>
        %dma_start3A_139 = tpu.memref_slice %arg4[%add3A_137] : memref<322560xi32, #tpu.memory_space<hbm>> -> memref<112xi32, #tpu.memory_space<hbm>>
        tpu.enqueue_dma source(%dma_start3A_139 : memref<112xi32, #tpu.memory_space<hbm>>) target(%arg8 : memref<112xi32, #tpu.memory_space<vmem>>) target_semaphore(%arg20 : memref<!tpu.dma_semaphore, #tpu.memory_space<semaphore_mem>>)
        %mul3A_140 = arith.constant 112 : i32
        %mul3A_141 = arith.muli %add3A_134, %mul3A_140 : i32
        %add3A_142 = arith.addi %mul3A_2, %mul3A_141 : i32
        %dma_start3A_143 = tpu.memref_slice %arg5[%add3A_142] : memref<322560xi32, #tpu.memory_space<hbm>> -> memref<112xi32, #tpu.memory_space<hbm>>
        %dma_start3A_144 = tpu.memref_slice %arg5[%add3A_142] : memref<322560xi32, #tpu.memory_space<hbm>> -> memref<112xi32, #tpu.memory_space<hbm>>
        tpu.enqueue_dma source(%dma_start3A_144 : memref<112xi32, #tpu.memory_space<hbm>>) target(%arg10 : memref<112xi32, #tpu.memory_space<vmem>>) target_semaphore(%arg22 : memref<!tpu.dma_semaphore, #tpu.memory_space<semaphore_mem>>)
      } else {
      }
      %ge3A = arith.constant 1 : i32
      %ge3A_80 = arith.cmpi sge, %add3A_66, %ge3A : i32
      %convert_element_type3A_81 = arith.extui %ge3A_80 : i1 to i32
      %cond3A_82 = arith.constant 0 : i32
      %cond3A_83 = arith.cmpi ne, %convert_element_type3A_81, %cond3A_82 : i32
      scf.if %cond3A_83 {
        %dma_wait3A_133 = arith.constant 0 : i32
        %dma_wait3A_134 = arith.constant 0 : i32
        %dma_wait3A_135 = tpu.memref_slice %arg19[%dma_wait3A_133, %dma_wait3A_134] : memref<10112x144xf32, #tpu.memory_space<vmem_shared>> -> memref<10112x144xf32, #tpu.memory_space<vmem_shared>>
        tpu.wait_indirect_dma semaphore(%arg29 : memref<!tpu.dma_semaphore, #tpu.memory_space<semaphore_mem>>) src(%arg15 : memref<112x144xf32, #tpu.memory_space<vmem>>) dst(%dma_wait3A_135 : memref<10112x144xf32, #tpu.memory_space<vmem_shared>>)
      } else {
      }
      %lt3A_84 = arith.constant 89 : i32
      %lt3A_85 = arith.cmpi slt, %add3A_66, %lt3A_84 : i32
      %convert_element_type3A_86 = arith.extui %lt3A_85 : i1 to i32
      %cond3A_87 = arith.constant 0 : i32
      %cond3A_88 = arith.cmpi ne, %convert_element_type3A_86, %cond3A_87 : i32
      scf.if %cond3A_88 {
        %dma_wait3A_133 = tpu.memref_slice %arg4[%mul3A_2] : memref<322560xi32, #tpu.memory_space<hbm>> -> memref<112xi32, #tpu.memory_space<hbm>>
        %dma_wait3A_134 = tpu.memref_slice %arg4[%mul3A_2] : memref<322560xi32, #tpu.memory_space<hbm>> -> memref<112xi32, #tpu.memory_space<hbm>>
        tpu.wait_dma2 semaphore(%arg21 : memref<!tpu.dma_semaphore, #tpu.memory_space<semaphore_mem>>) src(%dma_wait3A_134 : memref<112xi32, #tpu.memory_space<hbm>>) dst(%arg9 : memref<112xi32, #tpu.memory_space<vmem>>)
        %dma_wait3A_135 = tpu.memref_slice %arg5[%mul3A_2] : memref<322560xi32, #tpu.memory_space<hbm>> -> memref<112xi32, #tpu.memory_space<hbm>>
        %dma_wait3A_136 = tpu.memref_slice %arg5[%mul3A_2] : memref<322560xi32, #tpu.memory_space<hbm>> -> memref<112xi32, #tpu.memory_space<hbm>>
        tpu.wait_dma2 semaphore(%arg23 : memref<!tpu.dma_semaphore, #tpu.memory_space<semaphore_mem>>) src(%dma_wait3A_136 : memref<112xi32, #tpu.memory_space<hbm>>) dst(%arg11 : memref<112xi32, #tpu.memory_space<vmem>>)
        %dma_start3A_137 = arith.constant 0 : i32
        %dma_start3A_138 = arith.constant 0 : i32
        %dma_start3A_139 = tpu.memref_slice %arg2[%dma_start3A_137, %dma_start3A_138] : memref<10016x144xf32, #tpu.memory_space<hbm>> -> memref<10016x144xf32, #tpu.memory_space<hbm>>
        tpu.enqueue_indirect_dma source(%dma_start3A_139 : memref<10016x144xf32, #tpu.memory_space<hbm>>) target(%arg15 : memref<112x144xf32, #tpu.memory_space<vmem>>) offsets(%arg9 : memref<112xi32, #tpu.memory_space<vmem>>) semaphore(%arg25 : memref<!tpu.dma_semaphore, #tpu.memory_space<semaphore_mem>>)
        %dma_start3A_140 = arith.constant 0 : i32
        %dma_start3A_141 = arith.constant 0 : i32
        %dma_start3A_142 = tpu.memref_slice %arg3[%dma_start3A_140, %dma_start3A_141] : memref<10000x16xf32, #tpu.memory_space<hbm>> -> memref<10000x16xf32, #tpu.memory_space<hbm>>
        tpu.enqueue_indirect_dma source(%dma_start3A_142 : memref<10000x16xf32, #tpu.memory_space<hbm>>) target(%arg17 : memref<112x16xf32, #tpu.memory_space<vmem>>) offsets(%arg11 : memref<112xi32, #tpu.memory_space<vmem>>) semaphore(%arg27 : memref<!tpu.dma_semaphore, #tpu.memory_space<semaphore_mem>>)
      } else {
      }
      %scan3A_89 = arith.constant 0 : i32
      %scan3A_90 = arith.constant 112 : i32
      %scan3A_91 = arith.addi %scan3A_89, %scan3A_90 : i32
      %scan3A_92 = arith.constant 2 : i32
      scf.for %scan3A_133 = %scan3A_89 to %scan3A_91 step %scan3A_92  : i32 {
        %mul3A_134 = arith.constant 1 : i32
        %mul3A_135 = arith.muli %scan3A_133, %mul3A_134 : i32
        %add3A_136 = arith.constant 0 : i32
        %add3A_137 = arith.addi %add3A_136, %mul3A_135 : i32
        %get3A_138 = arith.index_cast %add3A_137 : i32 to index
        %get3A_139 = arith.constant 128 : index
        %get3A_140 = tpu.vector_load %arg14[%get3A_138, %get3A_139] {strides = array<i32>} : memref<112x144xf32, #tpu.memory_space<vmem>>, vector<1x16xf32>,
        %get3A_141 = vector.shape_cast %get3A_140 : vector<1x16xf32> to vector<16xf32>
        %get3A_142 = arith.index_cast %add3A_137 : i32 to index
        %get3A_143 = arith.constant 0 : index
        %get3A_144 = tpu.vector_load %arg16[%get3A_142, %get3A_143] {strides = array<i32>} : memref<112x16xf32, #tpu.memory_space<vmem>>, vector<1x16xf32>,
        %get3A_145 = vector.shape_cast %get3A_144 : vector<1x16xf32> to vector<16xf32>
        %add3A_146 = arith.addf %get3A_141, %get3A_145 : vector<16xf32>
        %ge3A_147 = arith.constant 0.000000e+00 : f32
        %ge3A_148 = vector.broadcast %ge3A_147 : f32 to vector<16xf32>
        %ge3A_149 = arith.cmpf oge, %add3A_146, %ge3A_148 : vector<16xf32>
        %mul3A_150 = arith.constant 2.000000e-01 : f32
        %mul3A_151 = vector.broadcast %mul3A_150 : f32 to vector<16xf32>
        %mul3A_152 = arith.mulf %mul3A_151, %add3A_146 : vector<16xf32>
        %select_n3A = arith.select %ge3A_149, %add3A_146, %mul3A_152 : vector<16xi1>, vector<16xf32>
        %sub3A_153 = arith.subf %select_n3A, %get3A_34 : vector<16xf32>
        %exp3A = math.exp %sub3A_153 : vector<16xf32>
        %swap3A = arith.index_cast %add3A_137 : i32 to index
        %swap3A_154 = arith.constant 128 : index
        %swap3A_155 = tpu.vector_load %arg14[%swap3A, %swap3A_154] {strides = array<i32>} : memref<112x144xf32, #tpu.memory_space<vmem>>, vector<1x16xf32>,
        %swap3A_156 = vector.shape_cast %swap3A_155 : vector<1x16xf32> to vector<16xf32>
        %swap3A_157 = vector.shape_cast %exp3A : vector<16xf32> to vector<1x16xf32>
        tpu.vector_store %arg14[%swap3A, %swap3A_154], %swap3A_157 {strides = array<i32>} : memref<112x144xf32, #tpu.memory_space<vmem>>, vector<1x16xf32>,
        %broadcast_in_dim3A_158 = arith.constant 0 : i32
        %broadcast_in_dim3A_159 = vector.broadcast %broadcast_in_dim3A_158 : i32 to vector<16x1xi32>
        %gather3A = vector.shape_cast %broadcast_in_dim3A_159 : vector<16x1xi32> to vector<16xi32>
        %gather3A_160 = tpu.dynamic_gather %exp3A[%gather3A] in [0] : vector<16xf32>, vector<16xi32> -> vector<16xf32>
        %get3A_161 = arith.index_cast %add3A_137 : i32 to index
        %get3A_162 = arith.constant 0 : index
        %get3A_163 = tpu.vector_load %arg14[%get3A_161, %get3A_162] {strides = array<i32>} : memref<112x144xf32, #tpu.memory_space<vmem>>, vector<1x16xf32>,
        %get3A_164 = vector.shape_cast %get3A_163 : vector<1x16xf32> to vector<16xf32>
        %mul3A_165 = arith.mulf %get3A_164, %gather3A_160 : vector<16xf32>
        %swap3A_166 = arith.index_cast %add3A_137 : i32 to index
        %swap3A_167 = arith.constant 0 : index
        %swap3A_168 = tpu.vector_load %arg14[%swap3A_166, %swap3A_167] {strides = array<i32>} : memref<112x144xf32, #tpu.memory_space<vmem>>, vector<1x16xf32>,
        %swap3A_169 = vector.shape_cast %swap3A_168 : vector<1x16xf32> to vector<16xf32>
        %swap3A_170 = vector.shape_cast %mul3A_165 : vector<16xf32> to vector<1x16xf32>
        tpu.vector_store %arg14[%swap3A_166, %swap3A_167], %swap3A_170 {strides = array<i32>} : memref<112x144xf32, #tpu.memory_space<vmem>>, vector<1x16xf32>,
        %broadcast_in_dim3A_171 = arith.constant 1 : i32
        %broadcast_in_dim3A_172 = vector.broadcast %broadcast_in_dim3A_171 : i32 to vector<16x1xi32>
        %gather3A_173 = vector.shape_cast %broadcast_in_dim3A_172 : vector<16x1xi32> to vector<16xi32>
        %gather3A_174 = tpu.dynamic_gather %exp3A[%gather3A_173] in [0] : vector<16xf32>, vector<16xi32> -> vector<16xf32>
        %get3A_175 = arith.index_cast %add3A_137 : i32 to index
        %get3A_176 = arith.constant 16 : index
        %get3A_177 = tpu.vector_load %arg14[%get3A_175, %get3A_176] {strides = array<i32>} : memref<112x144xf32, #tpu.memory_space<vmem>>, vector<1x16xf32>,
        %get3A_178 = vector.shape_cast %get3A_177 : vector<1x16xf32> to vector<16xf32>
        %mul3A_179 = arith.mulf %get3A_178, %gather3A_174 : vector<16xf32>
        %swap3A_180 = arith.index_cast %add3A_137 : i32 to index
        %swap3A_181 = arith.constant 16 : index
        %swap3A_182 = tpu.vector_load %arg14[%swap3A_180, %swap3A_181] {strides = array<i32>} : memref<112x144xf32, #tpu.memory_space<vmem>>, vector<1x16xf32>,
        %swap3A_183 = vector.shape_cast %swap3A_182 : vector<1x16xf32> to vector<16xf32>
        %swap3A_184 = vector.shape_cast %mul3A_179 : vector<16xf32> to vector<1x16xf32>
        tpu.vector_store %arg14[%swap3A_180, %swap3A_181], %swap3A_184 {strides = array<i32>} : memref<112x144xf32, #tpu.memory_space<vmem>>, vector<1x16xf32>,
        %broadcast_in_dim3A_185 = arith.constant 2 : i32
        %broadcast_in_dim3A_186 = vector.broadcast %broadcast_in_dim3A_185 : i32 to vector<16x1xi32>
        %gather3A_187 = vector.shape_cast %broadcast_in_dim3A_186 : vector<16x1xi32> to vector<16xi32>
        %gather3A_188 = tpu.dynamic_gather %exp3A[%gather3A_187] in [0] : vector<16xf32>, vector<16xi32> -> vector<16xf32>
        %get3A_189 = arith.index_cast %add3A_137 : i32 to index
        %get3A_190 = arith.constant 32 : index
        %get3A_191 = tpu.vector_load %arg14[%get3A_189, %get3A_190] {strides = array<i32>} : memref<112x144xf32, #tpu.memory_space<vmem>>, vector<1x16xf32>,
        %get3A_192 = vector.shape_cast %get3A_191 : vector<1x16xf32> to vector<16xf32>
        %mul3A_193 = arith.mulf %get3A_192, %gather3A_188 : vector<16xf32>
        %swap3A_194 = arith.index_cast %add3A_137 : i32 to index
        %swap3A_195 = arith.constant 32 : index
        %swap3A_196 = tpu.vector_load %arg14[%swap3A_194, %swap3A_195] {strides = array<i32>} : memref<112x144xf32, #tpu.memory_space<vmem>>, vector<1x16xf32>,
        %swap3A_197 = vector.shape_cast %swap3A_196 : vector<1x16xf32> to vector<16xf32>
        %swap3A_198 = vector.shape_cast %mul3A_193 : vector<16xf32> to vector<1x16xf32>
        tpu.vector_store %arg14[%swap3A_194, %swap3A_195], %swap3A_198 {strides = array<i32>} : memref<112x144xf32, #tpu.memory_space<vmem>>, vector<1x16xf32>,
        %broadcast_in_dim3A_199 = arith.constant 3 : i32
        %broadcast_in_dim3A_200 = vector.broadcast %broadcast_in_dim3A_199 : i32 to vector<16x1xi32>
        %gather3A_201 = vector.shape_cast %broadcast_in_dim3A_200 : vector<16x1xi32> to vector<16xi32>
        %gather3A_202 = tpu.dynamic_gather %exp3A[%gather3A_201] in [0] : vector<16xf32>, vector<16xi32> -> vector<16xf32>
        %get3A_203 = arith.index_cast %add3A_137 : i32 to index
        %get3A_204 = arith.constant 48 : index
        %get3A_205 = tpu.vector_load %arg14[%get3A_203, %get3A_204] {strides = array<i32>} : memref<112x144xf32, #tpu.memory_space<vmem>>, vector<1x16xf32>,
        %get3A_206 = vector.shape_cast %get3A_205 : vector<1x16xf32> to vector<16xf32>
        %mul3A_207 = arith.mulf %get3A_206, %gather3A_202 : vector<16xf32>
        %swap3A_208 = arith.index_cast %add3A_137 : i32 to index
        %swap3A_209 = arith.constant 48 : index
        %swap3A_210 = tpu.vector_load %arg14[%swap3A_208, %swap3A_209] {strides = array<i32>} : memref<112x144xf32, #tpu.memory_space<vmem>>, vector<1x16xf32>,
        %swap3A_211 = vector.shape_cast %swap3A_210 : vector<1x16xf32> to vector<16xf32>
        %swap3A_212 = vector.shape_cast %mul3A_207 : vector<16xf32> to vector<1x16xf32>
        tpu.vector_store %arg14[%swap3A_208, %swap3A_209], %swap3A_212 {strides = array<i32>} : memref<112x144xf32, #tpu.memory_space<vmem>>, vector<1x16xf32>,
        %broadcast_in_dim3A_213 = arith.constant 4 : i32
        %broadcast_in_dim3A_214 = vector.broadcast %broadcast_in_dim3A_213 : i32 to vector<16x1xi32>
        %gather3A_215 = vector.shape_cast %broadcast_in_dim3A_214 : vector<16x1xi32> to vector<16xi32>
        %gather3A_216 = tpu.dynamic_gather %exp3A[%gather3A_215] in [0] : vector<16xf32>, vector<16xi32> -> vector<16xf32>
        %get3A_217 = arith.index_cast %add3A_137 : i32 to index
        %get3A_218 = arith.constant 64 : index
        %get3A_219 = tpu.vector_load %arg14[%get3A_217, %get3A_218] {strides = array<i32>} : memref<112x144xf32, #tpu.memory_space<vmem>>, vector<1x16xf32>,
        %get3A_220 = vector.shape_cast %get3A_219 : vector<1x16xf32> to vector<16xf32>
        %mul3A_221 = arith.mulf %get3A_220, %gather3A_216 : vector<16xf32>
        %swap3A_222 = arith.index_cast %add3A_137 : i32 to index
        %swap3A_223 = arith.constant 64 : index
        %swap3A_224 = tpu.vector_load %arg14[%swap3A_222, %swap3A_223] {strides = array<i32>} : memref<112x144xf32, #tpu.memory_space<vmem>>, vector<1x16xf32>,
        %swap3A_225 = vector.shape_cast %swap3A_224 : vector<1x16xf32> to vector<16xf32>
        %swap3A_226 = vector.shape_cast %mul3A_221 : vector<16xf32> to vector<1x16xf32>
        tpu.vector_store %arg14[%swap3A_222, %swap3A_223], %swap3A_226 {strides = array<i32>} : memref<112x144xf32, #tpu.memory_space<vmem>>, vector<1x16xf32>,
        %broadcast_in_dim3A_227 = arith.constant 5 : i32
        %broadcast_in_dim3A_228 = vector.broadcast %broadcast_in_dim3A_227 : i32 to vector<16x1xi32>
        %gather3A_229 = vector.shape_cast %broadcast_in_dim3A_228 : vector<16x1xi32> to vector<16xi32>
        %gather3A_230 = tpu.dynamic_gather %exp3A[%gather3A_229] in [0] : vector<16xf32>, vector<16xi32> -> vector<16xf32>
        %get3A_231 = arith.index_cast %add3A_137 : i32 to index
        %get3A_232 = arith.constant 80 : index
        %get3A_233 = tpu.vector_load %arg14[%get3A_231, %get3A_232] {strides = array<i32>} : memref<112x144xf32, #tpu.memory_space<vmem>>, vector<1x16xf32>,
        %get3A_234 = vector.shape_cast %get3A_233 : vector<1x16xf32> to vector<16xf32>
        %mul3A_235 = arith.mulf %get3A_234, %gather3A_230 : vector<16xf32>
        %swap3A_236 = arith.index_cast %add3A_137 : i32 to index
        %swap3A_237 = arith.constant 80 : index
        %swap3A_238 = tpu.vector_load %arg14[%swap3A_236, %swap3A_237] {strides = array<i32>} : memref<112x144xf32, #tpu.memory_space<vmem>>, vector<1x16xf32>,
        %swap3A_239 = vector.shape_cast %swap3A_238 : vector<1x16xf32> to vector<16xf32>
        %swap3A_240 = vector.shape_cast %mul3A_235 : vector<16xf32> to vector<1x16xf32>
        tpu.vector_store %arg14[%swap3A_236, %swap3A_237], %swap3A_240 {strides = array<i32>} : memref<112x144xf32, #tpu.memory_space<vmem>>, vector<1x16xf32>,
        %broadcast_in_dim3A_241 = arith.constant 6 : i32
        %broadcast_in_dim3A_242 = vector.broadcast %broadcast_in_dim3A_241 : i32 to vector<16x1xi32>
        %gather3A_243 = vector.shape_cast %broadcast_in_dim3A_242 : vector<16x1xi32> to vector<16xi32>
        %gather3A_244 = tpu.dynamic_gather %exp3A[%gather3A_243] in [0] : vector<16xf32>, vector<16xi32> -> vector<16xf32>
        %get3A_245 = arith.index_cast %add3A_137 : i32 to index
        %get3A_246 = arith.constant 96 : index
        %get3A_247 = tpu.vector_load %arg14[%get3A_245, %get3A_246] {strides = array<i32>} : memref<112x144xf32, #tpu.memory_space<vmem>>, vector<1x16xf32>,
        %get3A_248 = vector.shape_cast %get3A_247 : vector<1x16xf32> to vector<16xf32>
        %mul3A_249 = arith.mulf %get3A_248, %gather3A_244 : vector<16xf32>
        %swap3A_250 = arith.index_cast %add3A_137 : i32 to index
        %swap3A_251 = arith.constant 96 : index
        %swap3A_252 = tpu.vector_load %arg14[%swap3A_250, %swap3A_251] {strides = array<i32>} : memref<112x144xf32, #tpu.memory_space<vmem>>, vector<1x16xf32>,
        %swap3A_253 = vector.shape_cast %swap3A_252 : vector<1x16xf32> to vector<16xf32>
        %swap3A_254 = vector.shape_cast %mul3A_249 : vector<16xf32> to vector<1x16xf32>
        tpu.vector_store %arg14[%swap3A_250, %swap3A_251], %swap3A_254 {strides = array<i32>} : memref<112x144xf32, #tpu.memory_space<vmem>>, vector<1x16xf32>,
        %broadcast_in_dim3A_255 = arith.constant 7 : i32
        %broadcast_in_dim3A_256 = vector.broadcast %broadcast_in_dim3A_255 : i32 to vector<16x1xi32>
        %gather3A_257 = vector.shape_cast %broadcast_in_dim3A_256 : vector<16x1xi32> to vector<16xi32>
        %gather3A_258 = tpu.dynamic_gather %exp3A[%gather3A_257] in [0] : vector<16xf32>, vector<16xi32> -> vector<16xf32>
        %get3A_259 = arith.index_cast %add3A_137 : i32 to index
        %get3A_260 = arith.constant 112 : index
        %get3A_261 = tpu.vector_load %arg14[%get3A_259, %get3A_260] {strides = array<i32>} : memref<112x144xf32, #tpu.memory_space<vmem>>, vector<1x16xf32>,
        %get3A_262 = vector.shape_cast %get3A_261 : vector<1x16xf32> to vector<16xf32>
        %mul3A_263 = arith.mulf %get3A_262, %gather3A_258 : vector<16xf32>
        %swap3A_264 = arith.index_cast %add3A_137 : i32 to index
        %swap3A_265 = arith.constant 112 : index
        %swap3A_266 = tpu.vector_load %arg14[%swap3A_264, %swap3A_265] {strides = array<i32>} : memref<112x144xf32, #tpu.memory_space<vmem>>, vector<1x16xf32>,
        %swap3A_267 = vector.shape_cast %swap3A_266 : vector<1x16xf32> to vector<16xf32>
        %swap3A_268 = vector.shape_cast %mul3A_263 : vector<16xf32> to vector<1x16xf32>
        tpu.vector_store %arg14[%swap3A_264, %swap3A_265], %swap3A_268 {strides = array<i32>} : memref<112x144xf32, #tpu.memory_space<vmem>>, vector<1x16xf32>,
        %scan3A_269 = arith.constant 1 : i32
        %scan3A_270 = arith.addi %scan3A_133, %scan3A_269 : i32
        %mul3A_271 = arith.constant 1 : i32
        %mul3A_272 = arith.muli %scan3A_270, %mul3A_271 : i32
        %add3A_273 = arith.constant 0 : i32
        %add3A_274 = arith.addi %add3A_273, %mul3A_272 : i32
        %get3A_275 = arith.index_cast %add3A_274 : i32 to index
        %get3A_276 = arith.constant 128 : index
        %get3A_277 = tpu.vector_load %arg14[%get3A_275, %get3A_276] {strides = array<i32>} : memref<112x144xf32, #tpu.memory_space<vmem>>, vector<1x16xf32>,
        %get3A_278 = vector.shape_cast %get3A_277 : vector<1x16xf32> to vector<16xf32>
        %get3A_279 = arith.index_cast %add3A_274 : i32 to index
        %get3A_280 = arith.constant 0 : index
        %get3A_281 = tpu.vector_load %arg16[%get3A_279, %get3A_280] {strides = array<i32>} : memref<112x16xf32, #tpu.memory_space<vmem>>, vector<1x16xf32>,
        %get3A_282 = vector.shape_cast %get3A_281 : vector<1x16xf32> to vector<16xf32>
        %add3A_283 = arith.addf %get3A_278, %get3A_282 : vector<16xf32>
        %ge3A_284 = arith.constant 0.000000e+00 : f32
        %ge3A_285 = vector.broadcast %ge3A_284 : f32 to vector<16xf32>
        %ge3A_286 = arith.cmpf oge, %add3A_283, %ge3A_285 : vector<16xf32>
        %mul3A_287 = arith.constant 2.000000e-01 : f32
        %mul3A_288 = vector.broadcast %mul3A_287 : f32 to vector<16xf32>
        %mul3A_289 = arith.mulf %mul3A_288, %add3A_283 : vector<16xf32>
        %select_n3A_290 = arith.select %ge3A_286, %add3A_283, %mul3A_289 : vector<16xi1>, vector<16xf32>
        %sub3A_291 = arith.subf %select_n3A_290, %get3A_34 : vector<16xf32>
        %exp3A_292 = math.exp %sub3A_291 : vector<16xf32>
        %swap3A_293 = arith.index_cast %add3A_274 : i32 to index
        %swap3A_294 = arith.constant 128 : index
        %swap3A_295 = tpu.vector_load %arg14[%swap3A_293, %swap3A_294] {strides = array<i32>} : memref<112x144xf32, #tpu.memory_space<vmem>>, vector<1x16xf32>,
        %swap3A_296 = vector.shape_cast %swap3A_295 : vector<1x16xf32> to vector<16xf32>
        %swap3A_297 = vector.shape_cast %exp3A_292 : vector<16xf32> to vector<1x16xf32>
        tpu.vector_store %arg14[%swap3A_293, %swap3A_294], %swap3A_297 {strides = array<i32>} : memref<112x144xf32, #tpu.memory_space<vmem>>, vector<1x16xf32>,
        %broadcast_in_dim3A_298 = arith.constant 0 : i32
        %broadcast_in_dim3A_299 = vector.broadcast %broadcast_in_dim3A_298 : i32 to vector<16x1xi32>
        %gather3A_300 = vector.shape_cast %broadcast_in_dim3A_299 : vector<16x1xi32> to vector<16xi32>
        %gather3A_301 = tpu.dynamic_gather %exp3A_292[%gather3A_300] in [0] : vector<16xf32>, vector<16xi32> -> vector<16xf32>
        %get3A_302 = arith.index_cast %add3A_274 : i32 to index
        %get3A_303 = arith.constant 0 : index
        %get3A_304 = tpu.vector_load %arg14[%get3A_302, %get3A_303] {strides = array<i32>} : memref<112x144xf32, #tpu.memory_space<vmem>>, vector<1x16xf32>,
        %get3A_305 = vector.shape_cast %get3A_304 : vector<1x16xf32> to vector<16xf32>
        %mul3A_306 = arith.mulf %get3A_305, %gather3A_301 : vector<16xf32>
        %swap3A_307 = arith.index_cast %add3A_274 : i32 to index
        %swap3A_308 = arith.constant 0 : index
        %swap3A_309 = tpu.vector_load %arg14[%swap3A_307, %swap3A_308] {strides = array<i32>} : memref<112x144xf32, #tpu.memory_space<vmem>>, vector<1x16xf32>,
        %swap3A_310 = vector.shape_cast %swap3A_309 : vector<1x16xf32> to vector<16xf32>
        %swap3A_311 = vector.shape_cast %mul3A_306 : vector<16xf32> to vector<1x16xf32>
        tpu.vector_store %arg14[%swap3A_307, %swap3A_308], %swap3A_311 {strides = array<i32>} : memref<112x144xf32, #tpu.memory_space<vmem>>, vector<1x16xf32>,
        %broadcast_in_dim3A_312 = arith.constant 1 : i32
        %broadcast_in_dim3A_313 = vector.broadcast %broadcast_in_dim3A_312 : i32 to vector<16x1xi32>
        %gather3A_314 = vector.shape_cast %broadcast_in_dim3A_313 : vector<16x1xi32> to vector<16xi32>
        %gather3A_315 = tpu.dynamic_gather %exp3A_292[%gather3A_314] in [0] : vector<16xf32>, vector<16xi32> -> vector<16xf32>
        %get3A_316 = arith.index_cast %add3A_274 : i32 to index
        %get3A_317 = arith.constant 16 : index
        %get3A_318 = tpu.vector_load %arg14[%get3A_316, %get3A_317] {strides = array<i32>} : memref<112x144xf32, #tpu.memory_space<vmem>>, vector<1x16xf32>,
        %get3A_319 = vector.shape_cast %get3A_318 : vector<1x16xf32> to vector<16xf32>
        %mul3A_320 = arith.mulf %get3A_319, %gather3A_315 : vector<16xf32>
        %swap3A_321 = arith.index_cast %add3A_274 : i32 to index
        %swap3A_322 = arith.constant 16 : index
        %swap3A_323 = tpu.vector_load %arg14[%swap3A_321, %swap3A_322] {strides = array<i32>} : memref<112x144xf32, #tpu.memory_space<vmem>>, vector<1x16xf32>,
        %swap3A_324 = vector.shape_cast %swap3A_323 : vector<1x16xf32> to vector<16xf32>
        %swap3A_325 = vector.shape_cast %mul3A_320 : vector<16xf32> to vector<1x16xf32>
        tpu.vector_store %arg14[%swap3A_321, %swap3A_322], %swap3A_325 {strides = array<i32>} : memref<112x144xf32, #tpu.memory_space<vmem>>, vector<1x16xf32>,
        %broadcast_in_dim3A_326 = arith.constant 2 : i32
        %broadcast_in_dim3A_327 = vector.broadcast %broadcast_in_dim3A_326 : i32 to vector<16x1xi32>
        %gather3A_328 = vector.shape_cast %broadcast_in_dim3A_327 : vector<16x1xi32> to vector<16xi32>
        %gather3A_329 = tpu.dynamic_gather %exp3A_292[%gather3A_328] in [0] : vector<16xf32>, vector<16xi32> -> vector<16xf32>
        %get3A_330 = arith.index_cast %add3A_274 : i32 to index
        %get3A_331 = arith.constant 32 : index
        %get3A_332 = tpu.vector_load %arg14[%get3A_330, %get3A_331] {strides = array<i32>} : memref<112x144xf32, #tpu.memory_space<vmem>>, vector<1x16xf32>,
        %get3A_333 = vector.shape_cast %get3A_332 : vector<1x16xf32> to vector<16xf32>
        %mul3A_334 = arith.mulf %get3A_333, %gather3A_329 : vector<16xf32>
        %swap3A_335 = arith.index_cast %add3A_274 : i32 to index
        %swap3A_336 = arith.constant 32 : index
        %swap3A_337 = tpu.vector_load %arg14[%swap3A_335, %swap3A_336] {strides = array<i32>} : memref<112x144xf32, #tpu.memory_space<vmem>>, vector<1x16xf32>,
        %swap3A_338 = vector.shape_cast %swap3A_337 : vector<1x16xf32> to vector<16xf32>
        %swap3A_339 = vector.shape_cast %mul3A_334 : vector<16xf32> to vector<1x16xf32>
        tpu.vector_store %arg14[%swap3A_335, %swap3A_336], %swap3A_339 {strides = array<i32>} : memref<112x144xf32, #tpu.memory_space<vmem>>, vector<1x16xf32>,
        %broadcast_in_dim3A_340 = arith.constant 3 : i32
        %broadcast_in_dim3A_341 = vector.broadcast %broadcast_in_dim3A_340 : i32 to vector<16x1xi32>
        %gather3A_342 = vector.shape_cast %broadcast_in_dim3A_341 : vector<16x1xi32> to vector<16xi32>
        %gather3A_343 = tpu.dynamic_gather %exp3A_292[%gather3A_342] in [0] : vector<16xf32>, vector<16xi32> -> vector<16xf32>
        %get3A_344 = arith.index_cast %add3A_274 : i32 to index
        %get3A_345 = arith.constant 48 : index
        %get3A_346 = tpu.vector_load %arg14[%get3A_344, %get3A_345] {strides = array<i32>} : memref<112x144xf32, #tpu.memory_space<vmem>>, vector<1x16xf32>,
        %get3A_347 = vector.shape_cast %get3A_346 : vector<1x16xf32> to vector<16xf32>
        %mul3A_348 = arith.mulf %get3A_347, %gather3A_343 : vector<16xf32>
        %swap3A_349 = arith.index_cast %add3A_274 : i32 to index
        %swap3A_350 = arith.constant 48 : index
        %swap3A_351 = tpu.vector_load %arg14[%swap3A_349, %swap3A_350] {strides = array<i32>} : memref<112x144xf32, #tpu.memory_space<vmem>>, vector<1x16xf32>,
        %swap3A_352 = vector.shape_cast %swap3A_351 : vector<1x16xf32> to vector<16xf32>
        %swap3A_353 = vector.shape_cast %mul3A_348 : vector<16xf32> to vector<1x16xf32>
        tpu.vector_store %arg14[%swap3A_349, %swap3A_350], %swap3A_353 {strides = array<i32>} : memref<112x144xf32, #tpu.memory_space<vmem>>, vector<1x16xf32>,
        %broadcast_in_dim3A_354 = arith.constant 4 : i32
        %broadcast_in_dim3A_355 = vector.broadcast %broadcast_in_dim3A_354 : i32 to vector<16x1xi32>
        %gather3A_356 = vector.shape_cast %broadcast_in_dim3A_355 : vector<16x1xi32> to vector<16xi32>
        %gather3A_357 = tpu.dynamic_gather %exp3A_292[%gather3A_356] in [0] : vector<16xf32>, vector<16xi32> -> vector<16xf32>
        %get3A_358 = arith.index_cast %add3A_274 : i32 to index
        %get3A_359 = arith.constant 64 : index
        %get3A_360 = tpu.vector_load %arg14[%get3A_358, %get3A_359] {strides = array<i32>} : memref<112x144xf32, #tpu.memory_space<vmem>>, vector<1x16xf32>,
        %get3A_361 = vector.shape_cast %get3A_360 : vector<1x16xf32> to vector<16xf32>
        %mul3A_362 = arith.mulf %get3A_361, %gather3A_357 : vector<16xf32>
        %swap3A_363 = arith.index_cast %add3A_274 : i32 to index
        %swap3A_364 = arith.constant 64 : index
        %swap3A_365 = tpu.vector_load %arg14[%swap3A_363, %swap3A_364] {strides = array<i32>} : memref<112x144xf32, #tpu.memory_space<vmem>>, vector<1x16xf32>,
        %swap3A_366 = vector.shape_cast %swap3A_365 : vector<1x16xf32> to vector<16xf32>
        %swap3A_367 = vector.shape_cast %mul3A_362 : vector<16xf32> to vector<1x16xf32>
        tpu.vector_store %arg14[%swap3A_363, %swap3A_364], %swap3A_367 {strides = array<i32>} : memref<112x144xf32, #tpu.memory_space<vmem>>, vector<1x16xf32>,
        %broadcast_in_dim3A_368 = arith.constant 5 : i32
        %broadcast_in_dim3A_369 = vector.broadcast %broadcast_in_dim3A_368 : i32 to vector<16x1xi32>
        %gather3A_370 = vector.shape_cast %broadcast_in_dim3A_369 : vector<16x1xi32> to vector<16xi32>
        %gather3A_371 = tpu.dynamic_gather %exp3A_292[%gather3A_370] in [0] : vector<16xf32>, vector<16xi32> -> vector<16xf32>
        %get3A_372 = arith.index_cast %add3A_274 : i32 to index
        %get3A_373 = arith.constant 80 : index
        %get3A_374 = tpu.vector_load %arg14[%get3A_372, %get3A_373] {strides = array<i32>} : memref<112x144xf32, #tpu.memory_space<vmem>>, vector<1x16xf32>,
        %get3A_375 = vector.shape_cast %get3A_374 : vector<1x16xf32> to vector<16xf32>
        %mul3A_376 = arith.mulf %get3A_375, %gather3A_371 : vector<16xf32>
        %swap3A_377 = arith.index_cast %add3A_274 : i32 to index
        %swap3A_378 = arith.constant 80 : index
        %swap3A_379 = tpu.vector_load %arg14[%swap3A_377, %swap3A_378] {strides = array<i32>} : memref<112x144xf32, #tpu.memory_space<vmem>>, vector<1x16xf32>,
        %swap3A_380 = vector.shape_cast %swap3A_379 : vector<1x16xf32> to vector<16xf32>
        %swap3A_381 = vector.shape_cast %mul3A_376 : vector<16xf32> to vector<1x16xf32>
        tpu.vector_store %arg14[%swap3A_377, %swap3A_378], %swap3A_381 {strides = array<i32>} : memref<112x144xf32, #tpu.memory_space<vmem>>, vector<1x16xf32>,
        %broadcast_in_dim3A_382 = arith.constant 6 : i32
        %broadcast_in_dim3A_383 = vector.broadcast %broadcast_in_dim3A_382 : i32 to vector<16x1xi32>
        %gather3A_384 = vector.shape_cast %broadcast_in_dim3A_383 : vector<16x1xi32> to vector<16xi32>
        %gather3A_385 = tpu.dynamic_gather %exp3A_292[%gather3A_384] in [0] : vector<16xf32>, vector<16xi32> -> vector<16xf32>
        %get3A_386 = arith.index_cast %add3A_274 : i32 to index
        %get3A_387 = arith.constant 96 : index
        %get3A_388 = tpu.vector_load %arg14[%get3A_386, %get3A_387] {strides = array<i32>} : memref<112x144xf32, #tpu.memory_space<vmem>>, vector<1x16xf32>,
        %get3A_389 = vector.shape_cast %get3A_388 : vector<1x16xf32> to vector<16xf32>
        %mul3A_390 = arith.mulf %get3A_389, %gather3A_385 : vector<16xf32>
        %swap3A_391 = arith.index_cast %add3A_274 : i32 to index
        %swap3A_392 = arith.constant 96 : index
        %swap3A_393 = tpu.vector_load %arg14[%swap3A_391, %swap3A_392] {strides = array<i32>} : memref<112x144xf32, #tpu.memory_space<vmem>>, vector<1x16xf32>,
        %swap3A_394 = vector.shape_cast %swap3A_393 : vector<1x16xf32> to vector<16xf32>
        %swap3A_395 = vector.shape_cast %mul3A_390 : vector<16xf32> to vector<1x16xf32>
        tpu.vector_store %arg14[%swap3A_391, %swap3A_392], %swap3A_395 {strides = array<i32>} : memref<112x144xf32, #tpu.memory_space<vmem>>, vector<1x16xf32>,
        %broadcast_in_dim3A_396 = arith.constant 7 : i32
        %broadcast_in_dim3A_397 = vector.broadcast %broadcast_in_dim3A_396 : i32 to vector<16x1xi32>
        %gather3A_398 = vector.shape_cast %broadcast_in_dim3A_397 : vector<16x1xi32> to vector<16xi32>
        %gather3A_399 = tpu.dynamic_gather %exp3A_292[%gather3A_398] in [0] : vector<16xf32>, vector<16xi32> -> vector<16xf32>
        %get3A_400 = arith.index_cast %add3A_274 : i32 to index
        %get3A_401 = arith.constant 112 : index
        %get3A_402 = tpu.vector_load %arg14[%get3A_400, %get3A_401] {strides = array<i32>} : memref<112x144xf32, #tpu.memory_space<vmem>>, vector<1x16xf32>,
        %get3A_403 = vector.shape_cast %get3A_402 : vector<1x16xf32> to vector<16xf32>
        %mul3A_404 = arith.mulf %get3A_403, %gather3A_399 : vector<16xf32>
        %swap3A_405 = arith.index_cast %add3A_274 : i32 to index
        %swap3A_406 = arith.constant 112 : index
        %swap3A_407 = tpu.vector_load %arg14[%swap3A_405, %swap3A_406] {strides = array<i32>} : memref<112x144xf32, #tpu.memory_space<vmem>>, vector<1x16xf32>,
        %swap3A_408 = vector.shape_cast %swap3A_407 : vector<1x16xf32> to vector<16xf32>
        %swap3A_409 = vector.shape_cast %mul3A_404 : vector<16xf32> to vector<1x16xf32>
        tpu.vector_store %arg14[%swap3A_405, %swap3A_406], %swap3A_409 {strides = array<i32>} : memref<112x144xf32, #tpu.memory_space<vmem>>, vector<1x16xf32>,
      }
      %scan3A_93 = arith.constant 112 : i32
      %dma_start3A_94 = arith.constant 0 : i32
      %dma_start3A_95 = arith.constant 0 : i32
      %dma_start3A_96 = tpu.memref_slice %arg19[%dma_start3A_94, %dma_start3A_95] : memref<10112x144xf32, #tpu.memory_space<vmem_shared>> -> memref<10112x144xf32, #tpu.memory_space<vmem_shared>>
      tpu.enqueue_indirect_dma source(%arg14 : memref<112x144xf32, #tpu.memory_space<vmem>>) target(%dma_start3A_96 : memref<10112x144xf32, #tpu.memory_space<vmem_shared>>) offsets(%arg12 : memref<112xi32, #tpu.memory_space<vmem>>) semaphore(%arg28 : memref<!tpu.dma_semaphore, #tpu.memory_space<semaphore_mem>>) {add = true}
      %add3A_97 = arith.constant 1 : i32
      %add3A_98 = arith.addi %add3A_64, %add3A_97 : i32
      %dma_wait3A_99 = arith.constant 0 : i32
      %dma_wait3A_100 = arith.constant 0 : i32
      %dma_wait3A_101 = tpu.memref_slice %arg2[%dma_wait3A_99, %dma_wait3A_100] : memref<10016x144xf32, #tpu.memory_space<hbm>> -> memref<10016x144xf32, #tpu.memory_space<hbm>>
      tpu.wait_indirect_dma semaphore(%arg25 : memref<!tpu.dma_semaphore, #tpu.memory_space<semaphore_mem>>) src(%dma_wait3A_101 : memref<10016x144xf32, #tpu.memory_space<hbm>>) dst(%arg15 : memref<112x144xf32, #tpu.memory_space<vmem>>)
      %dma_wait3A_102 = arith.constant 0 : i32
      %dma_wait3A_103 = arith.constant 0 : i32
      %dma_wait3A_104 = tpu.memref_slice %arg3[%dma_wait3A_102, %dma_wait3A_103] : memref<10000x16xf32, #tpu.memory_space<hbm>> -> memref<10000x16xf32, #tpu.memory_space<hbm>>
      tpu.wait_indirect_dma semaphore(%arg27 : memref<!tpu.dma_semaphore, #tpu.memory_space<semaphore_mem>>) src(%dma_wait3A_104 : memref<10000x16xf32, #tpu.memory_space<hbm>>) dst(%arg17 : memref<112x16xf32, #tpu.memory_space<vmem>>)
      %scan3A_105 = arith.constant 0 : i32
      %scan3A_106 = arith.constant 7 : i32
      %scan3A_107 = arith.addi %scan3A_105, %scan3A_106 : i32
      %scan3A_108 = arith.constant 1 : i32
      scf.for %scan3A_133 = %scan3A_105 to %scan3A_107 step %scan3A_108  : i32 {
        %mul3A_134 = arith.constant 16 : i32
        %mul3A_135 = arith.muli %scan3A_133, %mul3A_134 : i32
        %add3A_136 = arith.constant 0 : i32
        %add3A_137 = arith.addi %add3A_136, %mul3A_135 : i32
        %get3A_138 = arith.index_cast %add3A_137 : i32 to index
        %get3A_139 = tpu.vector_load %arg11[%get3A_138] {strides = array<i32>} : memref<112xi32, #tpu.memory_space<vmem>>, vector<16xi32>,
        %get3A_140 = vector.shape_cast %get3A_139 : vector<16xi32> to vector<16xi32>
        %swap3A = arith.index_cast %add3A_137 : i32 to index
        %swap3A_141 = tpu.vector_load %arg13[%swap3A] {strides = array<i32>} : memref<112xi32, #tpu.memory_space<vmem>>, vector<16xi32>,
        %swap3A_142 = vector.shape_cast %swap3A_141 : vector<16xi32> to vector<16xi32>
        %swap3A_143 = vector.shape_cast %get3A_140 : vector<16xi32> to vector<16xi32>
        tpu.vector_store %arg13[%swap3A], %swap3A_143 {strides = array<i32>} : memref<112xi32, #tpu.memory_space<vmem>>, vector<16xi32>,
      }
      %scan3A_109 = arith.constant 7 : i32
      %lt3A_110 = arith.constant 88 : i32
      %lt3A_111 = arith.cmpi slt, %add3A_98, %lt3A_110 : i32
      %convert_element_type3A_112 = arith.extui %lt3A_111 : i1 to i32
      %cond3A_113 = arith.constant 0 : i32
      %cond3A_114 = arith.cmpi ne, %convert_element_type3A_112, %cond3A_113 : i32
      scf.if %cond3A_114 {
        %add3A_133 = arith.constant 2 : i32
        %add3A_134 = arith.addi %add3A_98, %add3A_133 : i32
        %mul3A_135 = arith.constant 112 : i32
        %mul3A_136 = arith.muli %add3A_134, %mul3A_135 : i32
        %add3A_137 = arith.addi %mul3A_2, %mul3A_136 : i32
        %dma_start3A_138 = tpu.memref_slice %arg4[%add3A_137] : memref<322560xi32, #tpu.memory_space<hbm>> -> memref<112xi32, #tpu.memory_space<hbm>>
        %dma_start3A_139 = tpu.memref_slice %arg4[%add3A_137] : memref<322560xi32, #tpu.memory_space<hbm>> -> memref<112xi32, #tpu.memory_space<hbm>>
        tpu.enqueue_dma source(%dma_start3A_139 : memref<112xi32, #tpu.memory_space<hbm>>) target(%arg9 : memref<112xi32, #tpu.memory_space<vmem>>) target_semaphore(%arg21 : memref<!tpu.dma_semaphore, #tpu.memory_space<semaphore_mem>>)
        %mul3A_140 = arith.constant 112 : i32
        %mul3A_141 = arith.muli %add3A_134, %mul3A_140 : i32
        %add3A_142 = arith.addi %mul3A_2, %mul3A_141 : i32
        %dma_start3A_143 = tpu.memref_slice %arg5[%add3A_142] : memref<322560xi32, #tpu.memory_space<hbm>> -> memref<112xi32, #tpu.memory_space<hbm>>
        %dma_start3A_144 = tpu.memref_slice %arg5[%add3A_142] : memref<322560xi32, #tpu.memory_space<hbm>> -> memref<112xi32, #tpu.memory_space<hbm>>
        tpu.enqueue_dma source(%dma_start3A_144 : memref<112xi32, #tpu.memory_space<hbm>>) target(%arg11 : memref<112xi32, #tpu.memory_space<vmem>>) target_semaphore(%arg23 : memref<!tpu.dma_semaphore, #tpu.memory_space<semaphore_mem>>)
      } else {
      }
      %ge3A_115 = arith.constant 1 : i32
      %ge3A_116 = arith.cmpi sge, %add3A_98, %ge3A_115 : i32
      %convert_element_type3A_117 = arith.extui %ge3A_116 : i1 to i32
      %cond3A_118 = arith.constant 0 : i32
      %cond3A_119 = arith.cmpi ne, %convert_element_type3A_117, %cond3A_118 : i32
      scf.if %cond3A_119 {
        %dma_wait3A_133 = arith.constant 0 : i32
        %dma_wait3A_134 = arith.constant 0 : i32
        %dma_wait3A_135 = tpu.memref_slice %arg19[%dma_wait3A_133, %dma_wait3A_134] : memref<10112x144xf32, #tpu.memory_space<vmem_shared>> -> memref<10112x144xf32, #tpu.memory_space<vmem_shared>>
        tpu.wait_indirect_dma semaphore(%arg28 : memref<!tpu.dma_semaphore, #tpu.memory_space<semaphore_mem>>) src(%arg14 : memref<112x144xf32, #tpu.memory_space<vmem>>) dst(%dma_wait3A_135 : memref<10112x144xf32, #tpu.memory_space<vmem_shared>>)
      } else {
      }
      %lt3A_120 = arith.constant 89 : i32
      %lt3A_121 = arith.cmpi slt, %add3A_98, %lt3A_120 : i32
      %convert_element_type3A_122 = arith.extui %lt3A_121 : i1 to i32
      %cond3A_123 = arith.constant 0 : i32
      %cond3A_124 = arith.cmpi ne, %convert_element_type3A_122, %cond3A_123 : i32
      scf.if %cond3A_124 {
        %dma_wait3A_133 = tpu.memref_slice %arg4[%mul3A_2] : memref<322560xi32, #tpu.memory_space<hbm>> -> memref<112xi32, #tpu.memory_space<hbm>>
        %dma_wait3A_134 = tpu.memref_slice %arg4[%mul3A_2] : memref<322560xi32, #tpu.memory_space<hbm>> -> memref<112xi32, #tpu.memory_space<hbm>>
        tpu.wait_dma2 semaphore(%arg20 : memref<!tpu.dma_semaphore, #tpu.memory_space<semaphore_mem>>) src(%dma_wait3A_134 : memref<112xi32, #tpu.memory_space<hbm>>) dst(%arg8 : memref<112xi32, #tpu.memory_space<vmem>>)
        %dma_wait3A_135 = tpu.memref_slice %arg5[%mul3A_2] : memref<322560xi32, #tpu.memory_space<hbm>> -> memref<112xi32, #tpu.memory_space<hbm>>
        %dma_wait3A_136 = tpu.memref_slice %arg5[%mul3A_2] : memref<322560xi32, #tpu.memory_space<hbm>> -> memref<112xi32, #tpu.memory_space<hbm>>
        tpu.wait_dma2 semaphore(%arg22 : memref<!tpu.dma_semaphore, #tpu.memory_space<semaphore_mem>>) src(%dma_wait3A_136 : memref<112xi32, #tpu.memory_space<hbm>>) dst(%arg10 : memref<112xi32, #tpu.memory_space<vmem>>)
        %dma_start3A_137 = arith.constant 0 : i32
        %dma_start3A_138 = arith.constant 0 : i32
        %dma_start3A_139 = tpu.memref_slice %arg2[%dma_start3A_137, %dma_start3A_138] : memref<10016x144xf32, #tpu.memory_space<hbm>> -> memref<10016x144xf32, #tpu.memory_space<hbm>>
        tpu.enqueue_indirect_dma source(%dma_start3A_139 : memref<10016x144xf32, #tpu.memory_space<hbm>>) target(%arg14 : memref<112x144xf32, #tpu.memory_space<vmem>>) offsets(%arg8 : memref<112xi32, #tpu.memory_space<vmem>>) semaphore(%arg24 : memref<!tpu.dma_semaphore, #tpu.memory_space<semaphore_mem>>)
        %dma_start3A_140 = arith.constant 0 : i32
        %dma_start3A_141 = arith.constant 0 : i32
        %dma_start3A_142 = tpu.memref_slice %arg3[%dma_start3A_140, %dma_start3A_141] : memref<10000x16xf32, #tpu.memory_space<hbm>> -> memref<10000x16xf32, #tpu.memory_space<hbm>>
        tpu.enqueue_indirect_dma source(%dma_start3A_142 : memref<10000x16xf32, #tpu.memory_space<hbm>>) target(%arg16 : memref<112x16xf32, #tpu.memory_space<vmem>>) offsets(%arg10 : memref<112xi32, #tpu.memory_space<vmem>>) semaphore(%arg26 : memref<!tpu.dma_semaphore, #tpu.memory_space<semaphore_mem>>)
      } else {
      }
      %scan3A_125 = arith.constant 0 : i32
      %scan3A_126 = arith.constant 112 : i32
      %scan3A_127 = arith.addi %scan3A_125, %scan3A_126 : i32
      %scan3A_128 = arith.constant 2 : i32
      scf.for %scan3A_133 = %scan3A_125 to %scan3A_127 step %scan3A_128  : i32 {
        %mul3A_134 = arith.constant 1 : i32
        %mul3A_135 = arith.muli %scan3A_133, %mul3A_134 : i32
        %add3A_136 = arith.constant 0 : i32
        %add3A_137 = arith.addi %add3A_136, %mul3A_135 : i32
        %get3A_138 = arith.index_cast %add3A_137 : i32 to index
        %get3A_139 = arith.constant 128 : index
        %get3A_140 = tpu.vector_load %arg15[%get3A_138, %get3A_139] {strides = array<i32>} : memref<112x144xf32, #tpu.memory_space<vmem>>, vector<1x16xf32>,
        %get3A_141 = vector.shape_cast %get3A_140 : vector<1x16xf32> to vector<16xf32>
        %get3A_142 = arith.index_cast %add3A_137 : i32 to index
        %get3A_143 = arith.constant 0 : index
        %get3A_144 = tpu.vector_load %arg17[%get3A_142, %get3A_143] {strides = array<i32>} : memref<112x16xf32, #tpu.memory_space<vmem>>, vector<1x16xf32>,
        %get3A_145 = vector.shape_cast %get3A_144 : vector<1x16xf32> to vector<16xf32>
        %add3A_146 = arith.addf %get3A_141, %get3A_145 : vector<16xf32>
        %ge3A_147 = arith.constant 0.000000e+00 : f32
        %ge3A_148 = vector.broadcast %ge3A_147 : f32 to vector<16xf32>
        %ge3A_149 = arith.cmpf oge, %add3A_146, %ge3A_148 : vector<16xf32>
        %mul3A_150 = arith.constant 2.000000e-01 : f32
        %mul3A_151 = vector.broadcast %mul3A_150 : f32 to vector<16xf32>
        %mul3A_152 = arith.mulf %mul3A_151, %add3A_146 : vector<16xf32>
        %select_n3A = arith.select %ge3A_149, %add3A_146, %mul3A_152 : vector<16xi1>, vector<16xf32>
        %sub3A_153 = arith.subf %select_n3A, %get3A_34 : vector<16xf32>
        %exp3A = math.exp %sub3A_153 : vector<16xf32>
        %swap3A = arith.index_cast %add3A_137 : i32 to index
        %swap3A_154 = arith.constant 128 : index
        %swap3A_155 = tpu.vector_load %arg15[%swap3A, %swap3A_154] {strides = array<i32>} : memref<112x144xf32, #tpu.memory_space<vmem>>, vector<1x16xf32>,
        %swap3A_156 = vector.shape_cast %swap3A_155 : vector<1x16xf32> to vector<16xf32>
        %swap3A_157 = vector.shape_cast %exp3A : vector<16xf32> to vector<1x16xf32>
        tpu.vector_store %arg15[%swap3A, %swap3A_154], %swap3A_157 {strides = array<i32>} : memref<112x144xf32, #tpu.memory_space<vmem>>, vector<1x16xf32>,
        %broadcast_in_dim3A_158 = arith.constant 0 : i32
        %broadcast_in_dim3A_159 = vector.broadcast %broadcast_in_dim3A_158 : i32 to vector<16x1xi32>
        %gather3A = vector.shape_cast %broadcast_in_dim3A_159 : vector<16x1xi32> to vector<16xi32>
        %gather3A_160 = tpu.dynamic_gather %exp3A[%gather3A] in [0] : vector<16xf32>, vector<16xi32> -> vector<16xf32>
        %get3A_161 = arith.index_cast %add3A_137 : i32 to index
        %get3A_162 = arith.constant 0 : index
        %get3A_163 = tpu.vector_load %arg15[%get3A_161, %get3A_162] {strides = array<i32>} : memref<112x144xf32, #tpu.memory_space<vmem>>, vector<1x16xf32>,
        %get3A_164 = vector.shape_cast %get3A_163 : vector<1x16xf32> to vector<16xf32>
        %mul3A_165 = arith.mulf %get3A_164, %gather3A_160 : vector<16xf32>
        %swap3A_166 = arith.index_cast %add3A_137 : i32 to index
        %swap3A_167 = arith.constant 0 : index
        %swap3A_168 = tpu.vector_load %arg15[%swap3A_166, %swap3A_167] {strides = array<i32>} : memref<112x144xf32, #tpu.memory_space<vmem>>, vector<1x16xf32>,
        %swap3A_169 = vector.shape_cast %swap3A_168 : vector<1x16xf32> to vector<16xf32>
        %swap3A_170 = vector.shape_cast %mul3A_165 : vector<16xf32> to vector<1x16xf32>
        tpu.vector_store %arg15[%swap3A_166, %swap3A_167], %swap3A_170 {strides = array<i32>} : memref<112x144xf32, #tpu.memory_space<vmem>>, vector<1x16xf32>,
        %broadcast_in_dim3A_171 = arith.constant 1 : i32
        %broadcast_in_dim3A_172 = vector.broadcast %broadcast_in_dim3A_171 : i32 to vector<16x1xi32>
        %gather3A_173 = vector.shape_cast %broadcast_in_dim3A_172 : vector<16x1xi32> to vector<16xi32>
        %gather3A_174 = tpu.dynamic_gather %exp3A[%gather3A_173] in [0] : vector<16xf32>, vector<16xi32> -> vector<16xf32>
        %get3A_175 = arith.index_cast %add3A_137 : i32 to index
        %get3A_176 = arith.constant 16 : index
        %get3A_177 = tpu.vector_load %arg15[%get3A_175, %get3A_176] {strides = array<i32>} : memref<112x144xf32, #tpu.memory_space<vmem>>, vector<1x16xf32>,
        %get3A_178 = vector.shape_cast %get3A_177 : vector<1x16xf32> to vector<16xf32>
        %mul3A_179 = arith.mulf %get3A_178, %gather3A_174 : vector<16xf32>
        %swap3A_180 = arith.index_cast %add3A_137 : i32 to index
        %swap3A_181 = arith.constant 16 : index
        %swap3A_182 = tpu.vector_load %arg15[%swap3A_180, %swap3A_181] {strides = array<i32>} : memref<112x144xf32, #tpu.memory_space<vmem>>, vector<1x16xf32>,
        %swap3A_183 = vector.shape_cast %swap3A_182 : vector<1x16xf32> to vector<16xf32>
        %swap3A_184 = vector.shape_cast %mul3A_179 : vector<16xf32> to vector<1x16xf32>
        tpu.vector_store %arg15[%swap3A_180, %swap3A_181], %swap3A_184 {strides = array<i32>} : memref<112x144xf32, #tpu.memory_space<vmem>>, vector<1x16xf32>,
        %broadcast_in_dim3A_185 = arith.constant 2 : i32
        %broadcast_in_dim3A_186 = vector.broadcast %broadcast_in_dim3A_185 : i32 to vector<16x1xi32>
        %gather3A_187 = vector.shape_cast %broadcast_in_dim3A_186 : vector<16x1xi32> to vector<16xi32>
        %gather3A_188 = tpu.dynamic_gather %exp3A[%gather3A_187] in [0] : vector<16xf32>, vector<16xi32> -> vector<16xf32>
        %get3A_189 = arith.index_cast %add3A_137 : i32 to index
        %get3A_190 = arith.constant 32 : index
        %get3A_191 = tpu.vector_load %arg15[%get3A_189, %get3A_190] {strides = array<i32>} : memref<112x144xf32, #tpu.memory_space<vmem>>, vector<1x16xf32>,
        %get3A_192 = vector.shape_cast %get3A_191 : vector<1x16xf32> to vector<16xf32>
        %mul3A_193 = arith.mulf %get3A_192, %gather3A_188 : vector<16xf32>
        %swap3A_194 = arith.index_cast %add3A_137 : i32 to index
        %swap3A_195 = arith.constant 32 : index
        %swap3A_196 = tpu.vector_load %arg15[%swap3A_194, %swap3A_195] {strides = array<i32>} : memref<112x144xf32, #tpu.memory_space<vmem>>, vector<1x16xf32>,
        %swap3A_197 = vector.shape_cast %swap3A_196 : vector<1x16xf32> to vector<16xf32>
        %swap3A_198 = vector.shape_cast %mul3A_193 : vector<16xf32> to vector<1x16xf32>
        tpu.vector_store %arg15[%swap3A_194, %swap3A_195], %swap3A_198 {strides = array<i32>} : memref<112x144xf32, #tpu.memory_space<vmem>>, vector<1x16xf32>,
        %broadcast_in_dim3A_199 = arith.constant 3 : i32
        %broadcast_in_dim3A_200 = vector.broadcast %broadcast_in_dim3A_199 : i32 to vector<16x1xi32>
        %gather3A_201 = vector.shape_cast %broadcast_in_dim3A_200 : vector<16x1xi32> to vector<16xi32>
        %gather3A_202 = tpu.dynamic_gather %exp3A[%gather3A_201] in [0] : vector<16xf32>, vector<16xi32> -> vector<16xf32>
        %get3A_203 = arith.index_cast %add3A_137 : i32 to index
        %get3A_204 = arith.constant 48 : index
        %get3A_205 = tpu.vector_load %arg15[%get3A_203, %get3A_204] {strides = array<i32>} : memref<112x144xf32, #tpu.memory_space<vmem>>, vector<1x16xf32>,
        %get3A_206 = vector.shape_cast %get3A_205 : vector<1x16xf32> to vector<16xf32>
        %mul3A_207 = arith.mulf %get3A_206, %gather3A_202 : vector<16xf32>
        %swap3A_208 = arith.index_cast %add3A_137 : i32 to index
        %swap3A_209 = arith.constant 48 : index
        %swap3A_210 = tpu.vector_load %arg15[%swap3A_208, %swap3A_209] {strides = array<i32>} : memref<112x144xf32, #tpu.memory_space<vmem>>, vector<1x16xf32>,
        %swap3A_211 = vector.shape_cast %swap3A_210 : vector<1x16xf32> to vector<16xf32>
        %swap3A_212 = vector.shape_cast %mul3A_207 : vector<16xf32> to vector<1x16xf32>
        tpu.vector_store %arg15[%swap3A_208, %swap3A_209], %swap3A_212 {strides = array<i32>} : memref<112x144xf32, #tpu.memory_space<vmem>>, vector<1x16xf32>,
        %broadcast_in_dim3A_213 = arith.constant 4 : i32
        %broadcast_in_dim3A_214 = vector.broadcast %broadcast_in_dim3A_213 : i32 to vector<16x1xi32>
        %gather3A_215 = vector.shape_cast %broadcast_in_dim3A_214 : vector<16x1xi32> to vector<16xi32>
        %gather3A_216 = tpu.dynamic_gather %exp3A[%gather3A_215] in [0] : vector<16xf32>, vector<16xi32> -> vector<16xf32>
        %get3A_217 = arith.index_cast %add3A_137 : i32 to index
        %get3A_218 = arith.constant 64 : index
        %get3A_219 = tpu.vector_load %arg15[%get3A_217, %get3A_218] {strides = array<i32>} : memref<112x144xf32, #tpu.memory_space<vmem>>, vector<1x16xf32>,
        %get3A_220 = vector.shape_cast %get3A_219 : vector<1x16xf32> to vector<16xf32>
        %mul3A_221 = arith.mulf %get3A_220, %gather3A_216 : vector<16xf32>
        %swap3A_222 = arith.index_cast %add3A_137 : i32 to index
        %swap3A_223 = arith.constant 64 : index
        %swap3A_224 = tpu.vector_load %arg15[%swap3A_222, %swap3A_223] {strides = array<i32>} : memref<112x144xf32, #tpu.memory_space<vmem>>, vector<1x16xf32>,
        %swap3A_225 = vector.shape_cast %swap3A_224 : vector<1x16xf32> to vector<16xf32>
        %swap3A_226 = vector.shape_cast %mul3A_221 : vector<16xf32> to vector<1x16xf32>
        tpu.vector_store %arg15[%swap3A_222, %swap3A_223], %swap3A_226 {strides = array<i32>} : memref<112x144xf32, #tpu.memory_space<vmem>>, vector<1x16xf32>,
        %broadcast_in_dim3A_227 = arith.constant 5 : i32
        %broadcast_in_dim3A_228 = vector.broadcast %broadcast_in_dim3A_227 : i32 to vector<16x1xi32>
        %gather3A_229 = vector.shape_cast %broadcast_in_dim3A_228 : vector<16x1xi32> to vector<16xi32>
        %gather3A_230 = tpu.dynamic_gather %exp3A[%gather3A_229] in [0] : vector<16xf32>, vector<16xi32> -> vector<16xf32>
        %get3A_231 = arith.index_cast %add3A_137 : i32 to index
        %get3A_232 = arith.constant 80 : index
        %get3A_233 = tpu.vector_load %arg15[%get3A_231, %get3A_232] {strides = array<i32>} : memref<112x144xf32, #tpu.memory_space<vmem>>, vector<1x16xf32>,
        %get3A_234 = vector.shape_cast %get3A_233 : vector<1x16xf32> to vector<16xf32>
        %mul3A_235 = arith.mulf %get3A_234, %gather3A_230 : vector<16xf32>
        %swap3A_236 = arith.index_cast %add3A_137 : i32 to index
        %swap3A_237 = arith.constant 80 : index
        %swap3A_238 = tpu.vector_load %arg15[%swap3A_236, %swap3A_237] {strides = array<i32>} : memref<112x144xf32, #tpu.memory_space<vmem>>, vector<1x16xf32>,
        %swap3A_239 = vector.shape_cast %swap3A_238 : vector<1x16xf32> to vector<16xf32>
        %swap3A_240 = vector.shape_cast %mul3A_235 : vector<16xf32> to vector<1x16xf32>
        tpu.vector_store %arg15[%swap3A_236, %swap3A_237], %swap3A_240 {strides = array<i32>} : memref<112x144xf32, #tpu.memory_space<vmem>>, vector<1x16xf32>,
        %broadcast_in_dim3A_241 = arith.constant 6 : i32
        %broadcast_in_dim3A_242 = vector.broadcast %broadcast_in_dim3A_241 : i32 to vector<16x1xi32>
        %gather3A_243 = vector.shape_cast %broadcast_in_dim3A_242 : vector<16x1xi32> to vector<16xi32>
        %gather3A_244 = tpu.dynamic_gather %exp3A[%gather3A_243] in [0] : vector<16xf32>, vector<16xi32> -> vector<16xf32>
        %get3A_245 = arith.index_cast %add3A_137 : i32 to index
        %get3A_246 = arith.constant 96 : index
        %get3A_247 = tpu.vector_load %arg15[%get3A_245, %get3A_246] {strides = array<i32>} : memref<112x144xf32, #tpu.memory_space<vmem>>, vector<1x16xf32>,
        %get3A_248 = vector.shape_cast %get3A_247 : vector<1x16xf32> to vector<16xf32>
        %mul3A_249 = arith.mulf %get3A_248, %gather3A_244 : vector<16xf32>
        %swap3A_250 = arith.index_cast %add3A_137 : i32 to index
        %swap3A_251 = arith.constant 96 : index
        %swap3A_252 = tpu.vector_load %arg15[%swap3A_250, %swap3A_251] {strides = array<i32>} : memref<112x144xf32, #tpu.memory_space<vmem>>, vector<1x16xf32>,
        %swap3A_253 = vector.shape_cast %swap3A_252 : vector<1x16xf32> to vector<16xf32>
        %swap3A_254 = vector.shape_cast %mul3A_249 : vector<16xf32> to vector<1x16xf32>
        tpu.vector_store %arg15[%swap3A_250, %swap3A_251], %swap3A_254 {strides = array<i32>} : memref<112x144xf32, #tpu.memory_space<vmem>>, vector<1x16xf32>,
        %broadcast_in_dim3A_255 = arith.constant 7 : i32
        %broadcast_in_dim3A_256 = vector.broadcast %broadcast_in_dim3A_255 : i32 to vector<16x1xi32>
        %gather3A_257 = vector.shape_cast %broadcast_in_dim3A_256 : vector<16x1xi32> to vector<16xi32>
        %gather3A_258 = tpu.dynamic_gather %exp3A[%gather3A_257] in [0] : vector<16xf32>, vector<16xi32> -> vector<16xf32>
        %get3A_259 = arith.index_cast %add3A_137 : i32 to index
        %get3A_260 = arith.constant 112 : index
        %get3A_261 = tpu.vector_load %arg15[%get3A_259, %get3A_260] {strides = array<i32>} : memref<112x144xf32, #tpu.memory_space<vmem>>, vector<1x16xf32>,
        %get3A_262 = vector.shape_cast %get3A_261 : vector<1x16xf32> to vector<16xf32>
        %mul3A_263 = arith.mulf %get3A_262, %gather3A_258 : vector<16xf32>
        %swap3A_264 = arith.index_cast %add3A_137 : i32 to index
        %swap3A_265 = arith.constant 112 : index
        %swap3A_266 = tpu.vector_load %arg15[%swap3A_264, %swap3A_265] {strides = array<i32>} : memref<112x144xf32, #tpu.memory_space<vmem>>, vector<1x16xf32>,
        %swap3A_267 = vector.shape_cast %swap3A_266 : vector<1x16xf32> to vector<16xf32>
        %swap3A_268 = vector.shape_cast %mul3A_263 : vector<16xf32> to vector<1x16xf32>
        tpu.vector_store %arg15[%swap3A_264, %swap3A_265], %swap3A_268 {strides = array<i32>} : memref<112x144xf32, #tpu.memory_space<vmem>>, vector<1x16xf32>,
        %scan3A_269 = arith.constant 1 : i32
        %scan3A_270 = arith.addi %scan3A_133, %scan3A_269 : i32
        %mul3A_271 = arith.constant 1 : i32
        %mul3A_272 = arith.muli %scan3A_270, %mul3A_271 : i32
        %add3A_273 = arith.constant 0 : i32
        %add3A_274 = arith.addi %add3A_273, %mul3A_272 : i32
        %get3A_275 = arith.index_cast %add3A_274 : i32 to index
        %get3A_276 = arith.constant 128 : index
        %get3A_277 = tpu.vector_load %arg15[%get3A_275, %get3A_276] {strides = array<i32>} : memref<112x144xf32, #tpu.memory_space<vmem>>, vector<1x16xf32>,
        %get3A_278 = vector.shape_cast %get3A_277 : vector<1x16xf32> to vector<16xf32>
        %get3A_279 = arith.index_cast %add3A_274 : i32 to index
        %get3A_280 = arith.constant 0 : index
        %get3A_281 = tpu.vector_load %arg17[%get3A_279, %get3A_280] {strides = array<i32>} : memref<112x16xf32, #tpu.memory_space<vmem>>, vector<1x16xf32>,
        %get3A_282 = vector.shape_cast %get3A_281 : vector<1x16xf32> to vector<16xf32>
        %add3A_283 = arith.addf %get3A_278, %get3A_282 : vector<16xf32>
        %ge3A_284 = arith.constant 0.000000e+00 : f32
        %ge3A_285 = vector.broadcast %ge3A_284 : f32 to vector<16xf32>
        %ge3A_286 = arith.cmpf oge, %add3A_283, %ge3A_285 : vector<16xf32>
        %mul3A_287 = arith.constant 2.000000e-01 : f32
        %mul3A_288 = vector.broadcast %mul3A_287 : f32 to vector<16xf32>
        %mul3A_289 = arith.mulf %mul3A_288, %add3A_283 : vector<16xf32>
        %select_n3A_290 = arith.select %ge3A_286, %add3A_283, %mul3A_289 : vector<16xi1>, vector<16xf32>
        %sub3A_291 = arith.subf %select_n3A_290, %get3A_34 : vector<16xf32>
        %exp3A_292 = math.exp %sub3A_291 : vector<16xf32>
        %swap3A_293 = arith.index_cast %add3A_274 : i32 to index
        %swap3A_294 = arith.constant 128 : index
        %swap3A_295 = tpu.vector_load %arg15[%swap3A_293, %swap3A_294] {strides = array<i32>} : memref<112x144xf32, #tpu.memory_space<vmem>>, vector<1x16xf32>,
        %swap3A_296 = vector.shape_cast %swap3A_295 : vector<1x16xf32> to vector<16xf32>
        %swap3A_297 = vector.shape_cast %exp3A_292 : vector<16xf32> to vector<1x16xf32>
        tpu.vector_store %arg15[%swap3A_293, %swap3A_294], %swap3A_297 {strides = array<i32>} : memref<112x144xf32, #tpu.memory_space<vmem>>, vector<1x16xf32>,
        %broadcast_in_dim3A_298 = arith.constant 0 : i32
        %broadcast_in_dim3A_299 = vector.broadcast %broadcast_in_dim3A_298 : i32 to vector<16x1xi32>
        %gather3A_300 = vector.shape_cast %broadcast_in_dim3A_299 : vector<16x1xi32> to vector<16xi32>
        %gather3A_301 = tpu.dynamic_gather %exp3A_292[%gather3A_300] in [0] : vector<16xf32>, vector<16xi32> -> vector<16xf32>
        %get3A_302 = arith.index_cast %add3A_274 : i32 to index
        %get3A_303 = arith.constant 0 : index
        %get3A_304 = tpu.vector_load %arg15[%get3A_302, %get3A_303] {strides = array<i32>} : memref<112x144xf32, #tpu.memory_space<vmem>>, vector<1x16xf32>,
        %get3A_305 = vector.shape_cast %get3A_304 : vector<1x16xf32> to vector<16xf32>
        %mul3A_306 = arith.mulf %get3A_305, %gather3A_301 : vector<16xf32>
        %swap3A_307 = arith.index_cast %add3A_274 : i32 to index
        %swap3A_308 = arith.constant 0 : index
        %swap3A_309 = tpu.vector_load %arg15[%swap3A_307, %swap3A_308] {strides = array<i32>} : memref<112x144xf32, #tpu.memory_space<vmem>>, vector<1x16xf32>,
        %swap3A_310 = vector.shape_cast %swap3A_309 : vector<1x16xf32> to vector<16xf32>
        %swap3A_311 = vector.shape_cast %mul3A_306 : vector<16xf32> to vector<1x16xf32>
        tpu.vector_store %arg15[%swap3A_307, %swap3A_308], %swap3A_311 {strides = array<i32>} : memref<112x144xf32, #tpu.memory_space<vmem>>, vector<1x16xf32>,
        %broadcast_in_dim3A_312 = arith.constant 1 : i32
        %broadcast_in_dim3A_313 = vector.broadcast %broadcast_in_dim3A_312 : i32 to vector<16x1xi32>
        %gather3A_314 = vector.shape_cast %broadcast_in_dim3A_313 : vector<16x1xi32> to vector<16xi32>
        %gather3A_315 = tpu.dynamic_gather %exp3A_292[%gather3A_314] in [0] : vector<16xf32>, vector<16xi32> -> vector<16xf32>
        %get3A_316 = arith.index_cast %add3A_274 : i32 to index
        %get3A_317 = arith.constant 16 : index
        %get3A_318 = tpu.vector_load %arg15[%get3A_316, %get3A_317] {strides = array<i32>} : memref<112x144xf32, #tpu.memory_space<vmem>>, vector<1x16xf32>,
        %get3A_319 = vector.shape_cast %get3A_318 : vector<1x16xf32> to vector<16xf32>
        %mul3A_320 = arith.mulf %get3A_319, %gather3A_315 : vector<16xf32>
        %swap3A_321 = arith.index_cast %add3A_274 : i32 to index
        %swap3A_322 = arith.constant 16 : index
        %swap3A_323 = tpu.vector_load %arg15[%swap3A_321, %swap3A_322] {strides = array<i32>} : memref<112x144xf32, #tpu.memory_space<vmem>>, vector<1x16xf32>,
        %swap3A_324 = vector.shape_cast %swap3A_323 : vector<1x16xf32> to vector<16xf32>
        %swap3A_325 = vector.shape_cast %mul3A_320 : vector<16xf32> to vector<1x16xf32>
        tpu.vector_store %arg15[%swap3A_321, %swap3A_322], %swap3A_325 {strides = array<i32>} : memref<112x144xf32, #tpu.memory_space<vmem>>, vector<1x16xf32>,
        %broadcast_in_dim3A_326 = arith.constant 2 : i32
        %broadcast_in_dim3A_327 = vector.broadcast %broadcast_in_dim3A_326 : i32 to vector<16x1xi32>
        %gather3A_328 = vector.shape_cast %broadcast_in_dim3A_327 : vector<16x1xi32> to vector<16xi32>
        %gather3A_329 = tpu.dynamic_gather %exp3A_292[%gather3A_328] in [0] : vector<16xf32>, vector<16xi32> -> vector<16xf32>
        %get3A_330 = arith.index_cast %add3A_274 : i32 to index
        %get3A_331 = arith.constant 32 : index
        %get3A_332 = tpu.vector_load %arg15[%get3A_330, %get3A_331] {strides = array<i32>} : memref<112x144xf32, #tpu.memory_space<vmem>>, vector<1x16xf32>,
        %get3A_333 = vector.shape_cast %get3A_332 : vector<1x16xf32> to vector<16xf32>
        %mul3A_334 = arith.mulf %get3A_333, %gather3A_329 : vector<16xf32>
        %swap3A_335 = arith.index_cast %add3A_274 : i32 to index
        %swap3A_336 = arith.constant 32 : index
        %swap3A_337 = tpu.vector_load %arg15[%swap3A_335, %swap3A_336] {strides = array<i32>} : memref<112x144xf32, #tpu.memory_space<vmem>>, vector<1x16xf32>,
        %swap3A_338 = vector.shape_cast %swap3A_337 : vector<1x16xf32> to vector<16xf32>
        %swap3A_339 = vector.shape_cast %mul3A_334 : vector<16xf32> to vector<1x16xf32>
        tpu.vector_store %arg15[%swap3A_335, %swap3A_336], %swap3A_339 {strides = array<i32>} : memref<112x144xf32, #tpu.memory_space<vmem>>, vector<1x16xf32>,
        %broadcast_in_dim3A_340 = arith.constant 3 : i32
        %broadcast_in_dim3A_341 = vector.broadcast %broadcast_in_dim3A_340 : i32 to vector<16x1xi32>
        %gather3A_342 = vector.shape_cast %broadcast_in_dim3A_341 : vector<16x1xi32> to vector<16xi32>
        %gather3A_343 = tpu.dynamic_gather %exp3A_292[%gather3A_342] in [0] : vector<16xf32>, vector<16xi32> -> vector<16xf32>
        %get3A_344 = arith.index_cast %add3A_274 : i32 to index
        %get3A_345 = arith.constant 48 : index
        %get3A_346 = tpu.vector_load %arg15[%get3A_344, %get3A_345] {strides = array<i32>} : memref<112x144xf32, #tpu.memory_space<vmem>>, vector<1x16xf32>,
        %get3A_347 = vector.shape_cast %get3A_346 : vector<1x16xf32> to vector<16xf32>
        %mul3A_348 = arith.mulf %get3A_347, %gather3A_343 : vector<16xf32>
        %swap3A_349 = arith.index_cast %add3A_274 : i32 to index
        %swap3A_350 = arith.constant 48 : index
        %swap3A_351 = tpu.vector_load %arg15[%swap3A_349, %swap3A_350] {strides = array<i32>} : memref<112x144xf32, #tpu.memory_space<vmem>>, vector<1x16xf32>,
        %swap3A_352 = vector.shape_cast %swap3A_351 : vector<1x16xf32> to vector<16xf32>
        %swap3A_353 = vector.shape_cast %mul3A_348 : vector<16xf32> to vector<1x16xf32>
        tpu.vector_store %arg15[%swap3A_349, %swap3A_350], %swap3A_353 {strides = array<i32>} : memref<112x144xf32, #tpu.memory_space<vmem>>, vector<1x16xf32>,
        %broadcast_in_dim3A_354 = arith.constant 4 : i32
        %broadcast_in_dim3A_355 = vector.broadcast %broadcast_in_dim3A_354 : i32 to vector<16x1xi32>
        %gather3A_356 = vector.shape_cast %broadcast_in_dim3A_355 : vector<16x1xi32> to vector<16xi32>
        %gather3A_357 = tpu.dynamic_gather %exp3A_292[%gather3A_356] in [0] : vector<16xf32>, vector<16xi32> -> vector<16xf32>
        %get3A_358 = arith.index_cast %add3A_274 : i32 to index
        %get3A_359 = arith.constant 64 : index
        %get3A_360 = tpu.vector_load %arg15[%get3A_358, %get3A_359] {strides = array<i32>} : memref<112x144xf32, #tpu.memory_space<vmem>>, vector<1x16xf32>,
        %get3A_361 = vector.shape_cast %get3A_360 : vector<1x16xf32> to vector<16xf32>
        %mul3A_362 = arith.mulf %get3A_361, %gather3A_357 : vector<16xf32>
        %swap3A_363 = arith.index_cast %add3A_274 : i32 to index
        %swap3A_364 = arith.constant 64 : index
        %swap3A_365 = tpu.vector_load %arg15[%swap3A_363, %swap3A_364] {strides = array<i32>} : memref<112x144xf32, #tpu.memory_space<vmem>>, vector<1x16xf32>,
        %swap3A_366 = vector.shape_cast %swap3A_365 : vector<1x16xf32> to vector<16xf32>
        %swap3A_367 = vector.shape_cast %mul3A_362 : vector<16xf32> to vector<1x16xf32>
        tpu.vector_store %arg15[%swap3A_363, %swap3A_364], %swap3A_367 {strides = array<i32>} : memref<112x144xf32, #tpu.memory_space<vmem>>, vector<1x16xf32>,
        %broadcast_in_dim3A_368 = arith.constant 5 : i32
        %broadcast_in_dim3A_369 = vector.broadcast %broadcast_in_dim3A_368 : i32 to vector<16x1xi32>
        %gather3A_370 = vector.shape_cast %broadcast_in_dim3A_369 : vector<16x1xi32> to vector<16xi32>
        %gather3A_371 = tpu.dynamic_gather %exp3A_292[%gather3A_370] in [0] : vector<16xf32>, vector<16xi32> -> vector<16xf32>
        %get3A_372 = arith.index_cast %add3A_274 : i32 to index
        %get3A_373 = arith.constant 80 : index
        %get3A_374 = tpu.vector_load %arg15[%get3A_372, %get3A_373] {strides = array<i32>} : memref<112x144xf32, #tpu.memory_space<vmem>>, vector<1x16xf32>,
        %get3A_375 = vector.shape_cast %get3A_374 : vector<1x16xf32> to vector<16xf32>
        %mul3A_376 = arith.mulf %get3A_375, %gather3A_371 : vector<16xf32>
        %swap3A_377 = arith.index_cast %add3A_274 : i32 to index
        %swap3A_378 = arith.constant 80 : index
        %swap3A_379 = tpu.vector_load %arg15[%swap3A_377, %swap3A_378] {strides = array<i32>} : memref<112x144xf32, #tpu.memory_space<vmem>>, vector<1x16xf32>,
        %swap3A_380 = vector.shape_cast %swap3A_379 : vector<1x16xf32> to vector<16xf32>
        %swap3A_381 = vector.shape_cast %mul3A_376 : vector<16xf32> to vector<1x16xf32>
        tpu.vector_store %arg15[%swap3A_377, %swap3A_378], %swap3A_381 {strides = array<i32>} : memref<112x144xf32, #tpu.memory_space<vmem>>, vector<1x16xf32>,
        %broadcast_in_dim3A_382 = arith.constant 6 : i32
        %broadcast_in_dim3A_383 = vector.broadcast %broadcast_in_dim3A_382 : i32 to vector<16x1xi32>
        %gather3A_384 = vector.shape_cast %broadcast_in_dim3A_383 : vector<16x1xi32> to vector<16xi32>
        %gather3A_385 = tpu.dynamic_gather %exp3A_292[%gather3A_384] in [0] : vector<16xf32>, vector<16xi32> -> vector<16xf32>
        %get3A_386 = arith.index_cast %add3A_274 : i32 to index
        %get3A_387 = arith.constant 96 : index
        %get3A_388 = tpu.vector_load %arg15[%get3A_386, %get3A_387] {strides = array<i32>} : memref<112x144xf32, #tpu.memory_space<vmem>>, vector<1x16xf32>,
        %get3A_389 = vector.shape_cast %get3A_388 : vector<1x16xf32> to vector<16xf32>
        %mul3A_390 = arith.mulf %get3A_389, %gather3A_385 : vector<16xf32>
        %swap3A_391 = arith.index_cast %add3A_274 : i32 to index
        %swap3A_392 = arith.constant 96 : index
        %swap3A_393 = tpu.vector_load %arg15[%swap3A_391, %swap3A_392] {strides = array<i32>} : memref<112x144xf32, #tpu.memory_space<vmem>>, vector<1x16xf32>,
        %swap3A_394 = vector.shape_cast %swap3A_393 : vector<1x16xf32> to vector<16xf32>
        %swap3A_395 = vector.shape_cast %mul3A_390 : vector<16xf32> to vector<1x16xf32>
        tpu.vector_store %arg15[%swap3A_391, %swap3A_392], %swap3A_395 {strides = array<i32>} : memref<112x144xf32, #tpu.memory_space<vmem>>, vector<1x16xf32>,
        %broadcast_in_dim3A_396 = arith.constant 7 : i32
        %broadcast_in_dim3A_397 = vector.broadcast %broadcast_in_dim3A_396 : i32 to vector<16x1xi32>
        %gather3A_398 = vector.shape_cast %broadcast_in_dim3A_397 : vector<16x1xi32> to vector<16xi32>
        %gather3A_399 = tpu.dynamic_gather %exp3A_292[%gather3A_398] in [0] : vector<16xf32>, vector<16xi32> -> vector<16xf32>
        %get3A_400 = arith.index_cast %add3A_274 : i32 to index
        %get3A_401 = arith.constant 112 : index
        %get3A_402 = tpu.vector_load %arg15[%get3A_400, %get3A_401] {strides = array<i32>} : memref<112x144xf32, #tpu.memory_space<vmem>>, vector<1x16xf32>,
        %get3A_403 = vector.shape_cast %get3A_402 : vector<1x16xf32> to vector<16xf32>
        %mul3A_404 = arith.mulf %get3A_403, %gather3A_399 : vector<16xf32>
        %swap3A_405 = arith.index_cast %add3A_274 : i32 to index
        %swap3A_406 = arith.constant 112 : index
        %swap3A_407 = tpu.vector_load %arg15[%swap3A_405, %swap3A_406] {strides = array<i32>} : memref<112x144xf32, #tpu.memory_space<vmem>>, vector<1x16xf32>,
        %swap3A_408 = vector.shape_cast %swap3A_407 : vector<1x16xf32> to vector<16xf32>
        %swap3A_409 = vector.shape_cast %mul3A_404 : vector<16xf32> to vector<1x16xf32>
        tpu.vector_store %arg15[%swap3A_405, %swap3A_406], %swap3A_409 {strides = array<i32>} : memref<112x144xf32, #tpu.memory_space<vmem>>, vector<1x16xf32>,
      }
      %scan3A_129 = arith.constant 112 : i32
      %dma_start3A_130 = arith.constant 0 : i32
      %dma_start3A_131 = arith.constant 0 : i32
      %dma_start3A_132 = tpu.memref_slice %arg19[%dma_start3A_130, %dma_start3A_131] : memref<10112x144xf32, #tpu.memory_space<vmem_shared>> -> memref<10112x144xf32, #tpu.memory_space<vmem_shared>>
      tpu.enqueue_indirect_dma source(%arg15 : memref<112x144xf32, #tpu.memory_space<vmem>>) target(%dma_start3A_132 : memref<10112x144xf32, #tpu.memory_space<vmem_shared>>) offsets(%arg13 : memref<112xi32, #tpu.memory_space<vmem>>) semaphore(%arg29 : memref<!tpu.dma_semaphore, #tpu.memory_space<semaphore_mem>>) {add = true}
    }
    %scan3A_52 = arith.constant 45 : i32
    %dma_wait3A = arith.constant 0 : i32
    %dma_wait3A_53 = arith.constant 0 : i32
    %dma_wait3A_54 = tpu.memref_slice %arg19[%dma_wait3A, %dma_wait3A_53] : memref<10112x144xf32, #tpu.memory_space<vmem_shared>> -> memref<10112x144xf32, #tpu.memory_space<vmem_shared>>
    tpu.wait_indirect_dma semaphore(%arg29 : memref<!tpu.dma_semaphore, #tpu.memory_space<semaphore_mem>>) src(%arg15 : memref<112x144xf32, #tpu.memory_space<vmem>>) dst(%dma_wait3A_54 : memref<10112x144xf32, #tpu.memory_space<vmem_shared>>)
    %barrier3A_55 = arith.constant 0 : index
    tpu.barrier barrier_id(%barrier3A_55)
    %mul3A_56 = arith.constant 632 : i32
    %mul3A_57 = arith.muli %arg1, %mul3A_56 : i32
    %mul3A_58 = arith.constant 632 : i32
    %mul3A_59 = arith.muli %arg1, %mul3A_58 : i32
    "tpu.region"() ({
      %run_scoped3A = tpu.sem_alloc : memref<!tpu.dma_semaphore, #tpu.memory_space<semaphore_mem>>
      %dma_start3A_60 = arith.constant 0 : i32
      %dma_start3A_61 = arith.constant 0 : i32
      %dma_start3A_62 = tpu.memref_slice %arg7[%arg0, %dma_start3A_60, %dma_start3A_61] : memref<2x10112x144xf32, #tpu.memory_space<hbm>> -> memref<1x10112x144xf32, #tpu.memory_space<hbm>>
      %dma_start3A_63 = tpu.memref_squeeze %dma_start3A_62 : memref<1x10112x144xf32, #tpu.memory_space<hbm>> -> memref<10112x144xf32, #tpu.memory_space<hbm>>
      %dma_start3A_64 = arith.constant 0 : i32
      %dma_start3A_65 = tpu.memref_slice %dma_start3A_63[%mul3A_59, %dma_start3A_64] : memref<10112x144xf32, #tpu.memory_space<hbm>> -> memref<632x144xf32, #tpu.memory_space<hbm>>
      %dma_start3A_66 = arith.constant 0 : i32
      %dma_start3A_67 = tpu.memref_slice %arg19[%mul3A_57, %dma_start3A_66] : memref<10112x144xf32, #tpu.memory_space<vmem_shared>> -> memref<632x144xf32, #tpu.memory_space<vmem_shared>>
      tpu.enqueue_dma source(%dma_start3A_67 : memref<632x144xf32, #tpu.memory_space<vmem_shared>>) target(%dma_start3A_65 : memref<632x144xf32, #tpu.memory_space<hbm>>) target_semaphore(%run_scoped3A : memref<!tpu.dma_semaphore, #tpu.memory_space<semaphore_mem>>)
      %dma_wait3A_68 = arith.constant 0 : i32
      %dma_wait3A_69 = arith.constant 0 : i32
      %dma_wait3A_70 = tpu.memref_slice %arg7[%arg0, %dma_wait3A_68, %dma_wait3A_69] : memref<2x10112x144xf32, #tpu.memory_space<hbm>> -> memref<1x10112x144xf32, #tpu.memory_space<hbm>>
      %dma_wait3A_71 = tpu.memref_squeeze %dma_wait3A_70 : memref<1x10112x144xf32, #tpu.memory_space<hbm>> -> memref<10112x144xf32, #tpu.memory_space<hbm>>
      %dma_wait3A_72 = arith.constant 0 : i32
      %dma_wait3A_73 = tpu.memref_slice %dma_wait3A_71[%mul3A_59, %dma_wait3A_72] : memref<10112x144xf32, #tpu.memory_space<hbm>> -> memref<632x144xf32, #tpu.memory_space<hbm>>
      %dma_wait3A_74 = arith.constant 0 : i32
      %dma_wait3A_75 = tpu.memref_slice %arg19[%mul3A_57, %dma_wait3A_74] : memref<10112x144xf32, #tpu.memory_space<vmem_shared>> -> memref<632x144xf32, #tpu.memory_space<vmem_shared>>
      tpu.wait_dma2 semaphore(%run_scoped3A : memref<!tpu.dma_semaphore, #tpu.memory_space<semaphore_mem>>) src(%dma_wait3A_75 : memref<632x144xf32, #tpu.memory_space<vmem_shared>>) dst(%dma_wait3A_73 : memref<632x144xf32, #tpu.memory_space<hbm>>)
      tpu.yield
    }) : () -> ()
    return
  }
}

module attributes {stable_mosaic.version = 14 : i64} {
  func.func @_dense1_body(%arg0: memref<10000x128xf32, #tpu.memory_space<vmem>>, %arg1: memref<128x128xf32, #tpu.memory_space<vmem>>, %arg2: memref<128x8xf32, #tpu.memory_space<vmem>>, %arg3: memref<128x8xf32, #tpu.memory_space<vmem>>, %arg4: memref<10016x144xf32, #tpu.memory_space<vmem>>, %arg5: memref<10000x16xf32, #tpu.memory_space<vmem>>, %arg6: memref<1x16xf32, #tpu.memory_space<vmem>>) attributes {dimension_semantics = [], scalar_prefetch = 0 : i64, scratch_operands = 0 : i64, tpu.core_type = #tpu.core_type<tc>} {
    %get3A = arith.constant 0 : index
    %get3A_0 = arith.constant 0 : index
    %get3A_1 = vector.load %arg0[%get3A, %get3A_0] : memref<10000x128xf32, #tpu.memory_space<vmem>>, vector<10000x128xf32>
    %get3A_2 = arith.constant 0 : index
    %get3A_3 = arith.constant 0 : index
    %get3A_4 = vector.load %arg1[%get3A_2, %get3A_3] : memref<128x128xf32, #tpu.memory_space<vmem>>, vector<128x128xf32>
    %dot_general3A = arith.constant dense<0.000000e+00> : vector<10000x128xf32>
    %dot_general3A_5 = tpu.matmul %get3A_1, %get3A_4, %dot_general3A {dimension_numbers = #tpu.dot_dimension_numbers<[1], [0], [0], [1], [0, 0, 1, 1], [], []>, transpose_lhs_hint = false} : vector<10000x128xf32>, vector<128x128xf32>, vector<10000x128xf32> -> vector<10000x128xf32>
    %get3A_6 = arith.constant 0 : index
    %get3A_7 = arith.constant 0 : index
    %get3A_8 = vector.load %arg2[%get3A_6, %get3A_7] : memref<128x8xf32, #tpu.memory_space<vmem>>, vector<128x8xf32>
    %dot_general3A_9 = arith.constant dense<0.000000e+00> : vector<10000x8xf32>
    %dot_general3A_10 = tpu.matmul %dot_general3A_5, %get3A_8, %dot_general3A_9 {dimension_numbers = #tpu.dot_dimension_numbers<[1], [0], [0], [1], [0, 0, 1, 1], [], []>, transpose_lhs_hint = false} : vector<10000x128xf32>, vector<128x8xf32>, vector<10000x8xf32> -> vector<10000x8xf32>
    %get3A_11 = arith.constant 0 : index
    %get3A_12 = arith.constant 0 : index
    %get3A_13 = vector.load %arg3[%get3A_11, %get3A_12] : memref<128x8xf32, #tpu.memory_space<vmem>>, vector<128x8xf32>
    %dot_general3A_14 = arith.constant dense<0.000000e+00> : vector<10000x8xf32>
    %dot_general3A_15 = tpu.matmul %dot_general3A_5, %get3A_13, %dot_general3A_14 {dimension_numbers = #tpu.dot_dimension_numbers<[1], [0], [0], [1], [0, 0, 1, 1], [], []>, transpose_lhs_hint = false} : vector<10000x128xf32>, vector<128x8xf32>, vector<10000x8xf32> -> vector<10000x8xf32>
    %swap3A = arith.constant 0 : index
    %swap3A_16 = arith.constant 0 : index
    %swap3A_17 = vector.load %arg4[%swap3A, %swap3A_16] : memref<10016x144xf32, #tpu.memory_space<vmem>>, vector<10000x128xf32>
    tpu.vector_store %arg4[%swap3A, %swap3A_16], %dot_general3A_5 {strides = array<i32>} : memref<10016x144xf32, #tpu.memory_space<vmem>>, vector<10000x128xf32>,
    %swap3A_18 = arith.constant 0 : index
    %swap3A_19 = arith.constant 128 : index
    %swap3A_20 = vector.load %arg4[%swap3A_18, %swap3A_19] : memref<10016x144xf32, #tpu.memory_space<vmem>>, vector<10000x8xf32>
    tpu.vector_store %arg4[%swap3A_18, %swap3A_19], %dot_general3A_10 {strides = array<i32>} : memref<10016x144xf32, #tpu.memory_space<vmem>>, vector<10000x8xf32>,
    %broadcast_in_dim3A = arith.constant 0.000000e+00 : f32
    %broadcast_in_dim3A_21 = vector.broadcast %broadcast_in_dim3A : f32 to vector<10000x8xf32>
    %swap3A_22 = arith.constant 0 : index
    %swap3A_23 = arith.constant 136 : index
    %swap3A_24 = vector.load %arg4[%swap3A_22, %swap3A_23] : memref<10016x144xf32, #tpu.memory_space<vmem>>, vector<10000x8xf32>
    tpu.vector_store %arg4[%swap3A_22, %swap3A_23], %broadcast_in_dim3A_21 {strides = array<i32>} : memref<10016x144xf32, #tpu.memory_space<vmem>>, vector<10000x8xf32>,
    %broadcast_in_dim3A_25 = arith.constant 0.000000e+00 : f32
    %broadcast_in_dim3A_26 = vector.broadcast %broadcast_in_dim3A_25 : f32 to vector<16x128xf32>
    %swap3A_27 = arith.constant 10000 : index
    %swap3A_28 = arith.constant 0 : index
    %swap3A_29 = vector.load %arg4[%swap3A_27, %swap3A_28] : memref<10016x144xf32, #tpu.memory_space<vmem>>, vector<16x128xf32>
    tpu.vector_store %arg4[%swap3A_27, %swap3A_28], %broadcast_in_dim3A_26 {strides = array<i32>} : memref<10016x144xf32, #tpu.memory_space<vmem>>, vector<16x128xf32>,
    %broadcast_in_dim3A_30 = arith.constant -1.000000e+30 : f32
    %broadcast_in_dim3A_31 = vector.broadcast %broadcast_in_dim3A_30 : f32 to vector<16x8xf32>
    %swap3A_32 = arith.constant 10000 : index
    %swap3A_33 = arith.constant 128 : index
    %swap3A_34 = vector.load %arg4[%swap3A_32, %swap3A_33] : memref<10016x144xf32, #tpu.memory_space<vmem>>, vector<16x8xf32>
    tpu.vector_store %arg4[%swap3A_32, %swap3A_33], %broadcast_in_dim3A_31 {strides = array<i32>} : memref<10016x144xf32, #tpu.memory_space<vmem>>, vector<16x8xf32>,
    %broadcast_in_dim3A_35 = arith.constant 0.000000e+00 : f32
    %broadcast_in_dim3A_36 = vector.broadcast %broadcast_in_dim3A_35 : f32 to vector<16x8xf32>
    %swap3A_37 = arith.constant 10000 : index
    %swap3A_38 = arith.constant 136 : index
    %swap3A_39 = vector.load %arg4[%swap3A_37, %swap3A_38] : memref<10016x144xf32, #tpu.memory_space<vmem>>, vector<16x8xf32>
    tpu.vector_store %arg4[%swap3A_37, %swap3A_38], %broadcast_in_dim3A_36 {strides = array<i32>} : memref<10016x144xf32, #tpu.memory_space<vmem>>, vector<16x8xf32>,
    %swap3A_40 = arith.constant 0 : index
    %swap3A_41 = arith.constant 0 : index
    %swap3A_42 = vector.load %arg5[%swap3A_40, %swap3A_41] : memref<10000x16xf32, #tpu.memory_space<vmem>>, vector<10000x8xf32>
    tpu.vector_store %arg5[%swap3A_40, %swap3A_41], %dot_general3A_15 {strides = array<i32>} : memref<10000x16xf32, #tpu.memory_space<vmem>>, vector<10000x8xf32>,
    %broadcast_in_dim3A_43 = arith.constant 0.000000e+00 : f32
    %broadcast_in_dim3A_44 = vector.broadcast %broadcast_in_dim3A_43 : f32 to vector<10000x8xf32>
    %swap3A_45 = arith.constant 0 : index
    %swap3A_46 = arith.constant 8 : index
    %swap3A_47 = vector.load %arg5[%swap3A_45, %swap3A_46] : memref<10000x16xf32, #tpu.memory_space<vmem>>, vector<10000x8xf32>
    tpu.vector_store %arg5[%swap3A_45, %swap3A_46], %broadcast_in_dim3A_44 {strides = array<i32>} : memref<10000x16xf32, #tpu.memory_space<vmem>>, vector<10000x8xf32>,
    %reduce_max3A = arith.constant dense<0xFF800000> : vector<8xf32>
    %reduce_max3A_48 = vector.multi_reduction <maximumf>, %dot_general3A_10, %reduce_max3A [0] : vector<10000x8xf32> to vector<8xf32>
    %reduce_max3A_49 = arith.constant dense<0xFF800000> : vector<8xf32>
    %reduce_max3A_50 = vector.multi_reduction <maximumf>, %dot_general3A_15, %reduce_max3A_49 [0] : vector<10000x8xf32> to vector<8xf32>
    %add3A = arith.addf %reduce_max3A_48, %reduce_max3A_50 : vector<8xf32>
    %max3A = arith.constant 0.000000e+00 : f32
    %max3A_51 = vector.broadcast %max3A : f32 to vector<8xf32>
    %max3A_52 = arith.maximumf %add3A, %max3A_51 : vector<8xf32>
    %reshape3A = vector.shape_cast %max3A_52 : vector<8xf32> to vector<1x8xf32>
    %swap3A_53 = arith.constant 0 : index
    %swap3A_54 = arith.constant 0 : index
    %swap3A_55 = vector.load %arg6[%swap3A_53, %swap3A_54] : memref<1x16xf32, #tpu.memory_space<vmem>>, vector<1x8xf32>
    tpu.vector_store %arg6[%swap3A_53, %swap3A_54], %reshape3A {strides = array<i32>} : memref<1x16xf32, #tpu.memory_space<vmem>>, vector<1x8xf32>,
    %broadcast_in_dim3A_56 = arith.constant 1.000000e+09 : f32
    %broadcast_in_dim3A_57 = vector.broadcast %broadcast_in_dim3A_56 : f32 to vector<1x8xf32>
    %swap3A_58 = arith.constant 0 : index
    %swap3A_59 = arith.constant 8 : index
    %swap3A_60 = vector.load %arg6[%swap3A_58, %swap3A_59] : memref<1x16xf32, #tpu.memory_space<vmem>>, vector<1x8xf32>
    tpu.vector_store %arg6[%swap3A_58, %swap3A_59], %broadcast_in_dim3A_57 {strides = array<i32>} : memref<1x16xf32, #tpu.memory_space<vmem>>, vector<1x8xf32>,
    return
  }
}

module attributes {stable_mosaic.version = 14 : i64} {
  func.func @_mid_body(%arg0: memref<2x10112x144xf32, #tpu.memory_space<vmem>>, %arg1: memref<128x40xf32, #tpu.memory_space<vmem>>, %arg2: memref<40x1xf32, #tpu.memory_space<vmem>>, %arg3: memref<40x1xf32, #tpu.memory_space<vmem>>, %arg4: memref<8x128xf32, #tpu.memory_space<vmem>>, %arg5: memref<10016x48xf32, #tpu.memory_space<vmem>>, %arg6: memref<10016x1xf32, #tpu.memory_space<vmem>>, %arg7: memref<10016x1xf32, #tpu.memory_space<vmem>>, %arg8: memref<1x16xf32, #tpu.memory_space<vmem>>) attributes {dimension_semantics = [], scalar_prefetch = 0 : i64, scratch_operands = 0 : i64, tpu.core_type = #tpu.core_type<tc>} {
    %get3A = arith.constant 0 : index
    %get3A_0 = arith.constant 0 : index
    %get3A_1 = arith.constant 0 : index
    %get3A_2 = vector.load %arg0[%get3A, %get3A_0, %get3A_1] : memref<2x10112x144xf32, #tpu.memory_space<vmem>>, vector<1x10000x144xf32>
    %get3A_3 = vector.shape_cast %get3A_2 : vector<1x10000x144xf32> to vector<10000x144xf32>
    %get3A_4 = arith.constant 1 : index
    %get3A_5 = arith.constant 0 : index
    %get3A_6 = arith.constant 0 : index
    %get3A_7 = vector.load %arg0[%get3A_4, %get3A_5, %get3A_6] : memref<2x10112x144xf32, #tpu.memory_space<vmem>>, vector<1x10000x144xf32>
    %get3A_8 = vector.shape_cast %get3A_7 : vector<1x10000x144xf32> to vector<10000x144xf32>
    %add3A = arith.addf %get3A_3, %get3A_8 : vector<10000x144xf32>
    %slice3A = vector.extract_strided_slice %add3A {offsets = [0, 0], sizes = [10000, 128], strides = [1, 1]} : vector<10000x144xf32> to vector<10000x128xf32>
    %slice3A_9 = vector.extract_strided_slice %add3A {offsets = [0, 128], sizes = [10000, 8], strides = [1, 1]} : vector<10000x144xf32> to vector<10000x8xf32>
    %max3A = arith.constant 9.99999971E-10 : f32
    %max3A_10 = vector.broadcast %max3A : f32 to vector<10000x8xf32>
    %max3A_11 = arith.maximumf %slice3A_9, %max3A_10 : vector<10000x8xf32>
    %div3A = arith.constant 1.000000e+00 : f32
    %div3A_12 = vector.broadcast %div3A : f32 to vector<10000x8xf32>
    %div3A_13 = arith.divf %div3A_12, %max3A_11 : vector<10000x8xf32>
    %get3A_14 = arith.constant 0 : index
    %get3A_15 = arith.constant 0 : index
    %get3A_16 = vector.load %arg4[%get3A_14, %get3A_15] : memref<8x128xf32, #tpu.memory_space<vmem>>, vector<8x128xf32>
    %dot_general3A = arith.constant dense<0.000000e+00> : vector<10000x128xf32>
    %dot_general3A_17 = tpu.matmul %div3A_13, %get3A_16, %dot_general3A {dimension_numbers = #tpu.dot_dimension_numbers<[1], [0], [0], [1], [0, 0, 1, 1], [], []>, transpose_lhs_hint = false} : vector<10000x8xf32>, vector<8x128xf32>, vector<10000x128xf32> -> vector<10000x128xf32>
    %mul3A = arith.mulf %slice3A, %dot_general3A_17 : vector<10000x128xf32>
    %get3A_18 = arith.constant 0 : index
    %get3A_19 = arith.constant 0 : index
    %get3A_20 = vector.load %arg1[%get3A_18, %get3A_19] : memref<128x40xf32, #tpu.memory_space<vmem>>, vector<128x40xf32>
    %dot_general3A_21 = arith.constant dense<0.000000e+00> : vector<10000x40xf32>
    %dot_general3A_22 = tpu.matmul %mul3A, %get3A_20, %dot_general3A_21 {dimension_numbers = #tpu.dot_dimension_numbers<[1], [0], [0], [1], [0, 0, 1, 1], [], []>, transpose_lhs_hint = false} : vector<10000x128xf32>, vector<128x40xf32>, vector<10000x40xf32> -> vector<10000x40xf32>
    %get3A_23 = arith.constant 0 : index
    %get3A_24 = arith.constant 0 : index
    %get3A_25 = vector.load %arg2[%get3A_23, %get3A_24] : memref<40x1xf32, #tpu.memory_space<vmem>>, vector<40x1xf32>
    %dot_general3A_26 = arith.constant dense<0.000000e+00> : vector<10000x1xf32>
    %dot_general3A_27 = tpu.matmul %dot_general3A_22, %get3A_25, %dot_general3A_26 {dimension_numbers = #tpu.dot_dimension_numbers<[1], [0], [0], [1], [0, 0, 1, 1], [], []>, transpose_lhs_hint = false} : vector<10000x40xf32>, vector<40x1xf32>, vector<10000x1xf32> -> vector<10000x1xf32>
    %get3A_28 = arith.constant 0 : index
    %get3A_29 = arith.constant 0 : index
    %get3A_30 = vector.load %arg3[%get3A_28, %get3A_29] : memref<40x1xf32, #tpu.memory_space<vmem>>, vector<40x1xf32>
    %dot_general3A_31 = arith.constant dense<0.000000e+00> : vector<10000x1xf32>
    %dot_general3A_32 = tpu.matmul %dot_general3A_22, %get3A_30, %dot_general3A_31 {dimension_numbers = #tpu.dot_dimension_numbers<[1], [0], [0], [1], [0, 0, 1, 1], [], []>, transpose_lhs_hint = false} : vector<10000x40xf32>, vector<40x1xf32>, vector<10000x1xf32> -> vector<10000x1xf32>
    %swap3A = arith.constant 0 : index
    %swap3A_33 = arith.constant 0 : index
    %swap3A_34 = vector.load %arg5[%swap3A, %swap3A_33] : memref<10016x48xf32, #tpu.memory_space<vmem>>, vector<10000x40xf32>
    tpu.vector_store %arg5[%swap3A, %swap3A_33], %dot_general3A_22 {strides = array<i32>} : memref<10016x48xf32, #tpu.memory_space<vmem>>, vector<10000x40xf32>,
    %broadcast_in_dim3A = arith.constant 0.000000e+00 : f32
    %broadcast_in_dim3A_35 = vector.broadcast %broadcast_in_dim3A : f32 to vector<10000x8xf32>
    %swap3A_36 = arith.constant 0 : index
    %swap3A_37 = arith.constant 40 : index
    %swap3A_38 = vector.load %arg5[%swap3A_36, %swap3A_37] : memref<10016x48xf32, #tpu.memory_space<vmem>>, vector<10000x8xf32>
    tpu.vector_store %arg5[%swap3A_36, %swap3A_37], %broadcast_in_dim3A_35 {strides = array<i32>} : memref<10016x48xf32, #tpu.memory_space<vmem>>, vector<10000x8xf32>,
    %broadcast_in_dim3A_39 = arith.constant 0.000000e+00 : f32
    %broadcast_in_dim3A_40 = vector.broadcast %broadcast_in_dim3A_39 : f32 to vector<16x48xf32>
    %swap3A_41 = arith.constant 10000 : index
    %swap3A_42 = arith.constant 0 : index
    %swap3A_43 = vector.load %arg5[%swap3A_41, %swap3A_42] : memref<10016x48xf32, #tpu.memory_space<vmem>>, vector<16x48xf32>
    tpu.vector_store %arg5[%swap3A_41, %swap3A_42], %broadcast_in_dim3A_40 {strides = array<i32>} : memref<10016x48xf32, #tpu.memory_space<vmem>>, vector<16x48xf32>,
    %swap3A_44 = arith.constant 0 : index
    %swap3A_45 = arith.constant 0 : index
    %swap3A_46 = vector.load %arg6[%swap3A_44, %swap3A_45] : memref<10016x1xf32, #tpu.memory_space<vmem>>, vector<10000x1xf32>
    tpu.vector_store %arg6[%swap3A_44, %swap3A_45], %dot_general3A_27 {strides = array<i32>} : memref<10016x1xf32, #tpu.memory_space<vmem>>, vector<10000x1xf32>,
    %broadcast_in_dim3A_47 = arith.constant -1.000000e+30 : f32
    %broadcast_in_dim3A_48 = vector.broadcast %broadcast_in_dim3A_47 : f32 to vector<16x1xf32>
    %swap3A_49 = arith.constant 10000 : index
    %swap3A_50 = arith.constant 0 : index
    %swap3A_51 = vector.load %arg6[%swap3A_49, %swap3A_50] : memref<10016x1xf32, #tpu.memory_space<vmem>>, vector<16x1xf32>
    tpu.vector_store %arg6[%swap3A_49, %swap3A_50], %broadcast_in_dim3A_48 {strides = array<i32>} : memref<10016x1xf32, #tpu.memory_space<vmem>>, vector<16x1xf32>,
    %swap3A_52 = arith.constant 0 : index
    %swap3A_53 = arith.constant 0 : index
    %swap3A_54 = vector.load %arg7[%swap3A_52, %swap3A_53] : memref<10016x1xf32, #tpu.memory_space<vmem>>, vector<10000x1xf32>
    tpu.vector_store %arg7[%swap3A_52, %swap3A_53], %dot_general3A_32 {strides = array<i32>} : memref<10016x1xf32, #tpu.memory_space<vmem>>, vector<10000x1xf32>,
    %broadcast_in_dim3A_55 = arith.constant 0.000000e+00 : f32
    %broadcast_in_dim3A_56 = vector.broadcast %broadcast_in_dim3A_55 : f32 to vector<16x1xf32>
    %swap3A_57 = arith.constant 10000 : index
    %swap3A_58 = arith.constant 0 : index
    %swap3A_59 = vector.load %arg7[%swap3A_57, %swap3A_58] : memref<10016x1xf32, #tpu.memory_space<vmem>>, vector<16x1xf32>
    tpu.vector_store %arg7[%swap3A_57, %swap3A_58], %broadcast_in_dim3A_56 {strides = array<i32>} : memref<10016x1xf32, #tpu.memory_space<vmem>>, vector<16x1xf32>,
    %reduce_max3A = vector.shape_cast %dot_general3A_27 : vector<10000x1xf32> to vector<1x10000x1xf32>
    %reduce_max3A_60 = arith.constant dense<0xFF800000> : vector<1xf32>
    %reduce_max3A_61 = vector.multi_reduction <maximumf>, %reduce_max3A, %reduce_max3A_60 [1, 2] : vector<1x10000x1xf32> to vector<1xf32>
    %reduce_max3A_62 = vector.shape_cast %reduce_max3A_61 : vector<1xf32> to vector<1x1x1xf32>
    %reduce_max3A_63 = vector.extract %reduce_max3A_62[0, 0, 0] : f32 from vector<1x1x1xf32>
    %reduce_max3A_64 = vector.shape_cast %dot_general3A_32 : vector<10000x1xf32> to vector<1x10000x1xf32>
    %reduce_max3A_65 = arith.constant dense<0xFF800000> : vector<1xf32>
    %reduce_max3A_66 = vector.multi_reduction <maximumf>, %reduce_max3A_64, %reduce_max3A_65 [1, 2] : vector<1x10000x1xf32> to vector<1xf32>
    %reduce_max3A_67 = vector.shape_cast %reduce_max3A_66 : vector<1xf32> to vector<1x1x1xf32>
    %reduce_max3A_68 = vector.extract %reduce_max3A_67[0, 0, 0] : f32 from vector<1x1x1xf32>
    %add3A_69 = arith.addf %reduce_max3A_63, %reduce_max3A_68 : f32
    %max3A_70 = arith.constant 0.000000e+00 : f32
    %max3A_71 = arith.maximumf %add3A_69, %max3A_70 : f32
    %broadcast_in_dim3A_72 = arith.constant 1.000000e+00 : f32
    %broadcast_in_dim3A_73 = vector.broadcast %broadcast_in_dim3A_72 : f32 to vector<1x16xf32>
    %mul3A_74 = vector.broadcast %max3A_71 : f32 to vector<1x16xf32>
    %mul3A_75 = arith.mulf %broadcast_in_dim3A_73, %mul3A_74 : vector<1x16xf32>
    %swap3A_76 = arith.constant 0 : index
    %swap3A_77 = arith.constant 0 : index
    %swap3A_78 = vector.load %arg8[%swap3A_76, %swap3A_77] : memref<1x16xf32, #tpu.memory_space<vmem>>, vector<1x16xf32>
    tpu.vector_store %arg8[%swap3A_76, %swap3A_77], %mul3A_75 {strides = array<i32>} : memref<1x16xf32, #tpu.memory_space<vmem>>, vector<1x16xf32>,
    return
  }
}

module attributes {stable_mosaic.version = 14 : i64} {
  func.func @_final_body(%arg0: memref<2x10112x48xf32, #tpu.memory_space<vmem>>, %arg1: memref<10000x40xf32, #tpu.memory_space<vmem>>) attributes {dimension_semantics = [], scalar_prefetch = 0 : i64, scratch_operands = 0 : i64, tpu.core_type = #tpu.core_type<tc>} {
    %get3A = arith.constant 0 : index
    %get3A_0 = arith.constant 0 : index
    %get3A_1 = arith.constant 0 : index
    %get3A_2 = vector.load %arg0[%get3A, %get3A_0, %get3A_1] : memref<2x10112x48xf32, #tpu.memory_space<vmem>>, vector<1x10000x48xf32>
    %get3A_3 = vector.shape_cast %get3A_2 : vector<1x10000x48xf32> to vector<10000x48xf32>
    %get3A_4 = arith.constant 1 : index
    %get3A_5 = arith.constant 0 : index
    %get3A_6 = arith.constant 0 : index
    %get3A_7 = vector.load %arg0[%get3A_4, %get3A_5, %get3A_6] : memref<2x10112x48xf32, #tpu.memory_space<vmem>>, vector<1x10000x48xf32>
    %get3A_8 = vector.shape_cast %get3A_7 : vector<1x10000x48xf32> to vector<10000x48xf32>
    %add3A = arith.addf %get3A_3, %get3A_8 : vector<10000x48xf32>
    %slice3A = vector.extract_strided_slice %add3A {offsets = [0, 40], sizes = [10000, 1], strides = [1, 1]} : vector<10000x48xf32> to vector<10000x1xf32>
    %max3A = arith.constant 9.99999971E-10 : f32
    %max3A_9 = vector.broadcast %max3A : f32 to vector<10000x1xf32>
    %max3A_10 = arith.maximumf %slice3A, %max3A_9 : vector<10000x1xf32>
    %slice3A_11 = vector.extract_strided_slice %add3A {offsets = [0, 0], sizes = [10000, 40], strides = [1, 1]} : vector<10000x48xf32> to vector<10000x40xf32>
    %div3A = vector.broadcast %max3A_10 : vector<10000x1xf32> to vector<10000x40xf32>
    %div3A_12 = arith.divf %slice3A_11, %div3A : vector<10000x40xf32>
    %swap3A = arith.constant 0 : index
    %swap3A_13 = arith.constant 0 : index
    %swap3A_14 = vector.load %arg1[%swap3A, %swap3A_13] : memref<10000x40xf32, #tpu.memory_space<vmem>>, vector<10000x40xf32>
    tpu.vector_store %arg1[%swap3A, %swap3A_13], %div3A_12 {strides = array<i32>} : memref<10000x40xf32, #tpu.memory_space<vmem>>, vector<10000x40xf32>,
    return
  }
}

</mosaic_0001>

<sc_bundles>
// kernel: kernel.10.cloned.1.call-start
scs
__scs_entry_jumppad:
0x0: {  	(pc) =	sbr.rel $0x88, $3  }
0x1: {  	(tag) =	ssettag $0x0;
	lr =	simm.s32 $0x1  }
0x2: {  	[smem:$0x3F99] =	sst lr;
	_ =	strace $0xD0000000  }
0x3: {  	_ = 	snop  }
0x4: {  	_ = 	snop  }
0x5: {  	_ = 	snop  }
0x6: {  	_ = 	snop  }
0x7: {  	_ = 	snop  }
__scs_overlays_trampoline_lowered:
0x8: {  	[smem:$0x3FA8] =	sst s0  }
0x9: {  	[smem:$0x3FA9] =	sst s1  }
0xa: {  	[smem:$0x3FAA] =	sst s2  }
0xb: {  	[smem:$0x3FAB] =	sst s3  }
0xc: {  	[smem:$0x3FAC] =	sst s4  }
0xd: {  	[smem:$0x3FAD] =	sst s5  }
0xe: {  	[smem:$0x3FAE] =	sst s6  }
0xf: {  	[smem:$0x3FAF] =	sst s7  }
0x10: {  	[smem:$0x3FB0] =	sst s8  }
0x11: {  	[smem:$0x3FB1] =	sst s9;
	s0 =	simm.s32 @!p0 $0x0  }
0x12: {  	s1 =	sld [smem:$0x3F97];
	s0 =	simm.s32 @p0 $0x1  }
0x13: {  	[smem:$0x3FB2] =	sst s0;
	s0 =	simm.s32 @!p1 $0x0  }
0x14: {  	s2 =	sld [smem:$0x3F96];
	s0 =	simm.s32 @p1 $0x1  }
0x15: {  	[smem:$0x3FB3] =	sst s0;
	s0 =	simm.s32 @!p2 $0x0  }
0x16: {  	s3 =	sld [smem:$0x3FDB];
	s0 =	simm.s32 @p2 $0x1  }
0x17: {  	s4 =	simm.s32 $0x1BF5;
	[smem:$0x3FB5] =	sst s0  }
0x18: {  	s0 =	sld [smem:$0x3F98];
	_ =	swait.ge [sflag:s4], $0x0  }
0x19: {  	s7 =	sld [smem:$0x3F99]  }
0x1a: {  	s8 =	sadd.s32 $0xFFFFE003, lr  }
0x1b: {  	s9 =	sadd.s32 $0xFFFFFEF7, lr;
	s5 =	simm.s32 $0xFFFFFFFF;
	p2 =	slt.u32 s8, $0xFFFFF086  }
0x1c: {  	p1 =	slt.u32 s9, $0xF7A;
	s5 =	simm.s32 @!p2 $0x0  }
0x1d: {  	s5 =	simm.s32 @p1 $0x1;
	p0 =	seq.s32 s7, s2  }
0x1e: {  	s7 =	smul.u32 @!p0 $0xF7A, s2;
	p2 =	seq.s32 @!p0 s5, $0x0  }
0x1f: {  	s9 =	smul.u32 $0xF7A, s1;
	s8 =	simm.s32 @!p0 $0x1BF5;
	p2 =	por !p2, p0  }
0x20: {  	[sflag:s8] =	ssyncset.s32 @!p0 $0xFFFFF086;
	s6 =	sadd.s32 @!p0 s3, s7;
	s7 =	simm.s32 @!p0 $0x108  }
0x21: {  	s3 =	sadd.s32 s3, s9;
	s6 =	sadd.s32 @!p0 $0x88, s6;
	s7 =	simm.s32 @p2 $0x1082  }
0x22: {  	[simem:s7], [sflag:s8] =	dma.local @!p0 [hbm:s6], $0xF7A  }
0x23: {  	s9 =	sor.u32 $0xD0000000, s2;
	s6 =	simm.s32 $0x108;
	_ =	swait.ge @!p0 [sflag:s8], $0x0  }
0x24: {  	s3 =	sadd.s32 $0x88, s3;
	s6 =	simm.s32 @!p1 $0x1082;
	[sflag:s4] =	ssyncset.s32 $0xFFFFF086  }
0x25: {  	[simem:s6], [sflag:s4] =	dma.local [hbm:s3], $0xF7A  }
0x26: {  	[smem:$0x3F99] =	sst s1;
	(tag) =	ssettag s2;
	_ =	strace s9  }
0x27: {  	s1 =	sld [smem:$0x3FA9]  }
0x28: {  	s2 =	sld [smem:$0x3FAA]  }
0x29: {  	s4 =	sld [smem:$0x3FAC]  }
0x2a: {  	p0 =	seq.s32 s5, $0x0;
	s5 =	sld [smem:$0x3FAD]  }
0x2b: {  	s6 =	sld [smem:$0x3FAE]  }
0x2c: {  	s7 =	sld [smem:$0x3FAF]  }
0x2d: {  	s3 =	simm.s32 $0x108;
	s8 =	sld [smem:$0x3FB0]  }
0x2e: {  	s3 =	simm.s32 @!p0 $0x1082;
	s9 =	sld [smem:$0x3FB1]  }
0x2f: {  	lr =	sadd.s32 s0, s3;
	s0 =	sld [smem:$0x3FA8]  }
0x30: {  	s3 =	sld [smem:$0x3FAB]  }
0x31: {  	[smem:$0x3FB4] =	sst s10  }
0x32: {  	s10 =	sld [smem:$0x3FB2];
	_ =	sdelay $0x3  }
0x33: {  	p0 =	seq.s32 s10, $0x1;
	s10 =	sld [smem:$0x3FB4];
	_ =	sdelay $0x3  }
0x34: {  	[smem:$0x3FB4] =	sst s10  }
0x35: {  	s10 =	sld [smem:$0x3FB3];
	_ =	sdelay $0x3  }
0x36: {  	p1 =	seq.s32 s10, $0x1;
	s10 =	sld [smem:$0x3FB4];
	_ =	sdelay $0x3  }
0x37: {  	[smem:$0x3FB4] =	sst s10  }
0x38: {  	s10 =	sld [smem:$0x3FB5]  }
0x39: {  	_ = 	snop;
	(pc) =	sbr.ind lr, $3  }
0x3a: {  	_ = 	snop  }
0x3b: {  	_ = 	snop  }
0x3c: {  	p2 =	seq.s32 s10, $0x1;
	s10 =	sld [smem:$0x3FB4]  }
0x3d: {  	_ =	shalt  }
0x3e: {  	_ =	shalt  }
0x3f: {  	_ =	shalt  }
0x40: {  	_ =	shalt  }
0x41: {  	_ =	shalt  }
0x42: {  	_ =	shalt  }
0x43: {  	_ =	shalt  }
0x44: {  	_ =	shalt  }
0x45: {  	_ =	shalt  }
0x46: {  	_ =	shalt  }
0x47: {  	_ =	shalt  }
0x48: {  	_ =	shalt  }
0x49: {  	_ =	shalt  }
0x4a: {  	_ =	shalt  }
0x4b: {  	_ =	shalt  }
0x4c: {  	_ =	shalt  }
0x4d: {  	_ =	shalt  }
0x4e: {  	_ =	shalt  }
0x4f: {  	_ =	shalt  }
0x50: {  	_ =	shalt  }
0x51: {  	_ =	shalt  }
0x52: {  	_ =	shalt  }
0x53: {  	_ =	shalt  }
0x54: {  	_ =	shalt  }
0x55: {  	_ =	shalt  }
0x56: {  	_ =	shalt  }
0x57: {  	_ =	shalt  }
0x58: {  	_ =	shalt  }
0x59: {  	_ =	shalt  }
0x5a: {  	_ =	shalt  }
0x5b: {  	_ =	shalt  }
0x5c: {  	_ =	shalt  }
0x5d: {  	_ =	shalt  }
0x5e: {  	_ =	shalt  }
0x5f: {  	_ =	shalt  }
0x60: {  	_ =	shalt  }
0x61: {  	_ =	shalt  }
0x62: {  	_ =	shalt  }
0x63: {  	_ =	shalt  }
0x64: {  	_ =	shalt  }
0x65: {  	_ =	shalt  }
0x66: {  	_ =	shalt  }
0x67: {  	_ =	shalt  }
0x68: {  	_ =	shalt  }
0x69: {  	_ =	shalt  }
0x6a: {  	_ =	shalt  }
0x6b: {  	_ =	shalt  }
0x6c: {  	_ =	shalt  }
0x6d: {  	_ =	shalt  }
0x6e: {  	_ =	shalt  }
0x6f: {  	_ =	shalt  }
0x70: {  	_ =	shalt  }
0x71: {  	_ =	shalt  }
0x72: {  	_ =	shalt  }
0x73: {  	_ =	shalt  }
0x74: {  	_ =	shalt  }
0x75: {  	_ =	shalt  }
0x76: {  	_ =	shalt  }
0x77: {  	_ =	shalt  }
0x78: {  	_ =	shalt  }
0x79: {  	_ =	shalt  }
0x7a: {  	_ =	shalt  }
0x7b: {  	_ =	shalt  }
0x7c: {  	_ =	shalt  }
0x7d: {  	_ =	shalt  }
0x7e: {  	_ =	shalt  }
0x7f: {  	_ =	shalt  }
0x80: {  	_ =	shalt  }
0x81: {  	_ =	shalt  }
0x82: {  	_ =	shalt  }
0x83: {  	_ =	shalt  }
0x84: {  	_ =	shalt  }
0x85: {  	_ =	shalt  }
0x86: {  	_ =	shalt  }
0x87: {  	_ =	shalt  }
.Lfunc_end0:
.L_simem_size_0:
called_computation.1_lowered:
.L_overlay_start_0:
0x88: {  	s2 =	sld [smem:$0x3FD9]  }
0x89: {  	s3 =	sld [smem:$0x3FFE];
	_ =	sdelay $0x1  }
0x8a: {  	s1 =	srdreg.scid  }
0x8b: {  	s0 =	sand.u32 $0x1, s1  }
0x8c: {  	s17 =	sshll.u32 s0, $0xA;
	s2 =	sadd.s32 s3, s2  }
0x8d: {  	s2 =	sadd.s32 s2, s17  }
0x8e: {  	[smem:$0x3FC0] =	sst s2  }
0x8f: {  	_ = 	snop  }
0x90: {  	s2 =	sld [smem:$0x3FD0];
	(tm) =	ssettm $0x1  }
0x91: {  	s18 =	sld [smem:$0x3FFB];
	_ =	sdelay $0x3  }
0x92: {  	_ =	strace s18  }
0x93: {  	s3 =	sld [smem:$0x3FFC];
	_ =	sdelay $0x3  }
0x94: {  	_ =	strace s3  }
0x95: {  	s3 =	sld [smem:$0x3FFD];
	_ =	sdelay $0x3  }
0x96: {  	_ =	strace s3  }
0x97: {  	_ =	strace $0x8FFFFFFF  }
0x98: {  	s19 =	sld [smem:$0x3FDB];
	_ =	sdelay $0x1  }
0x99: {  	s4 =	simm.s32 $_scs_section_size  }
0x9a: {  	s5 =	simm.s32 $_size__tile_overlayer_lowered;
	s6 =	simm.s32 $_tile_overlayer_lowered  }
0x9b: {  	s22 =	simm.s32 $0x1BFF;
	s21 =	sshll.u32 s6, $0x1;
	s3 =	sadd.s32 s4, s19  }
0x9c: {  	s7 =	simm.s32 $0x0;
	s20 =	sshll.u32 s5, $0x1;
	s5 =	sadd.s32 s21, s3  }
0x9d: {  	[timem:s7], [sflag:s22] =	dma.local [hbm:s5], s20  }
0x9e: {  	_ =	swait.ge [sflag:s22], s20  }
0x9f: {  	s4 =	ssub.s32 $0x0, s20;
	[sflag:s22] =	ssyncset.done $0x0  }
0xa0: {  	[sflag:s22] =	ssyncadd.s32 s4;
	_ =	sdelay $0x1  }
0xa1: {  	s23 =	simm.s32 $0x1B8B  }
0xa2: {  	_ =	swait.ge [sflag:s23], $0x1  }
0xa3: {  	[sflag:s23] =	ssyncset.done $0x0  }
0xa4: {  	s25 =	simm.s32 $0x1B8E;
	s24 =	sld [smem:$0x3FFE];
	[sflag:s23] =	ssyncadd.s32 $0xFFFFFFFF  }
0xa5: {  	s26 =	simm.s32 $execute0_lowered;
	[smem:$0x3FD2] =	sst s25  }
0xa6: {  	s5 =	sshll.u32 s26, $0x1;
	_ =	strace $0x80000049;
	[dreg:$0x1] =	wrdreg $0xFFFFFFFF  }
0xa7: {  	s28 =	simm.s32 $_size_execute0_lowered;
	s3 =	sadd.s32 s3, s5;
	[dreg:$0x0] =	wrdreg $0x0  }
0xa8: {  	s5 =	sshll.u32 s28, $0x1;
	[dreg:$0x2] =	wrdreg s3  }
0xa9: {  	[dreg:$0x3] =	wrdreg s5  }
0xaa: {  	[dreg:$0x4] =	wrdreg $0xC0  }
0xab: {  	_ =	task [dreg:s7], $0x5FFFF  }
0xac: {  	[dreg:$0x1] =	wrdreg $0xFFFFFFFF  }
0xad: {  	[dreg:$0x0] =	wrdreg $0x60  }
0xae: {  	[dreg:$0x2] =	wrdreg s24  }
0xaf: {  	[dreg:$0x3] =	wrdreg s2  }
0xb0: {  	[dreg:$0x4] =	wrdreg $0xA5600  }
0xb1: {  	[dreg:$0x5] =	wrdreg $0x9  }
0xb2: {  	_ =	task.clear_ibuf [dreg:s7], $0x6FFFF;
	_ =	strace $0x90000049  }
0xb3: {  	s29 =	simm.s32 $0x9;
	_ =	strace $0x8000004B  }
0xb4: {  	_ =	swait.ge [sflag:s29], $0x1  }
0xb5: {  	[sflag:s29] =	ssyncadd.s32 $0xFFFFFFFF  }
0xb6: {  	_ =	strace $0x9000004B  }
0xb7: {  	_ =	sfence  }
0xb8: {  	s30 =	sld [smem:$0x0];
	_ =	sdelay $0x2  }
0xb9: {  	s31 =	sshll.u32 s1, $0xD;
	s1 =	sshrl.u32 s1, $0x2  }
0xba: {  	s3 =	sand.u32 $0x4000, s31;
	s1 =	sadd.s32 s1, s30  }
0xbb: {  	s0 =	sor.u32 s3, s0;
	s1 =	sshll.u32 s1, $0x11  }
0xbc: {  	s0 =	sor.u32 s1, s0  }
0xbd: {  	s0 =	sadd.s32 $0x8F2B, s0  }
0xbe: {  	[sflag:s0] =	ssyncadd.remote.s32 $0x1  }
0xbf: {  	_ =	sfence.sel $0xFFFF  }
0xc0: {  	[dreg:$0x0] =	wrdreg $0xFFFFFFFF;
	(pc) =	sbr.abs _section_cstart, $3  }
0xc1: {  	[dreg:$0x1] =	wrdreg $0xFFFFFFFF  }
0xc2: {  	_ =	task.clear_ibuf [dreg:s7], $0x2FFFF;
	_ =	strace $0x9FFFFFFF  }
0xc3: {  	(tm) =	ssettm $0x7FFFFFFF  }
tec
execute0_lowered:
.L_overlay_start_1:
0x0: {  	(tag) =	ssettag $0x1  }
0x1: {  	s0 =	rddreg [dreg:$0x0]  }
0x2: {  	s1 =	rddreg [dreg:$0x1]  }
0x3: {  	s2 =	rddreg [dreg:$0x2];
	s3 =	simm.s32 $0x0;
	s12 =	srdreg.scid  }
0x4: {  	s9 =	stileid.u32;
	s28 =	simm.s32 $0x2A0;
	s31 =	simm.s32 $0x70  }
0x5: {  	s29 =	simm.s32 $0x5;
	s30 =	simm.s32 $0x2;
	[smem:$0x7FF] =	sst s3  }
0x6: {  	s4 =	sadd.s32 $0xAE00, s0;
	s5 =	sadd.s32 $0x19A00, s0;
	s3 =	sand.u32 $0x1, s12  }
0x7: {  	s13 =	sadd.s32 $0x1A000, s0;
	s8 =	sadd.s32 $0xE00, s0;
	s6 =	sadd.s32 $0xAC00, s0  }
0x8: {  	s15 =	smul.u32 $0x1DA00, s9;
	_ =	strace $0x8000004A;
	[dreg:$0x4] =	wrdreg s5  }
0x9: {  	s7 =	sshll.u32 s9, $0x1;
	s17 =	smul.u32 $0x7680, s9;
	[dreg:$0x5] =	wrdreg s13  }
0xa: {  	s12 =	simm.s32 $0x7;
	s14 =	smul.u32 $0xED00, s3;
	[dreg:$0x6] =	wrdreg s6  }
0xb: {  	s16 =	ssub.s32 $0x2, s3;
	s3 =	sor.u32 s3, s7;
	s7 =	simm.s32 $0x6  }
0xc: {  	s13 =	simm.s32 $0x8;
	s6 =	sshrl.u32 s15, $0x2;
	s18 =	sshrl.u32 s16, $0x1  }
0xd: {  	s3 =	smul.u32 $0x2760, s3;
	s10 =	sadd.s32 s17, s2;
	s6 =	sadd.s32 s6, s2  }
0xe: {  	s26 =	sshrl.u32 s17, $0x3;
	s0 =	sadd.s32 s14, s0;
	s19 =	sadd.s32 $0x1500, s6  }
0xf: {  	s5 =	ssub.s32 s16, s18;
	s20 =	sadd.s32 $0x2A00, s6;
	[dreg:$0x7] =	wrdreg s19  }
0x10: {  	s14 =	simm.s32 $0x0;
	s21 =	sadd.s32 $0x3F00, s6;
	[dreg:$0x8] =	wrdreg s20  }
0x11: {  	s22 =	sshrl.u32 s3, $0x3;
	s11 =	sadd.s32 $0x5400, s6;
	[dreg:$0x9] =	wrdreg s21  }
0x12: {  	s6 =	sadd.s32 $0x6900, s6;
	s0 =	sadd.s32 $0x1A600, s0;
	[dreg:$0xa] =	wrdreg s11  }
0x13: {  	s5 =	smax.u32 s5, $0x1;
	[dreg:$0xb] =	wrdreg s6;
	s23 =	sadd.s32 $0xE, s22  }
0x14: {  	s24 =	sadd.s32 s1, s22;
	s9 =	sadd.s32 s8, s22;
	s20 =	sadd.s32 $0xE0, s3  }
0x15: {  	v0 =	vimm.f32 $0.0e+00;
	v1 =	vimm.s32 $0x0;
	vm0 =	vcmask $0x1F24;
	s21 =	sadd.s32 $0x150, s3;
	[dreg:$0x10] =	wrdreg s5;
	s5 =	simm.s32 $0x17A0  }
0x16: {  	v2 =	vimm.s32 $0x1;
	v3 =	vimm.s32 $0x2;
	v4 =	vimm.s32 $0x3;
	s3 =	simm.s32 $0x1C0;
	s11 =	simm.s32 $0x41A0;
	[dreg:$0xc] =	wrdreg s24  }
0x17: {  	v5 =	vimm.s32 $0x4;
	v6 =	vimm.s32 $0x5;
	v7 =	vimm.s32 $0x6;
	[dreg:$0xd] =	wrdreg s9;
	s25 =	sadd.s32 s1, s23;
	s6 =	sadd.s32 s8, s23  }
0x18: {  	v8 =	vimm.s32 $0x7;
	v9 =	vimm.s32 $0x8;
	v10 =	vimm.s32 $0x9;
	s23 =	simm.s32 $0x56A0;
	s24 =	sadd.s32 s26, s0;
	s26 =	simm.s32 $0x7DC0  }
0x19: {  	v11 =	vimm.s32 $0xA;
	v12 =	vimm.s32 $0xB;
	v13 =	vimm.s32 $0xC;
	s0 =	simm.s32 $0x4;
	s9 =	simm.s32 $0x230;
	[dreg:$0xe] =	wrdreg s25  }
0x1a: {  	v14 =	vimm.s32 $0xD;
	v15 =	vimm.s32 $0xE;
	v16 =	vimm.s32 $0xF;
	[dreg:$0xf] =	wrdreg s6;
	s25 =	simm.s32 $0x9;
	s6 =	simm.s32 $0x2CA0  }
.LBB2_1:
0x1b: {  	s15 =	simm.s32 $0x0;
	s16 =	rddreg [dreg:$0x4]  }
0x1c: {  	[tilespmem:s23], [sflag:$0x9] =	stream.linear.gather [hbm4b:s16+s15], $0x2720, $0x38;
	[tilespmem:$0x11BE0] =	vst v63  }
0x1d: {  	_ =	swait.ge [sflag:s25], $0x2720  }
0x1e: {  	[sflag:s25] =	ssyncset.done $0x0  }
0x1f: {  	s22 =	rddreg [dreg:$0x5];
	[sflag:s25] =	ssyncadd.s32 $0xFFFFD8E0  }
0x20: {  	[tilespmem:s26], [sflag:$0x9] =	stream.linear.gather [hbm4b:s22+s15], $0x2720, $0x38;
	[tilespmem:$0x11BE0] =	vst v63  }
0x21: {  	_ =	swait.ge [sflag:s25], $0x2720  }
0x22: {  	[sflag:s25] =	ssyncset.done $0x0  }
0x23: {  	s16 =	simm.s32 $0x0;
	s15 =	simm.s32 $0xC0;
	[sflag:s25] =	ssyncadd.s32 $0xFFFFD8E0  }
.LBB2_2:
0x24: {  	p0 =	sne.s32 s15, $0x5340;
	[tilespmem:s16+$0x2C0] =	vst v0;
	s17 =	smov.u32 s15;
	s15 =	sadd.s32 $0xC0, s15  }
.Ltmp0:
0x25: {  	[tilespmem:s16+$0x2A0] =	vst v0;
	(pc) =	sbr.rel @p0 .LBB2_2-.Ltmp0, $2  }
0x26: {  	[tilespmem:s16+$0x2B0] =	vst v0;
	_ =	sdelay $0x2  }
0x27: {  	s16 =	sshra.s32 s17, $0x2  }
0x28: {  	[tilespmem:s16+$0x2C0] =	vst v0  }
0x29: {  	[tilespmem:s16+$0x2A0] =	vst v0  }
0x2a: {  	[tilespmem:s16+$0x2B0] =	vst v0  }
0x2b: {  	[spmem:s10] =	stream.linear.scatter [tilespmem:s28], [sflag:$0x9], $0x1500, $0x38;
	[tilespmem:$0x11BE0] =	vst v63  }
0x2c: {  	_ =	swait.ge [sflag:s25], $0x1500  }
0x2d: {  	[sflag:s25] =	ssyncset.done $0x0  }
0x2e: {  	s15 =	rddreg [dreg:$0x7];
	[sflag:s25] =	ssyncadd.s32 $0xFFFFEB00  }
0x2f: {  	[spmem:s15] =	stream.linear.scatter [tilespmem:s28], [sflag:$0x9], $0x1500, $0x38;
	[tilespmem:$0x11BE0] =	vst v63  }
0x30: {  	_ =	swait.ge [sflag:s25], $0x1500  }
0x31: {  	[sflag:s25] =	ssyncset.done $0x0  }
0x32: {  	s16 =	rddreg [dreg:$0x8];
	[sflag:s25] =	ssyncadd.s32 $0xFFFFEB00  }
0x33: {  	[spmem:s16] =	stream.linear.scatter [tilespmem:s28], [sflag:$0x9], $0x1500, $0x38;
	[tilespmem:$0x11BE0] =	vst v63  }
0x34: {  	_ =	swait.ge [sflag:s25], $0x1500  }
0x35: {  	[sflag:s25] =	ssyncset.done $0x0  }
0x36: {  	s17 =	rddreg [dreg:$0x9];
	[sflag:s25] =	ssyncadd.s32 $0xFFFFEB00  }
0x37: {  	[spmem:s17] =	stream.linear.scatter [tilespmem:s28], [sflag:$0x9], $0x1500, $0x38;
	[tilespmem:$0x11BE0] =	vst v63  }
0x38: {  	_ =	swait.ge [sflag:s25], $0x1500  }
0x39: {  	[sflag:s25] =	ssyncset.done $0x0  }
0x3a: {  	s18 =	rddreg [dreg:$0xa];
	[sflag:s25] =	ssyncadd.s32 $0xFFFFEB00  }
0x3b: {  	[spmem:s18] =	stream.linear.scatter [tilespmem:s28], [sflag:$0x9], $0x1500, $0x38;
	[tilespmem:$0x11BE0] =	vst v63  }
0x3c: {  	_ =	swait.ge [sflag:s25], $0x1500  }
0x3d: {  	[sflag:s25] =	ssyncset.done $0x0  }
0x3e: {  	s19 =	rddreg [dreg:$0xb];
	[sflag:s25] =	ssyncadd.s32 $0xFFFFEB00  }
0x3f: {  	[spmem:s19] =	stream.linear.scatter [tilespmem:s28], [sflag:$0x9], $0xD80, $0x38;
	[tilespmem:$0x11BE0] =	vst v63  }
0x40: {  	_ =	swait.ge [sflag:s25], $0xD80  }
0x41: {  	s15 =	simm.s32 $0x0;
	[sflag:s25] =	ssyncset.done $0x0  }
0x42: {  	s17 =	simm.s32 $0xA550;
	s22 =	rddreg [dreg:$0x6];
	[sflag:s25] =	ssyncadd.s32 $0xFFFFF280  }
0x43: {  	[tilespmem:s17], [sflag:$0x9] =	stream.linear.gather [hbm4b:s22+s15], $0x10, $0x38;
	[tilespmem:$0x11BE0] =	vst v63  }
0x44: {  	_ =	swait.ge [sflag:s25], $0x10  }
0x45: {  	[sflag:s25] =	ssyncset.done $0x0  }
0x46: {  	[sflag:s25] =	ssyncadd.s32 $0xFFFFFFF0  }
0x47: {  	[bflag:$0x0] =	sbarrier.arrive $0xFFFF  }
0x48: {  	s18 =	rddreg [dreg:$0xc]  }
0x49: {  	v17 =	vld [tilespmem:$0xA550];
	[tilespmem:s15], [sflag:$0x9] =	stream.linear.gather [hbm4b:s18+s15], $0x70, $0x38  }
0x4a: {  	_ =	swait.ge [sflag:s25], $0x70  }
0x4b: {  	[sflag:s25] =	ssyncset.done $0x0  }
0x4c: {  	s22 =	simm.s32 $0xE0;
	s19 =	rddreg [dreg:$0xd];
	[sflag:s25] =	ssyncadd.s32 $0xFFFFFF90  }
0x4d: {  	[tilespmem:s22], [sflag:$0x9] =	stream.linear.gather [hbm4b:s19+s15], $0x70, $0x38;
	[tilespmem:$0x11BE0] =	vst v63  }
0x4e: {  	_ =	swait.ge [sflag:s25], $0x70  }
0x4f: {  	[sflag:s25] =	ssyncset.done $0x0  }
0x50: {  	s18 =	rddreg [dreg:$0xe];
	[sflag:s25] =	ssyncadd.s32 $0xFFFFFF90  }
0x51: {  	[tilespmem:s31], [sflag:$0x2] =	stream.linear.gather [hbm4b:s18+s15], $0x70, $0x38;
	[tilespmem:$0x11BE0] =	vst v63  }
0x52: {  	s22 =	simm.s32 $0x150;
	s19 =	rddreg [dreg:$0xf]  }
0x53: {  	[tilespmem:s22], [sflag:$0x4] =	stream.linear.gather [hbm4b:s19+s15], $0x70, $0x38;
	[tilespmem:$0x11BE0] =	vst v63  }
0x54: {  	_ = 	snop  }
0x55: {  	[tilespmem:s28], [sflag:$0x5] =	stream.indirect.gather [hbm4b:s4+s31], $0x30, s15, s31, $0xb8;
	[tilespmem:$0x11BE0] =	vst v63  }
.LBB2_4:
0x56: {  	_ =	swait.ge [sflag:s29], $0x1500  }
0x57: {  	[sflag:s29] =	ssyncset.done $0x0  }
0x58: {  	[sflag:s29] =	ssyncadd.s32 $0xFFFFEB00  }
0x59: {  	v18 =	vld [tilespmem:$0xE0]  }
0x5a: {  	v19 =	vld [tilespmem:$0xF0]  }
0x5b: {  	v20 =	vld [tilespmem:$0x100]  }
0x5c: {  	v21 =	vld [tilespmem:$0x110]  }
0x5d: {  	v22 =	vld [tilespmem:$0x120]  }
0x5e: {  	v23 =	vld [tilespmem:$0x130]  }
0x5f: {  	v24 =	vld [tilespmem:$0x0]  }
0x60: {  	[tilespmem:$0x1C0] =	vst v18;
	v18 =	vld [tilespmem:$0xE0]  }
0x61: {  	[tilespmem:$0x1D0] =	vst v19;
	v19 =	vld [tilespmem:$0x140]  }
0x62: {  	[tilespmem:$0x1E0] =	vst v20  }
0x63: {  	[tilespmem:$0x1F0] =	vst v21  }
0x64: {  	[tilespmem:$0x200] =	vst v22  }
0x65: {  	[tilespmem:$0x210] =	vst v23  }
0x66: {  	[tilespmem:$0x220] =	vst v19  }
0x67: {  	v19 =	vld.idx.msk [tilespmem:v24+s23+$0x0], $0xffff  }
0x68: {  	v18 =	vld.idx.msk [tilespmem:v18+s26+$0x0], $0xffff;
	_ =	sdelay $0x4  }
0x69: {  	v18 =	vadd.f32 v18, v19;
	_ =	sdelay $0x1  }
0x6a: {  	v19 =	vmul.f32 $2.000000030e-01, v18  }
0x6b: {  	vm1 =	vge.f32 v18, $0.0e+00  }
0x6c: {  	v18 =	vsel vm1, v18, v19  }
0x6d: {  	v18 =	vsub.f32 v18, v17;
	_ =	sdelay $0x1  }
0x6e: {  	v18 =	vmul.f32 $1.442695020e+00, v18;
	_ =	sdelay $0x1  }
0x6f: {  	(erf) = vpow2.f32 v18;
	_ =	sdelay $0x2  }
0x70: {  	v18 =	vld [tilespmem:$0x10]  }
0x71: {  	v19 =	vld [tilespmem:$0xF0];
	_ =	sdelay $0x4  }
0x72: {  	v20 =	vpop (erf)  }
0x73: {  	[tilespmem:$0xA4E0] =	vst v20  }
0x74: {  	v18 =	vld.idx.msk [tilespmem:v18+s23+$0x0], $0xffff  }
0x75: {  	v19 =	vld.idx.msk [tilespmem:v19+s26+$0x0], $0xffff;
	_ =	sdelay $0x4  }
0x76: {  	v18 =	vadd.f32 v19, v18;
	_ =	sdelay $0x1  }
0x77: {  	v19 =	vmul.f32 $2.000000030e-01, v18  }
0x78: {  	vm1 =	vge.f32 v18, $0.0e+00  }
0x79: {  	v18 =	vsel vm1, v18, v19  }
0x7a: {  	v18 =	vsub.f32 v18, v17;
	_ =	sdelay $0x1  }
0x7b: {  	v18 =	vmul.f32 $1.442695020e+00, v18;
	_ =	sdelay $0x1  }
0x7c: {  	(erf) = vpow2.f32 v18;
	_ =	sdelay $0x2  }
0x7d: {  	v18 =	vld [tilespmem:$0x20]  }
0x7e: {  	v19 =	vld [tilespmem:$0x100];
	_ =	sdelay $0x4  }
0x7f: {  	v20 =	vpop (erf)  }
0x80: {  	[tilespmem:$0xA4F0] =	vst v20  }
0x81: {  	v18 =	vld.idx.msk [tilespmem:v18+s23+$0x0], $0xffff  }
0x82: {  	v19 =	vld.idx.msk [tilespmem:v19+s26+$0x0], $0xffff;
	_ =	sdelay $0x4  }
0x83: {  	v18 =	vadd.f32 v19, v18;
	_ =	sdelay $0x1  }
0x84: {  	v19 =	vmul.f32 $2.000000030e-01, v18  }
0x85: {  	vm1 =	vge.f32 v18, $0.0e+00  }
0x86: {  	v18 =	vsel vm1, v18, v19  }
0x87: {  	v18 =	vsub.f32 v18, v17;
	_ =	sdelay $0x1  }
0x88: {  	v18 =	vmul.f32 $1.442695020e+00, v18;
	_ =	sdelay $0x1  }
0x89: {  	(erf) = vpow2.f32 v18;
	_ =	sdelay $0x2  }
0x8a: {  	v18 =	vld [tilespmem:$0x30]  }
0x8b: {  	v19 =	vld [tilespmem:$0x110];
	_ =	sdelay $0x4  }
0x8c: {  	v20 =	vpop (erf)  }
0x8d: {  	[tilespmem:$0xA500] =	vst v20  }
0x8e: {  	v18 =	vld.idx.msk [tilespmem:v18+s23+$0x0], $0xffff  }
0x8f: {  	v19 =	vld.idx.msk [tilespmem:v19+s26+$0x0], $0xffff;
	_ =	sdelay $0x4  }
0x90: {  	v18 =	vadd.f32 v19, v18;
	_ =	sdelay $0x1  }
0x91: {  	v19 =	vmul.f32 $2.000000030e-01, v18  }
0x92: {  	vm1 =	vge.f32 v18, $0.0e+00  }
0x93: {  	v18 =	vsel vm1, v18, v19  }
0x94: {  	v18 =	vsub.f32 v18, v17;
	_ =	sdelay $0x1  }
0x95: {  	v18 =	vmul.f32 $1.442695020e+00, v18;
	_ =	sdelay $0x1  }
0x96: {  	(erf) = vpow2.f32 v18;
	_ =	sdelay $0x2  }
0x97: {  	v18 =	vld [tilespmem:$0x40]  }
0x98: {  	v19 =	vld [tilespmem:$0x120];
	_ =	sdelay $0x4  }
0x99: {  	v20 =	vpop (erf)  }
0x9a: {  	[tilespmem:$0xA510] =	vst v20  }
0x9b: {  	v18 =	vld.idx.msk [tilespmem:v18+s23+$0x0], $0xffff  }
0x9c: {  	v19 =	vld.idx.msk [tilespmem:v19+s26+$0x0], $0xffff;
	_ =	sdelay $0x4  }
0x9d: {  	v18 =	vadd.f32 v19, v18;
	_ =	sdelay $0x1  }
0x9e: {  	v19 =	vmul.f32 $2.000000030e-01, v18  }
0x9f: {  	vm1 =	vge.f32 v18, $0.0e+00  }
0xa0: {  	v18 =	vsel vm1, v18, v19  }
0xa1: {  	v18 =	vsub.f32 v18, v17;
	_ =	sdelay $0x1  }
0xa2: {  	v18 =	vmul.f32 $1.442695020e+00, v18;
	_ =	sdelay $0x1  }
0xa3: {  	(erf) = vpow2.f32 v18;
	_ =	sdelay $0x2  }
0xa4: {  	v18 =	vld [tilespmem:$0x50]  }
0xa5: {  	v19 =	vld [tilespmem:$0x130];
	_ =	sdelay $0x4  }
0xa6: {  	v20 =	vpop (erf)  }
0xa7: {  	[tilespmem:$0xA520] =	vst v20  }
0xa8: {  	v18 =	vld.idx.msk [tilespmem:v18+s23+$0x0], $0xffff  }
0xa9: {  	v19 =	vld.idx.msk [tilespmem:v19+s26+$0x0], $0xffff;
	_ =	sdelay $0x4  }
0xaa: {  	v18 =	vadd.f32 v19, v18;
	_ =	sdelay $0x1  }
0xab: {  	v19 =	vmul.f32 $2.000000030e-01, v18  }
0xac: {  	vm1 =	vge.f32 v18, $0.0e+00  }
0xad: {  	v18 =	vsel vm1, v18, v19  }
0xae: {  	v18 =	vsub.f32 v18, v17;
	_ =	sdelay $0x1  }
0xaf: {  	v18 =	vmul.f32 $1.442695020e+00, v18;
	_ =	sdelay $0x1  }
0xb0: {  	(erf) = vpow2.f32 v18;
	_ =	sdelay $0x2  }
0xb1: {  	v18 =	vld [tilespmem:$0x60]  }
0xb2: {  	v19 =	vld [tilespmem:$0x140];
	_ =	sdelay $0x4  }
0xb3: {  	v20 =	vpop (erf)  }
0xb4: {  	[tilespmem:$0xA530] =	vst v20  }
0xb5: {  	v18 =	vld.idx.msk [tilespmem:v18+s23+$0x0], $0xffff  }
0xb6: {  	v19 =	vld.idx.msk [tilespmem:v19+s26+$0x0], $0xffff;
	_ =	sdelay $0x4  }
0xb7: {  	v18 =	vadd.f32 v19, v18;
	_ =	sdelay $0x1  }
0xb8: {  	v19 =	vmul.f32 $2.000000030e-01, v18  }
0xb9: {  	vm1 =	vge.f32 v18, $0.0e+00  }
0xba: {  	v18 =	vsel vm1, v18, v19  }
0xbb: {  	v18 =	vsub.f32 v18, v17;
	_ =	sdelay $0x1  }
0xbc: {  	v18 =	vmul.f32 $1.442695020e+00, v18;
	_ =	sdelay $0x1  }
0xbd: {  	(erf) = vpow2.f32 v18;
	_ =	sdelay $0x4  }
0xbe: {  	p0 =	seq.s32 s15, $0x2C  }
0xbf: {  	s16 =	smul.u32 @!p0 $0xE0, s15;
	_ =	sdelay $0x1  }
0xc0: {  	s17 =	sadd.s32 @!p0 s16, s20  }
0xc1: {  	s17 =	sshrl.u32 @!p0 s17, $0x3;
	v18 =	vpop (erf)  }
0xc2: {  	s19 =	simm.s32 @!p0 $0x0;
	s18 =	sadd.s32 @!p0 s1, s17;
	[tilespmem:$0xA540] =	vst v18  }
0xc3: {  	[tilespmem:s19], [sflag:$0x1] =	stream.linear.gather @!p0 [hbm4b:s18+s19], $0x70, $0x38;
	[tilespmem:$0x11BE0] =	vst v63  }
0xc4: {  	s17 =	sadd.s32 @!p0 s8, s17;
	s18 =	simm.s32 @!p0 $0xE0  }
0xc5: {  	[tilespmem:s18], [sflag:$0x3] =	stream.linear.gather @!p0 [hbm4b:s17+s19], $0x70, $0x38;
	[tilespmem:$0x11BE0] =	vst v63  }
0xc6: {  	_ =	swait.ge [sflag:s30], $0x70  }
0xc7: {  	[sflag:s30] =	ssyncset.done $0x0  }
0xc8: {  	[sflag:s30] =	ssyncadd.s32 $0xFFFFFF90  }
0xc9: {  	_ =	swait.ge [sflag:s0], $0x70  }
0xca: {  	p1 =	seq.s32 s15, $0x0;
	[sflag:s0] =	ssyncset.done $0x0  }
0xcb: {  	s17 =	simm.s32 @!p1 $0x7;
	[sflag:s0] =	ssyncadd.s32 $0xFFFFFF90  }
0xcc: {  	[tilespmem:s5], [sflag:$0x6] =	stream.indirect.gather [hbm4b:s4+s31], $0x30, s31, s31, $0xb8;
	[tilespmem:$0x11BE0] =	vst v63  }
0xcd: {  	_ =	swait.ge @!p1 [sflag:s17], $0x1500  }
0xce: {  	[sflag:s17] =	ssyncset.done @!p1 $0x0  }
0xcf: {  	[sflag:s17] =	ssyncadd.s32 @!p1 $0xFFFFEB00;
	s17 =	simm.s32 $0x2F0  }
0xd0: {  	v27 =	vld [tilespmem:s17+$0xFFFFFFB0]  }
0xd1: {  	v28 =	vld [tilespmem:s17+$0xFFFFFFC0]  }
0xd2: {  	v25 =	vld [tilespmem:s17+$0xFFFFFFE0]  }
0xd3: {  	v26 =	vld [tilespmem:s17+$0xFFFFFFF0]  }
0xd4: {  	v23 =	vld [tilespmem:s17+$0x10]  }
0xd5: {  	v24 =	vld [tilespmem:s17+$0x20]  }
0xd6: {  	v21 =	vld [tilespmem:s17+$0x40]  }
0xd7: {  	v22 =	vld [tilespmem:s17+$0x50]  }
0xd8: {  	v18 =	vld [tilespmem:s17+$0x70]  }
0xd9: {  	v20 =	vld [tilespmem:s17+$0x80]  }
0xda: {  	s18 =	simm.s32 $0xA4E0;
	v19 =	vld [tilespmem:s17+$0xA0]  }
0xdb: {  	s19 =	simm.s32 $0x17C0;
	v29 =	vld [tilespmem:s18+$0x0]  }
.LBB2_5:
0xdc: {  	p1 =	sne.s32 s19, $0x53C0;
	v32 =	vld [tilespmem:s17+$0xFFFFFFD0]  }
0xdd: {  	v33 =	vld [tilespmem:s17+$0x0]  }
0xde: {  	v34 =	vld [tilespmem:s17+$0x30]  }
0xdf: {  	v35 =	vld [tilespmem:s17+$0x60]  }
0xe0: {  	v36 =	vperm.xlane v29, v1;
	v37 =	vperm.xlane v29, v2;
	v30 =	vld [tilespmem:s17+$0xB0]  }
0xe1: {  	v38 =	vperm.xlane v29, v3;
	v31 =	vperm.xlane v29, v4;
	v39 =	vld [tilespmem:s17+$0x90]  }
0xe2: {  	v32 =	vmul.f32 v32, v36;
	v40 =	vsel vm0, $0x0, v37;
	v33 =	vmul.f32 v33, v37;
	v41 =	vld [tilespmem:s17+$0xC0]  }
0xe3: {  	v42 =	vsel vm0, $0x0, v36;
	v43 =	vsel vm0, $0x0, v38;
	v34 =	vmul.f32 v34, v38;
	v44 =	vld [tilespmem:s17+$0xF0]  }
0xe4: {  	v32 =	vadd.f32 v32, v42;
	v33 =	vadd.f32 v33, v40;
	v35 =	vmul.f32 v35, v31;
	v40 =	vld [tilespmem:s17+$0x120]  }
0xe5: {  	v42 =	vsel vm0, $0x0, v31;
	v34 =	vadd.f32 v34, v43;
	v43 =	vperm.xlane v29, v5;
	v45 =	vld [tilespmem:s17+$0xD0]  }
0xe6: {  	[tilespmem:s17+$0x29D0] =	vst v32;
	v32 =	vadd.f32 v35, v42;
	v35 =	vperm.xlane v29, v6;
	v42 =	vperm.xlane v29, v7;
	v46 =	vld [tilespmem:s17+$0xE0]  }
0xe7: {  	v47 =	vperm.xlane v29, v8;
	[tilespmem:s17+$0x2A00] =	vst v33;
	v33 =	vsel vm0, $0x0, v43;
	v39 =	vmul.f32 v39, v43;
	v48 =	vld [tilespmem:s17+$0x150]  }
0xe8: {  	[tilespmem:s17+$0x2A30] =	vst v34;
	v34 =	vsel vm0, $0x0, v35;
	v41 =	vmul.f32 v41, v35;
	v44 =	vmul.f32 v44, v42;
	v49 =	vld [tilespmem:s17+$0x180]  }
0xe9: {  	[tilespmem:s17+$0x2A60] =	vst v32;
	v32 =	vadd.f32 v39, v33;
	v33 =	vsel vm0, $0x0, v42;
	v39 =	vmul.f32 v40, v47;
	v40 =	vld [tilespmem:s17+$0x1B0]  }
0xea: {  	v34 =	vadd.f32 v41, v34;
	v33 =	vadd.f32 v44, v33;
	v41 =	vsel vm0, $0x0, v47;
	v44 =	vld [tilespmem:s17+$0x1E0]  }
0xeb: {  	v50 =	vperm.xlane v29, v10;
	[tilespmem:s17+$0x2A90] =	vst v32;
	v32 =	vld [tilespmem:s17+$0x100];
	v39 =	vadd.f32 v39, v41;
	v41 =	vperm.xlane v29, v9  }
0xec: {  	v51 =	vperm.xlane v29, v12;
	[tilespmem:s17+$0x2AC0] =	vst v34;
	v34 =	vperm.xlane v29, v11;
	v52 =	vld [tilespmem:s17+$0x210]  }
0xed: {  	[tilespmem:s17+$0x2AF0] =	vst v33;
	v33 =	vsel vm0, $0x0, v41;
	v48 =	vmul.f32 v48, v41;
	v49 =	vmul.f32 v49, v50;
	v53 =	vld [tilespmem:s17+$0x240]  }
0xee: {  	[tilespmem:s17+$0x2B20] =	vst v39;
	v39 =	vsel vm0, $0x0, v50;
	v54 =	vsel vm0, $0x0, v34;
	v40 =	vmul.f32 v40, v34;
	v55 =	vld [tilespmem:s17+$0x270]  }
0xef: {  	v33 =	vadd.f32 v48, v33;
	v39 =	vadd.f32 v49, v39;
	v44 =	vmul.f32 v44, v51;
	v48 =	vld [tilespmem:s17+$0x2A0]  }
0xf0: {  	v56 =	vperm.xlane v29, v13;
	v49 =	vld [tilespmem:s17+$0x110];
	v40 =	vadd.f32 v40, v54;
	v54 =	vsel vm0, $0x0, v51  }
0xf1: {  	v57 =	vld [tilespmem:s17+$0x130];
	[tilespmem:s17+$0x2B50] =	vst v33;
	v33 =	vadd.f32 v44, v54;
	v44 =	vperm.xlane v29, v14;
	v54 =	vperm.xlane v29, v15  }
0xf2: {  	v52 =	vmul.f32 v52, v56;
	v29 =	vperm.xlane v29, v16;
	v58 =	vld [tilespmem:s17+$0x140];
	[tilespmem:s17+$0x2B80] =	vst v39;
	v39 =	vsel vm0, $0x0, v56  }
0xf3: {  	v59 =	vld [tilespmem:s17+$0x160];
	[tilespmem:s17+$0x2BB0] =	vst v40;
	v40 =	vsel vm0, $0x0, v44;
	v53 =	vmul.f32 v53, v44;
	v55 =	vmul.f32 v55, v54  }
0xf4: {  	v60 =	vld [tilespmem:s17+$0x170];
	[tilespmem:s17+$0x2BE0] =	vst v33;
	v33 =	vadd.f32 v52, v39;
	v39 =	vsel vm0, $0x0, v54;
	v48 =	vmul.f32 v48, v29  }
0xf5: {  	v52 =	vld [tilespmem:s17+$0x190];
	v40 =	vadd.f32 v53, v40;
	v39 =	vadd.f32 v55, v39;
	v53 =	vsel vm0, $0x0, v29  }
0xf6: {  	v27 =	vmul.f32 v27, v36;
	v28 =	vmul.f32 v28, v36;
	v36 =	vld [tilespmem:s17+$0x1A0];
	[tilespmem:s17+$0x2C10] =	vst v33;
	v33 =	vadd.f32 v48, v53  }
0xf7: {  	v25 =	vmul.f32 v25, v37;
	v26 =	vmul.f32 v26, v37;
	v37 =	vld [tilespmem:s17+$0x1C0];
	[tilespmem:s17+$0x2C40] =	vst v40  }
0xf8: {  	v23 =	vmul.f32 v23, v38;
	v24 =	vmul.f32 v24, v38;
	v38 =	vld [tilespmem:s17+$0x1D0];
	[tilespmem:s17+$0x2C70] =	vst v39  }
0xf9: {  	v21 =	vmul.f32 v21, v31;
	v22 =	vmul.f32 v22, v31;
	v31 =	vld [tilespmem:s17+$0x1F0];
	[tilespmem:s17+$0x2CA0] =	vst v33  }
0xfa: {  	v18 =	vmul.f32 v18, v43;
	v20 =	vmul.f32 v20, v43;
	[tilespmem:s17+$0x29B0] =	vst v27;
	v27 =	vld [tilespmem:s17+$0x200]  }
0xfb: {  	v19 =	vmul.f32 v19, v35;
	[tilespmem:s17+$0x29C0] =	vst v28;
	v28 =	vmul.f32 v30, v35;
	v30 =	vld [tilespmem:s17+$0x220]  }
0xfc: {  	v33 =	vmul.f32 v46, v42;
	[tilespmem:s17+$0x29E0] =	vst v25;
	v25 =	vmul.f32 v45, v42;
	v35 =	vld [tilespmem:s17+$0x230]  }
0xfd: {  	[tilespmem:s17+$0x29F0] =	vst v26;
	v26 =	vmul.f32 v32, v47;
	v32 =	vmul.f32 v49, v47;
	v39 =	vld [tilespmem:s17+$0x250]  }
0xfe: {  	v40 =	vmul.f32 v58, v41;
	[tilespmem:s17+$0x2A10] =	vst v23;
	v23 =	vmul.f32 v57, v41;
	v41 =	vld [tilespmem:s17+$0x260]  }
0xff: {  	v42 =	vmul.f32 v60, v50;
	[tilespmem:s17+$0x2A20] =	vst v24;
	v24 =	vmul.f32 v59, v50;
	v43 =	vld [tilespmem:s17+$0x280]  }
0x100: {  	[tilespmem:s17+$0x2A40] =	vst v21;
	v21 =	vmul.f32 v52, v34;
	v34 =	vmul.f32 v36, v34;
	v36 =	vld [tilespmem:s17+$0x290]  }
0x101: {  	[tilespmem:s17+$0x2A50] =	vst v22;
	v22 =	vmul.f32 v37, v51;
	v37 =	vmul.f32 v38, v51  }
0x102: {  	[tilespmem:s17+$0x2A70] =	vst v18;
	v18 =	vmul.f32 v31, v56;
	v31 =	vmul.f32 v27, v56  }
0x103: {  	[tilespmem:s17+$0x2A80] =	vst v20;
	v20 =	vmul.f32 v30, v44;
	v30 =	vmul.f32 v35, v44  }
0x104: {  	v35 =	vmul.f32 v41, v54;
	[tilespmem:s17+$0x2AA0] =	vst v19;
	v19 =	vmul.f32 v39, v54  }
0x105: {  	v38 =	vmul.f32 v43, v29;
	[tilespmem:s17+$0x2AB0] =	vst v28;
	v29 =	vmul.f32 v36, v29  }
0x106: {  	[tilespmem:s17+$0x2AD0] =	vst v25  }
0x107: {  	[tilespmem:s17+$0x2AE0] =	vst v33  }
0x108: {  	[tilespmem:s17+$0x2B00] =	vst v26  }
0x109: {  	[tilespmem:s17+$0x2B10] =	vst v32  }
0x10a: {  	[tilespmem:s17+$0x2B30] =	vst v23  }
0x10b: {  	[tilespmem:s17+$0x2B40] =	vst v40  }
0x10c: {  	[tilespmem:s17+$0x2B60] =	vst v24  }
0x10d: {  	[tilespmem:s17+$0x2B70] =	vst v42  }
0x10e: {  	s22 =	sshra.s32 s19, $0x2;
	[tilespmem:s17+$0x2B90] =	vst v21  }
0x10f: {  	v27 =	vld [tilespmem:s22+$0xFFFFFFB0];
	[tilespmem:s17+$0x2BA0] =	vst v34  }
0x110: {  	v28 =	vld [tilespmem:s22+$0xFFFFFFC0];
	[tilespmem:s17+$0x2BC0] =	vst v22  }
0x111: {  	v25 =	vld [tilespmem:s22+$0xFFFFFFE0];
	[tilespmem:s17+$0x2BD0] =	vst v37  }
0x112: {  	v26 =	vld [tilespmem:s22+$0xFFFFFFF0];
	[tilespmem:s17+$0x2BF0] =	vst v18  }
0x113: {  	v23 =	vld [tilespmem:s22+$0x10];
	[tilespmem:s17+$0x2C00] =	vst v31  }
0x114: {  	v24 =	vld [tilespmem:s22+$0x20];
	[tilespmem:s17+$0x2C20] =	vst v20  }
0x115: {  	v21 =	vld [tilespmem:s22+$0x40];
	[tilespmem:s17+$0x2C30] =	vst v30  }
.Ltmp1:
0x116: {  	v22 =	vld [tilespmem:s22+$0x50];
	[tilespmem:s17+$0x2C50] =	vst v19;
	(pc) =	sbr.rel @p1 .LBB2_5-.Ltmp1, $4  }
0x117: {  	v18 =	vld [tilespmem:s22+$0x70];
	[tilespmem:s17+$0x2C60] =	vst v35  }
0x118: {  	v20 =	vld [tilespmem:s22+$0x80];
	[tilespmem:s17+$0x2C80] =	vst v38  }
0x119: {  	s18 =	sadd.s32 $0x10, s18;
	v19 =	vld [tilespmem:s22+$0xA0];
	[tilespmem:s17+$0x2C90] =	vst v29;
	s17 =	smov.u32 s22  }
0x11a: {  	s19 =	sadd.s32 $0xC00, s19;
	v29 =	vld [tilespmem:s18+$0x0]  }
0x11b: {  	_ =	sdelay $0x3  }
0x11c: {  	v35 =	vperm.xlane v29, v1  }
0x11d: {  	v31 =	vld [tilespmem:s17+$0xFFFFFFD0]  }
0x11e: {  	v37 =	vperm.xlane v29, v2;
	v27 =	vmul.f32 v27, v35  }
0x11f: {  	v32 =	vld [tilespmem:s17+$0x0];
	v28 =	vmul.f32 v28, v35  }
0x120: {  	v33 =	vld [tilespmem:s17+$0x30];
	v41 =	vperm.xlane v29, v3;
	v25 =	vmul.f32 v25, v37;
	[tilespmem:s17+$0x29B0] =	vst v27  }
0x121: {  	v26 =	vmul.f32 v26, v37;
	[tilespmem:s17+$0x29C0] =	vst v28  }
0x122: {  	v34 =	vld [tilespmem:s17+$0x60];
	v31 =	vmul.f32 v31, v35;
	v23 =	vmul.f32 v23, v41;
	[tilespmem:s17+$0x29E0] =	vst v25  }
0x123: {  	v44 =	vperm.xlane v29, v4;
	v39 =	vsel vm0, $0x0, v35;
	v24 =	vmul.f32 v24, v41;
	[tilespmem:s17+$0x29F0] =	vst v26  }
0x124: {  	v32 =	vmul.f32 v32, v37;
	v31 =	vadd.f32 v31, v39;
	[tilespmem:s17+$0x2A10] =	vst v23  }
0x125: {  	v36 =	vld [tilespmem:s17+$0x90];
	v42 =	vsel vm0, $0x0, v37;
	v33 =	vmul.f32 v33, v41;
	v21 =	vmul.f32 v21, v44;
	[tilespmem:s17+$0x2A20] =	vst v24  }
0x126: {  	v30 =	vld [tilespmem:s17+$0xB0];
	v32 =	vadd.f32 v32, v42;
	[tilespmem:s17+$0x29D0] =	vst v31;
	v31 =	vsel vm0, $0x0, v41  }
0x127: {  	v38 =	vld [tilespmem:s17+$0xC0];
	v34 =	vmul.f32 v34, v44;
	[tilespmem:s17+$0x2A40] =	vst v21;
	v31 =	vadd.f32 v33, v31  }
0x128: {  	v40 =	vld [tilespmem:s17+$0xF0];
	v57 =	vsel vm0, $0x0, v44;
	v22 =	vmul.f32 v22, v44;
	[tilespmem:s17+$0x2A00] =	vst v32;
	v33 =	vperm.xlane v29, v5  }
0x129: {  	v56 =	vld [tilespmem:s17+$0x120];
	v32 =	vadd.f32 v34, v57;
	[tilespmem:s17+$0x2A30] =	vst v31;
	v31 =	vperm.xlane v29, v6  }
0x12a: {  	v43 =	vld [tilespmem:s17+$0xD0];
	[tilespmem:s17+$0x2A50] =	vst v22;
	v58 =	vmul.f32 v36, v33;
	v18 =	vmul.f32 v18, v33  }
0x12b: {  	v45 =	vld [tilespmem:s17+$0x150];
	[tilespmem:s17+$0x2A60] =	vst v32;
	v32 =	vperm.xlane v29, v7;
	v46 =	vsel vm0, $0x0, v33;
	v20 =	vmul.f32 v20, v33  }
0x12c: {  	v59 =	vld [tilespmem:s17+$0x180];
	v49 =	vperm.xlane v29, v8;
	v38 =	vmul.f32 v38, v31;
	v34 =	vadd.f32 v58, v46;
	[tilespmem:s17+$0x2A70] =	vst v18  }
0x12d: {  	v42 =	vld [tilespmem:s17+$0xE0];
	v40 =	vmul.f32 v40, v32;
	v47 =	vsel vm0, $0x0, v31;
	v19 =	vmul.f32 v19, v31;
	[tilespmem:s17+$0x2A80] =	vst v20  }
0x12e: {  	v48 =	vld [tilespmem:s17+$0x1E0];
	v61 =	vsel vm0, $0x0, v32;
	v38 =	vadd.f32 v38, v47;
	[tilespmem:s17+$0x2A90] =	vst v34  }
0x12f: {  	v55 =	vld [tilespmem:s17+$0x130];
	v39 =	vmul.f32 v56, v49;
	v34 =	vadd.f32 v40, v61;
	[tilespmem:s17+$0x2AA0] =	vst v19  }
0x130: {  	v53 =	vperm.xlane v29, v11;
	v62 =	vsel vm0, $0x0, v49;
	v46 =	vld [tilespmem:s17+$0x1B0];
	v18 =	vmul.f32 v30, v31;
	[tilespmem:s17+$0x2AC0] =	vst v38  }
0x131: {  	v56 =	vperm.xlane v29, v12;
	v47 =	vld [tilespmem:s17+$0x100];
	v38 =	vadd.f32 v39, v62;
	[tilespmem:s17+$0x2AF0] =	vst v34;
	v34 =	vperm.xlane v29, v9  }
0x132: {  	v20 =	vmul.f32 v43, v32;
	v19 =	vmul.f32 v42, v32;
	[tilespmem:s17+$0x2AB0] =	vst v18  }
0x133: {  	v63 =	vld [tilespmem:s17+$0x210];
	[tilespmem:s17+$0x2B20] =	vst v38;
	v38 =	vperm.xlane v29, v10;
	v45 =	vmul.f32 v45, v34  }
0x134: {  	v60 =	vld [tilespmem:s17+$0x240];
	v48 =	vmul.f32 v48, v56;
	[tilespmem:s17+$0x2AE0] =	vst v19;
	v51 =	vsel vm0, $0x0, v34;
	v19 =	vmul.f32 v55, v34  }
0x135: {  	[tilespmem:s17+$0x2AD0] =	vst v20;
	v46 =	vmul.f32 v46, v53;
	v36 =	vmul.f32 v59, v38;
	v45 =	vadd.f32 v45, v51;
	v51 =	vld [tilespmem:s17+$0x110]  }
0x136: {  	v50 =	vld [tilespmem:s17+$0x270];
	v61 =	vsel vm0, $0x0, v53;
	v18 =	vmul.f32 v47, v49;
	v54 =	vsel vm0, $0x0, v38;
	[tilespmem:s17+$0x2B30] =	vst v19  }
0x137: {  	v36 =	vadd.f32 v36, v54;
	[tilespmem:s17+$0x2B50] =	vst v45;
	v54 =	vld [tilespmem:s17+$0x140];
	v45 =	vadd.f32 v46, v61;
	v46 =	vperm.xlane v29, v13  }
0x138: {  	v57 =	vld [tilespmem:s17+$0x160];
	v62 =	vsel vm0, $0x0, v56;
	[tilespmem:s17+$0x2B00] =	vst v18  }
0x139: {  	v52 =	vld [tilespmem:s17+$0x2A0];
	[tilespmem:s17+$0x2B80] =	vst v36;
	v36 =	vadd.f32 v48, v62;
	v40 =	vmul.f32 v63, v46  }
0x13a: {  	[tilespmem:s17+$0x2BB0] =	vst v45;
	v45 =	vperm.xlane v29, v14;
	v48 =	vld [tilespmem:s17+$0x170];
	v58 =	vsel vm0, $0x0, v46;
	v20 =	vmul.f32 v51, v49  }
0x13b: {  	[tilespmem:s17+$0x2BE0] =	vst v36;
	v36 =	vperm.xlane v29, v15;
	v40 =	vadd.f32 v40, v58  }
0x13c: {  	v39 =	vmul.f32 v60, v45;
	v18 =	vmul.f32 v54, v34;
	[tilespmem:s17+$0x2B10] =	vst v20  }
0x13d: {  	v58 =	vld [tilespmem:s17+$0x190];
	v59 =	vsel vm0, $0x0, v45;
	v29 =	vperm.xlane v29, v16;
	v20 =	vmul.f32 v57, v38;
	[tilespmem:s17+$0x2C10] =	vst v40  }
0x13e: {  	v60 =	vld [tilespmem:s17+$0x1A0];
	v50 =	vmul.f32 v50, v36;
	v39 =	vadd.f32 v39, v59;
	[tilespmem:s17+$0x2B40] =	vst v18  }
0x13f: {  	v63 =	vsel vm0, $0x0, v36;
	v59 =	vld [tilespmem:s17+$0x1C0];
	v52 =	vmul.f32 v52, v29;
	v19 =	vmul.f32 v48, v38;
	[tilespmem:s17+$0x2B60] =	vst v20  }
0x140: {  	v62 =	vld [tilespmem:s17+$0x1D0];
	v61 =	vsel vm0, $0x0, v29;
	v40 =	vadd.f32 v50, v63;
	[tilespmem:s17+$0x2C40] =	vst v39  }
0x141: {  	v39 =	vadd.f32 v52, v61;
	v63 =	vld [tilespmem:s17+$0x1F0];
	[tilespmem:s17+$0x2B70] =	vst v19  }
0x142: {  	v27 =	vld [tilespmem:s17+$0x200];
	v18 =	vmul.f32 v58, v53;
	[tilespmem:s17+$0x2C70] =	vst v40  }
0x143: {  	v28 =	vld [tilespmem:s17+$0x220];
	v20 =	vmul.f32 v60, v53;
	[tilespmem:s17+$0x2CA0] =	vst v39  }
0x144: {  	v25 =	vld [tilespmem:s17+$0x230];
	v19 =	vmul.f32 v59, v56;
	[tilespmem:s17+$0x2B90] =	vst v18  }
0x145: {  	v26 =	vld [tilespmem:s17+$0x250];
	v18 =	vmul.f32 v62, v56;
	[tilespmem:s17+$0x2BA0] =	vst v20  }
0x146: {  	v23 =	vld [tilespmem:s17+$0x260];
	v20 =	vmul.f32 v63, v46;
	[tilespmem:s17+$0x2BC0] =	vst v19  }
0x147: {  	v24 =	vld [tilespmem:s17+$0x280];
	v19 =	vmul.f32 v27, v46;
	[tilespmem:s17+$0x2BD0] =	vst v18  }
0x148: {  	v21 =	vld [tilespmem:s17+$0x290];
	v18 =	vmul.f32 v28, v45;
	[tilespmem:s17+$0x2BF0] =	vst v20  }
0x149: {  	v20 =	vmul.f32 v25, v45;
	[tilespmem:s17+$0x2C00] =	vst v19  }
0x14a: {  	v19 =	vmul.f32 v26, v36;
	[tilespmem:s17+$0x2C20] =	vst v18  }
0x14b: {  	v18 =	vmul.f32 v23, v36;
	[tilespmem:s17+$0x2C30] =	vst v20  }
0x14c: {  	v20 =	vmul.f32 v24, v29;
	[tilespmem:s17+$0x2C50] =	vst v19  }
0x14d: {  	v19 =	vmul.f32 v21, v29;
	[tilespmem:s17+$0x2C60] =	vst v18  }
0x14e: {  	[tilespmem:s17+$0x2C80] =	vst v20  }
0x14f: {  	[tilespmem:s17+$0x2C90] =	vst v19  }
0x150: {  	[spmem:s2] =	stream.indirect.scatter.add.f32 [tilespmem:s6], [sflag:$0x7], $0x30, s3, s31, $0xb8;
	[tilespmem:$0x11BE0] =	vst v63  }
0x151: {  	_ =	swait.ge [sflag:s7], $0x1500  }
0x152: {  	[sflag:s7] =	ssyncset.done $0x0  }
0x153: {  	[sflag:s7] =	ssyncadd.s32 $0xFFFFEB00  }
0x154: {  	v18 =	vld [tilespmem:$0x150]  }
0x155: {  	v19 =	vld [tilespmem:$0x160]  }
0x156: {  	v20 =	vld [tilespmem:$0x170]  }
0x157: {  	v21 =	vld [tilespmem:$0x180]  }
0x158: {  	v22 =	vld [tilespmem:$0x190]  }
0x159: {  	v23 =	vld [tilespmem:$0x1A0]  }
0x15a: {  	v24 =	vld [tilespmem:$0x70]  }
0x15b: {  	[tilespmem:$0x230] =	vst v18;
	v18 =	vld [tilespmem:$0x150]  }
0x15c: {  	[tilespmem:$0x240] =	vst v19;
	v19 =	vld [tilespmem:$0x1B0]  }
0x15d: {  	[tilespmem:$0x250] =	vst v20  }
0x15e: {  	[tilespmem:$0x260] =	vst v21  }
0x15f: {  	[tilespmem:$0x270] =	vst v22  }
0x160: {  	[tilespmem:$0x280] =	vst v23  }
0x161: {  	[tilespmem:$0x290] =	vst v19  }
0x162: {  	v19 =	vld.idx.msk [tilespmem:v24+s23+$0x0], $0xffff  }
0x163: {  	v18 =	vld.idx.msk [tilespmem:v18+s26+$0x0], $0xffff;
	_ =	sdelay $0x4  }
0x164: {  	v18 =	vadd.f32 v18, v19;
	_ =	sdelay $0x1  }
0x165: {  	v19 =	vmul.f32 $2.000000030e-01, v18  }
0x166: {  	vm1 =	vge.f32 v18, $0.0e+00  }
0x167: {  	v18 =	vsel vm1, v18, v19  }
0x168: {  	v18 =	vsub.f32 v18, v17;
	_ =	sdelay $0x1  }
0x169: {  	v18 =	vmul.f32 $1.442695020e+00, v18;
	_ =	sdelay $0x1  }
0x16a: {  	(erf) = vpow2.f32 v18;
	_ =	sdelay $0x2  }
0x16b: {  	v18 =	vld [tilespmem:$0x80]  }
0x16c: {  	v19 =	vld [tilespmem:$0x160];
	_ =	sdelay $0x4  }
0x16d: {  	v20 =	vpop (erf)  }
0x16e: {  	[tilespmem:$0xA4E0] =	vst v20  }
0x16f: {  	v18 =	vld.idx.msk [tilespmem:v18+s23+$0x0], $0xffff  }
0x170: {  	v19 =	vld.idx.msk [tilespmem:v19+s26+$0x0], $0xffff;
	_ =	sdelay $0x4  }
0x171: {  	v18 =	vadd.f32 v19, v18;
	_ =	sdelay $0x1  }
0x172: {  	v19 =	vmul.f32 $2.000000030e-01, v18  }
0x173: {  	vm1 =	vge.f32 v18, $0.0e+00  }
0x174: {  	v18 =	vsel vm1, v18, v19  }
0x175: {  	v18 =	vsub.f32 v18, v17;
	_ =	sdelay $0x1  }
0x176: {  	v18 =	vmul.f32 $1.442695020e+00, v18;
	_ =	sdelay $0x1  }
0x177: {  	(erf) = vpow2.f32 v18;
	_ =	sdelay $0x2  }
0x178: {  	v18 =	vld [tilespmem:$0x90]  }
0x179: {  	v19 =	vld [tilespmem:$0x170];
	_ =	sdelay $0x4  }
0x17a: {  	v20 =	vpop (erf)  }
0x17b: {  	[tilespmem:$0xA4F0] =	vst v20  }
0x17c: {  	v18 =	vld.idx.msk [tilespmem:v18+s23+$0x0], $0xffff  }
0x17d: {  	v19 =	vld.idx.msk [tilespmem:v19+s26+$0x0], $0xffff;
	_ =	sdelay $0x4  }
0x17e: {  	v18 =	vadd.f32 v19, v18;
	_ =	sdelay $0x1  }
0x17f: {  	v19 =	vmul.f32 $2.000000030e-01, v18  }
0x180: {  	vm1 =	vge.f32 v18, $0.0e+00  }
0x181: {  	v18 =	vsel vm1, v18, v19  }
0x182: {  	v18 =	vsub.f32 v18, v17;
	_ =	sdelay $0x1  }
0x183: {  	v18 =	vmul.f32 $1.442695020e+00, v18;
	_ =	sdelay $0x1  }
0x184: {  	(erf) = vpow2.f32 v18;
	_ =	sdelay $0x2  }
0x185: {  	v18 =	vld [tilespmem:$0xA0]  }
0x186: {  	v19 =	vld [tilespmem:$0x180];
	_ =	sdelay $0x4  }
0x187: {  	v20 =	vpop (erf)  }
0x188: {  	[tilespmem:$0xA500] =	vst v20  }
0x189: {  	v18 =	vld.idx.msk [tilespmem:v18+s23+$0x0], $0xffff  }
0x18a: {  	v19 =	vld.idx.msk [tilespmem:v19+s26+$0x0], $0xffff;
	_ =	sdelay $0x4  }
0x18b: {  	v18 =	vadd.f32 v19, v18;
	_ =	sdelay $0x1  }
0x18c: {  	v19 =	vmul.f32 $2.000000030e-01, v18  }
0x18d: {  	vm1 =	vge.f32 v18, $0.0e+00  }
0x18e: {  	v18 =	vsel vm1, v18, v19  }
0x18f: {  	v18 =	vsub.f32 v18, v17;
	_ =	sdelay $0x1  }
0x190: {  	v18 =	vmul.f32 $1.442695020e+00, v18;
	_ =	sdelay $0x1  }
0x191: {  	(erf) = vpow2.f32 v18;
	_ =	sdelay $0x2  }
0x192: {  	v18 =	vld [tilespmem:$0xB0]  }
0x193: {  	v19 =	vld [tilespmem:$0x190];
	_ =	sdelay $0x4  }
0x194: {  	v20 =	vpop (erf)  }
0x195: {  	[tilespmem:$0xA510] =	vst v20  }
0x196: {  	v18 =	vld.idx.msk [tilespmem:v18+s23+$0x0], $0xffff  }
0x197: {  	v19 =	vld.idx.msk [tilespmem:v19+s26+$0x0], $0xffff;
	_ =	sdelay $0x4  }
0x198: {  	v18 =	vadd.f32 v19, v18;
	_ =	sdelay $0x1  }
0x199: {  	v19 =	vmul.f32 $2.000000030e-01, v18  }
0x19a: {  	vm1 =	vge.f32 v18, $0.0e+00  }
0x19b: {  	v18 =	vsel vm1, v18, v19  }
0x19c: {  	v18 =	vsub.f32 v18, v17;
	_ =	sdelay $0x1  }
0x19d: {  	v18 =	vmul.f32 $1.442695020e+00, v18;
	_ =	sdelay $0x1  }
0x19e: {  	(erf) = vpow2.f32 v18;
	_ =	sdelay $0x2  }
0x19f: {  	v18 =	vld [tilespmem:$0xC0]  }
0x1a0: {  	v19 =	vld [tilespmem:$0x1A0];
	_ =	sdelay $0x4  }
0x1a1: {  	v20 =	vpop (erf)  }
0x1a2: {  	[tilespmem:$0xA520] =	vst v20  }
0x1a3: {  	v18 =	vld.idx.msk [tilespmem:v18+s23+$0x0], $0xffff  }
0x1a4: {  	v19 =	vld.idx.msk [tilespmem:v19+s26+$0x0], $0xffff;
	_ =	sdelay $0x4  }
0x1a5: {  	v18 =	vadd.f32 v19, v18;
	_ =	sdelay $0x1  }
0x1a6: {  	v19 =	vmul.f32 $2.000000030e-01, v18  }
0x1a7: {  	vm1 =	vge.f32 v18, $0.0e+00  }
0x1a8: {  	v18 =	vsel vm1, v18, v19  }
0x1a9: {  	v18 =	vsub.f32 v18, v17;
	_ =	sdelay $0x1  }
0x1aa: {  	v18 =	vmul.f32 $1.442695020e+00, v18;
	_ =	sdelay $0x1  }
0x1ab: {  	(erf) = vpow2.f32 v18;
	_ =	sdelay $0x2  }
0x1ac: {  	v18 =	vld [tilespmem:$0xD0]  }
0x1ad: {  	v19 =	vld [tilespmem:$0x1B0];
	_ =	sdelay $0x4  }
0x1ae: {  	v20 =	vpop (erf)  }
0x1af: {  	[tilespmem:$0xA530] =	vst v20  }
0x1b0: {  	v18 =	vld.idx.msk [tilespmem:v18+s23+$0x0], $0xffff  }
0x1b1: {  	v19 =	vld.idx.msk [tilespmem:v19+s26+$0x0], $0xffff;
	_ =	sdelay $0x4  }
0x1b2: {  	v18 =	vadd.f32 v19, v18;
	_ =	sdelay $0x1  }
0x1b3: {  	v19 =	vmul.f32 $2.000000030e-01, v18  }
0x1b4: {  	vm1 =	vge.f32 v18, $0.0e+00  }
0x1b5: {  	v18 =	vsel vm1, v18, v19  }
0x1b6: {  	v18 =	vsub.f32 v18, v17;
	_ =	sdelay $0x1  }
0x1b7: {  	v18 =	vmul.f32 $1.442695020e+00, v18;
	_ =	sdelay $0x1  }
0x1b8: {  	(erf) = vpow2.f32 v18;
	_ =	sdelay $0x7  }
0x1b9: {  	s16 =	sadd.s32 @!p0 s16, s21  }
0x1ba: {  	s16 =	sshrl.u32 @!p0 s16, $0x3;
	v18 =	vpop (erf)  }
0x1bb: {  	s18 =	simm.s32 @!p0 $0x0;
	s19 =	simm.s32 @!p0 $0x70;
	s17 =	sadd.s32 @!p0 s1, s16;
	[tilespmem:$0xA540] =	vst v18  }
0x1bc: {  	[tilespmem:s19], [sflag:$0x2] =	stream.linear.gather @!p0 [hbm4b:s17+s18], $0x70, $0x38;
	[tilespmem:$0x11BE0] =	vst v63  }
0x1bd: {  	p1 =	sgt.u32 @!p0 s15, $0x2B;
	s16 =	sadd.s32 @!p0 s8, s16;
	s17 =	simm.s32 @!p0 $0x150  }
0x1be: {  	[tilespmem:s17], [sflag:$0x4] =	stream.linear.gather @!p0 [hbm4b:s16+s18], $0x70, $0x38;
	[tilespmem:$0x11BE0] =	vst v63  }
0x1bf: {  	p0 =	por p0, p1  }
0x1c0: {  	s16 =	simm.s32 @!p0 $0x1  }
0x1c1: {  	_ =	swait.ge @!p0 [sflag:s16], $0x70  }
0x1c2: {  	[sflag:s16] =	ssyncset.done @!p0 $0x0  }
0x1c3: {  	[sflag:s16] =	ssyncadd.s32 @!p0 $0xFFFFFF90;
	s16 =	simm.s32 @!p0 $0x3  }
0x1c4: {  	_ =	swait.ge @!p0 [sflag:s16], $0x70  }
0x1c5: {  	p1 =	seq.s32 @!p0 s15, $0x0;
	s17 =	simm.s32 @!p0 $0x0;
	[sflag:s16] =	ssyncset.done @!p0 $0x0  }
0x1c6: {  	s18 =	simm.s32 @!p0 $0x2A0;
	[sflag:s16] =	ssyncadd.s32 @!p0 $0xFFFFFF90;
	s16 =	simm.s32 @!p0 $0x70  }
0x1c7: {  	[tilespmem:s18], [sflag:$0x5] =	stream.indirect.gather @!p0 [hbm4b:s4+s16], $0x30, s17, s16, $0xb8;
	[tilespmem:$0x11BE0] =	vst v63  }
0x1c8: {  	p0 =	por p0, !p1  }
0x1c9: {  	_ =	swait.ge @p0 [sflag:s13], $0x1500  }
0x1ca: {  	[sflag:s13] =	ssyncset.done @p0 $0x0  }
0x1cb: {  	s16 =	simm.s32 $0x2F0;
	[sflag:s13] =	ssyncadd.s32 @p0 $0xFFFFEB00  }
0x1cc: {  	v27 =	vld [tilespmem:s16+$0x14B0]  }
0x1cd: {  	v28 =	vld [tilespmem:s16+$0x14C0]  }
0x1ce: {  	v25 =	vld [tilespmem:s16+$0x14E0]  }
0x1cf: {  	v26 =	vld [tilespmem:s16+$0x14F0]  }
0x1d0: {  	v23 =	vld [tilespmem:s16+$0x1510]  }
0x1d1: {  	v24 =	vld [tilespmem:s16+$0x1520]  }
0x1d2: {  	v21 =	vld [tilespmem:s16+$0x1540]  }
0x1d3: {  	v22 =	vld [tilespmem:s16+$0x1550]  }
0x1d4: {  	v18 =	vld [tilespmem:s16+$0x1570]  }
0x1d5: {  	v20 =	vld [tilespmem:s16+$0x1580]  }
0x1d6: {  	s17 =	simm.s32 $0xA4E0;
	v19 =	vld [tilespmem:s16+$0x15A0]  }
0x1d7: {  	s18 =	simm.s32 $0x17C0;
	v29 =	vld [tilespmem:s17+$0x0]  }
.LBB2_7:
0x1d8: {  	p0 =	sne.s32 s18, $0x53C0;
	v32 =	vld [tilespmem:s16+$0x14D0]  }
0x1d9: {  	v33 =	vld [tilespmem:s16+$0x1500]  }
0x1da: {  	v34 =	vld [tilespmem:s16+$0x1530]  }
0x1db: {  	v35 =	vld [tilespmem:s16+$0x1560]  }
0x1dc: {  	v36 =	vperm.xlane v29, v1;
	v37 =	vperm.xlane v29, v2;
	v30 =	vld [tilespmem:s16+$0x15B0]  }
0x1dd: {  	v38 =	vperm.xlane v29, v3;
	v31 =	vperm.xlane v29, v4;
	v39 =	vld [tilespmem:s16+$0x1590]  }
0x1de: {  	v32 =	vmul.f32 v32, v36;
	v40 =	vsel vm0, $0x0, v37;
	v33 =	vmul.f32 v33, v37;
	v41 =	vld [tilespmem:s16+$0x15C0]  }
0x1df: {  	v42 =	vsel vm0, $0x0, v36;
	v43 =	vsel vm0, $0x0, v38;
	v34 =	vmul.f32 v34, v38;
	v44 =	vld [tilespmem:s16+$0x15F0]  }
0x1e0: {  	v32 =	vadd.f32 v32, v42;
	v33 =	vadd.f32 v33, v40;
	v35 =	vmul.f32 v35, v31;
	v40 =	vld [tilespmem:s16+$0x1620]  }
0x1e1: {  	v42 =	vsel vm0, $0x0, v31;
	v34 =	vadd.f32 v34, v43;
	v43 =	vperm.xlane v29, v5;
	v45 =	vld [tilespmem:s16+$0x15D0]  }
0x1e2: {  	[tilespmem:s16+$0x3ED0] =	vst v32;
	v32 =	vadd.f32 v35, v42;
	v35 =	vperm.xlane v29, v6;
	v42 =	vperm.xlane v29, v7;
	v46 =	vld [tilespmem:s16+$0x15E0]  }
0x1e3: {  	v47 =	vperm.xlane v29, v8;
	[tilespmem:s16+$0x3F00] =	vst v33;
	v33 =	vsel vm0, $0x0, v43;
	v39 =	vmul.f32 v39, v43;
	v48 =	vld [tilespmem:s16+$0x1650]  }
0x1e4: {  	[tilespmem:s16+$0x3F30] =	vst v34;
	v34 =	vsel vm0, $0x0, v35;
	v41 =	vmul.f32 v41, v35;
	v44 =	vmul.f32 v44, v42;
	v49 =	vld [tilespmem:s16+$0x1680]  }
0x1e5: {  	[tilespmem:s16+$0x3F60] =	vst v32;
	v32 =	vadd.f32 v39, v33;
	v33 =	vsel vm0, $0x0, v42;
	v39 =	vmul.f32 v40, v47;
	v40 =	vld [tilespmem:s16+$0x16B0]  }
0x1e6: {  	v34 =	vadd.f32 v41, v34;
	v33 =	vadd.f32 v44, v33;
	v41 =	vsel vm0, $0x0, v47;
	v44 =	vld [tilespmem:s16+$0x16E0]  }
0x1e7: {  	v50 =	vperm.xlane v29, v10;
	[tilespmem:s16+$0x3F90] =	vst v32;
	v32 =	vld [tilespmem:s16+$0x1600];
	v39 =	vadd.f32 v39, v41;
	v41 =	vperm.xlane v29, v9  }
0x1e8: {  	v51 =	vperm.xlane v29, v12;
	[tilespmem:s16+$0x3FC0] =	vst v34;
	v34 =	vperm.xlane v29, v11;
	v52 =	vld [tilespmem:s16+$0x1710]  }
0x1e9: {  	[tilespmem:s16+$0x3FF0] =	vst v33;
	v33 =	vsel vm0, $0x0, v41;
	v48 =	vmul.f32 v48, v41;
	v49 =	vmul.f32 v49, v50;
	v53 =	vld [tilespmem:s16+$0x1740]  }
0x1ea: {  	[tilespmem:s16+$0x4020] =	vst v39;
	v39 =	vsel vm0, $0x0, v50;
	v54 =	vsel vm0, $0x0, v34;
	v40 =	vmul.f32 v40, v34;
	v55 =	vld [tilespmem:s16+$0x1770]  }
0x1eb: {  	v33 =	vadd.f32 v48, v33;
	v39 =	vadd.f32 v49, v39;
	v44 =	vmul.f32 v44, v51;
	v48 =	vld [tilespmem:s16+$0x17A0]  }
0x1ec: {  	v56 =	vperm.xlane v29, v13;
	v49 =	vld [tilespmem:s16+$0x1610];
	v40 =	vadd.f32 v40, v54;
	v54 =	vsel vm0, $0x0, v51  }
0x1ed: {  	v57 =	vld [tilespmem:s16+$0x1630];
	[tilespmem:s16+$0x4050] =	vst v33;
	v33 =	vadd.f32 v44, v54;
	v44 =	vperm.xlane v29, v14;
	v54 =	vperm.xlane v29, v15  }
0x1ee: {  	v52 =	vmul.f32 v52, v56;
	v29 =	vperm.xlane v29, v16;
	v58 =	vld [tilespmem:s16+$0x1640];
	[tilespmem:s16+$0x4080] =	vst v39;
	v39 =	vsel vm0, $0x0, v56  }
0x1ef: {  	v59 =	vld [tilespmem:s16+$0x1660];
	[tilespmem:s16+$0x40B0] =	vst v40;
	v40 =	vsel vm0, $0x0, v44;
	v53 =	vmul.f32 v53, v44;
	v55 =	vmul.f32 v55, v54  }
0x1f0: {  	v60 =	vld [tilespmem:s16+$0x1670];
	[tilespmem:s16+$0x40E0] =	vst v33;
	v33 =	vadd.f32 v52, v39;
	v39 =	vsel vm0, $0x0, v54;
	v48 =	vmul.f32 v48, v29  }
0x1f1: {  	v52 =	vld [tilespmem:s16+$0x1690];
	v40 =	vadd.f32 v53, v40;
	v39 =	vadd.f32 v55, v39;
	v53 =	vsel vm0, $0x0, v29  }
0x1f2: {  	v27 =	vmul.f32 v27, v36;
	v28 =	vmul.f32 v28, v36;
	v36 =	vld [tilespmem:s16+$0x16A0];
	[tilespmem:s16+$0x4110] =	vst v33;
	v33 =	vadd.f32 v48, v53  }
0x1f3: {  	v25 =	vmul.f32 v25, v37;
	v26 =	vmul.f32 v26, v37;
	v37 =	vld [tilespmem:s16+$0x16C0];
	[tilespmem:s16+$0x4140] =	vst v40  }
0x1f4: {  	v23 =	vmul.f32 v23, v38;
	v24 =	vmul.f32 v24, v38;
	v38 =	vld [tilespmem:s16+$0x16D0];
	[tilespmem:s16+$0x4170] =	vst v39  }
0x1f5: {  	v21 =	vmul.f32 v21, v31;
	v22 =	vmul.f32 v22, v31;
	v31 =	vld [tilespmem:s16+$0x16F0];
	[tilespmem:s16+$0x41A0] =	vst v33  }
0x1f6: {  	v18 =	vmul.f32 v18, v43;
	v20 =	vmul.f32 v20, v43;
	[tilespmem:s16+$0x3EB0] =	vst v27;
	v27 =	vld [tilespmem:s16+$0x1700]  }
0x1f7: {  	v19 =	vmul.f32 v19, v35;
	[tilespmem:s16+$0x3EC0] =	vst v28;
	v28 =	vmul.f32 v30, v35;
	v30 =	vld [tilespmem:s16+$0x1720]  }
0x1f8: {  	v33 =	vmul.f32 v46, v42;
	[tilespmem:s16+$0x3EE0] =	vst v25;
	v25 =	vmul.f32 v45, v42;
	v35 =	vld [tilespmem:s16+$0x1730]  }
0x1f9: {  	[tilespmem:s16+$0x3EF0] =	vst v26;
	v26 =	vmul.f32 v32, v47;
	v32 =	vmul.f32 v49, v47;
	v39 =	vld [tilespmem:s16+$0x1750]  }
0x1fa: {  	v40 =	vmul.f32 v58, v41;
	[tilespmem:s16+$0x3F10] =	vst v23;
	v23 =	vmul.f32 v57, v41;
	v41 =	vld [tilespmem:s16+$0x1760]  }
0x1fb: {  	v42 =	vmul.f32 v60, v50;
	[tilespmem:s16+$0x3F20] =	vst v24;
	v24 =	vmul.f32 v59, v50;
	v43 =	vld [tilespmem:s16+$0x1780]  }
0x1fc: {  	[tilespmem:s16+$0x3F40] =	vst v21;
	v21 =	vmul.f32 v52, v34;
	v34 =	vmul.f32 v36, v34;
	v36 =	vld [tilespmem:s16+$0x1790]  }
0x1fd: {  	[tilespmem:s16+$0x3F50] =	vst v22;
	v22 =	vmul.f32 v37, v51;
	v37 =	vmul.f32 v38, v51  }
0x1fe: {  	[tilespmem:s16+$0x3F70] =	vst v18;
	v18 =	vmul.f32 v31, v56;
	v31 =	vmul.f32 v27, v56  }
0x1ff: {  	[tilespmem:s16+$0x3F80] =	vst v20;
	v20 =	vmul.f32 v30, v44;
	v30 =	vmul.f32 v35, v44  }
0x200: {  	v35 =	vmul.f32 v41, v54;
	[tilespmem:s16+$0x3FA0] =	vst v19;
	v19 =	vmul.f32 v39, v54  }
0x201: {  	v38 =	vmul.f32 v43, v29;
	[tilespmem:s16+$0x3FB0] =	vst v28;
	v29 =	vmul.f32 v36, v29  }
0x202: {  	[tilespmem:s16+$0x3FD0] =	vst v25  }
0x203: {  	[tilespmem:s16+$0x3FE0] =	vst v33  }
0x204: {  	[tilespmem:s16+$0x4000] =	vst v26  }
0x205: {  	[tilespmem:s16+$0x4010] =	vst v32  }
0x206: {  	[tilespmem:s16+$0x4030] =	vst v23  }
0x207: {  	[tilespmem:s16+$0x4040] =	vst v40  }
0x208: {  	[tilespmem:s16+$0x4060] =	vst v24  }
0x209: {  	[tilespmem:s16+$0x4070] =	vst v42  }
0x20a: {  	s19 =	sshra.s32 s18, $0x2;
	[tilespmem:s16+$0x4090] =	vst v21  }
0x20b: {  	v27 =	vld [tilespmem:s19+$0x14B0];
	[tilespmem:s16+$0x40A0] =	vst v34  }
0x20c: {  	v28 =	vld [tilespmem:s19+$0x14C0];
	[tilespmem:s16+$0x40C0] =	vst v22  }
0x20d: {  	v25 =	vld [tilespmem:s19+$0x14E0];
	[tilespmem:s16+$0x40D0] =	vst v37  }
0x20e: {  	v26 =	vld [tilespmem:s19+$0x14F0];
	[tilespmem:s16+$0x40F0] =	vst v18  }
0x20f: {  	v23 =	vld [tilespmem:s19+$0x1510];
	[tilespmem:s16+$0x4100] =	vst v31  }
0x210: {  	v24 =	vld [tilespmem:s19+$0x1520];
	[tilespmem:s16+$0x4120] =	vst v20  }
0x211: {  	v21 =	vld [tilespmem:s19+$0x1540];
	[tilespmem:s16+$0x4130] =	vst v30  }
.Ltmp2:
0x212: {  	v22 =	vld [tilespmem:s19+$0x1550];
	[tilespmem:s16+$0x4150] =	vst v19;
	(pc) =	sbr.rel @p0 .LBB2_7-.Ltmp2, $4  }
0x213: {  	v18 =	vld [tilespmem:s19+$0x1570];
	[tilespmem:s16+$0x4160] =	vst v35  }
0x214: {  	v20 =	vld [tilespmem:s19+$0x1580];
	[tilespmem:s16+$0x4180] =	vst v38  }
0x215: {  	s17 =	sadd.s32 $0x10, s17;
	v19 =	vld [tilespmem:s19+$0x15A0];
	[tilespmem:s16+$0x4190] =	vst v29;
	s16 =	smov.u32 s19  }
0x216: {  	s18 =	sadd.s32 $0xC00, s18;
	v29 =	vld [tilespmem:s17+$0x0]  }
0x217: {  	_ =	sdelay $0x3  }
0x218: {  	v35 =	vperm.xlane v29, v1;
	_ =	sdelay $0x1  }
0x219: {  	v31 =	vld [tilespmem:s16+$0x14D0];
	v37 =	vperm.xlane v29, v2;
	v27 =	vmul.f32 v27, v35  }
0x21a: {  	v32 =	vld [tilespmem:s16+$0x1500];
	v28 =	vmul.f32 v28, v35  }
0x21b: {  	v33 =	vld [tilespmem:s16+$0x1530];
	v41 =	vperm.xlane v29, v3;
	v25 =	vmul.f32 v25, v37;
	[tilespmem:s16+$0x3EB0] =	vst v27  }
0x21c: {  	v26 =	vmul.f32 v26, v37;
	[tilespmem:s16+$0x3EC0] =	vst v28  }
0x21d: {  	v34 =	vld [tilespmem:s16+$0x1560];
	v44 =	vperm.xlane v29, v4;
	v23 =	vmul.f32 v23, v41;
	[tilespmem:s16+$0x3EE0] =	vst v25  }
0x21e: {  	v31 =	vmul.f32 v31, v35;
	v24 =	vmul.f32 v24, v41;
	[tilespmem:s16+$0x3EF0] =	vst v26  }
0x21f: {  	v39 =	vsel vm0, $0x0, v35;
	v32 =	vmul.f32 v32, v37;
	v21 =	vmul.f32 v21, v44;
	[tilespmem:s16+$0x3F10] =	vst v23  }
0x220: {  	v36 =	vld [tilespmem:s16+$0x1590];
	v42 =	vsel vm0, $0x0, v37;
	v33 =	vmul.f32 v33, v41;
	v31 =	vadd.f32 v31, v39;
	[tilespmem:s16+$0x3F20] =	vst v24  }
0x221: {  	v56 =	vsel vm0, $0x0, v41;
	v32 =	vadd.f32 v32, v42;
	[tilespmem:s16+$0x3F40] =	vst v21  }
0x222: {  	v38 =	vld [tilespmem:s16+$0x15C0];
	v34 =	vmul.f32 v34, v44;
	[tilespmem:s16+$0x3ED0] =	vst v31;
	v31 =	vadd.f32 v33, v56  }
0x223: {  	v40 =	vld [tilespmem:s16+$0x15F0];
	v57 =	vsel vm0, $0x0, v44;
	v22 =	vmul.f32 v22, v44;
	[tilespmem:s16+$0x3F00] =	vst v32;
	v33 =	vperm.xlane v29, v5  }
0x224: {  	v30 =	vld [tilespmem:s16+$0x15B0];
	v32 =	vadd.f32 v34, v57;
	[tilespmem:s16+$0x3F30] =	vst v31;
	v31 =	vperm.xlane v29, v6  }
0x225: {  	v55 =	vld [tilespmem:s16+$0x1620];
	[tilespmem:s16+$0x3F50] =	vst v22;
	v58 =	vmul.f32 v36, v33;
	v18 =	vmul.f32 v18, v33  }
0x226: {  	v43 =	vld [tilespmem:s16+$0x15D0];
	v46 =	vsel vm0, $0x0, v33;
	[tilespmem:s16+$0x3F60] =	vst v32;
	v32 =	vperm.xlane v29, v7;
	v20 =	vmul.f32 v20, v33  }
0x227: {  	v45 =	vld [tilespmem:s16+$0x1650];
	v49 =	vperm.xlane v29, v8;
	v38 =	vmul.f32 v38, v31;
	v34 =	vadd.f32 v58, v46;
	[tilespmem:s16+$0x3F70] =	vst v18  }
0x228: {  	v42 =	vld [tilespmem:s16+$0x15E0];
	v47 =	vsel vm0, $0x0, v31;
	v40 =	vmul.f32 v40, v32;
	v19 =	vmul.f32 v19, v31;
	[tilespmem:s16+$0x3F80] =	vst v20  }
0x229: {  	v59 =	vld [tilespmem:s16+$0x1680];
	v60 =	vsel vm0, $0x0, v32;
	v38 =	vadd.f32 v38, v47;
	[tilespmem:s16+$0x3F90] =	vst v34  }
0x22a: {  	v39 =	vmul.f32 v55, v49;
	v55 =	vld [tilespmem:s16+$0x1630];
	v34 =	vadd.f32 v40, v60;
	[tilespmem:s16+$0x3FA0] =	vst v19  }
0x22b: {  	v61 =	vsel vm0, $0x0, v49;
	v46 =	vld [tilespmem:s16+$0x16B0];
	v18 =	vmul.f32 v30, v31;
	[tilespmem:s16+$0x3FC0] =	vst v38  }
0x22c: {  	v53 =	vperm.xlane v29, v11;
	v47 =	vld [tilespmem:s16+$0x1600];
	v38 =	vadd.f32 v39, v61;
	[tilespmem:s16+$0x3FF0] =	vst v34;
	v34 =	vperm.xlane v29, v9  }
0x22d: {  	v48 =	vld [tilespmem:s16+$0x16E0];
	v44 =	vmul.f32 v43, v32;
	v19 =	vmul.f32 v42, v32;
	[tilespmem:s16+$0x3FB0] =	vst v18  }
0x22e: {  	v62 =	vld [tilespmem:s16+$0x1710];
	[tilespmem:s16+$0x4020] =	vst v38;
	v38 =	vperm.xlane v29, v10;
	v45 =	vmul.f32 v45, v34  }
0x22f: {  	v56 =	vperm.xlane v29, v12;
	v57 =	vld [tilespmem:s16+$0x1660];
	[tilespmem:s16+$0x3FE0] =	vst v19;
	v51 =	vsel vm0, $0x0, v34;
	v19 =	vmul.f32 v55, v34  }
0x230: {  	v63 =	vld [tilespmem:s16+$0x1740];
	[tilespmem:s16+$0x3FD0] =	vst v44;
	v46 =	vmul.f32 v46, v53;
	v36 =	vmul.f32 v59, v38;
	v45 =	vadd.f32 v45, v51  }
0x231: {  	v50 =	vld [tilespmem:s16+$0x1770];
	v60 =	vsel vm0, $0x0, v53;
	v18 =	vmul.f32 v47, v49;
	v54 =	vsel vm0, $0x0, v38;
	[tilespmem:s16+$0x4030] =	vst v19  }
0x232: {  	v36 =	vadd.f32 v36, v54;
	[tilespmem:s16+$0x4050] =	vst v45;
	v54 =	vld [tilespmem:s16+$0x1640];
	v45 =	vadd.f32 v46, v60;
	v46 =	vperm.xlane v29, v13  }
0x233: {  	v48 =	vmul.f32 v48, v56;
	[tilespmem:s16+$0x4000] =	vst v18;
	v60 =	vld [tilespmem:s16+$0x16A0]  }
0x234: {  	v52 =	vld [tilespmem:s16+$0x17A0];
	v61 =	vsel vm0, $0x0, v56;
	v57 =	vmul.f32 v57, v38;
	[tilespmem:s16+$0x4080] =	vst v36;
	v40 =	vmul.f32 v62, v46  }
0x235: {  	v36 =	vadd.f32 v48, v61;
	[tilespmem:s16+$0x40B0] =	vst v45;
	v45 =	vperm.xlane v29, v14;
	v48 =	vld [tilespmem:s16+$0x1670];
	v58 =	vsel vm0, $0x0, v46  }
0x236: {  	[tilespmem:s16+$0x4060] =	vst v57;
	v61 =	vld [tilespmem:s16+$0x16F0];
	v40 =	vadd.f32 v40, v58  }
0x237: {  	[tilespmem:s16+$0x40E0] =	vst v36;
	v39 =	vmul.f32 v63, v45;
	v18 =	vmul.f32 v54, v34  }
0x238: {  	v36 =	vperm.xlane v29, v15;
	v59 =	vsel vm0, $0x0, v45;
	v60 =	vmul.f32 v60, v53;
	[tilespmem:s16+$0x4110] =	vst v40  }
0x239: {  	v51 =	vld [tilespmem:s16+$0x1610];
	v29 =	vperm.xlane v29, v16;
	v39 =	vadd.f32 v39, v59;
	[tilespmem:s16+$0x4040] =	vst v18  }
0x23a: {  	v58 =	vld [tilespmem:s16+$0x1690];
	v50 =	vmul.f32 v50, v36;
	v19 =	vmul.f32 v48, v38;
	[tilespmem:s16+$0x40A0] =	vst v60  }
0x23b: {  	v62 =	vsel vm0, $0x0, v36;
	v59 =	vld [tilespmem:s16+$0x16C0];
	v52 =	vmul.f32 v52, v29;
	v61 =	vmul.f32 v61, v46;
	[tilespmem:s16+$0x4140] =	vst v39  }
0x23c: {  	v63 =	vsel vm0, $0x0, v29;
	v40 =	vadd.f32 v50, v62;
	v50 =	vld [tilespmem:s16+$0x16D0];
	[tilespmem:s16+$0x4070] =	vst v19  }
0x23d: {  	v27 =	vld [tilespmem:s16+$0x1700];
	v39 =	vadd.f32 v52, v63;
	[tilespmem:s16+$0x40F0] =	vst v61  }
0x23e: {  	v62 =	vld [tilespmem:s16+$0x1720];
	v52 =	vmul.f32 v51, v49;
	[tilespmem:s16+$0x4170] =	vst v40  }
0x23f: {  	v63 =	vld [tilespmem:s16+$0x1730];
	v18 =	vmul.f32 v58, v53;
	[tilespmem:s16+$0x41A0] =	vst v39  }
0x240: {  	v35 =	vld [tilespmem:s16+$0x1750];
	[tilespmem:s16+$0x4010] =	vst v52;
	v19 =	vmul.f32 v59, v56  }
0x241: {  	v39 =	vld [tilespmem:s16+$0x1780];
	[tilespmem:s16+$0x4090] =	vst v18;
	v18 =	vmul.f32 v50, v56  }
0x242: {  	v37 =	vld [tilespmem:s16+$0x1760];
	[tilespmem:s16+$0x40C0] =	vst v19;
	v19 =	vmul.f32 v27, v46  }
0x243: {  	v41 =	vld [tilespmem:s16+$0x1790];
	[tilespmem:s16+$0x40D0] =	vst v18;
	v18 =	vmul.f32 v62, v45  }
0x244: {  	v62 =	vmul.f32 v63, v45;
	[tilespmem:s16+$0x4100] =	vst v19  }
0x245: {  	s15 =	sadd.s32 $0x1, s15;
	v19 =	vmul.f32 v35, v36;
	[tilespmem:s16+$0x4120] =	vst v18  }
0x246: {  	p0 =	sne.s32 s15, $0x2D;
	v63 =	vmul.f32 v39, v29;
	[tilespmem:s16+$0x4130] =	vst v62  }
.Ltmp3:
0x247: {  	v18 =	vmul.f32 v37, v36;
	[tilespmem:s16+$0x4150] =	vst v19;
	(pc) =	sbr.rel @p0 .LBB2_4-.Ltmp3, $4  }
0x248: {  	v19 =	vmul.f32 v41, v29;
	[tilespmem:s16+$0x4180] =	vst v63  }
0x249: {  	[tilespmem:s16+$0x4160] =	vst v18  }
0x24a: {  	[tilespmem:s16+$0x4190] =	vst v19  }
0x24b: {  	[spmem:s2] =	stream.indirect.scatter.add.f32 [tilespmem:s11], [sflag:$0x8], $0x30, s9, s31, $0xb8;
	[tilespmem:$0x11BE0] =	vst v63  }
0x24c: {  	_ =	swait.ge [sflag:s12], $0x1500  }
0x24d: {  	[sflag:s12] =	ssyncset.done $0x0  }
0x24e: {  	[sflag:s12] =	ssyncadd.s32 $0xFFFFEB00  }
0x24f: {  	_ =	swait.ge [sflag:s13], $0x1500  }
0x250: {  	s15 =	stileid.u32;
	[sflag:s13] =	ssyncset.done $0x0  }
0x251: {  	s15 =	sshll.u32 s15, $0x6;
	[sflag:s13] =	ssyncadd.s32 $0xFFFFEB00  }
0x252: {  	s16 =	sshrl.u32 s10, $0x3;
	s15 =	sor.u32 $0x1C09, s15;
	[bflag:$0x0] =	sbarrier.arrive $0xFFFF  }
0x253: {  	[hbm:s24], [sflag:s15] =	dma.local [spmem:s16], $0xED0  }
0x254: {  	_ =	swait.ge [sflag:s25], $0xED0  }
0x255: {  	s14 =	sadd.s32 $0x1, s14;
	s22 =	rddreg [dreg:$0x10]  }
0x256: {  	p0 =	sne.s32 s14, s22  }
.Ltmp4:
0x257: {  	_ = 	snop;
	(pc) =	sbr.rel @p0 .LBB2_1-.Ltmp4, $3  }
0x258: {  	_ =	sdelay $0x1  }
0x259: {  	[sflag:s25] =	ssyncset.done $0x0  }
0x25a: {  	[sflag:s25] =	ssyncadd.s32 $0xFFFFF130  }
0x25b: {  	_ =	sfence.sel $0x180000  }
0x25c: {  	[bflag:$0x0] =	sbarrier.arrive $0xFFFF  }
0x25d: {  	_ =	strace $0x9000004A  }
0x25e: {  	s0 =	stileid.u32;
	[bflag:$0x2] =	sbarrier.arrive $0xFFFF  }
0x25f: {  	p0 =	sne.s32 s0, $0x0;
	s0 =	rddreg [dreg:$0x3]  }
0x260: {  	s0 =	sadd.s32 @!p0 $0x100000, s0  }
0x261: {  	[sflag:s0] =	ssyncadd.tile.s32 @!p0 $0x1;
	_ =	shalt  }
.Lfunc_end2:
_tile_overlayer_lowered:
.L_overlay_start_2:
0x262: {  	(tag) =	ssettag $0x2  }
0x263: {  	s0 =	rddreg [dreg:$0x0];
	s2 =	stileid.u32  }
0x264: {  	s1 =	rddreg [dreg:$0x1];
	p0 =	sne.s32 s2, $0x0  }
0x265: {  	s3 =	rddreg [dreg:$0x2];
	[bflag:$0x3] =	sbarrier.arrive $0xFFFF;
	s2 =	simm.s32 @!p0 $0x1C09  }
0x266: {  	[timem:s3], [sflag:s2] =	dma.local @!p0 [hbm:s0], s1  }
0x267: {  	s0 =	simm.s32 @!p0 $0x9  }
0x268: {  	_ =	swait.ge @!p0 [sflag:s0], s1  }
0x269: {  	s1 =	ssub.s32 @!p0 $0x0, s1;
	[sflag:s0] =	ssyncset.done @!p0 $0x0  }
0x26a: {  	[sflag:s0] =	ssyncadd.s32 @!p0 s1  }
0x26b: {  	[bflag:$0x3] =	sbarrier.arrive $0xFFFF  }
0x26c: {  	_ =	shalt  }

// kernel: kernel.7.cloned.1.call-start
scs
__scs_entry_jumppad:
0x0: {  	(pc) =	sbr.rel $0x88, $3  }
0x1: {  	(tag) =	ssettag $0x0;
	lr =	simm.s32 $0x1  }
0x2: {  	[smem:$0x3F99] =	sst lr;
	_ =	strace $0xD0000000  }
0x3: {  	_ = 	snop  }
0x4: {  	_ = 	snop  }
0x5: {  	_ = 	snop  }
0x6: {  	_ = 	snop  }
0x7: {  	_ = 	snop  }
__scs_overlays_trampoline_lowered:
0x8: {  	[smem:$0x3FA8] =	sst s0  }
0x9: {  	[smem:$0x3FA9] =	sst s1  }
0xa: {  	[smem:$0x3FAA] =	sst s2  }
0xb: {  	[smem:$0x3FAB] =	sst s3  }
0xc: {  	[smem:$0x3FAC] =	sst s4  }
0xd: {  	[smem:$0x3FAD] =	sst s5  }
0xe: {  	[smem:$0x3FAE] =	sst s6  }
0xf: {  	[smem:$0x3FAF] =	sst s7  }
0x10: {  	[smem:$0x3FB0] =	sst s8  }
0x11: {  	[smem:$0x3FB1] =	sst s9;
	s0 =	simm.s32 @!p0 $0x0  }
0x12: {  	s1 =	sld [smem:$0x3F97];
	s0 =	simm.s32 @p0 $0x1  }
0x13: {  	[smem:$0x3FB2] =	sst s0;
	s0 =	simm.s32 @!p1 $0x0  }
0x14: {  	s2 =	sld [smem:$0x3F96];
	s0 =	simm.s32 @p1 $0x1  }
0x15: {  	[smem:$0x3FB3] =	sst s0;
	s0 =	simm.s32 @!p2 $0x0  }
0x16: {  	s3 =	sld [smem:$0x3FDB];
	s0 =	simm.s32 @p2 $0x1  }
0x17: {  	s4 =	simm.s32 $0x1BF5;
	[smem:$0x3FB5] =	sst s0  }
0x18: {  	s0 =	sld [smem:$0x3F98];
	_ =	swait.ge [sflag:s4], $0x0  }
0x19: {  	s7 =	sld [smem:$0x3F99]  }
0x1a: {  	s8 =	sadd.s32 $0xFFFFE003, lr  }
0x1b: {  	s9 =	sadd.s32 $0xFFFFFEF7, lr;
	s5 =	simm.s32 $0xFFFFFFFF;
	p2 =	slt.u32 s8, $0xFFFFF086  }
0x1c: {  	p1 =	slt.u32 s9, $0xF7A;
	s5 =	simm.s32 @!p2 $0x0  }
0x1d: {  	s5 =	simm.s32 @p1 $0x1;
	p0 =	seq.s32 s7, s2  }
0x1e: {  	s7 =	smul.u32 @!p0 $0xF7A, s2;
	p2 =	seq.s32 @!p0 s5, $0x0  }
0x1f: {  	s9 =	smul.u32 $0xF7A, s1;
	s8 =	simm.s32 @!p0 $0x1BF5;
	p2 =	por !p2, p0  }
0x20: {  	[sflag:s8] =	ssyncset.s32 @!p0 $0xFFFFF086;
	s6 =	sadd.s32 @!p0 s3, s7;
	s7 =	simm.s32 @!p0 $0x108  }
0x21: {  	s3 =	sadd.s32 s3, s9;
	s6 =	sadd.s32 @!p0 $0x88, s6;
	s7 =	simm.s32 @p2 $0x1082  }
0x22: {  	[simem:s7], [sflag:s8] =	dma.local @!p0 [hbm:s6], $0xF7A  }
0x23: {  	s9 =	sor.u32 $0xD0000000, s2;
	s6 =	simm.s32 $0x108;
	_ =	swait.ge @!p0 [sflag:s8], $0x0  }
0x24: {  	s3 =	sadd.s32 $0x88, s3;
	s6 =	simm.s32 @!p1 $0x1082;
	[sflag:s4] =	ssyncset.s32 $0xFFFFF086  }
0x25: {  	[simem:s6], [sflag:s4] =	dma.local [hbm:s3], $0xF7A  }
0x26: {  	[smem:$0x3F99] =	sst s1;
	(tag) =	ssettag s2;
	_ =	strace s9  }
0x27: {  	s1 =	sld [smem:$0x3FA9]  }
0x28: {  	s2 =	sld [smem:$0x3FAA]  }
0x29: {  	s4 =	sld [smem:$0x3FAC]  }
0x2a: {  	p0 =	seq.s32 s5, $0x0;
	s5 =	sld [smem:$0x3FAD]  }
0x2b: {  	s6 =	sld [smem:$0x3FAE]  }
0x2c: {  	s7 =	sld [smem:$0x3FAF]  }
0x2d: {  	s3 =	simm.s32 $0x108;
	s8 =	sld [smem:$0x3FB0]  }
0x2e: {  	s3 =	simm.s32 @!p0 $0x1082;
	s9 =	sld [smem:$0x3FB1]  }
0x2f: {  	lr =	sadd.s32 s0, s3;
	s0 =	sld [smem:$0x3FA8]  }
0x30: {  	s3 =	sld [smem:$0x3FAB]  }
0x31: {  	[smem:$0x3FB4] =	sst s10  }
0x32: {  	s10 =	sld [smem:$0x3FB2];
	_ =	sdelay $0x3  }
0x33: {  	p0 =	seq.s32 s10, $0x1;
	s10 =	sld [smem:$0x3FB4];
	_ =	sdelay $0x3  }
0x34: {  	[smem:$0x3FB4] =	sst s10  }
0x35: {  	s10 =	sld [smem:$0x3FB3];
	_ =	sdelay $0x3  }
0x36: {  	p1 =	seq.s32 s10, $0x1;
	s10 =	sld [smem:$0x3FB4];
	_ =	sdelay $0x3  }
0x37: {  	[smem:$0x3FB4] =	sst s10  }
0x38: {  	s10 =	sld [smem:$0x3FB5]  }
0x39: {  	_ = 	snop;
	(pc) =	sbr.ind lr, $3  }
0x3a: {  	_ = 	snop  }
0x3b: {  	_ = 	snop  }
0x3c: {  	p2 =	seq.s32 s10, $0x1;
	s10 =	sld [smem:$0x3FB4]  }
0x3d: {  	_ =	shalt  }
0x3e: {  	_ =	shalt  }
0x3f: {  	_ =	shalt  }
0x40: {  	_ =	shalt  }
0x41: {  	_ =	shalt  }
0x42: {  	_ =	shalt  }
0x43: {  	_ =	shalt  }
0x44: {  	_ =	shalt  }
0x45: {  	_ =	shalt  }
0x46: {  	_ =	shalt  }
0x47: {  	_ =	shalt  }
0x48: {  	_ =	shalt  }
0x49: {  	_ =	shalt  }
0x4a: {  	_ =	shalt  }
0x4b: {  	_ =	shalt  }
0x4c: {  	_ =	shalt  }
0x4d: {  	_ =	shalt  }
0x4e: {  	_ =	shalt  }
0x4f: {  	_ =	shalt  }
0x50: {  	_ =	shalt  }
0x51: {  	_ =	shalt  }
0x52: {  	_ =	shalt  }
0x53: {  	_ =	shalt  }
0x54: {  	_ =	shalt  }
0x55: {  	_ =	shalt  }
0x56: {  	_ =	shalt  }
0x57: {  	_ =	shalt  }
0x58: {  	_ =	shalt  }
0x59: {  	_ =	shalt  }
0x5a: {  	_ =	shalt  }
0x5b: {  	_ =	shalt  }
0x5c: {  	_ =	shalt  }
0x5d: {  	_ =	shalt  }
0x5e: {  	_ =	shalt  }
0x5f: {  	_ =	shalt  }
0x60: {  	_ =	shalt  }
0x61: {  	_ =	shalt  }
0x62: {  	_ =	shalt  }
0x63: {  	_ =	shalt  }
0x64: {  	_ =	shalt  }
0x65: {  	_ =	shalt  }
0x66: {  	_ =	shalt  }
0x67: {  	_ =	shalt  }
0x68: {  	_ =	shalt  }
0x69: {  	_ =	shalt  }
0x6a: {  	_ =	shalt  }
0x6b: {  	_ =	shalt  }
0x6c: {  	_ =	shalt  }
0x6d: {  	_ =	shalt  }
0x6e: {  	_ =	shalt  }
0x6f: {  	_ =	shalt  }
0x70: {  	_ =	shalt  }
0x71: {  	_ =	shalt  }
0x72: {  	_ =	shalt  }
0x73: {  	_ =	shalt  }
0x74: {  	_ =	shalt  }
0x75: {  	_ =	shalt  }
0x76: {  	_ =	shalt  }
0x77: {  	_ =	shalt  }
0x78: {  	_ =	shalt  }
0x79: {  	_ =	shalt  }
0x7a: {  	_ =	shalt  }
0x7b: {  	_ =	shalt  }
0x7c: {  	_ =	shalt  }
0x7d: {  	_ =	shalt  }
0x7e: {  	_ =	shalt  }
0x7f: {  	_ =	shalt  }
0x80: {  	_ =	shalt  }
0x81: {  	_ =	shalt  }
0x82: {  	_ =	shalt  }
0x83: {  	_ =	shalt  }
0x84: {  	_ =	shalt  }
0x85: {  	_ =	shalt  }
0x86: {  	_ =	shalt  }
0x87: {  	_ =	shalt  }
.Lfunc_end0:
.L_simem_size_0:
called_computation_lowered:
.L_overlay_start_0:
0x88: {  	s2 =	sld [smem:$0x3FD9]  }
0x89: {  	s3 =	sld [smem:$0x3FFE];
	_ =	sdelay $0x1  }
0x8a: {  	s1 =	srdreg.scid  }
0x8b: {  	s0 =	sand.u32 $0x1, s1  }
0x8c: {  	s17 =	sshll.u32 s0, $0xA;
	s2 =	sadd.s32 s3, s2  }
0x8d: {  	s2 =	sadd.s32 s2, s17  }
0x8e: {  	[smem:$0x3FC0] =	sst s2  }
0x8f: {  	_ = 	snop  }
0x90: {  	s2 =	sld [smem:$0x3FD0];
	(tm) =	ssettm $0x1  }
0x91: {  	s18 =	sld [smem:$0x3FFB];
	_ =	sdelay $0x3  }
0x92: {  	_ =	strace s18  }
0x93: {  	s3 =	sld [smem:$0x3FFC];
	_ =	sdelay $0x3  }
0x94: {  	_ =	strace s3  }
0x95: {  	s3 =	sld [smem:$0x3FFD];
	_ =	sdelay $0x3  }
0x96: {  	_ =	strace s3  }
0x97: {  	_ =	strace $0x8FFFFFFF  }
0x98: {  	s19 =	sld [smem:$0x3FDB];
	_ =	sdelay $0x1  }
0x99: {  	s4 =	simm.s32 $_scs_section_size  }
0x9a: {  	s5 =	simm.s32 $_size__tile_overlayer_lowered;
	s6 =	simm.s32 $_tile_overlayer_lowered  }
0x9b: {  	s22 =	simm.s32 $0x1BFF;
	s21 =	sshll.u32 s6, $0x1;
	s3 =	sadd.s32 s4, s19  }
0x9c: {  	s7 =	simm.s32 $0x0;
	s20 =	sshll.u32 s5, $0x1;
	s5 =	sadd.s32 s21, s3  }
0x9d: {  	[timem:s7], [sflag:s22] =	dma.local [hbm:s5], s20  }
0x9e: {  	_ =	swait.ge [sflag:s22], s20  }
0x9f: {  	s4 =	ssub.s32 $0x0, s20;
	[sflag:s22] =	ssyncset.done $0x0  }
0xa0: {  	[sflag:s22] =	ssyncadd.s32 s4;
	_ =	sdelay $0x1  }
0xa1: {  	s23 =	simm.s32 $0x1B8B  }
0xa2: {  	_ =	swait.ge [sflag:s23], $0x1  }
0xa3: {  	[sflag:s23] =	ssyncset.done $0x0  }
0xa4: {  	s25 =	simm.s32 $0x1B8E;
	s24 =	sld [smem:$0x3FFE];
	[sflag:s23] =	ssyncadd.s32 $0xFFFFFFFF  }
0xa5: {  	s26 =	simm.s32 $execute0_lowered;
	[smem:$0x3FD2] =	sst s25  }
0xa6: {  	s5 =	sshll.u32 s26, $0x1;
	_ =	strace $0x80000046;
	[dreg:$0x1] =	wrdreg $0xFFFFFFFF  }
0xa7: {  	s28 =	simm.s32 $_size_execute0_lowered;
	s3 =	sadd.s32 s3, s5;
	[dreg:$0x0] =	wrdreg $0x0  }
0xa8: {  	s5 =	sshll.u32 s28, $0x1;
	[dreg:$0x2] =	wrdreg s3  }
0xa9: {  	[dreg:$0x3] =	wrdreg s5  }
0xaa: {  	[dreg:$0x4] =	wrdreg $0xC0  }
0xab: {  	_ =	task [dreg:s7], $0x5FFFF  }
0xac: {  	[dreg:$0x1] =	wrdreg $0xFFFFFFFF  }
0xad: {  	[dreg:$0x0] =	wrdreg $0x60  }
0xae: {  	[dreg:$0x2] =	wrdreg s24  }
0xaf: {  	[dreg:$0x3] =	wrdreg s2  }
0xb0: {  	[dreg:$0x4] =	wrdreg $0x8EB00  }
0xb1: {  	[dreg:$0x5] =	wrdreg $0x9  }
0xb2: {  	_ =	task.clear_ibuf [dreg:s7], $0x6FFFF;
	_ =	strace $0x90000046  }
0xb3: {  	s29 =	simm.s32 $0x9;
	_ =	strace $0x80000048  }
0xb4: {  	_ =	swait.ge [sflag:s29], $0x1  }
0xb5: {  	[sflag:s29] =	ssyncadd.s32 $0xFFFFFFFF  }
0xb6: {  	_ =	strace $0x90000048  }
0xb7: {  	_ =	sfence  }
0xb8: {  	s30 =	sld [smem:$0x0];
	_ =	sdelay $0x2  }
0xb9: {  	s31 =	sshll.u32 s1, $0xD;
	s1 =	sshrl.u32 s1, $0x2  }
0xba: {  	s3 =	sand.u32 $0x4000, s31;
	s1 =	sadd.s32 s1, s30  }
0xbb: {  	s0 =	sor.u32 s3, s0;
	s1 =	sshll.u32 s1, $0x11  }
0xbc: {  	s0 =	sor.u32 s1, s0  }
0xbd: {  	s0 =	sadd.s32 $0x8F2B, s0  }
0xbe: {  	[sflag:s0] =	ssyncadd.remote.s32 $0x1  }
0xbf: {  	_ =	sfence.sel $0xFFFF  }
0xc0: {  	[dreg:$0x0] =	wrdreg $0xFFFFFFFF;
	(pc) =	sbr.abs _section_cstart, $3  }
0xc1: {  	[dreg:$0x1] =	wrdreg $0xFFFFFFFF  }
0xc2: {  	_ =	task.clear_ibuf [dreg:s7], $0x2FFFF;
	_ =	strace $0x9FFFFFFF  }
0xc3: {  	(tm) =	ssettm $0x7FFFFFFF  }
tec
execute0_lowered:
.L_overlay_start_1:
0x0: {  	(tag) =	ssettag $0x1  }
0x1: {  	s0 =	rddreg [dreg:$0x0]  }
0x2: {  	s1 =	rddreg [dreg:$0x1]  }
0x3: {  	s2 =	rddreg [dreg:$0x2]  }
0x4: {  	s3 =	simm.s32 $0x0;
	s4 =	srdreg.scid;
	s12 =	stileid.u32  }
0x5: {  	s28 =	simm.s32 $0x70;
	s29 =	simm.s32 $0x150;
	s31 =	simm.s32 $0x5  }
0x6: {  	s30 =	simm.s32 $0x4;
	s13 =	simm.s32 $0x9;
	s14 =	simm.s32 $0x230  }
0x7: {  	s15 =	simm.s32 $0xA;
	[smem:$0x7FF] =	sst s3;
	s5 =	sand.u32 $0x1, s4  }
0x8: {  	s4 =	sadd.s32 $0xAE00, s0;
	s6 =	sadd.s32 $0x37000, s0;
	s17 =	smul.u32 $0x58E00, s12  }
0x9: {  	s7 =	sadd.s32 $0xE00, s0;
	s11 =	sshll.u32 s12, $0x1;
	s12 =	smul.u32 $0x16380, s12  }
0xa: {  	s9 =	sadd.s32 $0xAC00, s0;
	_ =	strace $0x80000047;
	s8 =	smul.u32 $0x2C700, s5  }
0xb: {  	[dreg:$0x4] =	wrdreg s9;
	s16 =	ssub.s32 $0x2, s5;
	s5 =	sor.u32 s5, s11  }
0xc: {  	s11 =	simm.s32 $0x6;
	s10 =	sshrl.u32 s16, $0x1;
	s9 =	sshrl.u32 s17, $0x2  }
0xd: {  	s5 =	smul.u32 $0x2760, s5;
	s17 =	sadd.s32 s12, s2;
	s26 =	sshrl.u32 s12, $0x3  }
0xe: {  	s12 =	simm.s32 $0x8;
	s0 =	sadd.s32 s8, s0;
	s9 =	sadd.s32 s9, s2  }
0xf: {  	s8 =	ssub.s32 s16, s10;
	[dreg:$0x5] =	wrdreg s17;
	s18 =	sadd.s32 $0x3F00, s9  }
0x10: {  	s10 =	simm.s32 $0x1C0;
	s19 =	sadd.s32 $0x7E00, s9;
	[dreg:$0x6] =	wrdreg s18  }
0x11: {  	s20 =	sadd.s32 $0xBD00, s9;
	s21 =	sadd.s32 $0xFC00, s9;
	[dreg:$0x7] =	wrdreg s19  }
0x12: {  	s9 =	sadd.s32 $0x13B00, s9;
	s22 =	sshrl.u32 s5, $0x3;
	[dreg:$0x8] =	wrdreg s20  }
0x13: {  	s0 =	sadd.s32 $0x3C000, s0;
	s8 =	smax.u32 s8, $0x1;
	[dreg:$0x9] =	wrdreg s21  }
0x14: {  	[dreg:$0xa] =	wrdreg s9;
	s23 =	sadd.s32 s1, s22;
	s24 =	sadd.s32 s7, s22  }
0x15: {  	s9 =	sadd.s32 $0xE, s22;
	s19 =	sadd.s32 $0xE0, s5;
	[dreg:$0xf] =	wrdreg s8  }
0x16: {  	s20 =	sadd.s32 $0x150, s5;
	s22 =	simm.s32 $0x2A0;
	[dreg:$0xb] =	wrdreg s23  }
0x17: {  	s0 =	sadd.s32 s26, s0;
	s5 =	simm.s32 $0x41A0;
	[dreg:$0xc] =	wrdreg s24  }
0x18: {  	v0 =	vimm.f32 $0.0e+00;
	v1 =	vimm.s32 $0x0;
	v2 =	vimm.s32 $0x1;
	s8 =	simm.s32 $0x87A0;
	s25 =	sadd.s32 s1, s9;
	[dreg:$0x10] =	wrdreg s0  }
0x19: {  	v3 =	vimm.s32 $0x2;
	v4 =	vimm.s32 $0x3;
	v5 =	vimm.s32 $0x4;
	s9 =	sadd.s32 s7, s9;
	s23 =	simm.s32 $0xB;
	[dreg:$0xd] =	wrdreg s25  }
0x1a: {  	v6 =	vimm.s32 $0x5;
	v7 =	vimm.s32 $0x6;
	v8 =	vimm.s32 $0x7;
	s0 =	simm.s32 $0x7;
	[dreg:$0xe] =	wrdreg s9;
	s25 =	simm.s32 $0x2  }
.LBB2_1:
0x1b: {  	s9 =	simm.s32 $0x0;
	s16 =	simm.s32 $0x240  }
.LBB2_2:
0x1c: {  	p0 =	sne.s32 s16, $0xF9C0;
	[tilespmem:s9+$0x320] =	vst v0  }
0x1d: {  	[tilespmem:s9+$0x2A0] =	vst v0  }
0x1e: {  	[tilespmem:s9+$0x2B0] =	vst v0  }
0x1f: {  	[tilespmem:s9+$0x2C0] =	vst v0  }
.Ltmp0:
0x20: {  	[tilespmem:s9+$0x2D0] =	vst v0;
	(pc) =	sbr.rel @p0 .LBB2_2-.Ltmp0, $4  }
0x21: {  	[tilespmem:s9+$0x2E0] =	vst v0  }
0x22: {  	[tilespmem:s9+$0x2F0] =	vst v0  }
0x23: {  	[tilespmem:s9+$0x300] =	vst v0  }
0x24: {  	[tilespmem:s9+$0x310] =	vst v0;
	s9 =	sshra.s32 s16, $0x2;
	s16 =	sadd.s32 $0x240, s16  }
0x25: {  	[tilespmem:s9+$0x320] =	vst v0  }
0x26: {  	[tilespmem:s9+$0x2A0] =	vst v0  }
0x27: {  	[tilespmem:s9+$0x2B0] =	vst v0  }
0x28: {  	[tilespmem:s9+$0x2C0] =	vst v0  }
0x29: {  	[tilespmem:s9+$0x2D0] =	vst v0  }
0x2a: {  	[tilespmem:s9+$0x2E0] =	vst v0  }
0x2b: {  	[tilespmem:s9+$0x2F0] =	vst v0  }
0x2c: {  	[tilespmem:s9+$0x300] =	vst v0  }
0x2d: {  	[tilespmem:s9+$0x310] =	vst v0  }
0x2e: {  	[spmem:s17] =	stream.linear.scatter [tilespmem:s22], [sflag:$0xB], $0x3F00, $0x38;
	[tilespmem:$0x1F230] =	vst v63  }
0x2f: {  	_ =	swait.ge [sflag:s23], $0x3F00  }
0x30: {  	[sflag:s23] =	ssyncset.done $0x0  }
0x31: {  	s24 =	rddreg [dreg:$0x6];
	[sflag:s23] =	ssyncadd.s32 $0xFFFFC100  }
0x32: {  	[spmem:s24] =	stream.linear.scatter [tilespmem:s22], [sflag:$0xB], $0x3F00, $0x38;
	[tilespmem:$0x1F230] =	vst v63  }
0x33: {  	_ =	swait.ge [sflag:s23], $0x3F00  }
0x34: {  	[sflag:s23] =	ssyncset.done $0x0  }
0x35: {  	s26 =	rddreg [dreg:$0x7];
	[sflag:s23] =	ssyncadd.s32 $0xFFFFC100  }
0x36: {  	[spmem:s26] =	stream.linear.scatter [tilespmem:s22], [sflag:$0xB], $0x3F00, $0x38;
	[tilespmem:$0x1F230] =	vst v63  }
0x37: {  	_ =	swait.ge [sflag:s23], $0x3F00  }
0x38: {  	[sflag:s23] =	ssyncset.done $0x0  }
0x39: {  	s16 =	rddreg [dreg:$0x8];
	[sflag:s23] =	ssyncadd.s32 $0xFFFFC100  }
0x3a: {  	[spmem:s16] =	stream.linear.scatter [tilespmem:s22], [sflag:$0xB], $0x3F00, $0x38;
	[tilespmem:$0x1F230] =	vst v63  }
0x3b: {  	_ =	swait.ge [sflag:s23], $0x3F00  }
0x3c: {  	[sflag:s23] =	ssyncset.done $0x0  }
0x3d: {  	s17 =	rddreg [dreg:$0x9];
	[sflag:s23] =	ssyncadd.s32 $0xFFFFC100  }
0x3e: {  	[spmem:s17] =	stream.linear.scatter [tilespmem:s22], [sflag:$0xB], $0x3F00, $0x38;
	[tilespmem:$0x1F230] =	vst v63  }
0x3f: {  	_ =	swait.ge [sflag:s23], $0x3F00  }
0x40: {  	[sflag:s23] =	ssyncset.done $0x0  }
0x41: {  	s18 =	rddreg [dreg:$0xa];
	[sflag:s23] =	ssyncadd.s32 $0xFFFFC100  }
0x42: {  	[spmem:s18] =	stream.linear.scatter [tilespmem:s22], [sflag:$0xB], $0x2880, $0x38;
	[tilespmem:$0x1F230] =	vst v63  }
0x43: {  	_ =	swait.ge [sflag:s23], $0x2880  }
0x44: {  	s24 =	simm.s32 $0x8EA0;
	[sflag:s23] =	ssyncset.done $0x0  }
0x45: {  	s16 =	simm.s32 $0x0;
	s21 =	rddreg [dreg:$0x4];
	[sflag:s23] =	ssyncadd.s32 $0xFFFFD780  }
0x46: {  	[tilespmem:s24], [sflag:$0xB] =	stream.linear.gather [hbm4b:s21+s16], $0x10, $0x38;
	[tilespmem:$0x1F230] =	vst v63  }
0x47: {  	_ =	swait.ge [sflag:s23], $0x10  }
0x48: {  	[sflag:s23] =	ssyncset.done $0x0  }
0x49: {  	[sflag:s23] =	ssyncadd.s32 $0xFFFFFFF0  }
0x4a: {  	[bflag:$0x0] =	sbarrier.arrive $0xFFFF  }
0x4b: {  	s26 =	rddreg [dreg:$0xb]  }
0x4c: {  	v9 =	vld [tilespmem:$0x8EA0];
	[tilespmem:s16], [sflag:$0xB] =	stream.linear.gather [hbm4b:s26+s16], $0x70, $0x38  }
0x4d: {  	_ =	swait.ge [sflag:s23], $0x70  }
0x4e: {  	[sflag:s23] =	ssyncset.done $0x0  }
0x4f: {  	s18 =	simm.s32 $0xE0;
	s17 =	rddreg [dreg:$0xc];
	[sflag:s23] =	ssyncadd.s32 $0xFFFFFF90  }
0x50: {  	[tilespmem:s18], [sflag:$0xB] =	stream.linear.gather [hbm4b:s17+s16], $0x70, $0x38;
	[tilespmem:$0x1F230] =	vst v63  }
0x51: {  	_ =	swait.ge [sflag:s23], $0x70  }
0x52: {  	[sflag:s23] =	ssyncset.done $0x0  }
0x53: {  	s21 =	rddreg [dreg:$0xd];
	[sflag:s23] =	ssyncadd.s32 $0xFFFFFF90  }
0x54: {  	[tilespmem:s28], [sflag:$0x2] =	stream.linear.gather [hbm4b:s21+s16], $0x70, $0x38;
	[tilespmem:$0x1F230] =	vst v63  }
0x55: {  	s24 =	rddreg [dreg:$0xe]  }
0x56: {  	[tilespmem:s29], [sflag:$0x4] =	stream.linear.gather [hbm4b:s24+s16], $0x70, $0x38;
	[tilespmem:$0x1F230] =	vst v63  }
0x57: {  	_ = 	snop  }
0x58: {  	[tilespmem:s22], [sflag:$0x5] =	stream.indirect.gather [hbm4b:s4+s28], $0x90, s16, s28, $0xb8;
	[tilespmem:$0x1F230] =	vst v63  }
0x59: {  	s26 =	simm.s32 $0x80A0  }
0x5a: {  	[tilespmem:s26], [sflag:$0x7] =	stream.indirect.gather [hbm4b:s6+s28], $0x10, s18, s28, $0xb8;
	[tilespmem:$0x1F230] =	vst v63  }
.LBB2_4:
0x5b: {  	_ =	swait.ge [sflag:s31], $0x3F00  }
0x5c: {  	[sflag:s31] =	ssyncset.done $0x0  }
0x5d: {  	[sflag:s31] =	ssyncadd.s32 $0xFFFFC100  }
0x5e: {  	_ =	swait.ge [sflag:s0], $0x700  }
0x5f: {  	[sflag:s0] =	ssyncset.done $0x0  }
0x60: {  	[sflag:s0] =	ssyncadd.s32 $0xFFFFF900  }
0x61: {  	v10 =	vld [tilespmem:$0xE0]  }
0x62: {  	v11 =	vld [tilespmem:$0xF0]  }
0x63: {  	v12 =	vld [tilespmem:$0x100]  }
0x64: {  	v13 =	vld [tilespmem:$0x110]  }
0x65: {  	v14 =	vld [tilespmem:$0x120]  }
0x66: {  	[tilespmem:$0x1C0] =	vst v10;
	v10 =	vld [tilespmem:$0x130]  }
0x67: {  	p0 =	seq.s32 s16, $0x2C;
	[tilespmem:$0x1D0] =	vst v11;
	v11 =	vld [tilespmem:$0x140]  }
0x68: {  	s26 =	smul.u32 @!p0 $0xE0, s16;
	[tilespmem:$0x1E0] =	vst v12  }
0x69: {  	[tilespmem:$0x1F0] =	vst v13  }
0x6a: {  	s9 =	sadd.s32 @!p0 s26, s19;
	[tilespmem:$0x200] =	vst v14  }
0x6b: {  	s9 =	sshrl.u32 @!p0 s9, $0x3;
	[tilespmem:$0x210] =	vst v10  }
0x6c: {  	s18 =	simm.s32 @!p0 $0x0;
	p1 =	seq.s32 @!p0 s16, $0x0;
	s17 =	sadd.s32 @!p0 s1, s9;
	[tilespmem:$0x220] =	vst v11  }
0x6d: {  	[tilespmem:s18], [sflag:$0x1] =	stream.linear.gather @!p0 [hbm4b:s17+s18], $0x70, $0x38;
	[tilespmem:$0x1F230] =	vst v63  }
0x6e: {  	p1 =	por p0, !p1;
	s9 =	sadd.s32 @!p0 s7, s9;
	s17 =	simm.s32 @!p0 $0xE0  }
0x6f: {  	[tilespmem:s17], [sflag:$0x3] =	stream.linear.gather @!p0 [hbm4b:s9+s18], $0x70, $0x38;
	[tilespmem:$0x1F230] =	vst v63  }
0x70: {  	_ =	swait.ge @p1 [sflag:s15], $0x3F00  }
0x71: {  	[sflag:s15] =	ssyncset.done @p1 $0x0  }
0x72: {  	[sflag:s15] =	ssyncadd.s32 @p1 $0xFFFFC100  }
0x73: {  	_ =	swait.ge [sflag:s25], $0x70  }
0x74: {  	[sflag:s25] =	ssyncset.done $0x0  }
0x75: {  	[sflag:s25] =	ssyncadd.s32 $0xFFFFFF90  }
0x76: {  	_ =	swait.ge [sflag:s30], $0x70  }
0x77: {  	[sflag:s30] =	ssyncset.done $0x0  }
0x78: {  	[sflag:s30] =	ssyncadd.s32 $0xFFFFFF90  }
0x79: {  	[tilespmem:s5], [sflag:$0x6] =	stream.indirect.gather [hbm4b:s4+s28], $0x90, s28, s28, $0xb8;
	[tilespmem:$0x1F230] =	vst v63  }
0x7a: {  	s21 =	simm.s32 $0x330  }
0x7b: {  	[tilespmem:s8], [sflag:$0x8] =	stream.indirect.gather [hbm4b:s6+s28], $0x10, s29, s28, $0xb8;
	[tilespmem:$0x1F230] =	vst v63  }
0x7c: {  	s24 =	simm.s32 $0x80B0;
	v10 =	vld [tilespmem:s21+$0xFFFFFFF0]  }
0x7d: {  	v11 =	vld [tilespmem:s24+$0xFFFFFFF0];
	_ =	sdelay $0x4  }
0x7e: {  	v10 =	vadd.f32 v11, v10;
	_ =	sdelay $0x1  }
0x7f: {  	v11 =	vmul.f32 $2.000000030e-01, v10  }
0x80: {  	vm0 =	vge.f32 v10, $0.0e+00  }
0x81: {  	v10 =	vsel vm0, v10, v11  }
0x82: {  	v10 =	vsub.f32 v10, v9;
	_ =	sdelay $0x1  }
0x83: {  	s9 =	simm.s32 $0x0;
	s17 =	simm.s32 $0x330;
	s18 =	simm.s32 $0x80B0;
	v10 =	vmul.f32 $1.442695020e+00, v10  }
.LBB2_5:
0x84: {  	_ = 	snop  }
0x85: {  	s9 =	sadd.s32 $0x2, s9;
	s24 =	sadd.s32 $0x20, s24;
	s21 =	sadd.s32 $0x120, s21;
	(erf) = vpow2.f32 v10  }
0x86: {  	p1 =	slt.u32 s9, $0x6E;
	_ =	sdelay $0x3  }
0x87: {  	v10 =	vld [tilespmem:s17+$0xFFFFFFE0]  }
0x88: {  	v11 =	vld [tilespmem:s17+$0xFFFFFFA0]  }
0x89: {  	v12 =	vld [tilespmem:s17+$0xFFFFFFB0]  }
0x8a: {  	v13 =	vld [tilespmem:s17+$0xFFFFFF70]  }
0x8b: {  	v14 =	vld [tilespmem:s17+$0xFFFFFFC0];
	v15 =	vpop (erf)  }
0x8c: {  	[tilespmem:s17+$0xFFFFFFF0] =	vst v15;
	v16 =	vperm.xlane v15, v5;
	v17 =	vperm.xlane v15, v6  }
0x8d: {  	v18 =	vperm.xlane v15, v1;
	v19 =	vperm.xlane v15, v4;
	v20 =	vld [tilespmem:s17+$0xFFFFFFD0]  }
0x8e: {  	v21 =	vld [tilespmem:s17+$0xFFFFFF80];
	v12 =	vmul.f32 v12, v16;
	v16 =	vperm.xlane v15, v8  }
0x8f: {  	v11 =	vmul.f32 v11, v19;
	v13 =	vmul.f32 v13, v18;
	v18 =	vld [tilespmem:s17+$0xFFFFFF90]  }
0x90: {  	[tilespmem:s17+$0xFFFFFFB0] =	vst v12;
	v12 =	vmul.f32 v14, v17;
	v10 =	vmul.f32 v10, v16  }
0x91: {  	v14 =	vperm.xlane v15, v2;
	[tilespmem:s17+$0xFFFFFFA0] =	vst v11;
	v11 =	vperm.xlane v15, v7  }
0x92: {  	v15 =	vperm.xlane v15, v3;
	[tilespmem:s17+$0xFFFFFFE0] =	vst v10  }
0x93: {  	v10 =	vmul.f32 v21, v14;
	[tilespmem:s17+$0xFFFFFFC0] =	vst v12;
	v11 =	vmul.f32 v20, v11  }
0x94: {  	[tilespmem:s17+$0xFFFFFF70] =	vst v13;
	v12 =	vmul.f32 v18, v15  }
0x95: {  	[tilespmem:s17+$0xFFFFFFD0] =	vst v11  }
0x96: {  	[tilespmem:s17+$0xFFFFFF90] =	vst v12  }
0x97: {  	[tilespmem:s17+$0xFFFFFF80] =	vst v10;
	v10 =	vld [tilespmem:s17+$0x80]  }
0x98: {  	v11 =	vld [tilespmem:s18+$0x0];
	s18 =	smov.u32 s24;
	_ =	sdelay $0x4  }
0x99: {  	v10 =	vadd.f32 v11, v10;
	_ =	sdelay $0x1  }
0x9a: {  	v11 =	vmul.f32 $2.000000030e-01, v10  }
0x9b: {  	vm0 =	vge.f32 v10, $0.0e+00  }
0x9c: {  	v10 =	vsel vm0, v10, v11  }
0x9d: {  	v10 =	vsub.f32 v10, v9;
	_ =	sdelay $0x1  }
0x9e: {  	v10 =	vmul.f32 $1.442695020e+00, v10;
	_ =	sdelay $0x1  }
0x9f: {  	(erf) = vpow2.f32 v10;
	_ =	sdelay $0x4  }
0xa0: {  	v10 =	vld [tilespmem:s17+$0x0]  }
0xa1: {  	v11 =	vld [tilespmem:s17+$0x20]  }
0xa2: {  	v12 =	vld [tilespmem:s17+$0x40]  }
0xa3: {  	v13 =	vld [tilespmem:s17+$0x10]  }
0xa4: {  	v14 =	vld [tilespmem:s17+$0x30];
	v15 =	vpop (erf)  }
0xa5: {  	[tilespmem:s17+$0x80] =	vst v15;
	v16 =	vperm.xlane v15, v1;
	v17 =	vperm.xlane v15, v5;
	v18 =	vld [tilespmem:s17+$0x60]  }
0xa6: {  	v19 =	vperm.xlane v15, v2;
	v20 =	vperm.xlane v15, v3;
	v21 =	vld [tilespmem:s17+$0x50]  }
0xa7: {  	v22 =	vperm.xlane v15, v4;
	v12 =	vmul.f32 v12, v17;
	v17 =	vld [tilespmem:s17+$0x70]  }
0xa8: {  	v11 =	vmul.f32 v11, v20;
	v13 =	vmul.f32 v13, v19  }
0xa9: {  	v14 =	vmul.f32 v14, v22;
	[tilespmem:s17+$0x40] =	vst v12;
	v12 =	vperm.xlane v15, v6  }
0xaa: {  	[tilespmem:s17+$0x10] =	vst v13;
	v13 =	vperm.xlane v15, v7;
	v15 =	vperm.xlane v15, v8  }
0xab: {  	v10 =	vmul.f32 v10, v16;
	[tilespmem:s17+$0x30] =	vst v14;
	v12 =	vmul.f32 v21, v12  }
0xac: {  	[tilespmem:s17+$0x20] =	vst v11;
	v11 =	vmul.f32 v18, v13;
	v13 =	vmul.f32 v17, v15  }
0xad: {  	[tilespmem:s17+$0x0] =	vst v10  }
0xae: {  	[tilespmem:s17+$0x60] =	vst v11  }
0xaf: {  	[tilespmem:s17+$0x70] =	vst v13  }
0xb0: {  	v10 =	vld [tilespmem:s21+$0xFFFFFFF0];
	[tilespmem:s17+$0x50] =	vst v12;
	s17 =	smov.u32 s21  }
0xb1: {  	v11 =	vld [tilespmem:s24+$0xFFFFFFF0];
	_ =	sdelay $0x4  }
0xb2: {  	v10 =	vadd.f32 v11, v10;
	_ =	sdelay $0x1  }
0xb3: {  	v11 =	vmul.f32 $2.000000030e-01, v10  }
.Ltmp1:
0xb4: {  	vm0 =	vge.f32 v10, $0.0e+00;
	(pc) =	sbr.rel @p1 .LBB2_5-.Ltmp1, $3  }
0xb5: {  	v10 =	vsel vm0, v10, v11  }
0xb6: {  	v10 =	vsub.f32 v10, v9;
	_ =	sdelay $0x1  }
0xb7: {  	v10 =	vmul.f32 $1.442695020e+00, v10  }
0xb8: {  	_ = 	snop  }
0xb9: {  	(erf) = vpow2.f32 v10;
	_ =	sdelay $0x6  }
0xba: {  	v11 =	vld [tilespmem:s17+$0xFFFFFFB0]  }
0xbb: {  	v12 =	vld [tilespmem:s17+$0xFFFFFFA0]  }
0xbc: {  	v10 =	vld [tilespmem:s17+$0xFFFFFFE0];
	v14 =	vpop (erf)  }
0xbd: {  	v15 =	vld [tilespmem:s17+$0xFFFFFF70];
	v16 =	vperm.xlane v14, v5  }
0xbe: {  	v13 =	vld [tilespmem:s17+$0xFFFFFFC0];
	v17 =	vperm.xlane v14, v4  }
0xbf: {  	v21 =	vld [tilespmem:s17+$0xFFFFFF90];
	v39 =	vperm.xlane v14, v8;
	v11 =	vmul.f32 v11, v16  }
0xc0: {  	v18 =	vld [tilespmem:s17+$0xFFFFFFD0];
	[tilespmem:s17+$0xFFFFFFF0] =	vst v14;
	v40 =	vperm.xlane v14, v1;
	v12 =	vmul.f32 v12, v17  }
0xc1: {  	v19 =	vld [tilespmem:s17+$0xFFFFFF80];
	v20 =	vperm.xlane v14, v6;
	v10 =	vmul.f32 v10, v39;
	[tilespmem:s17+$0xFFFFFFB0] =	vst v11  }
0xc2: {  	v43 =	vperm.xlane v14, v3;
	v42 =	vmul.f32 v15, v40;
	[tilespmem:s17+$0xFFFFFFA0] =	vst v12  }
0xc3: {  	v41 =	vperm.xlane v14, v7;
	v11 =	vmul.f32 v13, v20;
	[tilespmem:s17+$0xFFFFFFE0] =	vst v10  }
0xc4: {  	v44 =	vmul.f32 v21, v43;
	v10 =	vperm.xlane v14, v2;
	[tilespmem:s17+$0xFFFFFF70] =	vst v42  }
0xc5: {  	[tilespmem:s17+$0xFFFFFFC0] =	vst v11;
	v11 =	vmul.f32 v18, v41  }
0xc6: {  	[tilespmem:s17+$0xFFFFFF90] =	vst v44;
	v10 =	vmul.f32 v19, v10  }
0xc7: {  	[tilespmem:s17+$0xFFFFFFD0] =	vst v11  }
0xc8: {  	[tilespmem:s17+$0xFFFFFF80] =	vst v10;
	v10 =	vld [tilespmem:s17+$0x80]  }
0xc9: {  	v11 =	vld [tilespmem:s18+$0x0];
	_ =	sdelay $0x4  }
0xca: {  	v10 =	vadd.f32 v11, v10;
	_ =	sdelay $0x1  }
0xcb: {  	v11 =	vmul.f32 $2.000000030e-01, v10  }
0xcc: {  	vm0 =	vge.f32 v10, $0.0e+00  }
0xcd: {  	v10 =	vsel vm0, v10, v11  }
0xce: {  	v10 =	vsub.f32 v10, v9;
	_ =	sdelay $0x1  }
0xcf: {  	v10 =	vmul.f32 $1.442695020e+00, v10;
	_ =	sdelay $0x1  }
0xd0: {  	(erf) = vpow2.f32 v10;
	_ =	sdelay $0x6  }
0xd1: {  	v11 =	vld [tilespmem:s17+$0x40]  }
0xd2: {  	v45 =	vld [tilespmem:s17+$0x10]  }
0xd3: {  	v46 =	vld [tilespmem:s17+$0x30];
	v47 =	vpop (erf)  }
0xd4: {  	v10 =	vld [tilespmem:s17+$0x0];
	v49 =	vperm.xlane v47, v5  }
0xd5: {  	v55 =	vld [tilespmem:s17+$0x70];
	v51 =	vperm.xlane v47, v2  }
0xd6: {  	v48 =	vld [tilespmem:s17+$0x20];
	v53 =	vperm.xlane v47, v4;
	v11 =	vmul.f32 v11, v49  }
0xd7: {  	v52 =	vld [tilespmem:s17+$0x50];
	[tilespmem:s17+$0x80] =	vst v47;
	v56 =	vperm.xlane v47, v1;
	v12 =	vmul.f32 v45, v51  }
0xd8: {  	v50 =	vld [tilespmem:s17+$0x60];
	v58 =	vperm.xlane v47, v8;
	v13 =	vmul.f32 v46, v53;
	[tilespmem:s17+$0x40] =	vst v11  }
0xd9: {  	v54 =	vperm.xlane v47, v3;
	v10 =	vmul.f32 v10, v56;
	[tilespmem:s17+$0x10] =	vst v12  }
0xda: {  	v59 =	vperm.xlane v47, v6;
	v60 =	vmul.f32 v55, v58;
	[tilespmem:s17+$0x30] =	vst v13  }
0xdb: {  	v57 =	vperm.xlane v47, v7;
	v11 =	vmul.f32 v48, v54;
	[tilespmem:s17+$0x0] =	vst v10  }
0xdc: {  	v10 =	vmul.f32 v52, v59;
	[tilespmem:s17+$0x70] =	vst v60  }
0xdd: {  	[tilespmem:s17+$0x20] =	vst v11;
	v11 =	vmul.f32 v50, v57  }
0xde: {  	[tilespmem:s17+$0x50] =	vst v10  }
0xdf: {  	[tilespmem:s17+$0x60] =	vst v11  }
0xe0: {  	[spmem:s2] =	stream.indirect.scatter.add.f32 [tilespmem:s22], [sflag:$0x9], $0x90, s10, s28, $0xb8;
	[tilespmem:$0x1F230] =	vst v63  }
0xe1: {  	_ =	swait.ge [sflag:s11], $0x3F00  }
0xe2: {  	[sflag:s11] =	ssyncset.done $0x0  }
0xe3: {  	[sflag:s11] =	ssyncadd.s32 $0xFFFFC100  }
0xe4: {  	_ =	swait.ge [sflag:s12], $0x700  }
0xe5: {  	[sflag:s12] =	ssyncset.done $0x0  }
0xe6: {  	[sflag:s12] =	ssyncadd.s32 $0xFFFFF900  }
0xe7: {  	v10 =	vld [tilespmem:$0x150]  }
0xe8: {  	v11 =	vld [tilespmem:$0x160]  }
0xe9: {  	v61 =	vld [tilespmem:$0x170]  }
0xea: {  	v62 =	vld [tilespmem:$0x180]  }
0xeb: {  	v63 =	vld [tilespmem:$0x190]  }
0xec: {  	[tilespmem:$0x230] =	vst v10;
	v10 =	vld [tilespmem:$0x1A0]  }
0xed: {  	[tilespmem:$0x240] =	vst v11;
	v11 =	vld [tilespmem:$0x1B0]  }
0xee: {  	[tilespmem:$0x250] =	vst v61  }
0xef: {  	[tilespmem:$0x260] =	vst v62  }
0xf0: {  	s9 =	sadd.s32 @!p0 s26, s20;
	[tilespmem:$0x270] =	vst v63  }
0xf1: {  	s9 =	sshrl.u32 @!p0 s9, $0x3;
	[tilespmem:$0x280] =	vst v10  }
0xf2: {  	s21 =	simm.s32 @!p0 $0x70;
	s18 =	simm.s32 @!p0 $0x0;
	s17 =	sadd.s32 @!p0 s1, s9;
	[tilespmem:$0x290] =	vst v11  }
0xf3: {  	[tilespmem:s21], [sflag:$0x2] =	stream.linear.gather @!p0 [hbm4b:s17+s18], $0x70, $0x38;
	[tilespmem:$0x1F230] =	vst v63  }
0xf4: {  	s9 =	sadd.s32 @!p0 s7, s9;
	s17 =	simm.s32 @!p0 $0x150  }
0xf5: {  	[tilespmem:s17], [sflag:$0x4] =	stream.linear.gather @!p0 [hbm4b:s9+s18], $0x70, $0x38;
	[tilespmem:$0x1F230] =	vst v63  }
0xf6: {  	_ =	swait.ge [sflag:s13], $0x3F00  }
0xf7: {  	p0 =	sgt.u32 s16, $0x2B;
	[sflag:s13] =	ssyncset.done $0x0  }
0xf8: {  	s9 =	simm.s32 @!p0 $0x1;
	[sflag:s13] =	ssyncadd.s32 $0xFFFFC100  }
0xf9: {  	_ =	swait.ge @!p0 [sflag:s9], $0x70  }
0xfa: {  	[sflag:s9] =	ssyncset.done @!p0 $0x0  }
0xfb: {  	[sflag:s9] =	ssyncadd.s32 @!p0 $0xFFFFFF90;
	s9 =	simm.s32 @!p0 $0x3  }
0xfc: {  	_ =	swait.ge @!p0 [sflag:s9], $0x70  }
0xfd: {  	s17 =	simm.s32 @!p0 $0x0;
	[sflag:s9] =	ssyncset.done @!p0 $0x0  }
0xfe: {  	s18 =	simm.s32 @!p0 $0x2A0;
	[sflag:s9] =	ssyncadd.s32 @!p0 $0xFFFFFF90;
	s9 =	simm.s32 @!p0 $0x70  }
0xff: {  	[tilespmem:s18], [sflag:$0x5] =	stream.indirect.gather @!p0 [hbm4b:s4+s9], $0x90, s17, s9, $0xb8;
	[tilespmem:$0x1F230] =	vst v63  }
0x100: {  	s21 =	simm.s32 $0x4230;
	s17 =	simm.s32 @!p0 $0xE0;
	s18 =	simm.s32 @!p0 $0x80A0  }
0x101: {  	[tilespmem:s18], [sflag:$0x7] =	stream.indirect.gather @!p0 [hbm4b:s6+s9], $0x10, s17, s9, $0xb8;
	[tilespmem:$0x1F230] =	vst v63  }
0x102: {  	s24 =	simm.s32 $0x87B0;
	v10 =	vld [tilespmem:s21+$0xFFFFFFF0]  }
0x103: {  	v11 =	vld [tilespmem:s24+$0xFFFFFFF0];
	_ =	sdelay $0x4  }
0x104: {  	v10 =	vadd.f32 v11, v10;
	_ =	sdelay $0x1  }
0x105: {  	v11 =	vmul.f32 $2.000000030e-01, v10  }
0x106: {  	vm15 =	vge.f32 v10, $0.0e+00  }
0x107: {  	v10 =	vsel vm15, v10, v11  }
0x108: {  	v10 =	vsub.f32 v10, v9;
	_ =	sdelay $0x1  }
0x109: {  	s9 =	simm.s32 $0x0;
	s17 =	simm.s32 $0x4230;
	s18 =	simm.s32 $0x87B0;
	v10 =	vmul.f32 $1.442695020e+00, v10  }
.LBB2_7:
0x10a: {  	_ = 	snop  }
0x10b: {  	s9 =	sadd.s32 $0x2, s9;
	s24 =	sadd.s32 $0x20, s24;
	s21 =	sadd.s32 $0x120, s21;
	(erf) = vpow2.f32 v10  }
0x10c: {  	p0 =	slt.u32 s9, $0x6E;
	_ =	sdelay $0x3  }
0x10d: {  	v10 =	vld [tilespmem:s17+$0xFFFFFFE0]  }
0x10e: {  	v11 =	vld [tilespmem:s17+$0xFFFFFFA0]  }
0x10f: {  	v12 =	vld [tilespmem:s17+$0xFFFFFFB0]  }
0x110: {  	v13 =	vld [tilespmem:s17+$0xFFFFFF70]  }
0x111: {  	v14 =	vld [tilespmem:s17+$0xFFFFFFC0];
	v15 =	vpop (erf)  }
0x112: {  	[tilespmem:s17+$0xFFFFFFF0] =	vst v15;
	v16 =	vperm.xlane v15, v5;
	v17 =	vperm.xlane v15, v6  }
0x113: {  	v18 =	vperm.xlane v15, v1;
	v19 =	vperm.xlane v15, v4;
	v20 =	vld [tilespmem:s17+$0xFFFFFFD0]  }
0x114: {  	v21 =	vld [tilespmem:s17+$0xFFFFFF80];
	v12 =	vmul.f32 v12, v16;
	v16 =	vperm.xlane v15, v8  }
0x115: {  	v11 =	vmul.f32 v11, v19;
	v13 =	vmul.f32 v13, v18;
	v18 =	vld [tilespmem:s17+$0xFFFFFF90]  }
0x116: {  	[tilespmem:s17+$0xFFFFFFB0] =	vst v12;
	v12 =	vmul.f32 v14, v17;
	v10 =	vmul.f32 v10, v16  }
0x117: {  	v14 =	vperm.xlane v15, v2;
	[tilespmem:s17+$0xFFFFFFA0] =	vst v11;
	v11 =	vperm.xlane v15, v7  }
0x118: {  	v15 =	vperm.xlane v15, v3;
	[tilespmem:s17+$0xFFFFFFE0] =	vst v10  }
0x119: {  	v10 =	vmul.f32 v21, v14;
	[tilespmem:s17+$0xFFFFFFC0] =	vst v12;
	v11 =	vmul.f32 v20, v11  }
0x11a: {  	[tilespmem:s17+$0xFFFFFF70] =	vst v13;
	v12 =	vmul.f32 v18, v15  }
0x11b: {  	[tilespmem:s17+$0xFFFFFFD0] =	vst v11  }
0x11c: {  	[tilespmem:s17+$0xFFFFFF90] =	vst v12  }
0x11d: {  	[tilespmem:s17+$0xFFFFFF80] =	vst v10;
	v10 =	vld [tilespmem:s17+$0x80]  }
0x11e: {  	v11 =	vld [tilespmem:s18+$0x0];
	s18 =	smov.u32 s24;
	_ =	sdelay $0x4  }
0x11f: {  	v10 =	vadd.f32 v11, v10;
	_ =	sdelay $0x1  }
0x120: {  	v11 =	vmul.f32 $2.000000030e-01, v10  }
0x121: {  	vm0 =	vge.f32 v10, $0.0e+00  }
0x122: {  	v10 =	vsel vm0, v10, v11  }
0x123: {  	v10 =	vsub.f32 v10, v9;
	_ =	sdelay $0x1  }
0x124: {  	v10 =	vmul.f32 $1.442695020e+00, v10;
	_ =	sdelay $0x1  }
0x125: {  	(erf) = vpow2.f32 v10;
	_ =	sdelay $0x4  }
0x126: {  	v10 =	vld [tilespmem:s17+$0x0]  }
0x127: {  	v11 =	vld [tilespmem:s17+$0x20]  }
0x128: {  	v12 =	vld [tilespmem:s17+$0x40]  }
0x129: {  	v13 =	vld [tilespmem:s17+$0x10]  }
0x12a: {  	v14 =	vld [tilespmem:s17+$0x30];
	v15 =	vpop (erf)  }
0x12b: {  	[tilespmem:s17+$0x80] =	vst v15;
	v16 =	vperm.xlane v15, v1;
	v17 =	vperm.xlane v15, v5;
	v18 =	vld [tilespmem:s17+$0x60]  }
0x12c: {  	v19 =	vperm.xlane v15, v2;
	v20 =	vperm.xlane v15, v3;
	v21 =	vld [tilespmem:s17+$0x50]  }
0x12d: {  	v22 =	vperm.xlane v15, v4;
	v12 =	vmul.f32 v12, v17;
	v17 =	vld [tilespmem:s17+$0x70]  }
0x12e: {  	v11 =	vmul.f32 v11, v20;
	v13 =	vmul.f32 v13, v19  }
0x12f: {  	v14 =	vmul.f32 v14, v22;
	[tilespmem:s17+$0x40] =	vst v12;
	v12 =	vperm.xlane v15, v6  }
0x130: {  	[tilespmem:s17+$0x10] =	vst v13;
	v13 =	vperm.xlane v15, v7;
	v15 =	vperm.xlane v15, v8  }
0x131: {  	v10 =	vmul.f32 v10, v16;
	[tilespmem:s17+$0x30] =	vst v14;
	v12 =	vmul.f32 v21, v12  }
0x132: {  	[tilespmem:s17+$0x20] =	vst v11;
	v11 =	vmul.f32 v18, v13;
	v13 =	vmul.f32 v17, v15  }
0x133: {  	[tilespmem:s17+$0x0] =	vst v10  }
0x134: {  	[tilespmem:s17+$0x60] =	vst v11  }
0x135: {  	[tilespmem:s17+$0x70] =	vst v13  }
0x136: {  	v10 =	vld [tilespmem:s21+$0xFFFFFFF0];
	[tilespmem:s17+$0x50] =	vst v12;
	s17 =	smov.u32 s21  }
0x137: {  	v11 =	vld [tilespmem:s24+$0xFFFFFFF0];
	_ =	sdelay $0x4  }
0x138: {  	v10 =	vadd.f32 v11, v10;
	_ =	sdelay $0x1  }
0x139: {  	v11 =	vmul.f32 $2.000000030e-01, v10  }
.Ltmp2:
0x13a: {  	vm0 =	vge.f32 v10, $0.0e+00;
	(pc) =	sbr.rel @p0 .LBB2_7-.Ltmp2, $3  }
0x13b: {  	v10 =	vsel vm0, v10, v11  }
0x13c: {  	v10 =	vsub.f32 v10, v9;
	_ =	sdelay $0x1  }
0x13d: {  	v10 =	vmul.f32 $1.442695020e+00, v10  }
0x13e: {  	_ = 	snop  }
0x13f: {  	(erf) = vpow2.f32 v10;
	_ =	sdelay $0x6  }
0x140: {  	v11 =	vld [tilespmem:s17+$0xFFFFFFB0]  }
0x141: {  	v12 =	vld [tilespmem:s17+$0xFFFFFFA0]  }
0x142: {  	v10 =	vld [tilespmem:s17+$0xFFFFFFE0];
	v14 =	vpop (erf)  }
0x143: {  	v15 =	vld [tilespmem:s17+$0xFFFFFF70];
	v16 =	vperm.xlane v14, v5  }
0x144: {  	v13 =	vld [tilespmem:s17+$0xFFFFFFC0];
	v17 =	vperm.xlane v14, v4  }
0x145: {  	v21 =	vld [tilespmem:s17+$0xFFFFFF90];
	v42 =	vperm.xlane v14, v8;
	v11 =	vmul.f32 v11, v16  }
0x146: {  	v18 =	vld [tilespmem:s17+$0xFFFFFFD0];
	[tilespmem:s17+$0xFFFFFFF0] =	vst v14;
	v43 =	vperm.xlane v14, v1;
	v12 =	vmul.f32 v12, v17  }
0x147: {  	v19 =	vld [tilespmem:s17+$0xFFFFFF80];
	v20 =	vperm.xlane v14, v6;
	v10 =	vmul.f32 v10, v42;
	[tilespmem:s17+$0xFFFFFFB0] =	vst v11  }
0x148: {  	v46 =	vperm.xlane v14, v3;
	v45 =	vmul.f32 v15, v43;
	[tilespmem:s17+$0xFFFFFFA0] =	vst v12  }
0x149: {  	v44 =	vperm.xlane v14, v7;
	v11 =	vmul.f32 v13, v20;
	[tilespmem:s17+$0xFFFFFFE0] =	vst v10  }
0x14a: {  	v47 =	vmul.f32 v21, v46;
	v10 =	vperm.xlane v14, v2;
	[tilespmem:s17+$0xFFFFFF70] =	vst v45  }
0x14b: {  	[tilespmem:s17+$0xFFFFFFC0] =	vst v11;
	v11 =	vmul.f32 v18, v44  }
0x14c: {  	[tilespmem:s17+$0xFFFFFF90] =	vst v47;
	v10 =	vmul.f32 v19, v10  }
0x14d: {  	[tilespmem:s17+$0xFFFFFFD0] =	vst v11  }
0x14e: {  	[tilespmem:s17+$0xFFFFFF80] =	vst v10;
	v10 =	vld [tilespmem:s17+$0x80]  }
0x14f: {  	v11 =	vld [tilespmem:s18+$0x0];
	_ =	sdelay $0x4  }
0x150: {  	v10 =	vadd.f32 v11, v10;
	_ =	sdelay $0x1  }
0x151: {  	v11 =	vmul.f32 $2.000000030e-01, v10  }
0x152: {  	vm0 =	vge.f32 v10, $0.0e+00  }
0x153: {  	v10 =	vsel vm0, v10, v11  }
0x154: {  	v10 =	vsub.f32 v10, v9;
	_ =	sdelay $0x1  }
0x155: {  	v10 =	vmul.f32 $1.442695020e+00, v10;
	_ =	sdelay $0x1  }
0x156: {  	(erf) = vpow2.f32 v10;
	_ =	sdelay $0x6  }
0x157: {  	v11 =	vld [tilespmem:s17+$0x40]  }
0x158: {  	v48 =	vld [tilespmem:s17+$0x10]  }
0x159: {  	v49 =	vld [tilespmem:s17+$0x30];
	v50 =	vpop (erf)  }
0x15a: {  	v10 =	vld [tilespmem:s17+$0x0];
	v52 =	vperm.xlane v50, v5  }
0x15b: {  	v58 =	vld [tilespmem:s17+$0x70];
	v54 =	vperm.xlane v50, v2  }
0x15c: {  	v51 =	vld [tilespmem:s17+$0x20];
	v56 =	vperm.xlane v50, v4;
	v11 =	vmul.f32 v11, v52  }
0x15d: {  	v55 =	vld [tilespmem:s17+$0x50];
	[tilespmem:s17+$0x80] =	vst v50;
	v59 =	vperm.xlane v50, v1;
	v12 =	vmul.f32 v48, v54  }
0x15e: {  	v53 =	vld [tilespmem:s17+$0x60];
	v61 =	vperm.xlane v50, v8;
	v13 =	vmul.f32 v49, v56;
	[tilespmem:s17+$0x40] =	vst v11  }
0x15f: {  	v57 =	vperm.xlane v50, v3;
	v10 =	vmul.f32 v10, v59;
	[tilespmem:s17+$0x10] =	vst v12  }
0x160: {  	s16 =	sadd.s32 $0x1, s16;
	v62 =	vperm.xlane v50, v6;
	v63 =	vmul.f32 v58, v61;
	[tilespmem:s17+$0x30] =	vst v13  }
0x161: {  	p0 =	sne.s32 s16, $0x2D;
	v60 =	vperm.xlane v50, v7;
	v11 =	vmul.f32 v51, v57;
	[tilespmem:s17+$0x0] =	vst v10  }
.Ltmp3:
0x162: {  	v10 =	vmul.f32 v55, v62;
	[tilespmem:s17+$0x70] =	vst v63;
	(pc) =	sbr.rel @p0 .LBB2_4-.Ltmp3, $4  }
0x163: {  	[tilespmem:s17+$0x20] =	vst v11;
	v11 =	vmul.f32 v53, v60  }
0x164: {  	[tilespmem:s17+$0x50] =	vst v10  }
0x165: {  	[tilespmem:s17+$0x60] =	vst v11  }
0x166: {  	[spmem:s2] =	stream.indirect.scatter.add.f32 [tilespmem:s5], [sflag:$0xA], $0x90, s14, s28, $0xb8;
	[tilespmem:$0x1F230] =	vst v63  }
0x167: {  	_ =	swait.ge [sflag:s15], $0x3F00  }
0x168: {  	[sflag:s15] =	ssyncset.done $0x0  }
0x169: {  	[sflag:s15] =	ssyncadd.s32 $0xFFFFC100  }
0x16a: {  	s9 =	stileid.u32;
	[bflag:$0x0] =	sbarrier.arrive $0xFFFF  }
0x16b: {  	s9 =	sshll.u32 s9, $0x6;
	s17 =	rddreg [dreg:$0x5]  }
0x16c: {  	s9 =	sor.u32 $0x1C0B, s9;
	s18 =	rddreg [dreg:$0x10];
	s16 =	sshrl.u32 s17, $0x3  }
0x16d: {  	[hbm:s18], [sflag:s9] =	dma.local [spmem:s16], $0x2C70  }
0x16e: {  	_ =	swait.ge [sflag:s23], $0x2C70  }
0x16f: {  	s3 =	sadd.s32 $0x1, s3;
	s26 =	rddreg [dreg:$0xf]  }
0x170: {  	p0 =	sne.s32 s3, s26  }
.Ltmp4:
0x171: {  	_ = 	snop;
	(pc) =	sbr.rel @p0 .LBB2_1-.Ltmp4, $3  }
0x172: {  	_ =	sdelay $0x1  }
0x173: {  	[sflag:s23] =	ssyncset.done $0x0  }
0x174: {  	[sflag:s23] =	ssyncadd.s32 $0xFFFFD390  }
0x175: {  	_ =	sfence.sel $0x180000  }
0x176: {  	[bflag:$0x0] =	sbarrier.arrive $0xFFFF  }
0x177: {  	_ =	strace $0x90000047  }
0x178: {  	s0 =	stileid.u32;
	[bflag:$0x2] =	sbarrier.arrive $0xFFFF  }
0x179: {  	p0 =	sne.s32 s0, $0x0;
	s0 =	rddreg [dreg:$0x3]  }
0x17a: {  	s0 =	sadd.s32 @!p0 $0x100000, s0  }
0x17b: {  	[sflag:s0] =	ssyncadd.tile.s32 @!p0 $0x1;
	_ =	shalt  }
.Lfunc_end2:
_tile_overlayer_lowered:
.L_overlay_start_2:
0x17c: {  	(tag) =	ssettag $0x2  }
0x17d: {  	s0 =	rddreg [dreg:$0x0];
	s2 =	stileid.u32  }
0x17e: {  	s1 =	rddreg [dreg:$0x1];
	p0 =	sne.s32 s2, $0x0  }
0x17f: {  	s3 =	rddreg [dreg:$0x2];
	[bflag:$0x3] =	sbarrier.arrive $0xFFFF;
	s2 =	simm.s32 @!p0 $0x1C0B  }
0x180: {  	[timem:s3], [sflag:s2] =	dma.local @!p0 [hbm:s0], s1  }
0x181: {  	s0 =	simm.s32 @!p0 $0xB  }
0x182: {  	_ =	swait.ge @!p0 [sflag:s0], s1  }
0x183: {  	s1 =	ssub.s32 @!p0 $0x0, s1;
	[sflag:s0] =	ssyncset.done @!p0 $0x0  }
0x184: {  	[sflag:s0] =	ssyncadd.s32 @!p0 s1  }
0x185: {  	[bflag:$0x3] =	sbarrier.arrive $0xFFFF  }
0x186: {  	_ =	shalt  }

</sc_bundles>
